<compile_context>
chip_gen: v7x
topology: tpu7x:2x2x1
jax: 0.10.2.dev20260603
libtpu: 0.0.44.dev20260713+nightly
codegen_flags: <defaults>
</compile_context>

<pallas_src>
import functools

import jax
import jax.numpy as jnp
from jax import lax
from jax.experimental import pallas as pl
from jax.experimental.pallas import tpu as pltpu
from jax.experimental.pallas import tpu_sc as plsc

B = 16384
D_USER = 32
NC, NS = 2, 16
NW = NC * NS
B_PER_W = B // NW
GRP = 16


def _gather_user_cols(user_id_i32, user_table_t):
    mesh = plsc.VectorSubcoreMesh(core_axis_name="c", subcore_axis_name="s")

    @functools.partial(
        pl.kernel,
        mesh=mesh,
        out_type=jax.ShapeDtypeStruct((D_USER, B), jnp.float32),
        scratch_types=[
            pltpu.VMEM((B_PER_W,), jnp.int32),
            pltpu.VMEM((GRP, D_USER, 128), jnp.float32),
            pltpu.VMEM((D_USER, B_PER_W), jnp.float32),
            pltpu.SemaphoreType.DMA,
        ],
        compiler_params=pltpu.CompilerParams(needs_layout_passes=False),
    )
    def gather_k(idx_hbm, tbl_hbm, out_hbm, idx_v, blk_v, cols_v, sem):
        wid = lax.axis_index("s") * NC + lax.axis_index("c")
        base = wid * B_PER_W

        pltpu.sync_copy(idx_hbm.at[pl.ds(base, B_PER_W)], idx_v)
        d_lo = lax.iota(jnp.int32, 16)
        d_hi = d_lo + 16
        n_grp = B_PER_W // GRP

        def issue(vec, t):
            blk = (vec[t] >> 7) * 128
            pltpu.async_copy(tbl_hbm.at[:, pl.ds(blk, 128)],
                             blk_v.at[t], sem)

        def gather_one(vec, j, t):
            lane = jnp.broadcast_to(vec[t] & 127, (16,))
            col = jnp.broadcast_to(j * GRP + t, (16,))
            lo = plsc.load_gather(blk_v.at[t], [d_lo, lane])
            hi = plsc.load_gather(blk_v.at[t], [d_hi, lane])
            plsc.store_scatter(cols_v, [d_lo, col], lo)
            plsc.store_scatter(cols_v, [d_hi, col], hi)

        vec0 = idx_v[pl.ds(0, GRP)]
        for t in range(GRP):
            issue(vec0, t)

        def body(j, carry):
            vec = idx_v[pl.ds(j * GRP, GRP)]
            nxt = idx_v[pl.ds(jnp.minimum(j + 1, n_grp - 1) * GRP, GRP)]
            for t in range(GRP):
                pltpu.make_async_copy(tbl_hbm.at[:, pl.ds(0, 128)],
                                      blk_v.at[t], sem).wait()
                gather_one(vec, j, t)
                issue(nxt, t)
            return carry

        lax.fori_loop(0, n_grp, body, 0)
        vec_l = idx_v[pl.ds((n_grp - 1) * GRP, GRP)]
        for t in range(GRP):
            pltpu.make_async_copy(tbl_hbm.at[:, pl.ds(0, 128)],
                                  blk_v.at[t], sem).wait()
            gather_one(vec_l, n_grp - 1, t)
        pltpu.sync_copy(cols_v, out_hbm.at[:, pl.ds(base, B_PER_W)])

    return gather_k(user_id_i32, user_table_t)


def _mlp_body(eut, age, gen, occ, at, gt, ot, w1u, w1a, w1g, w1o,
              b1, w2, b2, outt):
    f32 = jnp.float32
    a_proj = jnp.dot(at[...], w1a[...], preferred_element_type=f32)
    g_proj = jnp.dot(gt[...], w1g[...], preferred_element_type=f32)
    o_proj = jnp.dot(ot[...], w1o[...], preferred_element_type=f32)
    oh_a = (age[...] == lax.broadcasted_iota(jnp.int32, (1, 8), 1)).astype(f32)
    oh_g = (gen[...] == lax.broadcasted_iota(jnp.int32, (1, 3), 1)).astype(f32)
    oh_o = (occ[...] == lax.broadcasted_iota(jnp.int32, (1, 22), 1)).astype(f32)
    h = lax.dot_general(eut[...], w1u[...], (((0,), (0,)), ((), ())),
                        preferred_element_type=f32)
    h = h + jnp.dot(oh_a, a_proj, preferred_element_type=f32)
    h = h + jnp.dot(oh_g, g_proj, preferred_element_type=f32)
    h = h + jnp.dot(oh_o, o_proj, preferred_element_type=f32)
    h = jnp.maximum(h + b1[...], 0.0)
    outt[...] = lax.dot_general(w2[...], h, (((0,), (1,)), ((), ())),
                                preferred_element_type=f32) + b2[...]


def kernel(user_id, user_age_binned, user_gender, user_occupation,
           user_table, age_table, gender_table, occ_table,
           W1, b1, W2, b2):
    eut = _gather_user_cols(user_id.astype(jnp.int32), user_table.T)

    BB = 2048
    grid = B // BB
    age2 = user_age_binned.astype(jnp.int32).reshape(B, 1)
    gen2 = user_gender.astype(jnp.int32).reshape(B, 1)
    occ2 = user_occupation.astype(jnp.int32).reshape(B, 1)
    w1u = W1[0:32, :]
    w1a = W1[32:36, :]
    w1g = W1[36:37, :]
    w1o = W1[37:45, :]
    b1r = b1.reshape(1, -1)
    b2c = b2.reshape(-1, 1)

    rep = lambda shape: pl.BlockSpec(shape, lambda i: tuple(0 for _ in shape))
    outt = pl.pallas_call(
        _mlp_body,
        grid=(grid,),
        in_specs=[
            pl.BlockSpec((D_USER, BB), lambda i: (0, i)),
            pl.BlockSpec((BB, 1), lambda i: (i, 0)),
            pl.BlockSpec((BB, 1), lambda i: (i, 0)),
            pl.BlockSpec((BB, 1), lambda i: (i, 0)),
            rep((8, 4)),
            rep((3, 1)),
            rep((22, 8)),
            rep((32, 64)),
            rep((4, 64)),
            rep((1, 64)),
            rep((8, 64)),
            rep((1, 64)),
            rep((64, 32)),
            rep((32, 1)),
        ],
        out_specs=pl.BlockSpec((32, BB), lambda i: (0, i)),
        out_shape=jax.ShapeDtypeStruct((32, B), jnp.float32),
    )(eut, age2, gen2, occ2, age_table, gender_table, occ_table,
      w1u, w1a, w1g, w1o, b1r, W2, b2c)
    return outt.T

# --- scband reference (transcript-rebuilt; emitter-appended) ---
"""Pipeline reference for scband-retrieval-user-model-72567767433692 (READ-ONLY COPY).

The authoritative reference and input builder live on the scoring server;
editing this copy changes nothing except your own understanding.
"""

import jax, jax.numpy as jnp
import numpy as np

B = 16384
USER_VOCAB = 1000001  # len(unique_user_ids) + 1
AGE_VOCAB = 8         # len(unique_user_ages_binned) + 1
GENDER_VOCAB = 3      # len(unique_user_genders) + 1
OCC_VOCAB = 22        # len(unique_occupations) + 1
D_USER, D_AGE, D_GENDER, D_OCC = 32, 4, 1, 8
D_CAT = D_USER + D_AGE + D_GENDER + D_OCC  # 45
LAYER_SIZES = [64, 32]


def setup_inputs(seed: int = 0) -> dict:
    key = jax.random.key(seed)
    ks = jax.random.split(key, 12)
    user_id = jax.random.randint(ks[0], (B,), 0, USER_VOCAB, dtype=jnp.int64) if jax.config.jax_enable_x64 else jax.random.randint(ks[0], (B,), 0, USER_VOCAB).astype(jnp.int32)
    user_age_binned = jax.random.randint(ks[1], (B,), 0, AGE_VOCAB)
    user_gender = jax.random.randint(ks[2], (B,), 0, GENDER_VOCAB)
    user_occupation = jax.random.randint(ks[3], (B,), 0, OCC_VOCAB)
    user_table = jax.random.normal(ks[4], (USER_VOCAB, D_USER), dtype=jnp.float32) * 0.05
    age_table = jax.random.normal(ks[5], (AGE_VOCAB, D_AGE), dtype=jnp.float32) * 0.05
    gender_table = jax.random.normal(ks[6], (GENDER_VOCAB, D_GENDER), dtype=jnp.float32) * 0.05
    occ_table = jax.random.normal(ks[7], (OCC_VOCAB, D_OCC), dtype=jnp.float32) * 0.05
    W1 = jax.random.normal(ks[8], (D_CAT, LAYER_SIZES[0]), dtype=jnp.float32) * (1.0 / np.sqrt(D_CAT))
    b1 = jnp.zeros((LAYER_SIZES[0],), dtype=jnp.float32)
    W2 = jax.random.normal(ks[9], (LAYER_SIZES[0], LAYER_SIZES[1]), dtype=jnp.float32) * (1.0 / np.sqrt(LAYER_SIZES[0]))
    b2 = jnp.zeros((LAYER_SIZES[1],), dtype=jnp.float32)
    return {
        "user_id": user_id,
        "user_age_binned": user_age_binned,
        "user_gender": user_gender,
        "user_occupation": user_occupation,
        "user_table": user_table,
        "age_table": age_table,
        "gender_table": gender_table,
        "occ_table": occ_table,
        "W1": W1,
        "b1": b1,
        "W2": W2,
        "b2": b2,
    }


def reference(user_id, user_age_binned, user_gender, user_occupation,
              user_table, age_table, gender_table, occ_table,
              W1, b1, W2, b2):
    # embedding lookups (StringLookup/IntegerLookup already folded into int indices)
    e_user = jnp.take(user_table, user_id, axis=0)
    e_age = jnp.take(age_table, user_age_binned, axis=0)
    e_gender = jnp.take(gender_table, user_gender, axis=0)
    e_occ = jnp.take(occ_table, user_occupation, axis=0)
    feat = jnp.concatenate([e_user, e_age, e_gender, e_occ], axis=1)
    h = jnp.maximum(feat @ W1 + b1, 0.0)  # Dense(64, relu)
    out = h @ W2 + b2                      # Dense(32)
    return out

if __name__ == "__main__":
    import jax
    _d = setup_inputs()
    print(jax.jit(kernel)(*tuple(_d.values())))

</pallas_src>

<mosaic_0001>
#map = affine_map<(d0, d1) -> (0)>
#map1 = affine_map<(d0, d1) -> (0, 0)>
module attributes {stable_mosaic.version = 14 : i64} {
  func.func @gather_k(%arg0: i32, %arg1: i32, %arg2: memref<16384xi32, #tpu.memory_space<hbm>>, %arg3: memref<32x1000001xf32, #tpu.memory_space<hbm>>, %arg4: memref<32x16384xf32, #tpu.memory_space<hbm>>, %arg5: memref<512xi32, #tpu.memory_space<vmem>>, %arg6: memref<16x32x128xf32, #tpu.memory_space<vmem>>, %arg7: memref<32x512xf32, #tpu.memory_space<vmem>>, %arg8: memref<!tpu.dma_semaphore, #tpu.memory_space<semaphore_mem>>) attributes {dimension_semantics = [#tpu.dimension_semantics<core_parallel>, #tpu.dimension_semantics<subcore_parallel>], iteration_bounds = array<i64: 2, 16>, scalar_prefetch = 0 : i64, scratch_operands = 4 : i64, tpu.core_type = #tpu.core_type<sc_vector_subcore>, window_params = [{transform_indices = #map}, {transform_indices = #map1}, {transform_indices = #map1}]} {
    %mul3A = arith.constant 2 : i32
    %mul3A_0 = arith.muli %arg1, %mul3A : i32
    %add3A = arith.addi %mul3A_0, %arg0 : i32
    %mul3A_1 = arith.constant 512 : i32
    %mul3A_2 = arith.muli %add3A, %mul3A_1 : i32
    "tpu.region"() ({
      %run_scoped3A = tpu.sem_alloc : memref<!tpu.dma_semaphore, #tpu.memory_space<semaphore_mem>>
      %dma_start3A_854 = tpu.memref_slice %arg2[%mul3A_2] : memref<16384xi32, #tpu.memory_space<hbm>> -> memref<512xi32, #tpu.memory_space<hbm>>
      %dma_start3A_855 = tpu.memref_slice %arg2[%mul3A_2] : memref<16384xi32, #tpu.memory_space<hbm>> -> memref<512xi32, #tpu.memory_space<hbm>>
      tpu.enqueue_dma source(%dma_start3A_855 : memref<512xi32, #tpu.memory_space<hbm>>) target(%arg5 : memref<512xi32, #tpu.memory_space<vmem>>) target_semaphore(%run_scoped3A : memref<!tpu.dma_semaphore, #tpu.memory_space<semaphore_mem>>)
      %dma_wait3A_856 = tpu.memref_slice %arg2[%mul3A_2] : memref<16384xi32, #tpu.memory_space<hbm>> -> memref<512xi32, #tpu.memory_space<hbm>>
      %dma_wait3A_857 = tpu.memref_slice %arg2[%mul3A_2] : memref<16384xi32, #tpu.memory_space<hbm>> -> memref<512xi32, #tpu.memory_space<hbm>>
      tpu.wait_dma2 semaphore(%run_scoped3A : memref<!tpu.dma_semaphore, #tpu.memory_space<semaphore_mem>>) src(%dma_wait3A_857 : memref<512xi32, #tpu.memory_space<hbm>>) dst(%arg5 : memref<512xi32, #tpu.memory_space<vmem>>)
      tpu.yield
    }) : () -> ()
    %iota3A = tpu.iota {dimensions = array<i32: 0>} : vector<16xi32>
    %add3A_3 = arith.constant 16 : i32
    %add3A_4 = vector.broadcast %add3A_3 : i32 to vector<16xi32>
    %add3A_5 = arith.addi %iota3A, %add3A_4 : vector<16xi32>
    %get3A = arith.constant 0 : index
    %get3A_6 = tpu.vector_load %arg5[%get3A] {strides = array<i32>} : memref<512xi32, #tpu.memory_space<vmem>>, vector<16xi32>,
    %slice3A = vector.extract_strided_slice %get3A_6 {offsets = [0], sizes = [1], strides = [1]} : vector<16xi32> to vector<1xi32>
    %squeeze3A = vector.extract %slice3A[0] : i32 from vector<1xi32>
    %shift_right_arithmetic3A = arith.constant 7 : i32
    %shift_right_arithmetic3A_7 = arith.shrsi %squeeze3A, %shift_right_arithmetic3A : i32
    %mul3A_8 = arith.constant 128 : i32
    %mul3A_9 = arith.muli %shift_right_arithmetic3A_7, %mul3A_8 : i32
    %dma_start3A = arith.constant 0 : i32
    %dma_start3A_10 = arith.constant 0 : i32
    %dma_start3A_11 = arith.constant 0 : i32
    %dma_start3A_12 = tpu.memref_slice %arg6[%dma_start3A, %dma_start3A_10, %dma_start3A_11] : memref<16x32x128xf32, #tpu.memory_space<vmem>> -> memref<1x32x128xf32, #tpu.memory_space<vmem>>
    %dma_start3A_13 = tpu.memref_squeeze %dma_start3A_12 : memref<1x32x128xf32, #tpu.memory_space<vmem>> -> memref<32x128xf32, #tpu.memory_space<vmem>>
    %dma_start3A_14 = arith.constant 0 : i32
    %dma_start3A_15 = tpu.memref_slice %arg3[%dma_start3A_14, %mul3A_9] : memref<32x1000001xf32, #tpu.memory_space<hbm>> -> memref<32x128xf32, #tpu.memory_space<hbm>>
    %dma_start3A_16 = arith.constant 0 : i32
    %dma_start3A_17 = arith.constant 0 : i32
    %dma_start3A_18 = tpu.memref_slice %arg6[%dma_start3A, %dma_start3A_16, %dma_start3A_17] : memref<16x32x128xf32, #tpu.memory_space<vmem>> -> memref<1x32x128xf32, #tpu.memory_space<vmem>>
    %dma_start3A_19 = tpu.memref_squeeze %dma_start3A_18 : memref<1x32x128xf32, #tpu.memory_space<vmem>> -> memref<32x128xf32, #tpu.memory_space<vmem>>
    %dma_start3A_20 = arith.constant 0 : i32
    %dma_start3A_21 = tpu.memref_slice %arg3[%dma_start3A_20, %mul3A_9] : memref<32x1000001xf32, #tpu.memory_space<hbm>> -> memref<32x128xf32, #tpu.memory_space<hbm>>
    tpu.enqueue_dma source(%dma_start3A_21 : memref<32x128xf32, #tpu.memory_space<hbm>>) target(%dma_start3A_19 : memref<32x128xf32, #tpu.memory_space<vmem>>) target_semaphore(%arg8 : memref<!tpu.dma_semaphore, #tpu.memory_space<semaphore_mem>>)
    %slice3A_22 = vector.extract_strided_slice %get3A_6 {offsets = [1], sizes = [1], strides = [1]} : vector<16xi32> to vector<1xi32>
    %squeeze3A_23 = vector.extract %slice3A_22[0] : i32 from vector<1xi32>
    %shift_right_arithmetic3A_24 = arith.constant 7 : i32
    %shift_right_arithmetic3A_25 = arith.shrsi %squeeze3A_23, %shift_right_arithmetic3A_24 : i32
    %mul3A_26 = arith.constant 128 : i32
    %mul3A_27 = arith.muli %shift_right_arithmetic3A_25, %mul3A_26 : i32
    %dma_start3A_28 = arith.constant 1 : i32
    %dma_start3A_29 = arith.constant 0 : i32
    %dma_start3A_30 = arith.constant 0 : i32
    %dma_start3A_31 = tpu.memref_slice %arg6[%dma_start3A_28, %dma_start3A_29, %dma_start3A_30] : memref<16x32x128xf32, #tpu.memory_space<vmem>> -> memref<1x32x128xf32, #tpu.memory_space<vmem>>
    %dma_start3A_32 = tpu.memref_squeeze %dma_start3A_31 : memref<1x32x128xf32, #tpu.memory_space<vmem>> -> memref<32x128xf32, #tpu.memory_space<vmem>>
    %dma_start3A_33 = arith.constant 0 : i32
    %dma_start3A_34 = tpu.memref_slice %arg3[%dma_start3A_33, %mul3A_27] : memref<32x1000001xf32, #tpu.memory_space<hbm>> -> memref<32x128xf32, #tpu.memory_space<hbm>>
    %dma_start3A_35 = arith.constant 0 : i32
    %dma_start3A_36 = arith.constant 0 : i32
    %dma_start3A_37 = tpu.memref_slice %arg6[%dma_start3A_28, %dma_start3A_35, %dma_start3A_36] : memref<16x32x128xf32, #tpu.memory_space<vmem>> -> memref<1x32x128xf32, #tpu.memory_space<vmem>>
    %dma_start3A_38 = tpu.memref_squeeze %dma_start3A_37 : memref<1x32x128xf32, #tpu.memory_space<vmem>> -> memref<32x128xf32, #tpu.memory_space<vmem>>
    %dma_start3A_39 = arith.constant 0 : i32
    %dma_start3A_40 = tpu.memref_slice %arg3[%dma_start3A_39, %mul3A_27] : memref<32x1000001xf32, #tpu.memory_space<hbm>> -> memref<32x128xf32, #tpu.memory_space<hbm>>
    tpu.enqueue_dma source(%dma_start3A_40 : memref<32x128xf32, #tpu.memory_space<hbm>>) target(%dma_start3A_38 : memref<32x128xf32, #tpu.memory_space<vmem>>) target_semaphore(%arg8 : memref<!tpu.dma_semaphore, #tpu.memory_space<semaphore_mem>>)
    %slice3A_41 = vector.extract_strided_slice %get3A_6 {offsets = [2], sizes = [1], strides = [1]} : vector<16xi32> to vector<1xi32>
    %squeeze3A_42 = vector.extract %slice3A_41[0] : i32 from vector<1xi32>
    %shift_right_arithmetic3A_43 = arith.constant 7 : i32
    %shift_right_arithmetic3A_44 = arith.shrsi %squeeze3A_42, %shift_right_arithmetic3A_43 : i32
    %mul3A_45 = arith.constant 128 : i32
    %mul3A_46 = arith.muli %shift_right_arithmetic3A_44, %mul3A_45 : i32
    %dma_start3A_47 = arith.constant 2 : i32
    %dma_start3A_48 = arith.constant 0 : i32
    %dma_start3A_49 = arith.constant 0 : i32
    %dma_start3A_50 = tpu.memref_slice %arg6[%dma_start3A_47, %dma_start3A_48, %dma_start3A_49] : memref<16x32x128xf32, #tpu.memory_space<vmem>> -> memref<1x32x128xf32, #tpu.memory_space<vmem>>
    %dma_start3A_51 = tpu.memref_squeeze %dma_start3A_50 : memref<1x32x128xf32, #tpu.memory_space<vmem>> -> memref<32x128xf32, #tpu.memory_space<vmem>>
    %dma_start3A_52 = arith.constant 0 : i32
    %dma_start3A_53 = tpu.memref_slice %arg3[%dma_start3A_52, %mul3A_46] : memref<32x1000001xf32, #tpu.memory_space<hbm>> -> memref<32x128xf32, #tpu.memory_space<hbm>>
    %dma_start3A_54 = arith.constant 0 : i32
    %dma_start3A_55 = arith.constant 0 : i32
    %dma_start3A_56 = tpu.memref_slice %arg6[%dma_start3A_47, %dma_start3A_54, %dma_start3A_55] : memref<16x32x128xf32, #tpu.memory_space<vmem>> -> memref<1x32x128xf32, #tpu.memory_space<vmem>>
    %dma_start3A_57 = tpu.memref_squeeze %dma_start3A_56 : memref<1x32x128xf32, #tpu.memory_space<vmem>> -> memref<32x128xf32, #tpu.memory_space<vmem>>
    %dma_start3A_58 = arith.constant 0 : i32
    %dma_start3A_59 = tpu.memref_slice %arg3[%dma_start3A_58, %mul3A_46] : memref<32x1000001xf32, #tpu.memory_space<hbm>> -> memref<32x128xf32, #tpu.memory_space<hbm>>
    tpu.enqueue_dma source(%dma_start3A_59 : memref<32x128xf32, #tpu.memory_space<hbm>>) target(%dma_start3A_57 : memref<32x128xf32, #tpu.memory_space<vmem>>) target_semaphore(%arg8 : memref<!tpu.dma_semaphore, #tpu.memory_space<semaphore_mem>>)
    %slice3A_60 = vector.extract_strided_slice %get3A_6 {offsets = [3], sizes = [1], strides = [1]} : vector<16xi32> to vector<1xi32>
    %squeeze3A_61 = vector.extract %slice3A_60[0] : i32 from vector<1xi32>
    %shift_right_arithmetic3A_62 = arith.constant 7 : i32
    %shift_right_arithmetic3A_63 = arith.shrsi %squeeze3A_61, %shift_right_arithmetic3A_62 : i32
    %mul3A_64 = arith.constant 128 : i32
    %mul3A_65 = arith.muli %shift_right_arithmetic3A_63, %mul3A_64 : i32
    %dma_start3A_66 = arith.constant 3 : i32
    %dma_start3A_67 = arith.constant 0 : i32
    %dma_start3A_68 = arith.constant 0 : i32
    %dma_start3A_69 = tpu.memref_slice %arg6[%dma_start3A_66, %dma_start3A_67, %dma_start3A_68] : memref<16x32x128xf32, #tpu.memory_space<vmem>> -> memref<1x32x128xf32, #tpu.memory_space<vmem>>
    %dma_start3A_70 = tpu.memref_squeeze %dma_start3A_69 : memref<1x32x128xf32, #tpu.memory_space<vmem>> -> memref<32x128xf32, #tpu.memory_space<vmem>>
    %dma_start3A_71 = arith.constant 0 : i32
    %dma_start3A_72 = tpu.memref_slice %arg3[%dma_start3A_71, %mul3A_65] : memref<32x1000001xf32, #tpu.memory_space<hbm>> -> memref<32x128xf32, #tpu.memory_space<hbm>>
    %dma_start3A_73 = arith.constant 0 : i32
    %dma_start3A_74 = arith.constant 0 : i32
    %dma_start3A_75 = tpu.memref_slice %arg6[%dma_start3A_66, %dma_start3A_73, %dma_start3A_74] : memref<16x32x128xf32, #tpu.memory_space<vmem>> -> memref<1x32x128xf32, #tpu.memory_space<vmem>>
    %dma_start3A_76 = tpu.memref_squeeze %dma_start3A_75 : memref<1x32x128xf32, #tpu.memory_space<vmem>> -> memref<32x128xf32, #tpu.memory_space<vmem>>
    %dma_start3A_77 = arith.constant 0 : i32
    %dma_start3A_78 = tpu.memref_slice %arg3[%dma_start3A_77, %mul3A_65] : memref<32x1000001xf32, #tpu.memory_space<hbm>> -> memref<32x128xf32, #tpu.memory_space<hbm>>
    tpu.enqueue_dma source(%dma_start3A_78 : memref<32x128xf32, #tpu.memory_space<hbm>>) target(%dma_start3A_76 : memref<32x128xf32, #tpu.memory_space<vmem>>) target_semaphore(%arg8 : memref<!tpu.dma_semaphore, #tpu.memory_space<semaphore_mem>>)
    %slice3A_79 = vector.extract_strided_slice %get3A_6 {offsets = [4], sizes = [1], strides = [1]} : vector<16xi32> to vector<1xi32>
    %squeeze3A_80 = vector.extract %slice3A_79[0] : i32 from vector<1xi32>
    %shift_right_arithmetic3A_81 = arith.constant 7 : i32
    %shift_right_arithmetic3A_82 = arith.shrsi %squeeze3A_80, %shift_right_arithmetic3A_81 : i32
    %mul3A_83 = arith.constant 128 : i32
    %mul3A_84 = arith.muli %shift_right_arithmetic3A_82, %mul3A_83 : i32
    %dma_start3A_85 = arith.constant 4 : i32
    %dma_start3A_86 = arith.constant 0 : i32
    %dma_start3A_87 = arith.constant 0 : i32
    %dma_start3A_88 = tpu.memref_slice %arg6[%dma_start3A_85, %dma_start3A_86, %dma_start3A_87] : memref<16x32x128xf32, #tpu.memory_space<vmem>> -> memref<1x32x128xf32, #tpu.memory_space<vmem>>
    %dma_start3A_89 = tpu.memref_squeeze %dma_start3A_88 : memref<1x32x128xf32, #tpu.memory_space<vmem>> -> memref<32x128xf32, #tpu.memory_space<vmem>>
    %dma_start3A_90 = arith.constant 0 : i32
    %dma_start3A_91 = tpu.memref_slice %arg3[%dma_start3A_90, %mul3A_84] : memref<32x1000001xf32, #tpu.memory_space<hbm>> -> memref<32x128xf32, #tpu.memory_space<hbm>>
    %dma_start3A_92 = arith.constant 0 : i32
    %dma_start3A_93 = arith.constant 0 : i32
    %dma_start3A_94 = tpu.memref_slice %arg6[%dma_start3A_85, %dma_start3A_92, %dma_start3A_93] : memref<16x32x128xf32, #tpu.memory_space<vmem>> -> memref<1x32x128xf32, #tpu.memory_space<vmem>>
    %dma_start3A_95 = tpu.memref_squeeze %dma_start3A_94 : memref<1x32x128xf32, #tpu.memory_space<vmem>> -> memref<32x128xf32, #tpu.memory_space<vmem>>
    %dma_start3A_96 = arith.constant 0 : i32
    %dma_start3A_97 = tpu.memref_slice %arg3[%dma_start3A_96, %mul3A_84] : memref<32x1000001xf32, #tpu.memory_space<hbm>> -> memref<32x128xf32, #tpu.memory_space<hbm>>
    tpu.enqueue_dma source(%dma_start3A_97 : memref<32x128xf32, #tpu.memory_space<hbm>>) target(%dma_start3A_95 : memref<32x128xf32, #tpu.memory_space<vmem>>) target_semaphore(%arg8 : memref<!tpu.dma_semaphore, #tpu.memory_space<semaphore_mem>>)
    %slice3A_98 = vector.extract_strided_slice %get3A_6 {offsets = [5], sizes = [1], strides = [1]} : vector<16xi32> to vector<1xi32>
    %squeeze3A_99 = vector.extract %slice3A_98[0] : i32 from vector<1xi32>
    %shift_right_arithmetic3A_100 = arith.constant 7 : i32
    %shift_right_arithmetic3A_101 = arith.shrsi %squeeze3A_99, %shift_right_arithmetic3A_100 : i32
    %mul3A_102 = arith.constant 128 : i32
    %mul3A_103 = arith.muli %shift_right_arithmetic3A_101, %mul3A_102 : i32
    %dma_start3A_104 = arith.constant 5 : i32
    %dma_start3A_105 = arith.constant 0 : i32
    %dma_start3A_106 = arith.constant 0 : i32
    %dma_start3A_107 = tpu.memref_slice %arg6[%dma_start3A_104, %dma_start3A_105, %dma_start3A_106] : memref<16x32x128xf32, #tpu.memory_space<vmem>> -> memref<1x32x128xf32, #tpu.memory_space<vmem>>
    %dma_start3A_108 = tpu.memref_squeeze %dma_start3A_107 : memref<1x32x128xf32, #tpu.memory_space<vmem>> -> memref<32x128xf32, #tpu.memory_space<vmem>>
    %dma_start3A_109 = arith.constant 0 : i32
    %dma_start3A_110 = tpu.memref_slice %arg3[%dma_start3A_109, %mul3A_103] : memref<32x1000001xf32, #tpu.memory_space<hbm>> -> memref<32x128xf32, #tpu.memory_space<hbm>>
    %dma_start3A_111 = arith.constant 0 : i32
    %dma_start3A_112 = arith.constant 0 : i32
    %dma_start3A_113 = tpu.memref_slice %arg6[%dma_start3A_104, %dma_start3A_111, %dma_start3A_112] : memref<16x32x128xf32, #tpu.memory_space<vmem>> -> memref<1x32x128xf32, #tpu.memory_space<vmem>>
    %dma_start3A_114 = tpu.memref_squeeze %dma_start3A_113 : memref<1x32x128xf32, #tpu.memory_space<vmem>> -> memref<32x128xf32, #tpu.memory_space<vmem>>
    %dma_start3A_115 = arith.constant 0 : i32
    %dma_start3A_116 = tpu.memref_slice %arg3[%dma_start3A_115, %mul3A_103] : memref<32x1000001xf32, #tpu.memory_space<hbm>> -> memref<32x128xf32, #tpu.memory_space<hbm>>
    tpu.enqueue_dma source(%dma_start3A_116 : memref<32x128xf32, #tpu.memory_space<hbm>>) target(%dma_start3A_114 : memref<32x128xf32, #tpu.memory_space<vmem>>) target_semaphore(%arg8 : memref<!tpu.dma_semaphore, #tpu.memory_space<semaphore_mem>>)
    %slice3A_117 = vector.extract_strided_slice %get3A_6 {offsets = [6], sizes = [1], strides = [1]} : vector<16xi32> to vector<1xi32>
    %squeeze3A_118 = vector.extract %slice3A_117[0] : i32 from vector<1xi32>
    %shift_right_arithmetic3A_119 = arith.constant 7 : i32
    %shift_right_arithmetic3A_120 = arith.shrsi %squeeze3A_118, %shift_right_arithmetic3A_119 : i32
    %mul3A_121 = arith.constant 128 : i32
    %mul3A_122 = arith.muli %shift_right_arithmetic3A_120, %mul3A_121 : i32
    %dma_start3A_123 = arith.constant 6 : i32
    %dma_start3A_124 = arith.constant 0 : i32
    %dma_start3A_125 = arith.constant 0 : i32
    %dma_start3A_126 = tpu.memref_slice %arg6[%dma_start3A_123, %dma_start3A_124, %dma_start3A_125] : memref<16x32x128xf32, #tpu.memory_space<vmem>> -> memref<1x32x128xf32, #tpu.memory_space<vmem>>
    %dma_start3A_127 = tpu.memref_squeeze %dma_start3A_126 : memref<1x32x128xf32, #tpu.memory_space<vmem>> -> memref<32x128xf32, #tpu.memory_space<vmem>>
    %dma_start3A_128 = arith.constant 0 : i32
    %dma_start3A_129 = tpu.memref_slice %arg3[%dma_start3A_128, %mul3A_122] : memref<32x1000001xf32, #tpu.memory_space<hbm>> -> memref<32x128xf32, #tpu.memory_space<hbm>>
    %dma_start3A_130 = arith.constant 0 : i32
    %dma_start3A_131 = arith.constant 0 : i32
    %dma_start3A_132 = tpu.memref_slice %arg6[%dma_start3A_123, %dma_start3A_130, %dma_start3A_131] : memref<16x32x128xf32, #tpu.memory_space<vmem>> -> memref<1x32x128xf32, #tpu.memory_space<vmem>>
    %dma_start3A_133 = tpu.memref_squeeze %dma_start3A_132 : memref<1x32x128xf32, #tpu.memory_space<vmem>> -> memref<32x128xf32, #tpu.memory_space<vmem>>
    %dma_start3A_134 = arith.constant 0 : i32
    %dma_start3A_135 = tpu.memref_slice %arg3[%dma_start3A_134, %mul3A_122] : memref<32x1000001xf32, #tpu.memory_space<hbm>> -> memref<32x128xf32, #tpu.memory_space<hbm>>
    tpu.enqueue_dma source(%dma_start3A_135 : memref<32x128xf32, #tpu.memory_space<hbm>>) target(%dma_start3A_133 : memref<32x128xf32, #tpu.memory_space<vmem>>) target_semaphore(%arg8 : memref<!tpu.dma_semaphore, #tpu.memory_space<semaphore_mem>>)
    %slice3A_136 = vector.extract_strided_slice %get3A_6 {offsets = [7], sizes = [1], strides = [1]} : vector<16xi32> to vector<1xi32>
    %squeeze3A_137 = vector.extract %slice3A_136[0] : i32 from vector<1xi32>
    %shift_right_arithmetic3A_138 = arith.constant 7 : i32
    %shift_right_arithmetic3A_139 = arith.shrsi %squeeze3A_137, %shift_right_arithmetic3A_138 : i32
    %mul3A_140 = arith.constant 128 : i32
    %mul3A_141 = arith.muli %shift_right_arithmetic3A_139, %mul3A_140 : i32
    %dma_start3A_142 = arith.constant 7 : i32
    %dma_start3A_143 = arith.constant 0 : i32
    %dma_start3A_144 = arith.constant 0 : i32
    %dma_start3A_145 = tpu.memref_slice %arg6[%dma_start3A_142, %dma_start3A_143, %dma_start3A_144] : memref<16x32x128xf32, #tpu.memory_space<vmem>> -> memref<1x32x128xf32, #tpu.memory_space<vmem>>
    %dma_start3A_146 = tpu.memref_squeeze %dma_start3A_145 : memref<1x32x128xf32, #tpu.memory_space<vmem>> -> memref<32x128xf32, #tpu.memory_space<vmem>>
    %dma_start3A_147 = arith.constant 0 : i32
    %dma_start3A_148 = tpu.memref_slice %arg3[%dma_start3A_147, %mul3A_141] : memref<32x1000001xf32, #tpu.memory_space<hbm>> -> memref<32x128xf32, #tpu.memory_space<hbm>>
    %dma_start3A_149 = arith.constant 0 : i32
    %dma_start3A_150 = arith.constant 0 : i32
    %dma_start3A_151 = tpu.memref_slice %arg6[%dma_start3A_142, %dma_start3A_149, %dma_start3A_150] : memref<16x32x128xf32, #tpu.memory_space<vmem>> -> memref<1x32x128xf32, #tpu.memory_space<vmem>>
    %dma_start3A_152 = tpu.memref_squeeze %dma_start3A_151 : memref<1x32x128xf32, #tpu.memory_space<vmem>> -> memref<32x128xf32, #tpu.memory_space<vmem>>
    %dma_start3A_153 = arith.constant 0 : i32
    %dma_start3A_154 = tpu.memref_slice %arg3[%dma_start3A_153, %mul3A_141] : memref<32x1000001xf32, #tpu.memory_space<hbm>> -> memref<32x128xf32, #tpu.memory_space<hbm>>
    tpu.enqueue_dma source(%dma_start3A_154 : memref<32x128xf32, #tpu.memory_space<hbm>>) target(%dma_start3A_152 : memref<32x128xf32, #tpu.memory_space<vmem>>) target_semaphore(%arg8 : memref<!tpu.dma_semaphore, #tpu.memory_space<semaphore_mem>>)
    %slice3A_155 = vector.extract_strided_slice %get3A_6 {offsets = [8], sizes = [1], strides = [1]} : vector<16xi32> to vector<1xi32>
    %squeeze3A_156 = vector.extract %slice3A_155[0] : i32 from vector<1xi32>
    %shift_right_arithmetic3A_157 = arith.constant 7 : i32
    %shift_right_arithmetic3A_158 = arith.shrsi %squeeze3A_156, %shift_right_arithmetic3A_157 : i32
    %mul3A_159 = arith.constant 128 : i32
    %mul3A_160 = arith.muli %shift_right_arithmetic3A_158, %mul3A_159 : i32
    %dma_start3A_161 = arith.constant 8 : i32
    %dma_start3A_162 = arith.constant 0 : i32
    %dma_start3A_163 = arith.constant 0 : i32
    %dma_start3A_164 = tpu.memref_slice %arg6[%dma_start3A_161, %dma_start3A_162, %dma_start3A_163] : memref<16x32x128xf32, #tpu.memory_space<vmem>> -> memref<1x32x128xf32, #tpu.memory_space<vmem>>
    %dma_start3A_165 = tpu.memref_squeeze %dma_start3A_164 : memref<1x32x128xf32, #tpu.memory_space<vmem>> -> memref<32x128xf32, #tpu.memory_space<vmem>>
    %dma_start3A_166 = arith.constant 0 : i32
    %dma_start3A_167 = tpu.memref_slice %arg3[%dma_start3A_166, %mul3A_160] : memref<32x1000001xf32, #tpu.memory_space<hbm>> -> memref<32x128xf32, #tpu.memory_space<hbm>>
    %dma_start3A_168 = arith.constant 0 : i32
    %dma_start3A_169 = arith.constant 0 : i32
    %dma_start3A_170 = tpu.memref_slice %arg6[%dma_start3A_161, %dma_start3A_168, %dma_start3A_169] : memref<16x32x128xf32, #tpu.memory_space<vmem>> -> memref<1x32x128xf32, #tpu.memory_space<vmem>>
    %dma_start3A_171 = tpu.memref_squeeze %dma_start3A_170 : memref<1x32x128xf32, #tpu.memory_space<vmem>> -> memref<32x128xf32, #tpu.memory_space<vmem>>
    %dma_start3A_172 = arith.constant 0 : i32
    %dma_start3A_173 = tpu.memref_slice %arg3[%dma_start3A_172, %mul3A_160] : memref<32x1000001xf32, #tpu.memory_space<hbm>> -> memref<32x128xf32, #tpu.memory_space<hbm>>
    tpu.enqueue_dma source(%dma_start3A_173 : memref<32x128xf32, #tpu.memory_space<hbm>>) target(%dma_start3A_171 : memref<32x128xf32, #tpu.memory_space<vmem>>) target_semaphore(%arg8 : memref<!tpu.dma_semaphore, #tpu.memory_space<semaphore_mem>>)
    %slice3A_174 = vector.extract_strided_slice %get3A_6 {offsets = [9], sizes = [1], strides = [1]} : vector<16xi32> to vector<1xi32>
    %squeeze3A_175 = vector.extract %slice3A_174[0] : i32 from vector<1xi32>
    %shift_right_arithmetic3A_176 = arith.constant 7 : i32
    %shift_right_arithmetic3A_177 = arith.shrsi %squeeze3A_175, %shift_right_arithmetic3A_176 : i32
    %mul3A_178 = arith.constant 128 : i32
    %mul3A_179 = arith.muli %shift_right_arithmetic3A_177, %mul3A_178 : i32
    %dma_start3A_180 = arith.constant 9 : i32
    %dma_start3A_181 = arith.constant 0 : i32
    %dma_start3A_182 = arith.constant 0 : i32
    %dma_start3A_183 = tpu.memref_slice %arg6[%dma_start3A_180, %dma_start3A_181, %dma_start3A_182] : memref<16x32x128xf32, #tpu.memory_space<vmem>> -> memref<1x32x128xf32, #tpu.memory_space<vmem>>
    %dma_start3A_184 = tpu.memref_squeeze %dma_start3A_183 : memref<1x32x128xf32, #tpu.memory_space<vmem>> -> memref<32x128xf32, #tpu.memory_space<vmem>>
    %dma_start3A_185 = arith.constant 0 : i32
    %dma_start3A_186 = tpu.memref_slice %arg3[%dma_start3A_185, %mul3A_179] : memref<32x1000001xf32, #tpu.memory_space<hbm>> -> memref<32x128xf32, #tpu.memory_space<hbm>>
    %dma_start3A_187 = arith.constant 0 : i32
    %dma_start3A_188 = arith.constant 0 : i32
    %dma_start3A_189 = tpu.memref_slice %arg6[%dma_start3A_180, %dma_start3A_187, %dma_start3A_188] : memref<16x32x128xf32, #tpu.memory_space<vmem>> -> memref<1x32x128xf32, #tpu.memory_space<vmem>>
    %dma_start3A_190 = tpu.memref_squeeze %dma_start3A_189 : memref<1x32x128xf32, #tpu.memory_space<vmem>> -> memref<32x128xf32, #tpu.memory_space<vmem>>
    %dma_start3A_191 = arith.constant 0 : i32
    %dma_start3A_192 = tpu.memref_slice %arg3[%dma_start3A_191, %mul3A_179] : memref<32x1000001xf32, #tpu.memory_space<hbm>> -> memref<32x128xf32, #tpu.memory_space<hbm>>
    tpu.enqueue_dma source(%dma_start3A_192 : memref<32x128xf32, #tpu.memory_space<hbm>>) target(%dma_start3A_190 : memref<32x128xf32, #tpu.memory_space<vmem>>) target_semaphore(%arg8 : memref<!tpu.dma_semaphore, #tpu.memory_space<semaphore_mem>>)
    %slice3A_193 = vector.extract_strided_slice %get3A_6 {offsets = [10], sizes = [1], strides = [1]} : vector<16xi32> to vector<1xi32>
    %squeeze3A_194 = vector.extract %slice3A_193[0] : i32 from vector<1xi32>
    %shift_right_arithmetic3A_195 = arith.constant 7 : i32
    %shift_right_arithmetic3A_196 = arith.shrsi %squeeze3A_194, %shift_right_arithmetic3A_195 : i32
    %mul3A_197 = arith.constant 128 : i32
    %mul3A_198 = arith.muli %shift_right_arithmetic3A_196, %mul3A_197 : i32
    %dma_start3A_199 = arith.constant 10 : i32
    %dma_start3A_200 = arith.constant 0 : i32
    %dma_start3A_201 = arith.constant 0 : i32
    %dma_start3A_202 = tpu.memref_slice %arg6[%dma_start3A_199, %dma_start3A_200, %dma_start3A_201] : memref<16x32x128xf32, #tpu.memory_space<vmem>> -> memref<1x32x128xf32, #tpu.memory_space<vmem>>
    %dma_start3A_203 = tpu.memref_squeeze %dma_start3A_202 : memref<1x32x128xf32, #tpu.memory_space<vmem>> -> memref<32x128xf32, #tpu.memory_space<vmem>>
    %dma_start3A_204 = arith.constant 0 : i32
    %dma_start3A_205 = tpu.memref_slice %arg3[%dma_start3A_204, %mul3A_198] : memref<32x1000001xf32, #tpu.memory_space<hbm>> -> memref<32x128xf32, #tpu.memory_space<hbm>>
    %dma_start3A_206 = arith.constant 0 : i32
    %dma_start3A_207 = arith.constant 0 : i32
    %dma_start3A_208 = tpu.memref_slice %arg6[%dma_start3A_199, %dma_start3A_206, %dma_start3A_207] : memref<16x32x128xf32, #tpu.memory_space<vmem>> -> memref<1x32x128xf32, #tpu.memory_space<vmem>>
    %dma_start3A_209 = tpu.memref_squeeze %dma_start3A_208 : memref<1x32x128xf32, #tpu.memory_space<vmem>> -> memref<32x128xf32, #tpu.memory_space<vmem>>
    %dma_start3A_210 = arith.constant 0 : i32
    %dma_start3A_211 = tpu.memref_slice %arg3[%dma_start3A_210, %mul3A_198] : memref<32x1000001xf32, #tpu.memory_space<hbm>> -> memref<32x128xf32, #tpu.memory_space<hbm>>
    tpu.enqueue_dma source(%dma_start3A_211 : memref<32x128xf32, #tpu.memory_space<hbm>>) target(%dma_start3A_209 : memref<32x128xf32, #tpu.memory_space<vmem>>) target_semaphore(%arg8 : memref<!tpu.dma_semaphore, #tpu.memory_space<semaphore_mem>>)
    %slice3A_212 = vector.extract_strided_slice %get3A_6 {offsets = [11], sizes = [1], strides = [1]} : vector<16xi32> to vector<1xi32>
    %squeeze3A_213 = vector.extract %slice3A_212[0] : i32 from vector<1xi32>
    %shift_right_arithmetic3A_214 = arith.constant 7 : i32
    %shift_right_arithmetic3A_215 = arith.shrsi %squeeze3A_213, %shift_right_arithmetic3A_214 : i32
    %mul3A_216 = arith.constant 128 : i32
    %mul3A_217 = arith.muli %shift_right_arithmetic3A_215, %mul3A_216 : i32
    %dma_start3A_218 = arith.constant 11 : i32
    %dma_start3A_219 = arith.constant 0 : i32
    %dma_start3A_220 = arith.constant 0 : i32
    %dma_start3A_221 = tpu.memref_slice %arg6[%dma_start3A_218, %dma_start3A_219, %dma_start3A_220] : memref<16x32x128xf32, #tpu.memory_space<vmem>> -> memref<1x32x128xf32, #tpu.memory_space<vmem>>
    %dma_start3A_222 = tpu.memref_squeeze %dma_start3A_221 : memref<1x32x128xf32, #tpu.memory_space<vmem>> -> memref<32x128xf32, #tpu.memory_space<vmem>>
    %dma_start3A_223 = arith.constant 0 : i32
    %dma_start3A_224 = tpu.memref_slice %arg3[%dma_start3A_223, %mul3A_217] : memref<32x1000001xf32, #tpu.memory_space<hbm>> -> memref<32x128xf32, #tpu.memory_space<hbm>>
    %dma_start3A_225 = arith.constant 0 : i32
    %dma_start3A_226 = arith.constant 0 : i32
    %dma_start3A_227 = tpu.memref_slice %arg6[%dma_start3A_218, %dma_start3A_225, %dma_start3A_226] : memref<16x32x128xf32, #tpu.memory_space<vmem>> -> memref<1x32x128xf32, #tpu.memory_space<vmem>>
    %dma_start3A_228 = tpu.memref_squeeze %dma_start3A_227 : memref<1x32x128xf32, #tpu.memory_space<vmem>> -> memref<32x128xf32, #tpu.memory_space<vmem>>
    %dma_start3A_229 = arith.constant 0 : i32
    %dma_start3A_230 = tpu.memref_slice %arg3[%dma_start3A_229, %mul3A_217] : memref<32x1000001xf32, #tpu.memory_space<hbm>> -> memref<32x128xf32, #tpu.memory_space<hbm>>
    tpu.enqueue_dma source(%dma_start3A_230 : memref<32x128xf32, #tpu.memory_space<hbm>>) target(%dma_start3A_228 : memref<32x128xf32, #tpu.memory_space<vmem>>) target_semaphore(%arg8 : memref<!tpu.dma_semaphore, #tpu.memory_space<semaphore_mem>>)
    %slice3A_231 = vector.extract_strided_slice %get3A_6 {offsets = [12], sizes = [1], strides = [1]} : vector<16xi32> to vector<1xi32>
    %squeeze3A_232 = vector.extract %slice3A_231[0] : i32 from vector<1xi32>
    %shift_right_arithmetic3A_233 = arith.constant 7 : i32
    %shift_right_arithmetic3A_234 = arith.shrsi %squeeze3A_232, %shift_right_arithmetic3A_233 : i32
    %mul3A_235 = arith.constant 128 : i32
    %mul3A_236 = arith.muli %shift_right_arithmetic3A_234, %mul3A_235 : i32
    %dma_start3A_237 = arith.constant 12 : i32
    %dma_start3A_238 = arith.constant 0 : i32
    %dma_start3A_239 = arith.constant 0 : i32
    %dma_start3A_240 = tpu.memref_slice %arg6[%dma_start3A_237, %dma_start3A_238, %dma_start3A_239] : memref<16x32x128xf32, #tpu.memory_space<vmem>> -> memref<1x32x128xf32, #tpu.memory_space<vmem>>
    %dma_start3A_241 = tpu.memref_squeeze %dma_start3A_240 : memref<1x32x128xf32, #tpu.memory_space<vmem>> -> memref<32x128xf32, #tpu.memory_space<vmem>>
    %dma_start3A_242 = arith.constant 0 : i32
    %dma_start3A_243 = tpu.memref_slice %arg3[%dma_start3A_242, %mul3A_236] : memref<32x1000001xf32, #tpu.memory_space<hbm>> -> memref<32x128xf32, #tpu.memory_space<hbm>>
    %dma_start3A_244 = arith.constant 0 : i32
    %dma_start3A_245 = arith.constant 0 : i32
    %dma_start3A_246 = tpu.memref_slice %arg6[%dma_start3A_237, %dma_start3A_244, %dma_start3A_245] : memref<16x32x128xf32, #tpu.memory_space<vmem>> -> memref<1x32x128xf32, #tpu.memory_space<vmem>>
    %dma_start3A_247 = tpu.memref_squeeze %dma_start3A_246 : memref<1x32x128xf32, #tpu.memory_space<vmem>> -> memref<32x128xf32, #tpu.memory_space<vmem>>
    %dma_start3A_248 = arith.constant 0 : i32
    %dma_start3A_249 = tpu.memref_slice %arg3[%dma_start3A_248, %mul3A_236] : memref<32x1000001xf32, #tpu.memory_space<hbm>> -> memref<32x128xf32, #tpu.memory_space<hbm>>
    tpu.enqueue_dma source(%dma_start3A_249 : memref<32x128xf32, #tpu.memory_space<hbm>>) target(%dma_start3A_247 : memref<32x128xf32, #tpu.memory_space<vmem>>) target_semaphore(%arg8 : memref<!tpu.dma_semaphore, #tpu.memory_space<semaphore_mem>>)
    %slice3A_250 = vector.extract_strided_slice %get3A_6 {offsets = [13], sizes = [1], strides = [1]} : vector<16xi32> to vector<1xi32>
    %squeeze3A_251 = vector.extract %slice3A_250[0] : i32 from vector<1xi32>
    %shift_right_arithmetic3A_252 = arith.constant 7 : i32
    %shift_right_arithmetic3A_253 = arith.shrsi %squeeze3A_251, %shift_right_arithmetic3A_252 : i32
    %mul3A_254 = arith.constant 128 : i32
    %mul3A_255 = arith.muli %shift_right_arithmetic3A_253, %mul3A_254 : i32
    %dma_start3A_256 = arith.constant 13 : i32
    %dma_start3A_257 = arith.constant 0 : i32
    %dma_start3A_258 = arith.constant 0 : i32
    %dma_start3A_259 = tpu.memref_slice %arg6[%dma_start3A_256, %dma_start3A_257, %dma_start3A_258] : memref<16x32x128xf32, #tpu.memory_space<vmem>> -> memref<1x32x128xf32, #tpu.memory_space<vmem>>
    %dma_start3A_260 = tpu.memref_squeeze %dma_start3A_259 : memref<1x32x128xf32, #tpu.memory_space<vmem>> -> memref<32x128xf32, #tpu.memory_space<vmem>>
    %dma_start3A_261 = arith.constant 0 : i32
    %dma_start3A_262 = tpu.memref_slice %arg3[%dma_start3A_261, %mul3A_255] : memref<32x1000001xf32, #tpu.memory_space<hbm>> -> memref<32x128xf32, #tpu.memory_space<hbm>>
    %dma_start3A_263 = arith.constant 0 : i32
    %dma_start3A_264 = arith.constant 0 : i32
    %dma_start3A_265 = tpu.memref_slice %arg6[%dma_start3A_256, %dma_start3A_263, %dma_start3A_264] : memref<16x32x128xf32, #tpu.memory_space<vmem>> -> memref<1x32x128xf32, #tpu.memory_space<vmem>>
    %dma_start3A_266 = tpu.memref_squeeze %dma_start3A_265 : memref<1x32x128xf32, #tpu.memory_space<vmem>> -> memref<32x128xf32, #tpu.memory_space<vmem>>
    %dma_start3A_267 = arith.constant 0 : i32
    %dma_start3A_268 = tpu.memref_slice %arg3[%dma_start3A_267, %mul3A_255] : memref<32x1000001xf32, #tpu.memory_space<hbm>> -> memref<32x128xf32, #tpu.memory_space<hbm>>
    tpu.enqueue_dma source(%dma_start3A_268 : memref<32x128xf32, #tpu.memory_space<hbm>>) target(%dma_start3A_266 : memref<32x128xf32, #tpu.memory_space<vmem>>) target_semaphore(%arg8 : memref<!tpu.dma_semaphore, #tpu.memory_space<semaphore_mem>>)
    %slice3A_269 = vector.extract_strided_slice %get3A_6 {offsets = [14], sizes = [1], strides = [1]} : vector<16xi32> to vector<1xi32>
    %squeeze3A_270 = vector.extract %slice3A_269[0] : i32 from vector<1xi32>
    %shift_right_arithmetic3A_271 = arith.constant 7 : i32
    %shift_right_arithmetic3A_272 = arith.shrsi %squeeze3A_270, %shift_right_arithmetic3A_271 : i32
    %mul3A_273 = arith.constant 128 : i32
    %mul3A_274 = arith.muli %shift_right_arithmetic3A_272, %mul3A_273 : i32
    %dma_start3A_275 = arith.constant 14 : i32
    %dma_start3A_276 = arith.constant 0 : i32
    %dma_start3A_277 = arith.constant 0 : i32
    %dma_start3A_278 = tpu.memref_slice %arg6[%dma_start3A_275, %dma_start3A_276, %dma_start3A_277] : memref<16x32x128xf32, #tpu.memory_space<vmem>> -> memref<1x32x128xf32, #tpu.memory_space<vmem>>
    %dma_start3A_279 = tpu.memref_squeeze %dma_start3A_278 : memref<1x32x128xf32, #tpu.memory_space<vmem>> -> memref<32x128xf32, #tpu.memory_space<vmem>>
    %dma_start3A_280 = arith.constant 0 : i32
    %dma_start3A_281 = tpu.memref_slice %arg3[%dma_start3A_280, %mul3A_274] : memref<32x1000001xf32, #tpu.memory_space<hbm>> -> memref<32x128xf32, #tpu.memory_space<hbm>>
    %dma_start3A_282 = arith.constant 0 : i32
    %dma_start3A_283 = arith.constant 0 : i32
    %dma_start3A_284 = tpu.memref_slice %arg6[%dma_start3A_275, %dma_start3A_282, %dma_start3A_283] : memref<16x32x128xf32, #tpu.memory_space<vmem>> -> memref<1x32x128xf32, #tpu.memory_space<vmem>>
    %dma_start3A_285 = tpu.memref_squeeze %dma_start3A_284 : memref<1x32x128xf32, #tpu.memory_space<vmem>> -> memref<32x128xf32, #tpu.memory_space<vmem>>
    %dma_start3A_286 = arith.constant 0 : i32
    %dma_start3A_287 = tpu.memref_slice %arg3[%dma_start3A_286, %mul3A_274] : memref<32x1000001xf32, #tpu.memory_space<hbm>> -> memref<32x128xf32, #tpu.memory_space<hbm>>
    tpu.enqueue_dma source(%dma_start3A_287 : memref<32x128xf32, #tpu.memory_space<hbm>>) target(%dma_start3A_285 : memref<32x128xf32, #tpu.memory_space<vmem>>) target_semaphore(%arg8 : memref<!tpu.dma_semaphore, #tpu.memory_space<semaphore_mem>>)
    %slice3A_288 = vector.extract_strided_slice %get3A_6 {offsets = [15], sizes = [1], strides = [1]} : vector<16xi32> to vector<1xi32>
    %squeeze3A_289 = vector.extract %slice3A_288[0] : i32 from vector<1xi32>
    %shift_right_arithmetic3A_290 = arith.constant 7 : i32
    %shift_right_arithmetic3A_291 = arith.shrsi %squeeze3A_289, %shift_right_arithmetic3A_290 : i32
    %mul3A_292 = arith.constant 128 : i32
    %mul3A_293 = arith.muli %shift_right_arithmetic3A_291, %mul3A_292 : i32
    %dma_start3A_294 = arith.constant 15 : i32
    %dma_start3A_295 = arith.constant 0 : i32
    %dma_start3A_296 = arith.constant 0 : i32
    %dma_start3A_297 = tpu.memref_slice %arg6[%dma_start3A_294, %dma_start3A_295, %dma_start3A_296] : memref<16x32x128xf32, #tpu.memory_space<vmem>> -> memref<1x32x128xf32, #tpu.memory_space<vmem>>
    %dma_start3A_298 = tpu.memref_squeeze %dma_start3A_297 : memref<1x32x128xf32, #tpu.memory_space<vmem>> -> memref<32x128xf32, #tpu.memory_space<vmem>>
    %dma_start3A_299 = arith.constant 0 : i32
    %dma_start3A_300 = tpu.memref_slice %arg3[%dma_start3A_299, %mul3A_293] : memref<32x1000001xf32, #tpu.memory_space<hbm>> -> memref<32x128xf32, #tpu.memory_space<hbm>>
    %dma_start3A_301 = arith.constant 0 : i32
    %dma_start3A_302 = arith.constant 0 : i32
    %dma_start3A_303 = tpu.memref_slice %arg6[%dma_start3A_294, %dma_start3A_301, %dma_start3A_302] : memref<16x32x128xf32, #tpu.memory_space<vmem>> -> memref<1x32x128xf32, #tpu.memory_space<vmem>>
    %dma_start3A_304 = tpu.memref_squeeze %dma_start3A_303 : memref<1x32x128xf32, #tpu.memory_space<vmem>> -> memref<32x128xf32, #tpu.memory_space<vmem>>
    %dma_start3A_305 = arith.constant 0 : i32
    %dma_start3A_306 = tpu.memref_slice %arg3[%dma_start3A_305, %mul3A_293] : memref<32x1000001xf32, #tpu.memory_space<hbm>> -> memref<32x128xf32, #tpu.memory_space<hbm>>
    tpu.enqueue_dma source(%dma_start3A_306 : memref<32x128xf32, #tpu.memory_space<hbm>>) target(%dma_start3A_304 : memref<32x128xf32, #tpu.memory_space<vmem>>) target_semaphore(%arg8 : memref<!tpu.dma_semaphore, #tpu.memory_space<semaphore_mem>>)
    %scan3A = arith.constant 0 : i32
    %scan3A_307 = arith.constant 0 : i32
    %scan3A_308 = arith.constant 32 : i32
    %scan3A_309 = arith.addi %scan3A_307, %scan3A_308 : i32
    %scan3A_310 = arith.constant 1 : i32
    scf.for %scan3A_854 = %scan3A_307 to %scan3A_309 step %scan3A_310  : i32 {
      %mul3A_855 = arith.constant 16 : i32
      %mul3A_856 = arith.muli %scan3A_854, %mul3A_855 : i32
      %get3A_857 = arith.index_cast %mul3A_856 : i32 to index
      %get3A_858 = tpu.vector_load %arg5[%get3A_857] {strides = array<i32>} : memref<512xi32, #tpu.memory_space<vmem>>, vector<16xi32>,
      %add3A_859 = arith.constant 1 : i32
      %add3A_860 = arith.addi %scan3A_854, %add3A_859 : i32
      %min3A = arith.constant 31 : i32
      %min3A_861 = arith.minsi %add3A_860, %min3A : i32
      %mul3A_862 = arith.constant 16 : i32
      %mul3A_863 = arith.muli %min3A_861, %mul3A_862 : i32
      %get3A_864 = arith.index_cast %mul3A_863 : i32 to index
      %get3A_865 = tpu.vector_load %arg5[%get3A_864] {strides = array<i32>} : memref<512xi32, #tpu.memory_space<vmem>>, vector<16xi32>,
      %dma_wait3A_866 = arith.constant 0 : i32
      %dma_wait3A_867 = arith.constant 0 : i32
      %dma_wait3A_868 = arith.constant 0 : i32
      %dma_wait3A_869 = tpu.memref_slice %arg6[%dma_wait3A_866, %dma_wait3A_867, %dma_wait3A_868] : memref<16x32x128xf32, #tpu.memory_space<vmem>> -> memref<1x32x128xf32, #tpu.memory_space<vmem>>
      %dma_wait3A_870 = tpu.memref_squeeze %dma_wait3A_869 : memref<1x32x128xf32, #tpu.memory_space<vmem>> -> memref<32x128xf32, #tpu.memory_space<vmem>>
      %dma_wait3A_871 = arith.constant 0 : i32
      %dma_wait3A_872 = arith.constant 0 : i32
      %dma_wait3A_873 = tpu.memref_slice %arg3[%dma_wait3A_871, %dma_wait3A_872] : memref<32x1000001xf32, #tpu.memory_space<hbm>> -> memref<32x128xf32, #tpu.memory_space<hbm>>
      %dma_wait3A_874 = arith.constant 0 : i32
      %dma_wait3A_875 = arith.constant 0 : i32
      %dma_wait3A_876 = tpu.memref_slice %arg6[%dma_wait3A_866, %dma_wait3A_874, %dma_wait3A_875] : memref<16x32x128xf32, #tpu.memory_space<vmem>> -> memref<1x32x128xf32, #tpu.memory_space<vmem>>
      %dma_wait3A_877 = tpu.memref_squeeze %dma_wait3A_876 : memref<1x32x128xf32, #tpu.memory_space<vmem>> -> memref<32x128xf32, #tpu.memory_space<vmem>>
      %dma_wait3A_878 = arith.constant 0 : i32
      %dma_wait3A_879 = arith.constant 0 : i32
      %dma_wait3A_880 = tpu.memref_slice %arg3[%dma_wait3A_878, %dma_wait3A_879] : memref<32x1000001xf32, #tpu.memory_space<hbm>> -> memref<32x128xf32, #tpu.memory_space<hbm>>
      tpu.wait_dma2 semaphore(%arg8 : memref<!tpu.dma_semaphore, #tpu.memory_space<semaphore_mem>>) src(%dma_wait3A_880 : memref<32x128xf32, #tpu.memory_space<hbm>>) dst(%dma_wait3A_877 : memref<32x128xf32, #tpu.memory_space<vmem>>)
      %slice3A_881 = vector.extract_strided_slice %get3A_858 {offsets = [0], sizes = [1], strides = [1]} : vector<16xi32> to vector<1xi32>
      %squeeze3A_882 = vector.extract %slice3A_881[0] : i32 from vector<1xi32>
      %and3A_883 = arith.constant 127 : i32
      %and3A_884 = arith.andi %squeeze3A_882, %and3A_883 : i32
      %broadcast_in_dim3A_885 = vector.broadcast %and3A_884 : i32 to vector<16xi32>
      %mul3A_886 = arith.constant 16 : i32
      %mul3A_887 = arith.muli %scan3A_854, %mul3A_886 : i32
      %add3A_888 = arith.constant 0 : i32
      %add3A_889 = arith.addi %mul3A_887, %add3A_888 : i32
      %broadcast_in_dim3A_890 = vector.broadcast %add3A_889 : i32 to vector<16xi32>
      %gather3A_891 = arith.constant 0 : i32
      %gather3A_892 = arith.constant 0 : i32
      %gather3A_893 = arith.constant 0 : i32
      %gather3A_894 = tpu.memref_slice %arg6[%gather3A_891, %gather3A_892, %gather3A_893] : memref<16x32x128xf32, #tpu.memory_space<vmem>> -> memref<1x32x128xf32, #tpu.memory_space<vmem>>
      %gather3A_895 = tpu.memref_squeeze %gather3A_894 : memref<1x32x128xf32, #tpu.memory_space<vmem>> -> memref<32x128xf32, #tpu.memory_space<vmem>>
      %gather3A_896 = tpu.vector_load_idx %gather3A_895[%iota3A, %broadcast_in_dim3A_885] : memref<32x128xf32, #tpu.memory_space<vmem>>[vector<16xi32>, vector<16xi32>], vector<16xf32>,
      %gather3A_897 = arith.constant 0 : i32
      %gather3A_898 = arith.constant 0 : i32
      %gather3A_899 = arith.constant 0 : i32
      %gather3A_900 = tpu.memref_slice %arg6[%gather3A_897, %gather3A_898, %gather3A_899] : memref<16x32x128xf32, #tpu.memory_space<vmem>> -> memref<1x32x128xf32, #tpu.memory_space<vmem>>
      %gather3A_901 = tpu.memref_squeeze %gather3A_900 : memref<1x32x128xf32, #tpu.memory_space<vmem>> -> memref<32x128xf32, #tpu.memory_space<vmem>>
      %gather3A_902 = tpu.vector_load_idx %gather3A_901[%add3A_5, %broadcast_in_dim3A_885] : memref<32x128xf32, #tpu.memory_space<vmem>>[vector<16xi32>, vector<16xi32>], vector<16xf32>,
      tpu.vector_store_idx %arg7[%iota3A, %broadcast_in_dim3A_890], %gather3A_896 : memref<32x512xf32, #tpu.memory_space<vmem>>[vector<16xi32>, vector<16xi32>], vector<16xf32>,
      tpu.vector_store_idx %arg7[%add3A_5, %broadcast_in_dim3A_890], %gather3A_902 : memref<32x512xf32, #tpu.memory_space<vmem>>[vector<16xi32>, vector<16xi32>], vector<16xf32>,
      %slice3A_903 = vector.extract_strided_slice %get3A_865 {offsets = [0], sizes = [1], strides = [1]} : vector<16xi32> to vector<1xi32>
      %squeeze3A_904 = vector.extract %slice3A_903[0] : i32 from vector<1xi32>
      %shift_right_arithmetic3A_905 = arith.constant 7 : i32
      %shift_right_arithmetic3A_906 = arith.shrsi %squeeze3A_904, %shift_right_arithmetic3A_905 : i32
      %mul3A_907 = arith.constant 128 : i32
      %mul3A_908 = arith.muli %shift_right_arithmetic3A_906, %mul3A_907 : i32
      %dma_start3A_909 = arith.constant 0 : i32
      %dma_start3A_910 = arith.constant 0 : i32
      %dma_start3A_911 = arith.constant 0 : i32
      %dma_start3A_912 = tpu.memref_slice %arg6[%dma_start3A_909, %dma_start3A_910, %dma_start3A_911] : memref<16x32x128xf32, #tpu.memory_space<vmem>> -> memref<1x32x128xf32, #tpu.memory_space<vmem>>
      %dma_start3A_913 = tpu.memref_squeeze %dma_start3A_912 : memref<1x32x128xf32, #tpu.memory_space<vmem>> -> memref<32x128xf32, #tpu.memory_space<vmem>>
      %dma_start3A_914 = arith.constant 0 : i32
      %dma_start3A_915 = tpu.memref_slice %arg3[%dma_start3A_914, %mul3A_908] : memref<32x1000001xf32, #tpu.memory_space<hbm>> -> memref<32x128xf32, #tpu.memory_space<hbm>>
      %dma_start3A_916 = arith.constant 0 : i32
      %dma_start3A_917 = arith.constant 0 : i32
      %dma_start3A_918 = tpu.memref_slice %arg6[%dma_start3A_909, %dma_start3A_916, %dma_start3A_917] : memref<16x32x128xf32, #tpu.memory_space<vmem>> -> memref<1x32x128xf32, #tpu.memory_space<vmem>>
      %dma_start3A_919 = tpu.memref_squeeze %dma_start3A_918 : memref<1x32x128xf32, #tpu.memory_space<vmem>> -> memref<32x128xf32, #tpu.memory_space<vmem>>
      %dma_start3A_920 = arith.constant 0 : i32
      %dma_start3A_921 = tpu.memref_slice %arg3[%dma_start3A_920, %mul3A_908] : memref<32x1000001xf32, #tpu.memory_space<hbm>> -> memref<32x128xf32, #tpu.memory_space<hbm>>
      tpu.enqueue_dma source(%dma_start3A_921 : memref<32x128xf32, #tpu.memory_space<hbm>>) target(%dma_start3A_919 : memref<32x128xf32, #tpu.memory_space<vmem>>) target_semaphore(%arg8 : memref<!tpu.dma_semaphore, #tpu.memory_space<semaphore_mem>>)
      %dma_wait3A_922 = arith.constant 1 : i32
      %dma_wait3A_923 = arith.constant 0 : i32
      %dma_wait3A_924 = arith.constant 0 : i32
      %dma_wait3A_925 = tpu.memref_slice %arg6[%dma_wait3A_922, %dma_wait3A_923, %dma_wait3A_924] : memref<16x32x128xf32, #tpu.memory_space<vmem>> -> memref<1x32x128xf32, #tpu.memory_space<vmem>>
      %dma_wait3A_926 = tpu.memref_squeeze %dma_wait3A_925 : memref<1x32x128xf32, #tpu.memory_space<vmem>> -> memref<32x128xf32, #tpu.memory_space<vmem>>
      %dma_wait3A_927 = arith.constant 0 : i32
      %dma_wait3A_928 = arith.constant 0 : i32
      %dma_wait3A_929 = tpu.memref_slice %arg3[%dma_wait3A_927, %dma_wait3A_928] : memref<32x1000001xf32, #tpu.memory_space<hbm>> -> memref<32x128xf32, #tpu.memory_space<hbm>>
      %dma_wait3A_930 = arith.constant 0 : i32
      %dma_wait3A_931 = arith.constant 0 : i32
      %dma_wait3A_932 = tpu.memref_slice %arg6[%dma_wait3A_922, %dma_wait3A_930, %dma_wait3A_931] : memref<16x32x128xf32, #tpu.memory_space<vmem>> -> memref<1x32x128xf32, #tpu.memory_space<vmem>>
      %dma_wait3A_933 = tpu.memref_squeeze %dma_wait3A_932 : memref<1x32x128xf32, #tpu.memory_space<vmem>> -> memref<32x128xf32, #tpu.memory_space<vmem>>
      %dma_wait3A_934 = arith.constant 0 : i32
      %dma_wait3A_935 = arith.constant 0 : i32
      %dma_wait3A_936 = tpu.memref_slice %arg3[%dma_wait3A_934, %dma_wait3A_935] : memref<32x1000001xf32, #tpu.memory_space<hbm>> -> memref<32x128xf32, #tpu.memory_space<hbm>>
      tpu.wait_dma2 semaphore(%arg8 : memref<!tpu.dma_semaphore, #tpu.memory_space<semaphore_mem>>) src(%dma_wait3A_936 : memref<32x128xf32, #tpu.memory_space<hbm>>) dst(%dma_wait3A_933 : memref<32x128xf32, #tpu.memory_space<vmem>>)
      %slice3A_937 = vector.extract_strided_slice %get3A_858 {offsets = [1], sizes = [1], strides = [1]} : vector<16xi32> to vector<1xi32>
      %squeeze3A_938 = vector.extract %slice3A_937[0] : i32 from vector<1xi32>
      %and3A_939 = arith.constant 127 : i32
      %and3A_940 = arith.andi %squeeze3A_938, %and3A_939 : i32
      %broadcast_in_dim3A_941 = vector.broadcast %and3A_940 : i32 to vector<16xi32>
      %mul3A_942 = arith.constant 16 : i32
      %mul3A_943 = arith.muli %scan3A_854, %mul3A_942 : i32
      %add3A_944 = arith.constant 1 : i32
      %add3A_945 = arith.addi %mul3A_943, %add3A_944 : i32
      %broadcast_in_dim3A_946 = vector.broadcast %add3A_945 : i32 to vector<16xi32>
      %gather3A_947 = arith.constant 1 : i32
      %gather3A_948 = arith.constant 0 : i32
      %gather3A_949 = arith.constant 0 : i32
      %gather3A_950 = tpu.memref_slice %arg6[%gather3A_947, %gather3A_948, %gather3A_949] : memref<16x32x128xf32, #tpu.memory_space<vmem>> -> memref<1x32x128xf32, #tpu.memory_space<vmem>>
      %gather3A_951 = tpu.memref_squeeze %gather3A_950 : memref<1x32x128xf32, #tpu.memory_space<vmem>> -> memref<32x128xf32, #tpu.memory_space<vmem>>
      %gather3A_952 = tpu.vector_load_idx %gather3A_951[%iota3A, %broadcast_in_dim3A_941] : memref<32x128xf32, #tpu.memory_space<vmem>>[vector<16xi32>, vector<16xi32>], vector<16xf32>,
      %gather3A_953 = arith.constant 1 : i32
      %gather3A_954 = arith.constant 0 : i32
      %gather3A_955 = arith.constant 0 : i32
      %gather3A_956 = tpu.memref_slice %arg6[%gather3A_953, %gather3A_954, %gather3A_955] : memref<16x32x128xf32, #tpu.memory_space<vmem>> -> memref<1x32x128xf32, #tpu.memory_space<vmem>>
      %gather3A_957 = tpu.memref_squeeze %gather3A_956 : memref<1x32x128xf32, #tpu.memory_space<vmem>> -> memref<32x128xf32, #tpu.memory_space<vmem>>
      %gather3A_958 = tpu.vector_load_idx %gather3A_957[%add3A_5, %broadcast_in_dim3A_941] : memref<32x128xf32, #tpu.memory_space<vmem>>[vector<16xi32>, vector<16xi32>], vector<16xf32>,
      tpu.vector_store_idx %arg7[%iota3A, %broadcast_in_dim3A_946], %gather3A_952 : memref<32x512xf32, #tpu.memory_space<vmem>>[vector<16xi32>, vector<16xi32>], vector<16xf32>,
      tpu.vector_store_idx %arg7[%add3A_5, %broadcast_in_dim3A_946], %gather3A_958 : memref<32x512xf32, #tpu.memory_space<vmem>>[vector<16xi32>, vector<16xi32>], vector<16xf32>,
      %slice3A_959 = vector.extract_strided_slice %get3A_865 {offsets = [1], sizes = [1], strides = [1]} : vector<16xi32> to vector<1xi32>
      %squeeze3A_960 = vector.extract %slice3A_959[0] : i32 from vector<1xi32>
      %shift_right_arithmetic3A_961 = arith.constant 7 : i32
      %shift_right_arithmetic3A_962 = arith.shrsi %squeeze3A_960, %shift_right_arithmetic3A_961 : i32
      %mul3A_963 = arith.constant 128 : i32
      %mul3A_964 = arith.muli %shift_right_arithmetic3A_962, %mul3A_963 : i32
      %dma_start3A_965 = arith.constant 1 : i32
      %dma_start3A_966 = arith.constant 0 : i32
      %dma_start3A_967 = arith.constant 0 : i32
      %dma_start3A_968 = tpu.memref_slice %arg6[%dma_start3A_965, %dma_start3A_966, %dma_start3A_967] : memref<16x32x128xf32, #tpu.memory_space<vmem>> -> memref<1x32x128xf32, #tpu.memory_space<vmem>>
      %dma_start3A_969 = tpu.memref_squeeze %dma_start3A_968 : memref<1x32x128xf32, #tpu.memory_space<vmem>> -> memref<32x128xf32, #tpu.memory_space<vmem>>
      %dma_start3A_970 = arith.constant 0 : i32
      %dma_start3A_971 = tpu.memref_slice %arg3[%dma_start3A_970, %mul3A_964] : memref<32x1000001xf32, #tpu.memory_space<hbm>> -> memref<32x128xf32, #tpu.memory_space<hbm>>
      %dma_start3A_972 = arith.constant 0 : i32
      %dma_start3A_973 = arith.constant 0 : i32
      %dma_start3A_974 = tpu.memref_slice %arg6[%dma_start3A_965, %dma_start3A_972, %dma_start3A_973] : memref<16x32x128xf32, #tpu.memory_space<vmem>> -> memref<1x32x128xf32, #tpu.memory_space<vmem>>
      %dma_start3A_975 = tpu.memref_squeeze %dma_start3A_974 : memref<1x32x128xf32, #tpu.memory_space<vmem>> -> memref<32x128xf32, #tpu.memory_space<vmem>>
      %dma_start3A_976 = arith.constant 0 : i32
      %dma_start3A_977 = tpu.memref_slice %arg3[%dma_start3A_976, %mul3A_964] : memref<32x1000001xf32, #tpu.memory_space<hbm>> -> memref<32x128xf32, #tpu.memory_space<hbm>>
      tpu.enqueue_dma source(%dma_start3A_977 : memref<32x128xf32, #tpu.memory_space<hbm>>) target(%dma_start3A_975 : memref<32x128xf32, #tpu.memory_space<vmem>>) target_semaphore(%arg8 : memref<!tpu.dma_semaphore, #tpu.memory_space<semaphore_mem>>)
      %dma_wait3A_978 = arith.constant 2 : i32
      %dma_wait3A_979 = arith.constant 0 : i32
      %dma_wait3A_980 = arith.constant 0 : i32
      %dma_wait3A_981 = tpu.memref_slice %arg6[%dma_wait3A_978, %dma_wait3A_979, %dma_wait3A_980] : memref<16x32x128xf32, #tpu.memory_space<vmem>> -> memref<1x32x128xf32, #tpu.memory_space<vmem>>
      %dma_wait3A_982 = tpu.memref_squeeze %dma_wait3A_981 : memref<1x32x128xf32, #tpu.memory_space<vmem>> -> memref<32x128xf32, #tpu.memory_space<vmem>>
      %dma_wait3A_983 = arith.constant 0 : i32
      %dma_wait3A_984 = arith.constant 0 : i32
      %dma_wait3A_985 = tpu.memref_slice %arg3[%dma_wait3A_983, %dma_wait3A_984] : memref<32x1000001xf32, #tpu.memory_space<hbm>> -> memref<32x128xf32, #tpu.memory_space<hbm>>
      %dma_wait3A_986 = arith.constant 0 : i32
      %dma_wait3A_987 = arith.constant 0 : i32
      %dma_wait3A_988 = tpu.memref_slice %arg6[%dma_wait3A_978, %dma_wait3A_986, %dma_wait3A_987] : memref<16x32x128xf32, #tpu.memory_space<vmem>> -> memref<1x32x128xf32, #tpu.memory_space<vmem>>
      %dma_wait3A_989 = tpu.memref_squeeze %dma_wait3A_988 : memref<1x32x128xf32, #tpu.memory_space<vmem>> -> memref<32x128xf32, #tpu.memory_space<vmem>>
      %dma_wait3A_990 = arith.constant 0 : i32
      %dma_wait3A_991 = arith.constant 0 : i32
      %dma_wait3A_992 = tpu.memref_slice %arg3[%dma_wait3A_990, %dma_wait3A_991] : memref<32x1000001xf32, #tpu.memory_space<hbm>> -> memref<32x128xf32, #tpu.memory_space<hbm>>
      tpu.wait_dma2 semaphore(%arg8 : memref<!tpu.dma_semaphore, #tpu.memory_space<semaphore_mem>>) src(%dma_wait3A_992 : memref<32x128xf32, #tpu.memory_space<hbm>>) dst(%dma_wait3A_989 : memref<32x128xf32, #tpu.memory_space<vmem>>)
      %slice3A_993 = vector.extract_strided_slice %get3A_858 {offsets = [2], sizes = [1], strides = [1]} : vector<16xi32> to vector<1xi32>
      %squeeze3A_994 = vector.extract %slice3A_993[0] : i32 from vector<1xi32>
      %and3A_995 = arith.constant 127 : i32
      %and3A_996 = arith.andi %squeeze3A_994, %and3A_995 : i32
      %broadcast_in_dim3A_997 = vector.broadcast %and3A_996 : i32 to vector<16xi32>
      %mul3A_998 = arith.constant 16 : i32
      %mul3A_999 = arith.muli %scan3A_854, %mul3A_998 : i32
      %add3A_1000 = arith.constant 2 : i32
      %add3A_1001 = arith.addi %mul3A_999, %add3A_1000 : i32
      %broadcast_in_dim3A_1002 = vector.broadcast %add3A_1001 : i32 to vector<16xi32>
      %gather3A_1003 = arith.constant 2 : i32
      %gather3A_1004 = arith.constant 0 : i32
      %gather3A_1005 = arith.constant 0 : i32
      %gather3A_1006 = tpu.memref_slice %arg6[%gather3A_1003, %gather3A_1004, %gather3A_1005] : memref<16x32x128xf32, #tpu.memory_space<vmem>> -> memref<1x32x128xf32, #tpu.memory_space<vmem>>
      %gather3A_1007 = tpu.memref_squeeze %gather3A_1006 : memref<1x32x128xf32, #tpu.memory_space<vmem>> -> memref<32x128xf32, #tpu.memory_space<vmem>>
      %gather3A_1008 = tpu.vector_load_idx %gather3A_1007[%iota3A, %broadcast_in_dim3A_997] : memref<32x128xf32, #tpu.memory_space<vmem>>[vector<16xi32>, vector<16xi32>], vector<16xf32>,
      %gather3A_1009 = arith.constant 2 : i32
      %gather3A_1010 = arith.constant 0 : i32
      %gather3A_1011 = arith.constant 0 : i32
      %gather3A_1012 = tpu.memref_slice %arg6[%gather3A_1009, %gather3A_1010, %gather3A_1011] : memref<16x32x128xf32, #tpu.memory_space<vmem>> -> memref<1x32x128xf32, #tpu.memory_space<vmem>>
      %gather3A_1013 = tpu.memref_squeeze %gather3A_1012 : memref<1x32x128xf32, #tpu.memory_space<vmem>> -> memref<32x128xf32, #tpu.memory_space<vmem>>
      %gather3A_1014 = tpu.vector_load_idx %gather3A_1013[%add3A_5, %broadcast_in_dim3A_997] : memref<32x128xf32, #tpu.memory_space<vmem>>[vector<16xi32>, vector<16xi32>], vector<16xf32>,
      tpu.vector_store_idx %arg7[%iota3A, %broadcast_in_dim3A_1002], %gather3A_1008 : memref<32x512xf32, #tpu.memory_space<vmem>>[vector<16xi32>, vector<16xi32>], vector<16xf32>,
      tpu.vector_store_idx %arg7[%add3A_5, %broadcast_in_dim3A_1002], %gather3A_1014 : memref<32x512xf32, #tpu.memory_space<vmem>>[vector<16xi32>, vector<16xi32>], vector<16xf32>,
      %slice3A_1015 = vector.extract_strided_slice %get3A_865 {offsets = [2], sizes = [1], strides = [1]} : vector<16xi32> to vector<1xi32>
      %squeeze3A_1016 = vector.extract %slice3A_1015[0] : i32 from vector<1xi32>
      %shift_right_arithmetic3A_1017 = arith.constant 7 : i32
      %shift_right_arithmetic3A_1018 = arith.shrsi %squeeze3A_1016, %shift_right_arithmetic3A_1017 : i32
      %mul3A_1019 = arith.constant 128 : i32
      %mul3A_1020 = arith.muli %shift_right_arithmetic3A_1018, %mul3A_1019 : i32
      %dma_start3A_1021 = arith.constant 2 : i32
      %dma_start3A_1022 = arith.constant 0 : i32
      %dma_start3A_1023 = arith.constant 0 : i32
      %dma_start3A_1024 = tpu.memref_slice %arg6[%dma_start3A_1021, %dma_start3A_1022, %dma_start3A_1023] : memref<16x32x128xf32, #tpu.memory_space<vmem>> -> memref<1x32x128xf32, #tpu.memory_space<vmem>>
      %dma_start3A_1025 = tpu.memref_squeeze %dma_start3A_1024 : memref<1x32x128xf32, #tpu.memory_space<vmem>> -> memref<32x128xf32, #tpu.memory_space<vmem>>
      %dma_start3A_1026 = arith.constant 0 : i32
      %dma_start3A_1027 = tpu.memref_slice %arg3[%dma_start3A_1026, %mul3A_1020] : memref<32x1000001xf32, #tpu.memory_space<hbm>> -> memref<32x128xf32, #tpu.memory_space<hbm>>
      %dma_start3A_1028 = arith.constant 0 : i32
      %dma_start3A_1029 = arith.constant 0 : i32
      %dma_start3A_1030 = tpu.memref_slice %arg6[%dma_start3A_1021, %dma_start3A_1028, %dma_start3A_1029] : memref<16x32x128xf32, #tpu.memory_space<vmem>> -> memref<1x32x128xf32, #tpu.memory_space<vmem>>
      %dma_start3A_1031 = tpu.memref_squeeze %dma_start3A_1030 : memref<1x32x128xf32, #tpu.memory_space<vmem>> -> memref<32x128xf32, #tpu.memory_space<vmem>>
      %dma_start3A_1032 = arith.constant 0 : i32
      %dma_start3A_1033 = tpu.memref_slice %arg3[%dma_start3A_1032, %mul3A_1020] : memref<32x1000001xf32, #tpu.memory_space<hbm>> -> memref<32x128xf32, #tpu.memory_space<hbm>>
      tpu.enqueue_dma source(%dma_start3A_1033 : memref<32x128xf32, #tpu.memory_space<hbm>>) target(%dma_start3A_1031 : memref<32x128xf32, #tpu.memory_space<vmem>>) target_semaphore(%arg8 : memref<!tpu.dma_semaphore, #tpu.memory_space<semaphore_mem>>)
      %dma_wait3A_1034 = arith.constant 3 : i32
      %dma_wait3A_1035 = arith.constant 0 : i32
      %dma_wait3A_1036 = arith.constant 0 : i32
      %dma_wait3A_1037 = tpu.memref_slice %arg6[%dma_wait3A_1034, %dma_wait3A_1035, %dma_wait3A_1036] : memref<16x32x128xf32, #tpu.memory_space<vmem>> -> memref<1x32x128xf32, #tpu.memory_space<vmem>>
      %dma_wait3A_1038 = tpu.memref_squeeze %dma_wait3A_1037 : memref<1x32x128xf32, #tpu.memory_space<vmem>> -> memref<32x128xf32, #tpu.memory_space<vmem>>
      %dma_wait3A_1039 = arith.constant 0 : i32
      %dma_wait3A_1040 = arith.constant 0 : i32
      %dma_wait3A_1041 = tpu.memref_slice %arg3[%dma_wait3A_1039, %dma_wait3A_1040] : memref<32x1000001xf32, #tpu.memory_space<hbm>> -> memref<32x128xf32, #tpu.memory_space<hbm>>
      %dma_wait3A_1042 = arith.constant 0 : i32
      %dma_wait3A_1043 = arith.constant 0 : i32
      %dma_wait3A_1044 = tpu.memref_slice %arg6[%dma_wait3A_1034, %dma_wait3A_1042, %dma_wait3A_1043] : memref<16x32x128xf32, #tpu.memory_space<vmem>> -> memref<1x32x128xf32, #tpu.memory_space<vmem>>
      %dma_wait3A_1045 = tpu.memref_squeeze %dma_wait3A_1044 : memref<1x32x128xf32, #tpu.memory_space<vmem>> -> memref<32x128xf32, #tpu.memory_space<vmem>>
      %dma_wait3A_1046 = arith.constant 0 : i32
      %dma_wait3A_1047 = arith.constant 0 : i32
      %dma_wait3A_1048 = tpu.memref_slice %arg3[%dma_wait3A_1046, %dma_wait3A_1047] : memref<32x1000001xf32, #tpu.memory_space<hbm>> -> memref<32x128xf32, #tpu.memory_space<hbm>>
      tpu.wait_dma2 semaphore(%arg8 : memref<!tpu.dma_semaphore, #tpu.memory_space<semaphore_mem>>) src(%dma_wait3A_1048 : memref<32x128xf32, #tpu.memory_space<hbm>>) dst(%dma_wait3A_1045 : memref<32x128xf32, #tpu.memory_space<vmem>>)
      %slice3A_1049 = vector.extract_strided_slice %get3A_858 {offsets = [3], sizes = [1], strides = [1]} : vector<16xi32> to vector<1xi32>
      %squeeze3A_1050 = vector.extract %slice3A_1049[0] : i32 from vector<1xi32>
      %and3A_1051 = arith.constant 127 : i32
      %and3A_1052 = arith.andi %squeeze3A_1050, %and3A_1051 : i32
      %broadcast_in_dim3A_1053 = vector.broadcast %and3A_1052 : i32 to vector<16xi32>
      %mul3A_1054 = arith.constant 16 : i32
      %mul3A_1055 = arith.muli %scan3A_854, %mul3A_1054 : i32
      %add3A_1056 = arith.constant 3 : i32
      %add3A_1057 = arith.addi %mul3A_1055, %add3A_1056 : i32
      %broadcast_in_dim3A_1058 = vector.broadcast %add3A_1057 : i32 to vector<16xi32>
      %gather3A_1059 = arith.constant 3 : i32
      %gather3A_1060 = arith.constant 0 : i32
      %gather3A_1061 = arith.constant 0 : i32
      %gather3A_1062 = tpu.memref_slice %arg6[%gather3A_1059, %gather3A_1060, %gather3A_1061] : memref<16x32x128xf32, #tpu.memory_space<vmem>> -> memref<1x32x128xf32, #tpu.memory_space<vmem>>
      %gather3A_1063 = tpu.memref_squeeze %gather3A_1062 : memref<1x32x128xf32, #tpu.memory_space<vmem>> -> memref<32x128xf32, #tpu.memory_space<vmem>>
      %gather3A_1064 = tpu.vector_load_idx %gather3A_1063[%iota3A, %broadcast_in_dim3A_1053] : memref<32x128xf32, #tpu.memory_space<vmem>>[vector<16xi32>, vector<16xi32>], vector<16xf32>,
      %gather3A_1065 = arith.constant 3 : i32
      %gather3A_1066 = arith.constant 0 : i32
      %gather3A_1067 = arith.constant 0 : i32
      %gather3A_1068 = tpu.memref_slice %arg6[%gather3A_1065, %gather3A_1066, %gather3A_1067] : memref<16x32x128xf32, #tpu.memory_space<vmem>> -> memref<1x32x128xf32, #tpu.memory_space<vmem>>
      %gather3A_1069 = tpu.memref_squeeze %gather3A_1068 : memref<1x32x128xf32, #tpu.memory_space<vmem>> -> memref<32x128xf32, #tpu.memory_space<vmem>>
      %gather3A_1070 = tpu.vector_load_idx %gather3A_1069[%add3A_5, %broadcast_in_dim3A_1053] : memref<32x128xf32, #tpu.memory_space<vmem>>[vector<16xi32>, vector<16xi32>], vector<16xf32>,
      tpu.vector_store_idx %arg7[%iota3A, %broadcast_in_dim3A_1058], %gather3A_1064 : memref<32x512xf32, #tpu.memory_space<vmem>>[vector<16xi32>, vector<16xi32>], vector<16xf32>,
      tpu.vector_store_idx %arg7[%add3A_5, %broadcast_in_dim3A_1058], %gather3A_1070 : memref<32x512xf32, #tpu.memory_space<vmem>>[vector<16xi32>, vector<16xi32>], vector<16xf32>,
      %slice3A_1071 = vector.extract_strided_slice %get3A_865 {offsets = [3], sizes = [1], strides = [1]} : vector<16xi32> to vector<1xi32>
      %squeeze3A_1072 = vector.extract %slice3A_1071[0] : i32 from vector<1xi32>
      %shift_right_arithmetic3A_1073 = arith.constant 7 : i32
      %shift_right_arithmetic3A_1074 = arith.shrsi %squeeze3A_1072, %shift_right_arithmetic3A_1073 : i32
      %mul3A_1075 = arith.constant 128 : i32
      %mul3A_1076 = arith.muli %shift_right_arithmetic3A_1074, %mul3A_1075 : i32
      %dma_start3A_1077 = arith.constant 3 : i32
      %dma_start3A_1078 = arith.constant 0 : i32
      %dma_start3A_1079 = arith.constant 0 : i32
      %dma_start3A_1080 = tpu.memref_slice %arg6[%dma_start3A_1077, %dma_start3A_1078, %dma_start3A_1079] : memref<16x32x128xf32, #tpu.memory_space<vmem>> -> memref<1x32x128xf32, #tpu.memory_space<vmem>>
      %dma_start3A_1081 = tpu.memref_squeeze %dma_start3A_1080 : memref<1x32x128xf32, #tpu.memory_space<vmem>> -> memref<32x128xf32, #tpu.memory_space<vmem>>
      %dma_start3A_1082 = arith.constant 0 : i32
      %dma_start3A_1083 = tpu.memref_slice %arg3[%dma_start3A_1082, %mul3A_1076] : memref<32x1000001xf32, #tpu.memory_space<hbm>> -> memref<32x128xf32, #tpu.memory_space<hbm>>
      %dma_start3A_1084 = arith.constant 0 : i32
      %dma_start3A_1085 = arith.constant 0 : i32
      %dma_start3A_1086 = tpu.memref_slice %arg6[%dma_start3A_1077, %dma_start3A_1084, %dma_start3A_1085] : memref<16x32x128xf32, #tpu.memory_space<vmem>> -> memref<1x32x128xf32, #tpu.memory_space<vmem>>
      %dma_start3A_1087 = tpu.memref_squeeze %dma_start3A_1086 : memref<1x32x128xf32, #tpu.memory_space<vmem>> -> memref<32x128xf32, #tpu.memory_space<vmem>>
      %dma_start3A_1088 = arith.constant 0 : i32
      %dma_start3A_1089 = tpu.memref_slice %arg3[%dma_start3A_1088, %mul3A_1076] : memref<32x1000001xf32, #tpu.memory_space<hbm>> -> memref<32x128xf32, #tpu.memory_space<hbm>>
      tpu.enqueue_dma source(%dma_start3A_1089 : memref<32x128xf32, #tpu.memory_space<hbm>>) target(%dma_start3A_1087 : memref<32x128xf32, #tpu.memory_space<vmem>>) target_semaphore(%arg8 : memref<!tpu.dma_semaphore, #tpu.memory_space<semaphore_mem>>)
      %dma_wait3A_1090 = arith.constant 4 : i32
      %dma_wait3A_1091 = arith.constant 0 : i32
      %dma_wait3A_1092 = arith.constant 0 : i32
      %dma_wait3A_1093 = tpu.memref_slice %arg6[%dma_wait3A_1090, %dma_wait3A_1091, %dma_wait3A_1092] : memref<16x32x128xf32, #tpu.memory_space<vmem>> -> memref<1x32x128xf32, #tpu.memory_space<vmem>>
      %dma_wait3A_1094 = tpu.memref_squeeze %dma_wait3A_1093 : memref<1x32x128xf32, #tpu.memory_space<vmem>> -> memref<32x128xf32, #tpu.memory_space<vmem>>
      %dma_wait3A_1095 = arith.constant 0 : i32
      %dma_wait3A_1096 = arith.constant 0 : i32
      %dma_wait3A_1097 = tpu.memref_slice %arg3[%dma_wait3A_1095, %dma_wait3A_1096] : memref<32x1000001xf32, #tpu.memory_space<hbm>> -> memref<32x128xf32, #tpu.memory_space<hbm>>
      %dma_wait3A_1098 = arith.constant 0 : i32
      %dma_wait3A_1099 = arith.constant 0 : i32
      %dma_wait3A_1100 = tpu.memref_slice %arg6[%dma_wait3A_1090, %dma_wait3A_1098, %dma_wait3A_1099] : memref<16x32x128xf32, #tpu.memory_space<vmem>> -> memref<1x32x128xf32, #tpu.memory_space<vmem>>
      %dma_wait3A_1101 = tpu.memref_squeeze %dma_wait3A_1100 : memref<1x32x128xf32, #tpu.memory_space<vmem>> -> memref<32x128xf32, #tpu.memory_space<vmem>>
      %dma_wait3A_1102 = arith.constant 0 : i32
      %dma_wait3A_1103 = arith.constant 0 : i32
      %dma_wait3A_1104 = tpu.memref_slice %arg3[%dma_wait3A_1102, %dma_wait3A_1103] : memref<32x1000001xf32, #tpu.memory_space<hbm>> -> memref<32x128xf32, #tpu.memory_space<hbm>>
      tpu.wait_dma2 semaphore(%arg8 : memref<!tpu.dma_semaphore, #tpu.memory_space<semaphore_mem>>) src(%dma_wait3A_1104 : memref<32x128xf32, #tpu.memory_space<hbm>>) dst(%dma_wait3A_1101 : memref<32x128xf32, #tpu.memory_space<vmem>>)
      %slice3A_1105 = vector.extract_strided_slice %get3A_858 {offsets = [4], sizes = [1], strides = [1]} : vector<16xi32> to vector<1xi32>
      %squeeze3A_1106 = vector.extract %slice3A_1105[0] : i32 from vector<1xi32>
      %and3A_1107 = arith.constant 127 : i32
      %and3A_1108 = arith.andi %squeeze3A_1106, %and3A_1107 : i32
      %broadcast_in_dim3A_1109 = vector.broadcast %and3A_1108 : i32 to vector<16xi32>
      %mul3A_1110 = arith.constant 16 : i32
      %mul3A_1111 = arith.muli %scan3A_854, %mul3A_1110 : i32
      %add3A_1112 = arith.constant 4 : i32
      %add3A_1113 = arith.addi %mul3A_1111, %add3A_1112 : i32
      %broadcast_in_dim3A_1114 = vector.broadcast %add3A_1113 : i32 to vector<16xi32>
      %gather3A_1115 = arith.constant 4 : i32
      %gather3A_1116 = arith.constant 0 : i32
      %gather3A_1117 = arith.constant 0 : i32
      %gather3A_1118 = tpu.memref_slice %arg6[%gather3A_1115, %gather3A_1116, %gather3A_1117] : memref<16x32x128xf32, #tpu.memory_space<vmem>> -> memref<1x32x128xf32, #tpu.memory_space<vmem>>
      %gather3A_1119 = tpu.memref_squeeze %gather3A_1118 : memref<1x32x128xf32, #tpu.memory_space<vmem>> -> memref<32x128xf32, #tpu.memory_space<vmem>>
      %gather3A_1120 = tpu.vector_load_idx %gather3A_1119[%iota3A, %broadcast_in_dim3A_1109] : memref<32x128xf32, #tpu.memory_space<vmem>>[vector<16xi32>, vector<16xi32>], vector<16xf32>,
      %gather3A_1121 = arith.constant 4 : i32
      %gather3A_1122 = arith.constant 0 : i32
      %gather3A_1123 = arith.constant 0 : i32
      %gather3A_1124 = tpu.memref_slice %arg6[%gather3A_1121, %gather3A_1122, %gather3A_1123] : memref<16x32x128xf32, #tpu.memory_space<vmem>> -> memref<1x32x128xf32, #tpu.memory_space<vmem>>
      %gather3A_1125 = tpu.memref_squeeze %gather3A_1124 : memref<1x32x128xf32, #tpu.memory_space<vmem>> -> memref<32x128xf32, #tpu.memory_space<vmem>>
      %gather3A_1126 = tpu.vector_load_idx %gather3A_1125[%add3A_5, %broadcast_in_dim3A_1109] : memref<32x128xf32, #tpu.memory_space<vmem>>[vector<16xi32>, vector<16xi32>], vector<16xf32>,
      tpu.vector_store_idx %arg7[%iota3A, %broadcast_in_dim3A_1114], %gather3A_1120 : memref<32x512xf32, #tpu.memory_space<vmem>>[vector<16xi32>, vector<16xi32>], vector<16xf32>,
      tpu.vector_store_idx %arg7[%add3A_5, %broadcast_in_dim3A_1114], %gather3A_1126 : memref<32x512xf32, #tpu.memory_space<vmem>>[vector<16xi32>, vector<16xi32>], vector<16xf32>,
      %slice3A_1127 = vector.extract_strided_slice %get3A_865 {offsets = [4], sizes = [1], strides = [1]} : vector<16xi32> to vector<1xi32>
      %squeeze3A_1128 = vector.extract %slice3A_1127[0] : i32 from vector<1xi32>
      %shift_right_arithmetic3A_1129 = arith.constant 7 : i32
      %shift_right_arithmetic3A_1130 = arith.shrsi %squeeze3A_1128, %shift_right_arithmetic3A_1129 : i32
      %mul3A_1131 = arith.constant 128 : i32
      %mul3A_1132 = arith.muli %shift_right_arithmetic3A_1130, %mul3A_1131 : i32
      %dma_start3A_1133 = arith.constant 4 : i32
      %dma_start3A_1134 = arith.constant 0 : i32
      %dma_start3A_1135 = arith.constant 0 : i32
      %dma_start3A_1136 = tpu.memref_slice %arg6[%dma_start3A_1133, %dma_start3A_1134, %dma_start3A_1135] : memref<16x32x128xf32, #tpu.memory_space<vmem>> -> memref<1x32x128xf32, #tpu.memory_space<vmem>>
      %dma_start3A_1137 = tpu.memref_squeeze %dma_start3A_1136 : memref<1x32x128xf32, #tpu.memory_space<vmem>> -> memref<32x128xf32, #tpu.memory_space<vmem>>
      %dma_start3A_1138 = arith.constant 0 : i32
      %dma_start3A_1139 = tpu.memref_slice %arg3[%dma_start3A_1138, %mul3A_1132] : memref<32x1000001xf32, #tpu.memory_space<hbm>> -> memref<32x128xf32, #tpu.memory_space<hbm>>
      %dma_start3A_1140 = arith.constant 0 : i32
      %dma_start3A_1141 = arith.constant 0 : i32
      %dma_start3A_1142 = tpu.memref_slice %arg6[%dma_start3A_1133, %dma_start3A_1140, %dma_start3A_1141] : memref<16x32x128xf32, #tpu.memory_space<vmem>> -> memref<1x32x128xf32, #tpu.memory_space<vmem>>
      %dma_start3A_1143 = tpu.memref_squeeze %dma_start3A_1142 : memref<1x32x128xf32, #tpu.memory_space<vmem>> -> memref<32x128xf32, #tpu.memory_space<vmem>>
      %dma_start3A_1144 = arith.constant 0 : i32
      %dma_start3A_1145 = tpu.memref_slice %arg3[%dma_start3A_1144, %mul3A_1132] : memref<32x1000001xf32, #tpu.memory_space<hbm>> -> memref<32x128xf32, #tpu.memory_space<hbm>>
      tpu.enqueue_dma source(%dma_start3A_1145 : memref<32x128xf32, #tpu.memory_space<hbm>>) target(%dma_start3A_1143 : memref<32x128xf32, #tpu.memory_space<vmem>>) target_semaphore(%arg8 : memref<!tpu.dma_semaphore, #tpu.memory_space<semaphore_mem>>)
      %dma_wait3A_1146 = arith.constant 5 : i32
      %dma_wait3A_1147 = arith.constant 0 : i32
      %dma_wait3A_1148 = arith.constant 0 : i32
      %dma_wait3A_1149 = tpu.memref_slice %arg6[%dma_wait3A_1146, %dma_wait3A_1147, %dma_wait3A_1148] : memref<16x32x128xf32, #tpu.memory_space<vmem>> -> memref<1x32x128xf32, #tpu.memory_space<vmem>>
      %dma_wait3A_1150 = tpu.memref_squeeze %dma_wait3A_1149 : memref<1x32x128xf32, #tpu.memory_space<vmem>> -> memref<32x128xf32, #tpu.memory_space<vmem>>
      %dma_wait3A_1151 = arith.constant 0 : i32
      %dma_wait3A_1152 = arith.constant 0 : i32
      %dma_wait3A_1153 = tpu.memref_slice %arg3[%dma_wait3A_1151, %dma_wait3A_1152] : memref<32x1000001xf32, #tpu.memory_space<hbm>> -> memref<32x128xf32, #tpu.memory_space<hbm>>
      %dma_wait3A_1154 = arith.constant 0 : i32
      %dma_wait3A_1155 = arith.constant 0 : i32
      %dma_wait3A_1156 = tpu.memref_slice %arg6[%dma_wait3A_1146, %dma_wait3A_1154, %dma_wait3A_1155] : memref<16x32x128xf32, #tpu.memory_space<vmem>> -> memref<1x32x128xf32, #tpu.memory_space<vmem>>
      %dma_wait3A_1157 = tpu.memref_squeeze %dma_wait3A_1156 : memref<1x32x128xf32, #tpu.memory_space<vmem>> -> memref<32x128xf32, #tpu.memory_space<vmem>>
      %dma_wait3A_1158 = arith.constant 0 : i32
      %dma_wait3A_1159 = arith.constant 0 : i32
      %dma_wait3A_1160 = tpu.memref_slice %arg3[%dma_wait3A_1158, %dma_wait3A_1159] : memref<32x1000001xf32, #tpu.memory_space<hbm>> -> memref<32x128xf32, #tpu.memory_space<hbm>>
      tpu.wait_dma2 semaphore(%arg8 : memref<!tpu.dma_semaphore, #tpu.memory_space<semaphore_mem>>) src(%dma_wait3A_1160 : memref<32x128xf32, #tpu.memory_space<hbm>>) dst(%dma_wait3A_1157 : memref<32x128xf32, #tpu.memory_space<vmem>>)
      %slice3A_1161 = vector.extract_strided_slice %get3A_858 {offsets = [5], sizes = [1], strides = [1]} : vector<16xi32> to vector<1xi32>
      %squeeze3A_1162 = vector.extract %slice3A_1161[0] : i32 from vector<1xi32>
      %and3A_1163 = arith.constant 127 : i32
      %and3A_1164 = arith.andi %squeeze3A_1162, %and3A_1163 : i32
      %broadcast_in_dim3A_1165 = vector.broadcast %and3A_1164 : i32 to vector<16xi32>
      %mul3A_1166 = arith.constant 16 : i32
      %mul3A_1167 = arith.muli %scan3A_854, %mul3A_1166 : i32
      %add3A_1168 = arith.constant 5 : i32
      %add3A_1169 = arith.addi %mul3A_1167, %add3A_1168 : i32
      %broadcast_in_dim3A_1170 = vector.broadcast %add3A_1169 : i32 to vector<16xi32>
      %gather3A_1171 = arith.constant 5 : i32
      %gather3A_1172 = arith.constant 0 : i32
      %gather3A_1173 = arith.constant 0 : i32
      %gather3A_1174 = tpu.memref_slice %arg6[%gather3A_1171, %gather3A_1172, %gather3A_1173] : memref<16x32x128xf32, #tpu.memory_space<vmem>> -> memref<1x32x128xf32, #tpu.memory_space<vmem>>
      %gather3A_1175 = tpu.memref_squeeze %gather3A_1174 : memref<1x32x128xf32, #tpu.memory_space<vmem>> -> memref<32x128xf32, #tpu.memory_space<vmem>>
      %gather3A_1176 = tpu.vector_load_idx %gather3A_1175[%iota3A, %broadcast_in_dim3A_1165] : memref<32x128xf32, #tpu.memory_space<vmem>>[vector<16xi32>, vector<16xi32>], vector<16xf32>,
      %gather3A_1177 = arith.constant 5 : i32
      %gather3A_1178 = arith.constant 0 : i32
      %gather3A_1179 = arith.constant 0 : i32
      %gather3A_1180 = tpu.memref_slice %arg6[%gather3A_1177, %gather3A_1178, %gather3A_1179] : memref<16x32x128xf32, #tpu.memory_space<vmem>> -> memref<1x32x128xf32, #tpu.memory_space<vmem>>
      %gather3A_1181 = tpu.memref_squeeze %gather3A_1180 : memref<1x32x128xf32, #tpu.memory_space<vmem>> -> memref<32x128xf32, #tpu.memory_space<vmem>>
      %gather3A_1182 = tpu.vector_load_idx %gather3A_1181[%add3A_5, %broadcast_in_dim3A_1165] : memref<32x128xf32, #tpu.memory_space<vmem>>[vector<16xi32>, vector<16xi32>], vector<16xf32>,
      tpu.vector_store_idx %arg7[%iota3A, %broadcast_in_dim3A_1170], %gather3A_1176 : memref<32x512xf32, #tpu.memory_space<vmem>>[vector<16xi32>, vector<16xi32>], vector<16xf32>,
      tpu.vector_store_idx %arg7[%add3A_5, %broadcast_in_dim3A_1170], %gather3A_1182 : memref<32x512xf32, #tpu.memory_space<vmem>>[vector<16xi32>, vector<16xi32>], vector<16xf32>,
      %slice3A_1183 = vector.extract_strided_slice %get3A_865 {offsets = [5], sizes = [1], strides = [1]} : vector<16xi32> to vector<1xi32>
      %squeeze3A_1184 = vector.extract %slice3A_1183[0] : i32 from vector<1xi32>
      %shift_right_arithmetic3A_1185 = arith.constant 7 : i32
      %shift_right_arithmetic3A_1186 = arith.shrsi %squeeze3A_1184, %shift_right_arithmetic3A_1185 : i32
      %mul3A_1187 = arith.constant 128 : i32
      %mul3A_1188 = arith.muli %shift_right_arithmetic3A_1186, %mul3A_1187 : i32
      %dma_start3A_1189 = arith.constant 5 : i32
      %dma_start3A_1190 = arith.constant 0 : i32
      %dma_start3A_1191 = arith.constant 0 : i32
      %dma_start3A_1192 = tpu.memref_slice %arg6[%dma_start3A_1189, %dma_start3A_1190, %dma_start3A_1191] : memref<16x32x128xf32, #tpu.memory_space<vmem>> -> memref<1x32x128xf32, #tpu.memory_space<vmem>>
      %dma_start3A_1193 = tpu.memref_squeeze %dma_start3A_1192 : memref<1x32x128xf32, #tpu.memory_space<vmem>> -> memref<32x128xf32, #tpu.memory_space<vmem>>
      %dma_start3A_1194 = arith.constant 0 : i32
      %dma_start3A_1195 = tpu.memref_slice %arg3[%dma_start3A_1194, %mul3A_1188] : memref<32x1000001xf32, #tpu.memory_space<hbm>> -> memref<32x128xf32, #tpu.memory_space<hbm>>
      %dma_start3A_1196 = arith.constant 0 : i32
      %dma_start3A_1197 = arith.constant 0 : i32
      %dma_start3A_1198 = tpu.memref_slice %arg6[%dma_start3A_1189, %dma_start3A_1196, %dma_start3A_1197] : memref<16x32x128xf32, #tpu.memory_space<vmem>> -> memref<1x32x128xf32, #tpu.memory_space<vmem>>
      %dma_start3A_1199 = tpu.memref_squeeze %dma_start3A_1198 : memref<1x32x128xf32, #tpu.memory_space<vmem>> -> memref<32x128xf32, #tpu.memory_space<vmem>>
      %dma_start3A_1200 = arith.constant 0 : i32
      %dma_start3A_1201 = tpu.memref_slice %arg3[%dma_start3A_1200, %mul3A_1188] : memref<32x1000001xf32, #tpu.memory_space<hbm>> -> memref<32x128xf32, #tpu.memory_space<hbm>>
      tpu.enqueue_dma source(%dma_start3A_1201 : memref<32x128xf32, #tpu.memory_space<hbm>>) target(%dma_start3A_1199 : memref<32x128xf32, #tpu.memory_space<vmem>>) target_semaphore(%arg8 : memref<!tpu.dma_semaphore, #tpu.memory_space<semaphore_mem>>)
      %dma_wait3A_1202 = arith.constant 6 : i32
      %dma_wait3A_1203 = arith.constant 0 : i32
      %dma_wait3A_1204 = arith.constant 0 : i32
      %dma_wait3A_1205 = tpu.memref_slice %arg6[%dma_wait3A_1202, %dma_wait3A_1203, %dma_wait3A_1204] : memref<16x32x128xf32, #tpu.memory_space<vmem>> -> memref<1x32x128xf32, #tpu.memory_space<vmem>>
      %dma_wait3A_1206 = tpu.memref_squeeze %dma_wait3A_1205 : memref<1x32x128xf32, #tpu.memory_space<vmem>> -> memref<32x128xf32, #tpu.memory_space<vmem>>
      %dma_wait3A_1207 = arith.constant 0 : i32
      %dma_wait3A_1208 = arith.constant 0 : i32
      %dma_wait3A_1209 = tpu.memref_slice %arg3[%dma_wait3A_1207, %dma_wait3A_1208] : memref<32x1000001xf32, #tpu.memory_space<hbm>> -> memref<32x128xf32, #tpu.memory_space<hbm>>
      %dma_wait3A_1210 = arith.constant 0 : i32
      %dma_wait3A_1211 = arith.constant 0 : i32
      %dma_wait3A_1212 = tpu.memref_slice %arg6[%dma_wait3A_1202, %dma_wait3A_1210, %dma_wait3A_1211] : memref<16x32x128xf32, #tpu.memory_space<vmem>> -> memref<1x32x128xf32, #tpu.memory_space<vmem>>
      %dma_wait3A_1213 = tpu.memref_squeeze %dma_wait3A_1212 : memref<1x32x128xf32, #tpu.memory_space<vmem>> -> memref<32x128xf32, #tpu.memory_space<vmem>>
      %dma_wait3A_1214 = arith.constant 0 : i32
      %dma_wait3A_1215 = arith.constant 0 : i32
      %dma_wait3A_1216 = tpu.memref_slice %arg3[%dma_wait3A_1214, %dma_wait3A_1215] : memref<32x1000001xf32, #tpu.memory_space<hbm>> -> memref<32x128xf32, #tpu.memory_space<hbm>>
      tpu.wait_dma2 semaphore(%arg8 : memref<!tpu.dma_semaphore, #tpu.memory_space<semaphore_mem>>) src(%dma_wait3A_1216 : memref<32x128xf32, #tpu.memory_space<hbm>>) dst(%dma_wait3A_1213 : memref<32x128xf32, #tpu.memory_space<vmem>>)
      %slice3A_1217 = vector.extract_strided_slice %get3A_858 {offsets = [6], sizes = [1], strides = [1]} : vector<16xi32> to vector<1xi32>
      %squeeze3A_1218 = vector.extract %slice3A_1217[0] : i32 from vector<1xi32>
      %and3A_1219 = arith.constant 127 : i32
      %and3A_1220 = arith.andi %squeeze3A_1218, %and3A_1219 : i32
      %broadcast_in_dim3A_1221 = vector.broadcast %and3A_1220 : i32 to vector<16xi32>
      %mul3A_1222 = arith.constant 16 : i32
      %mul3A_1223 = arith.muli %scan3A_854, %mul3A_1222 : i32
      %add3A_1224 = arith.constant 6 : i32
      %add3A_1225 = arith.addi %mul3A_1223, %add3A_1224 : i32
      %broadcast_in_dim3A_1226 = vector.broadcast %add3A_1225 : i32 to vector<16xi32>
      %gather3A_1227 = arith.constant 6 : i32
      %gather3A_1228 = arith.constant 0 : i32
      %gather3A_1229 = arith.constant 0 : i32
      %gather3A_1230 = tpu.memref_slice %arg6[%gather3A_1227, %gather3A_1228, %gather3A_1229] : memref<16x32x128xf32, #tpu.memory_space<vmem>> -> memref<1x32x128xf32, #tpu.memory_space<vmem>>
      %gather3A_1231 = tpu.memref_squeeze %gather3A_1230 : memref<1x32x128xf32, #tpu.memory_space<vmem>> -> memref<32x128xf32, #tpu.memory_space<vmem>>
      %gather3A_1232 = tpu.vector_load_idx %gather3A_1231[%iota3A, %broadcast_in_dim3A_1221] : memref<32x128xf32, #tpu.memory_space<vmem>>[vector<16xi32>, vector<16xi32>], vector<16xf32>,
      %gather3A_1233 = arith.constant 6 : i32
      %gather3A_1234 = arith.constant 0 : i32
      %gather3A_1235 = arith.constant 0 : i32
      %gather3A_1236 = tpu.memref_slice %arg6[%gather3A_1233, %gather3A_1234, %gather3A_1235] : memref<16x32x128xf32, #tpu.memory_space<vmem>> -> memref<1x32x128xf32, #tpu.memory_space<vmem>>
      %gather3A_1237 = tpu.memref_squeeze %gather3A_1236 : memref<1x32x128xf32, #tpu.memory_space<vmem>> -> memref<32x128xf32, #tpu.memory_space<vmem>>
      %gather3A_1238 = tpu.vector_load_idx %gather3A_1237[%add3A_5, %broadcast_in_dim3A_1221] : memref<32x128xf32, #tpu.memory_space<vmem>>[vector<16xi32>, vector<16xi32>], vector<16xf32>,
      tpu.vector_store_idx %arg7[%iota3A, %broadcast_in_dim3A_1226], %gather3A_1232 : memref<32x512xf32, #tpu.memory_space<vmem>>[vector<16xi32>, vector<16xi32>], vector<16xf32>,
      tpu.vector_store_idx %arg7[%add3A_5, %broadcast_in_dim3A_1226], %gather3A_1238 : memref<32x512xf32, #tpu.memory_space<vmem>>[vector<16xi32>, vector<16xi32>], vector<16xf32>,
      %slice3A_1239 = vector.extract_strided_slice %get3A_865 {offsets = [6], sizes = [1], strides = [1]} : vector<16xi32> to vector<1xi32>
      %squeeze3A_1240 = vector.extract %slice3A_1239[0] : i32 from vector<1xi32>
      %shift_right_arithmetic3A_1241 = arith.constant 7 : i32
      %shift_right_arithmetic3A_1242 = arith.shrsi %squeeze3A_1240, %shift_right_arithmetic3A_1241 : i32
      %mul3A_1243 = arith.constant 128 : i32
      %mul3A_1244 = arith.muli %shift_right_arithmetic3A_1242, %mul3A_1243 : i32
      %dma_start3A_1245 = arith.constant 6 : i32
      %dma_start3A_1246 = arith.constant 0 : i32
      %dma_start3A_1247 = arith.constant 0 : i32
      %dma_start3A_1248 = tpu.memref_slice %arg6[%dma_start3A_1245, %dma_start3A_1246, %dma_start3A_1247] : memref<16x32x128xf32, #tpu.memory_space<vmem>> -> memref<1x32x128xf32, #tpu.memory_space<vmem>>
      %dma_start3A_1249 = tpu.memref_squeeze %dma_start3A_1248 : memref<1x32x128xf32, #tpu.memory_space<vmem>> -> memref<32x128xf32, #tpu.memory_space<vmem>>
      %dma_start3A_1250 = arith.constant 0 : i32
      %dma_start3A_1251 = tpu.memref_slice %arg3[%dma_start3A_1250, %mul3A_1244] : memref<32x1000001xf32, #tpu.memory_space<hbm>> -> memref<32x128xf32, #tpu.memory_space<hbm>>
      %dma_start3A_1252 = arith.constant 0 : i32
      %dma_start3A_1253 = arith.constant 0 : i32
      %dma_start3A_1254 = tpu.memref_slice %arg6[%dma_start3A_1245, %dma_start3A_1252, %dma_start3A_1253] : memref<16x32x128xf32, #tpu.memory_space<vmem>> -> memref<1x32x128xf32, #tpu.memory_space<vmem>>
      %dma_start3A_1255 = tpu.memref_squeeze %dma_start3A_1254 : memref<1x32x128xf32, #tpu.memory_space<vmem>> -> memref<32x128xf32, #tpu.memory_space<vmem>>
      %dma_start3A_1256 = arith.constant 0 : i32
      %dma_start3A_1257 = tpu.memref_slice %arg3[%dma_start3A_1256, %mul3A_1244] : memref<32x1000001xf32, #tpu.memory_space<hbm>> -> memref<32x128xf32, #tpu.memory_space<hbm>>
      tpu.enqueue_dma source(%dma_start3A_1257 : memref<32x128xf32, #tpu.memory_space<hbm>>) target(%dma_start3A_1255 : memref<32x128xf32, #tpu.memory_space<vmem>>) target_semaphore(%arg8 : memref<!tpu.dma_semaphore, #tpu.memory_space<semaphore_mem>>)
      %dma_wait3A_1258 = arith.constant 7 : i32
      %dma_wait3A_1259 = arith.constant 0 : i32
      %dma_wait3A_1260 = arith.constant 0 : i32
      %dma_wait3A_1261 = tpu.memref_slice %arg6[%dma_wait3A_1258, %dma_wait3A_1259, %dma_wait3A_1260] : memref<16x32x128xf32, #tpu.memory_space<vmem>> -> memref<1x32x128xf32, #tpu.memory_space<vmem>>
      %dma_wait3A_1262 = tpu.memref_squeeze %dma_wait3A_1261 : memref<1x32x128xf32, #tpu.memory_space<vmem>> -> memref<32x128xf32, #tpu.memory_space<vmem>>
      %dma_wait3A_1263 = arith.constant 0 : i32
      %dma_wait3A_1264 = arith.constant 0 : i32
      %dma_wait3A_1265 = tpu.memref_slice %arg3[%dma_wait3A_1263, %dma_wait3A_1264] : memref<32x1000001xf32, #tpu.memory_space<hbm>> -> memref<32x128xf32, #tpu.memory_space<hbm>>
      %dma_wait3A_1266 = arith.constant 0 : i32
      %dma_wait3A_1267 = arith.constant 0 : i32
      %dma_wait3A_1268 = tpu.memref_slice %arg6[%dma_wait3A_1258, %dma_wait3A_1266, %dma_wait3A_1267] : memref<16x32x128xf32, #tpu.memory_space<vmem>> -> memref<1x32x128xf32, #tpu.memory_space<vmem>>
      %dma_wait3A_1269 = tpu.memref_squeeze %dma_wait3A_1268 : memref<1x32x128xf32, #tpu.memory_space<vmem>> -> memref<32x128xf32, #tpu.memory_space<vmem>>
      %dma_wait3A_1270 = arith.constant 0 : i32
      %dma_wait3A_1271 = arith.constant 0 : i32
      %dma_wait3A_1272 = tpu.memref_slice %arg3[%dma_wait3A_1270, %dma_wait3A_1271] : memref<32x1000001xf32, #tpu.memory_space<hbm>> -> memref<32x128xf32, #tpu.memory_space<hbm>>
      tpu.wait_dma2 semaphore(%arg8 : memref<!tpu.dma_semaphore, #tpu.memory_space<semaphore_mem>>) src(%dma_wait3A_1272 : memref<32x128xf32, #tpu.memory_space<hbm>>) dst(%dma_wait3A_1269 : memref<32x128xf32, #tpu.memory_space<vmem>>)
      %slice3A_1273 = vector.extract_strided_slice %get3A_858 {offsets = [7], sizes = [1], strides = [1]} : vector<16xi32> to vector<1xi32>
      %squeeze3A_1274 = vector.extract %slice3A_1273[0] : i32 from vector<1xi32>
      %and3A_1275 = arith.constant 127 : i32
      %and3A_1276 = arith.andi %squeeze3A_1274, %and3A_1275 : i32
      %broadcast_in_dim3A_1277 = vector.broadcast %and3A_1276 : i32 to vector<16xi32>
      %mul3A_1278 = arith.constant 16 : i32
      %mul3A_1279 = arith.muli %scan3A_854, %mul3A_1278 : i32
      %add3A_1280 = arith.constant 7 : i32
      %add3A_1281 = arith.addi %mul3A_1279, %add3A_1280 : i32
      %broadcast_in_dim3A_1282 = vector.broadcast %add3A_1281 : i32 to vector<16xi32>
      %gather3A_1283 = arith.constant 7 : i32
      %gather3A_1284 = arith.constant 0 : i32
      %gather3A_1285 = arith.constant 0 : i32
      %gather3A_1286 = tpu.memref_slice %arg6[%gather3A_1283, %gather3A_1284, %gather3A_1285] : memref<16x32x128xf32, #tpu.memory_space<vmem>> -> memref<1x32x128xf32, #tpu.memory_space<vmem>>
      %gather3A_1287 = tpu.memref_squeeze %gather3A_1286 : memref<1x32x128xf32, #tpu.memory_space<vmem>> -> memref<32x128xf32, #tpu.memory_space<vmem>>
      %gather3A_1288 = tpu.vector_load_idx %gather3A_1287[%iota3A, %broadcast_in_dim3A_1277] : memref<32x128xf32, #tpu.memory_space<vmem>>[vector<16xi32>, vector<16xi32>], vector<16xf32>,
      %gather3A_1289 = arith.constant 7 : i32
      %gather3A_1290 = arith.constant 0 : i32
      %gather3A_1291 = arith.constant 0 : i32
      %gather3A_1292 = tpu.memref_slice %arg6[%gather3A_1289, %gather3A_1290, %gather3A_1291] : memref<16x32x128xf32, #tpu.memory_space<vmem>> -> memref<1x32x128xf32, #tpu.memory_space<vmem>>
      %gather3A_1293 = tpu.memref_squeeze %gather3A_1292 : memref<1x32x128xf32, #tpu.memory_space<vmem>> -> memref<32x128xf32, #tpu.memory_space<vmem>>
      %gather3A_1294 = tpu.vector_load_idx %gather3A_1293[%add3A_5, %broadcast_in_dim3A_1277] : memref<32x128xf32, #tpu.memory_space<vmem>>[vector<16xi32>, vector<16xi32>], vector<16xf32>,
      tpu.vector_store_idx %arg7[%iota3A, %broadcast_in_dim3A_1282], %gather3A_1288 : memref<32x512xf32, #tpu.memory_space<vmem>>[vector<16xi32>, vector<16xi32>], vector<16xf32>,
      tpu.vector_store_idx %arg7[%add3A_5, %broadcast_in_dim3A_1282], %gather3A_1294 : memref<32x512xf32, #tpu.memory_space<vmem>>[vector<16xi32>, vector<16xi32>], vector<16xf32>,
      %slice3A_1295 = vector.extract_strided_slice %get3A_865 {offsets = [7], sizes = [1], strides = [1]} : vector<16xi32> to vector<1xi32>
      %squeeze3A_1296 = vector.extract %slice3A_1295[0] : i32 from vector<1xi32>
      %shift_right_arithmetic3A_1297 = arith.constant 7 : i32
      %shift_right_arithmetic3A_1298 = arith.shrsi %squeeze3A_1296, %shift_right_arithmetic3A_1297 : i32
      %mul3A_1299 = arith.constant 128 : i32
      %mul3A_1300 = arith.muli %shift_right_arithmetic3A_1298, %mul3A_1299 : i32
      %dma_start3A_1301 = arith.constant 7 : i32
      %dma_start3A_1302 = arith.constant 0 : i32
      %dma_start3A_1303 = arith.constant 0 : i32
      %dma_start3A_1304 = tpu.memref_slice %arg6[%dma_start3A_1301, %dma_start3A_1302, %dma_start3A_1303] : memref<16x32x128xf32, #tpu.memory_space<vmem>> -> memref<1x32x128xf32, #tpu.memory_space<vmem>>
      %dma_start3A_1305 = tpu.memref_squeeze %dma_start3A_1304 : memref<1x32x128xf32, #tpu.memory_space<vmem>> -> memref<32x128xf32, #tpu.memory_space<vmem>>
      %dma_start3A_1306 = arith.constant 0 : i32
      %dma_start3A_1307 = tpu.memref_slice %arg3[%dma_start3A_1306, %mul3A_1300] : memref<32x1000001xf32, #tpu.memory_space<hbm>> -> memref<32x128xf32, #tpu.memory_space<hbm>>
      %dma_start3A_1308 = arith.constant 0 : i32
      %dma_start3A_1309 = arith.constant 0 : i32
      %dma_start3A_1310 = tpu.memref_slice %arg6[%dma_start3A_1301, %dma_start3A_1308, %dma_start3A_1309] : memref<16x32x128xf32, #tpu.memory_space<vmem>> -> memref<1x32x128xf32, #tpu.memory_space<vmem>>
      %dma_start3A_1311 = tpu.memref_squeeze %dma_start3A_1310 : memref<1x32x128xf32, #tpu.memory_space<vmem>> -> memref<32x128xf32, #tpu.memory_space<vmem>>
      %dma_start3A_1312 = arith.constant 0 : i32
      %dma_start3A_1313 = tpu.memref_slice %arg3[%dma_start3A_1312, %mul3A_1300] : memref<32x1000001xf32, #tpu.memory_space<hbm>> -> memref<32x128xf32, #tpu.memory_space<hbm>>
      tpu.enqueue_dma source(%dma_start3A_1313 : memref<32x128xf32, #tpu.memory_space<hbm>>) target(%dma_start3A_1311 : memref<32x128xf32, #tpu.memory_space<vmem>>) target_semaphore(%arg8 : memref<!tpu.dma_semaphore, #tpu.memory_space<semaphore_mem>>)
      %dma_wait3A_1314 = arith.constant 8 : i32
      %dma_wait3A_1315 = arith.constant 0 : i32
      %dma_wait3A_1316 = arith.constant 0 : i32
      %dma_wait3A_1317 = tpu.memref_slice %arg6[%dma_wait3A_1314, %dma_wait3A_1315, %dma_wait3A_1316] : memref<16x32x128xf32, #tpu.memory_space<vmem>> -> memref<1x32x128xf32, #tpu.memory_space<vmem>>
      %dma_wait3A_1318 = tpu.memref_squeeze %dma_wait3A_1317 : memref<1x32x128xf32, #tpu.memory_space<vmem>> -> memref<32x128xf32, #tpu.memory_space<vmem>>
      %dma_wait3A_1319 = arith.constant 0 : i32
      %dma_wait3A_1320 = arith.constant 0 : i32
      %dma_wait3A_1321 = tpu.memref_slice %arg3[%dma_wait3A_1319, %dma_wait3A_1320] : memref<32x1000001xf32, #tpu.memory_space<hbm>> -> memref<32x128xf32, #tpu.memory_space<hbm>>
      %dma_wait3A_1322 = arith.constant 0 : i32
      %dma_wait3A_1323 = arith.constant 0 : i32
      %dma_wait3A_1324 = tpu.memref_slice %arg6[%dma_wait3A_1314, %dma_wait3A_1322, %dma_wait3A_1323] : memref<16x32x128xf32, #tpu.memory_space<vmem>> -> memref<1x32x128xf32, #tpu.memory_space<vmem>>
      %dma_wait3A_1325 = tpu.memref_squeeze %dma_wait3A_1324 : memref<1x32x128xf32, #tpu.memory_space<vmem>> -> memref<32x128xf32, #tpu.memory_space<vmem>>
      %dma_wait3A_1326 = arith.constant 0 : i32
      %dma_wait3A_1327 = arith.constant 0 : i32
      %dma_wait3A_1328 = tpu.memref_slice %arg3[%dma_wait3A_1326, %dma_wait3A_1327] : memref<32x1000001xf32, #tpu.memory_space<hbm>> -> memref<32x128xf32, #tpu.memory_space<hbm>>
      tpu.wait_dma2 semaphore(%arg8 : memref<!tpu.dma_semaphore, #tpu.memory_space<semaphore_mem>>) src(%dma_wait3A_1328 : memref<32x128xf32, #tpu.memory_space<hbm>>) dst(%dma_wait3A_1325 : memref<32x128xf32, #tpu.memory_space<vmem>>)
      %slice3A_1329 = vector.extract_strided_slice %get3A_858 {offsets = [8], sizes = [1], strides = [1]} : vector<16xi32> to vector<1xi32>
      %squeeze3A_1330 = vector.extract %slice3A_1329[0] : i32 from vector<1xi32>
      %and3A_1331 = arith.constant 127 : i32
      %and3A_1332 = arith.andi %squeeze3A_1330, %and3A_1331 : i32
      %broadcast_in_dim3A_1333 = vector.broadcast %and3A_1332 : i32 to vector<16xi32>
      %mul3A_1334 = arith.constant 16 : i32
      %mul3A_1335 = arith.muli %scan3A_854, %mul3A_1334 : i32
      %add3A_1336 = arith.constant 8 : i32
      %add3A_1337 = arith.addi %mul3A_1335, %add3A_1336 : i32
      %broadcast_in_dim3A_1338 = vector.broadcast %add3A_1337 : i32 to vector<16xi32>
      %gather3A_1339 = arith.constant 8 : i32
      %gather3A_1340 = arith.constant 0 : i32
      %gather3A_1341 = arith.constant 0 : i32
      %gather3A_1342 = tpu.memref_slice %arg6[%gather3A_1339, %gather3A_1340, %gather3A_1341] : memref<16x32x128xf32, #tpu.memory_space<vmem>> -> memref<1x32x128xf32, #tpu.memory_space<vmem>>
      %gather3A_1343 = tpu.memref_squeeze %gather3A_1342 : memref<1x32x128xf32, #tpu.memory_space<vmem>> -> memref<32x128xf32, #tpu.memory_space<vmem>>
      %gather3A_1344 = tpu.vector_load_idx %gather3A_1343[%iota3A, %broadcast_in_dim3A_1333] : memref<32x128xf32, #tpu.memory_space<vmem>>[vector<16xi32>, vector<16xi32>], vector<16xf32>,
      %gather3A_1345 = arith.constant 8 : i32
      %gather3A_1346 = arith.constant 0 : i32
      %gather3A_1347 = arith.constant 0 : i32
      %gather3A_1348 = tpu.memref_slice %arg6[%gather3A_1345, %gather3A_1346, %gather3A_1347] : memref<16x32x128xf32, #tpu.memory_space<vmem>> -> memref<1x32x128xf32, #tpu.memory_space<vmem>>
      %gather3A_1349 = tpu.memref_squeeze %gather3A_1348 : memref<1x32x128xf32, #tpu.memory_space<vmem>> -> memref<32x128xf32, #tpu.memory_space<vmem>>
      %gather3A_1350 = tpu.vector_load_idx %gather3A_1349[%add3A_5, %broadcast_in_dim3A_1333] : memref<32x128xf32, #tpu.memory_space<vmem>>[vector<16xi32>, vector<16xi32>], vector<16xf32>,
      tpu.vector_store_idx %arg7[%iota3A, %broadcast_in_dim3A_1338], %gather3A_1344 : memref<32x512xf32, #tpu.memory_space<vmem>>[vector<16xi32>, vector<16xi32>], vector<16xf32>,
      tpu.vector_store_idx %arg7[%add3A_5, %broadcast_in_dim3A_1338], %gather3A_1350 : memref<32x512xf32, #tpu.memory_space<vmem>>[vector<16xi32>, vector<16xi32>], vector<16xf32>,
      %slice3A_1351 = vector.extract_strided_slice %get3A_865 {offsets = [8], sizes = [1], strides = [1]} : vector<16xi32> to vector<1xi32>
      %squeeze3A_1352 = vector.extract %slice3A_1351[0] : i32 from vector<1xi32>
      %shift_right_arithmetic3A_1353 = arith.constant 7 : i32
      %shift_right_arithmetic3A_1354 = arith.shrsi %squeeze3A_1352, %shift_right_arithmetic3A_1353 : i32
      %mul3A_1355 = arith.constant 128 : i32
      %mul3A_1356 = arith.muli %shift_right_arithmetic3A_1354, %mul3A_1355 : i32
      %dma_start3A_1357 = arith.constant 8 : i32
      %dma_start3A_1358 = arith.constant 0 : i32
      %dma_start3A_1359 = arith.constant 0 : i32
      %dma_start3A_1360 = tpu.memref_slice %arg6[%dma_start3A_1357, %dma_start3A_1358, %dma_start3A_1359] : memref<16x32x128xf32, #tpu.memory_space<vmem>> -> memref<1x32x128xf32, #tpu.memory_space<vmem>>
      %dma_start3A_1361 = tpu.memref_squeeze %dma_start3A_1360 : memref<1x32x128xf32, #tpu.memory_space<vmem>> -> memref<32x128xf32, #tpu.memory_space<vmem>>
      %dma_start3A_1362 = arith.constant 0 : i32
      %dma_start3A_1363 = tpu.memref_slice %arg3[%dma_start3A_1362, %mul3A_1356] : memref<32x1000001xf32, #tpu.memory_space<hbm>> -> memref<32x128xf32, #tpu.memory_space<hbm>>
      %dma_start3A_1364 = arith.constant 0 : i32
      %dma_start3A_1365 = arith.constant 0 : i32
      %dma_start3A_1366 = tpu.memref_slice %arg6[%dma_start3A_1357, %dma_start3A_1364, %dma_start3A_1365] : memref<16x32x128xf32, #tpu.memory_space<vmem>> -> memref<1x32x128xf32, #tpu.memory_space<vmem>>
      %dma_start3A_1367 = tpu.memref_squeeze %dma_start3A_1366 : memref<1x32x128xf32, #tpu.memory_space<vmem>> -> memref<32x128xf32, #tpu.memory_space<vmem>>
      %dma_start3A_1368 = arith.constant 0 : i32
      %dma_start3A_1369 = tpu.memref_slice %arg3[%dma_start3A_1368, %mul3A_1356] : memref<32x1000001xf32, #tpu.memory_space<hbm>> -> memref<32x128xf32, #tpu.memory_space<hbm>>
      tpu.enqueue_dma source(%dma_start3A_1369 : memref<32x128xf32, #tpu.memory_space<hbm>>) target(%dma_start3A_1367 : memref<32x128xf32, #tpu.memory_space<vmem>>) target_semaphore(%arg8 : memref<!tpu.dma_semaphore, #tpu.memory_space<semaphore_mem>>)
      %dma_wait3A_1370 = arith.constant 9 : i32
      %dma_wait3A_1371 = arith.constant 0 : i32
      %dma_wait3A_1372 = arith.constant 0 : i32
      %dma_wait3A_1373 = tpu.memref_slice %arg6[%dma_wait3A_1370, %dma_wait3A_1371, %dma_wait3A_1372] : memref<16x32x128xf32, #tpu.memory_space<vmem>> -> memref<1x32x128xf32, #tpu.memory_space<vmem>>
      %dma_wait3A_1374 = tpu.memref_squeeze %dma_wait3A_1373 : memref<1x32x128xf32, #tpu.memory_space<vmem>> -> memref<32x128xf32, #tpu.memory_space<vmem>>
      %dma_wait3A_1375 = arith.constant 0 : i32
      %dma_wait3A_1376 = arith.constant 0 : i32
      %dma_wait3A_1377 = tpu.memref_slice %arg3[%dma_wait3A_1375, %dma_wait3A_1376] : memref<32x1000001xf32, #tpu.memory_space<hbm>> -> memref<32x128xf32, #tpu.memory_space<hbm>>
      %dma_wait3A_1378 = arith.constant 0 : i32
      %dma_wait3A_1379 = arith.constant 0 : i32
      %dma_wait3A_1380 = tpu.memref_slice %arg6[%dma_wait3A_1370, %dma_wait3A_1378, %dma_wait3A_1379] : memref<16x32x128xf32, #tpu.memory_space<vmem>> -> memref<1x32x128xf32, #tpu.memory_space<vmem>>
      %dma_wait3A_1381 = tpu.memref_squeeze %dma_wait3A_1380 : memref<1x32x128xf32, #tpu.memory_space<vmem>> -> memref<32x128xf32, #tpu.memory_space<vmem>>
      %dma_wait3A_1382 = arith.constant 0 : i32
      %dma_wait3A_1383 = arith.constant 0 : i32
      %dma_wait3A_1384 = tpu.memref_slice %arg3[%dma_wait3A_1382, %dma_wait3A_1383] : memref<32x1000001xf32, #tpu.memory_space<hbm>> -> memref<32x128xf32, #tpu.memory_space<hbm>>
      tpu.wait_dma2 semaphore(%arg8 : memref<!tpu.dma_semaphore, #tpu.memory_space<semaphore_mem>>) src(%dma_wait3A_1384 : memref<32x128xf32, #tpu.memory_space<hbm>>) dst(%dma_wait3A_1381 : memref<32x128xf32, #tpu.memory_space<vmem>>)
      %slice3A_1385 = vector.extract_strided_slice %get3A_858 {offsets = [9], sizes = [1], strides = [1]} : vector<16xi32> to vector<1xi32>
      %squeeze3A_1386 = vector.extract %slice3A_1385[0] : i32 from vector<1xi32>
      %and3A_1387 = arith.constant 127 : i32
      %and3A_1388 = arith.andi %squeeze3A_1386, %and3A_1387 : i32
      %broadcast_in_dim3A_1389 = vector.broadcast %and3A_1388 : i32 to vector<16xi32>
      %mul3A_1390 = arith.constant 16 : i32
      %mul3A_1391 = arith.muli %scan3A_854, %mul3A_1390 : i32
      %add3A_1392 = arith.constant 9 : i32
      %add3A_1393 = arith.addi %mul3A_1391, %add3A_1392 : i32
      %broadcast_in_dim3A_1394 = vector.broadcast %add3A_1393 : i32 to vector<16xi32>
      %gather3A_1395 = arith.constant 9 : i32
      %gather3A_1396 = arith.constant 0 : i32
      %gather3A_1397 = arith.constant 0 : i32
      %gather3A_1398 = tpu.memref_slice %arg6[%gather3A_1395, %gather3A_1396, %gather3A_1397] : memref<16x32x128xf32, #tpu.memory_space<vmem>> -> memref<1x32x128xf32, #tpu.memory_space<vmem>>
      %gather3A_1399 = tpu.memref_squeeze %gather3A_1398 : memref<1x32x128xf32, #tpu.memory_space<vmem>> -> memref<32x128xf32, #tpu.memory_space<vmem>>
      %gather3A_1400 = tpu.vector_load_idx %gather3A_1399[%iota3A, %broadcast_in_dim3A_1389] : memref<32x128xf32, #tpu.memory_space<vmem>>[vector<16xi32>, vector<16xi32>], vector<16xf32>,
      %gather3A_1401 = arith.constant 9 : i32
      %gather3A_1402 = arith.constant 0 : i32
      %gather3A_1403 = arith.constant 0 : i32
      %gather3A_1404 = tpu.memref_slice %arg6[%gather3A_1401, %gather3A_1402, %gather3A_1403] : memref<16x32x128xf32, #tpu.memory_space<vmem>> -> memref<1x32x128xf32, #tpu.memory_space<vmem>>
      %gather3A_1405 = tpu.memref_squeeze %gather3A_1404 : memref<1x32x128xf32, #tpu.memory_space<vmem>> -> memref<32x128xf32, #tpu.memory_space<vmem>>
      %gather3A_1406 = tpu.vector_load_idx %gather3A_1405[%add3A_5, %broadcast_in_dim3A_1389] : memref<32x128xf32, #tpu.memory_space<vmem>>[vector<16xi32>, vector<16xi32>], vector<16xf32>,
      tpu.vector_store_idx %arg7[%iota3A, %broadcast_in_dim3A_1394], %gather3A_1400 : memref<32x512xf32, #tpu.memory_space<vmem>>[vector<16xi32>, vector<16xi32>], vector<16xf32>,
      tpu.vector_store_idx %arg7[%add3A_5, %broadcast_in_dim3A_1394], %gather3A_1406 : memref<32x512xf32, #tpu.memory_space<vmem>>[vector<16xi32>, vector<16xi32>], vector<16xf32>,
      %slice3A_1407 = vector.extract_strided_slice %get3A_865 {offsets = [9], sizes = [1], strides = [1]} : vector<16xi32> to vector<1xi32>
      %squeeze3A_1408 = vector.extract %slice3A_1407[0] : i32 from vector<1xi32>
      %shift_right_arithmetic3A_1409 = arith.constant 7 : i32
      %shift_right_arithmetic3A_1410 = arith.shrsi %squeeze3A_1408, %shift_right_arithmetic3A_1409 : i32
      %mul3A_1411 = arith.constant 128 : i32
      %mul3A_1412 = arith.muli %shift_right_arithmetic3A_1410, %mul3A_1411 : i32
      %dma_start3A_1413 = arith.constant 9 : i32
      %dma_start3A_1414 = arith.constant 0 : i32
      %dma_start3A_1415 = arith.constant 0 : i32
      %dma_start3A_1416 = tpu.memref_slice %arg6[%dma_start3A_1413, %dma_start3A_1414, %dma_start3A_1415] : memref<16x32x128xf32, #tpu.memory_space<vmem>> -> memref<1x32x128xf32, #tpu.memory_space<vmem>>
      %dma_start3A_1417 = tpu.memref_squeeze %dma_start3A_1416 : memref<1x32x128xf32, #tpu.memory_space<vmem>> -> memref<32x128xf32, #tpu.memory_space<vmem>>
      %dma_start3A_1418 = arith.constant 0 : i32
      %dma_start3A_1419 = tpu.memref_slice %arg3[%dma_start3A_1418, %mul3A_1412] : memref<32x1000001xf32, #tpu.memory_space<hbm>> -> memref<32x128xf32, #tpu.memory_space<hbm>>
      %dma_start3A_1420 = arith.constant 0 : i32
      %dma_start3A_1421 = arith.constant 0 : i32
      %dma_start3A_1422 = tpu.memref_slice %arg6[%dma_start3A_1413, %dma_start3A_1420, %dma_start3A_1421] : memref<16x32x128xf32, #tpu.memory_space<vmem>> -> memref<1x32x128xf32, #tpu.memory_space<vmem>>
      %dma_start3A_1423 = tpu.memref_squeeze %dma_start3A_1422 : memref<1x32x128xf32, #tpu.memory_space<vmem>> -> memref<32x128xf32, #tpu.memory_space<vmem>>
      %dma_start3A_1424 = arith.constant 0 : i32
      %dma_start3A_1425 = tpu.memref_slice %arg3[%dma_start3A_1424, %mul3A_1412] : memref<32x1000001xf32, #tpu.memory_space<hbm>> -> memref<32x128xf32, #tpu.memory_space<hbm>>
      tpu.enqueue_dma source(%dma_start3A_1425 : memref<32x128xf32, #tpu.memory_space<hbm>>) target(%dma_start3A_1423 : memref<32x128xf32, #tpu.memory_space<vmem>>) target_semaphore(%arg8 : memref<!tpu.dma_semaphore, #tpu.memory_space<semaphore_mem>>)
      %dma_wait3A_1426 = arith.constant 10 : i32
      %dma_wait3A_1427 = arith.constant 0 : i32
      %dma_wait3A_1428 = arith.constant 0 : i32
      %dma_wait3A_1429 = tpu.memref_slice %arg6[%dma_wait3A_1426, %dma_wait3A_1427, %dma_wait3A_1428] : memref<16x32x128xf32, #tpu.memory_space<vmem>> -> memref<1x32x128xf32, #tpu.memory_space<vmem>>
      %dma_wait3A_1430 = tpu.memref_squeeze %dma_wait3A_1429 : memref<1x32x128xf32, #tpu.memory_space<vmem>> -> memref<32x128xf32, #tpu.memory_space<vmem>>
      %dma_wait3A_1431 = arith.constant 0 : i32
      %dma_wait3A_1432 = arith.constant 0 : i32
      %dma_wait3A_1433 = tpu.memref_slice %arg3[%dma_wait3A_1431, %dma_wait3A_1432] : memref<32x1000001xf32, #tpu.memory_space<hbm>> -> memref<32x128xf32, #tpu.memory_space<hbm>>
      %dma_wait3A_1434 = arith.constant 0 : i32
      %dma_wait3A_1435 = arith.constant 0 : i32
      %dma_wait3A_1436 = tpu.memref_slice %arg6[%dma_wait3A_1426, %dma_wait3A_1434, %dma_wait3A_1435] : memref<16x32x128xf32, #tpu.memory_space<vmem>> -> memref<1x32x128xf32, #tpu.memory_space<vmem>>
      %dma_wait3A_1437 = tpu.memref_squeeze %dma_wait3A_1436 : memref<1x32x128xf32, #tpu.memory_space<vmem>> -> memref<32x128xf32, #tpu.memory_space<vmem>>
      %dma_wait3A_1438 = arith.constant 0 : i32
      %dma_wait3A_1439 = arith.constant 0 : i32
      %dma_wait3A_1440 = tpu.memref_slice %arg3[%dma_wait3A_1438, %dma_wait3A_1439] : memref<32x1000001xf32, #tpu.memory_space<hbm>> -> memref<32x128xf32, #tpu.memory_space<hbm>>
      tpu.wait_dma2 semaphore(%arg8 : memref<!tpu.dma_semaphore, #tpu.memory_space<semaphore_mem>>) src(%dma_wait3A_1440 : memref<32x128xf32, #tpu.memory_space<hbm>>) dst(%dma_wait3A_1437 : memref<32x128xf32, #tpu.memory_space<vmem>>)
      %slice3A_1441 = vector.extract_strided_slice %get3A_858 {offsets = [10], sizes = [1], strides = [1]} : vector<16xi32> to vector<1xi32>
      %squeeze3A_1442 = vector.extract %slice3A_1441[0] : i32 from vector<1xi32>
      %and3A_1443 = arith.constant 127 : i32
      %and3A_1444 = arith.andi %squeeze3A_1442, %and3A_1443 : i32
      %broadcast_in_dim3A_1445 = vector.broadcast %and3A_1444 : i32 to vector<16xi32>
      %mul3A_1446 = arith.constant 16 : i32
      %mul3A_1447 = arith.muli %scan3A_854, %mul3A_1446 : i32
      %add3A_1448 = arith.constant 10 : i32
      %add3A_1449 = arith.addi %mul3A_1447, %add3A_1448 : i32
      %broadcast_in_dim3A_1450 = vector.broadcast %add3A_1449 : i32 to vector<16xi32>
      %gather3A_1451 = arith.constant 10 : i32
      %gather3A_1452 = arith.constant 0 : i32
      %gather3A_1453 = arith.constant 0 : i32
      %gather3A_1454 = tpu.memref_slice %arg6[%gather3A_1451, %gather3A_1452, %gather3A_1453] : memref<16x32x128xf32, #tpu.memory_space<vmem>> -> memref<1x32x128xf32, #tpu.memory_space<vmem>>
      %gather3A_1455 = tpu.memref_squeeze %gather3A_1454 : memref<1x32x128xf32, #tpu.memory_space<vmem>> -> memref<32x128xf32, #tpu.memory_space<vmem>>
      %gather3A_1456 = tpu.vector_load_idx %gather3A_1455[%iota3A, %broadcast_in_dim3A_1445] : memref<32x128xf32, #tpu.memory_space<vmem>>[vector<16xi32>, vector<16xi32>], vector<16xf32>,
      %gather3A_1457 = arith.constant 10 : i32
      %gather3A_1458 = arith.constant 0 : i32
      %gather3A_1459 = arith.constant 0 : i32
      %gather3A_1460 = tpu.memref_slice %arg6[%gather3A_1457, %gather3A_1458, %gather3A_1459] : memref<16x32x128xf32, #tpu.memory_space<vmem>> -> memref<1x32x128xf32, #tpu.memory_space<vmem>>
      %gather3A_1461 = tpu.memref_squeeze %gather3A_1460 : memref<1x32x128xf32, #tpu.memory_space<vmem>> -> memref<32x128xf32, #tpu.memory_space<vmem>>
      %gather3A_1462 = tpu.vector_load_idx %gather3A_1461[%add3A_5, %broadcast_in_dim3A_1445] : memref<32x128xf32, #tpu.memory_space<vmem>>[vector<16xi32>, vector<16xi32>], vector<16xf32>,
      tpu.vector_store_idx %arg7[%iota3A, %broadcast_in_dim3A_1450], %gather3A_1456 : memref<32x512xf32, #tpu.memory_space<vmem>>[vector<16xi32>, vector<16xi32>], vector<16xf32>,
      tpu.vector_store_idx %arg7[%add3A_5, %broadcast_in_dim3A_1450], %gather3A_1462 : memref<32x512xf32, #tpu.memory_space<vmem>>[vector<16xi32>, vector<16xi32>], vector<16xf32>,
      %slice3A_1463 = vector.extract_strided_slice %get3A_865 {offsets = [10], sizes = [1], strides = [1]} : vector<16xi32> to vector<1xi32>
      %squeeze3A_1464 = vector.extract %slice3A_1463[0] : i32 from vector<1xi32>
      %shift_right_arithmetic3A_1465 = arith.constant 7 : i32
      %shift_right_arithmetic3A_1466 = arith.shrsi %squeeze3A_1464, %shift_right_arithmetic3A_1465 : i32
      %mul3A_1467 = arith.constant 128 : i32
      %mul3A_1468 = arith.muli %shift_right_arithmetic3A_1466, %mul3A_1467 : i32
      %dma_start3A_1469 = arith.constant 10 : i32
      %dma_start3A_1470 = arith.constant 0 : i32
      %dma_start3A_1471 = arith.constant 0 : i32
      %dma_start3A_1472 = tpu.memref_slice %arg6[%dma_start3A_1469, %dma_start3A_1470, %dma_start3A_1471] : memref<16x32x128xf32, #tpu.memory_space<vmem>> -> memref<1x32x128xf32, #tpu.memory_space<vmem>>
      %dma_start3A_1473 = tpu.memref_squeeze %dma_start3A_1472 : memref<1x32x128xf32, #tpu.memory_space<vmem>> -> memref<32x128xf32, #tpu.memory_space<vmem>>
      %dma_start3A_1474 = arith.constant 0 : i32
      %dma_start3A_1475 = tpu.memref_slice %arg3[%dma_start3A_1474, %mul3A_1468] : memref<32x1000001xf32, #tpu.memory_space<hbm>> -> memref<32x128xf32, #tpu.memory_space<hbm>>
      %dma_start3A_1476 = arith.constant 0 : i32
      %dma_start3A_1477 = arith.constant 0 : i32
      %dma_start3A_1478 = tpu.memref_slice %arg6[%dma_start3A_1469, %dma_start3A_1476, %dma_start3A_1477] : memref<16x32x128xf32, #tpu.memory_space<vmem>> -> memref<1x32x128xf32, #tpu.memory_space<vmem>>
      %dma_start3A_1479 = tpu.memref_squeeze %dma_start3A_1478 : memref<1x32x128xf32, #tpu.memory_space<vmem>> -> memref<32x128xf32, #tpu.memory_space<vmem>>
      %dma_start3A_1480 = arith.constant 0 : i32
      %dma_start3A_1481 = tpu.memref_slice %arg3[%dma_start3A_1480, %mul3A_1468] : memref<32x1000001xf32, #tpu.memory_space<hbm>> -> memref<32x128xf32, #tpu.memory_space<hbm>>
      tpu.enqueue_dma source(%dma_start3A_1481 : memref<32x128xf32, #tpu.memory_space<hbm>>) target(%dma_start3A_1479 : memref<32x128xf32, #tpu.memory_space<vmem>>) target_semaphore(%arg8 : memref<!tpu.dma_semaphore, #tpu.memory_space<semaphore_mem>>)
      %dma_wait3A_1482 = arith.constant 11 : i32
      %dma_wait3A_1483 = arith.constant 0 : i32
      %dma_wait3A_1484 = arith.constant 0 : i32
      %dma_wait3A_1485 = tpu.memref_slice %arg6[%dma_wait3A_1482, %dma_wait3A_1483, %dma_wait3A_1484] : memref<16x32x128xf32, #tpu.memory_space<vmem>> -> memref<1x32x128xf32, #tpu.memory_space<vmem>>
      %dma_wait3A_1486 = tpu.memref_squeeze %dma_wait3A_1485 : memref<1x32x128xf32, #tpu.memory_space<vmem>> -> memref<32x128xf32, #tpu.memory_space<vmem>>
      %dma_wait3A_1487 = arith.constant 0 : i32
      %dma_wait3A_1488 = arith.constant 0 : i32
      %dma_wait3A_1489 = tpu.memref_slice %arg3[%dma_wait3A_1487, %dma_wait3A_1488] : memref<32x1000001xf32, #tpu.memory_space<hbm>> -> memref<32x128xf32, #tpu.memory_space<hbm>>
      %dma_wait3A_1490 = arith.constant 0 : i32
      %dma_wait3A_1491 = arith.constant 0 : i32
      %dma_wait3A_1492 = tpu.memref_slice %arg6[%dma_wait3A_1482, %dma_wait3A_1490, %dma_wait3A_1491] : memref<16x32x128xf32, #tpu.memory_space<vmem>> -> memref<1x32x128xf32, #tpu.memory_space<vmem>>
      %dma_wait3A_1493 = tpu.memref_squeeze %dma_wait3A_1492 : memref<1x32x128xf32, #tpu.memory_space<vmem>> -> memref<32x128xf32, #tpu.memory_space<vmem>>
      %dma_wait3A_1494 = arith.constant 0 : i32
      %dma_wait3A_1495 = arith.constant 0 : i32
      %dma_wait3A_1496 = tpu.memref_slice %arg3[%dma_wait3A_1494, %dma_wait3A_1495] : memref<32x1000001xf32, #tpu.memory_space<hbm>> -> memref<32x128xf32, #tpu.memory_space<hbm>>
      tpu.wait_dma2 semaphore(%arg8 : memref<!tpu.dma_semaphore, #tpu.memory_space<semaphore_mem>>) src(%dma_wait3A_1496 : memref<32x128xf32, #tpu.memory_space<hbm>>) dst(%dma_wait3A_1493 : memref<32x128xf32, #tpu.memory_space<vmem>>)
      %slice3A_1497 = vector.extract_strided_slice %get3A_858 {offsets = [11], sizes = [1], strides = [1]} : vector<16xi32> to vector<1xi32>
      %squeeze3A_1498 = vector.extract %slice3A_1497[0] : i32 from vector<1xi32>
      %and3A_1499 = arith.constant 127 : i32
      %and3A_1500 = arith.andi %squeeze3A_1498, %and3A_1499 : i32
      %broadcast_in_dim3A_1501 = vector.broadcast %and3A_1500 : i32 to vector<16xi32>
      %mul3A_1502 = arith.constant 16 : i32
      %mul3A_1503 = arith.muli %scan3A_854, %mul3A_1502 : i32
      %add3A_1504 = arith.constant 11 : i32
      %add3A_1505 = arith.addi %mul3A_1503, %add3A_1504 : i32
      %broadcast_in_dim3A_1506 = vector.broadcast %add3A_1505 : i32 to vector<16xi32>
      %gather3A_1507 = arith.constant 11 : i32
      %gather3A_1508 = arith.constant 0 : i32
      %gather3A_1509 = arith.constant 0 : i32
      %gather3A_1510 = tpu.memref_slice %arg6[%gather3A_1507, %gather3A_1508, %gather3A_1509] : memref<16x32x128xf32, #tpu.memory_space<vmem>> -> memref<1x32x128xf32, #tpu.memory_space<vmem>>
      %gather3A_1511 = tpu.memref_squeeze %gather3A_1510 : memref<1x32x128xf32, #tpu.memory_space<vmem>> -> memref<32x128xf32, #tpu.memory_space<vmem>>
      %gather3A_1512 = tpu.vector_load_idx %gather3A_1511[%iota3A, %broadcast_in_dim3A_1501] : memref<32x128xf32, #tpu.memory_space<vmem>>[vector<16xi32>, vector<16xi32>], vector<16xf32>,
      %gather3A_1513 = arith.constant 11 : i32
      %gather3A_1514 = arith.constant 0 : i32
      %gather3A_1515 = arith.constant 0 : i32
      %gather3A_1516 = tpu.memref_slice %arg6[%gather3A_1513, %gather3A_1514, %gather3A_1515] : memref<16x32x128xf32, #tpu.memory_space<vmem>> -> memref<1x32x128xf32, #tpu.memory_space<vmem>>
      %gather3A_1517 = tpu.memref_squeeze %gather3A_1516 : memref<1x32x128xf32, #tpu.memory_space<vmem>> -> memref<32x128xf32, #tpu.memory_space<vmem>>
      %gather3A_1518 = tpu.vector_load_idx %gather3A_1517[%add3A_5, %broadcast_in_dim3A_1501] : memref<32x128xf32, #tpu.memory_space<vmem>>[vector<16xi32>, vector<16xi32>], vector<16xf32>,
      tpu.vector_store_idx %arg7[%iota3A, %broadcast_in_dim3A_1506], %gather3A_1512 : memref<32x512xf32, #tpu.memory_space<vmem>>[vector<16xi32>, vector<16xi32>], vector<16xf32>,
      tpu.vector_store_idx %arg7[%add3A_5, %broadcast_in_dim3A_1506], %gather3A_1518 : memref<32x512xf32, #tpu.memory_space<vmem>>[vector<16xi32>, vector<16xi32>], vector<16xf32>,
      %slice3A_1519 = vector.extract_strided_slice %get3A_865 {offsets = [11], sizes = [1], strides = [1]} : vector<16xi32> to vector<1xi32>
      %squeeze3A_1520 = vector.extract %slice3A_1519[0] : i32 from vector<1xi32>
      %shift_right_arithmetic3A_1521 = arith.constant 7 : i32
      %shift_right_arithmetic3A_1522 = arith.shrsi %squeeze3A_1520, %shift_right_arithmetic3A_1521 : i32
      %mul3A_1523 = arith.constant 128 : i32
      %mul3A_1524 = arith.muli %shift_right_arithmetic3A_1522, %mul3A_1523 : i32
      %dma_start3A_1525 = arith.constant 11 : i32
      %dma_start3A_1526 = arith.constant 0 : i32
      %dma_start3A_1527 = arith.constant 0 : i32
      %dma_start3A_1528 = tpu.memref_slice %arg6[%dma_start3A_1525, %dma_start3A_1526, %dma_start3A_1527] : memref<16x32x128xf32, #tpu.memory_space<vmem>> -> memref<1x32x128xf32, #tpu.memory_space<vmem>>
      %dma_start3A_1529 = tpu.memref_squeeze %dma_start3A_1528 : memref<1x32x128xf32, #tpu.memory_space<vmem>> -> memref<32x128xf32, #tpu.memory_space<vmem>>
      %dma_start3A_1530 = arith.constant 0 : i32
      %dma_start3A_1531 = tpu.memref_slice %arg3[%dma_start3A_1530, %mul3A_1524] : memref<32x1000001xf32, #tpu.memory_space<hbm>> -> memref<32x128xf32, #tpu.memory_space<hbm>>
      %dma_start3A_1532 = arith.constant 0 : i32
      %dma_start3A_1533 = arith.constant 0 : i32
      %dma_start3A_1534 = tpu.memref_slice %arg6[%dma_start3A_1525, %dma_start3A_1532, %dma_start3A_1533] : memref<16x32x128xf32, #tpu.memory_space<vmem>> -> memref<1x32x128xf32, #tpu.memory_space<vmem>>
      %dma_start3A_1535 = tpu.memref_squeeze %dma_start3A_1534 : memref<1x32x128xf32, #tpu.memory_space<vmem>> -> memref<32x128xf32, #tpu.memory_space<vmem>>
      %dma_start3A_1536 = arith.constant 0 : i32
      %dma_start3A_1537 = tpu.memref_slice %arg3[%dma_start3A_1536, %mul3A_1524] : memref<32x1000001xf32, #tpu.memory_space<hbm>> -> memref<32x128xf32, #tpu.memory_space<hbm>>
      tpu.enqueue_dma source(%dma_start3A_1537 : memref<32x128xf32, #tpu.memory_space<hbm>>) target(%dma_start3A_1535 : memref<32x128xf32, #tpu.memory_space<vmem>>) target_semaphore(%arg8 : memref<!tpu.dma_semaphore, #tpu.memory_space<semaphore_mem>>)
      %dma_wait3A_1538 = arith.constant 12 : i32
      %dma_wait3A_1539 = arith.constant 0 : i32
      %dma_wait3A_1540 = arith.constant 0 : i32
      %dma_wait3A_1541 = tpu.memref_slice %arg6[%dma_wait3A_1538, %dma_wait3A_1539, %dma_wait3A_1540] : memref<16x32x128xf32, #tpu.memory_space<vmem>> -> memref<1x32x128xf32, #tpu.memory_space<vmem>>
      %dma_wait3A_1542 = tpu.memref_squeeze %dma_wait3A_1541 : memref<1x32x128xf32, #tpu.memory_space<vmem>> -> memref<32x128xf32, #tpu.memory_space<vmem>>
      %dma_wait3A_1543 = arith.constant 0 : i32
      %dma_wait3A_1544 = arith.constant 0 : i32
      %dma_wait3A_1545 = tpu.memref_slice %arg3[%dma_wait3A_1543, %dma_wait3A_1544] : memref<32x1000001xf32, #tpu.memory_space<hbm>> -> memref<32x128xf32, #tpu.memory_space<hbm>>
      %dma_wait3A_1546 = arith.constant 0 : i32
      %dma_wait3A_1547 = arith.constant 0 : i32
      %dma_wait3A_1548 = tpu.memref_slice %arg6[%dma_wait3A_1538, %dma_wait3A_1546, %dma_wait3A_1547] : memref<16x32x128xf32, #tpu.memory_space<vmem>> -> memref<1x32x128xf32, #tpu.memory_space<vmem>>
      %dma_wait3A_1549 = tpu.memref_squeeze %dma_wait3A_1548 : memref<1x32x128xf32, #tpu.memory_space<vmem>> -> memref<32x128xf32, #tpu.memory_space<vmem>>
      %dma_wait3A_1550 = arith.constant 0 : i32
      %dma_wait3A_1551 = arith.constant 0 : i32
      %dma_wait3A_1552 = tpu.memref_slice %arg3[%dma_wait3A_1550, %dma_wait3A_1551] : memref<32x1000001xf32, #tpu.memory_space<hbm>> -> memref<32x128xf32, #tpu.memory_space<hbm>>
      tpu.wait_dma2 semaphore(%arg8 : memref<!tpu.dma_semaphore, #tpu.memory_space<semaphore_mem>>) src(%dma_wait3A_1552 : memref<32x128xf32, #tpu.memory_space<hbm>>) dst(%dma_wait3A_1549 : memref<32x128xf32, #tpu.memory_space<vmem>>)
      %slice3A_1553 = vector.extract_strided_slice %get3A_858 {offsets = [12], sizes = [1], strides = [1]} : vector<16xi32> to vector<1xi32>
      %squeeze3A_1554 = vector.extract %slice3A_1553[0] : i32 from vector<1xi32>
      %and3A_1555 = arith.constant 127 : i32
      %and3A_1556 = arith.andi %squeeze3A_1554, %and3A_1555 : i32
      %broadcast_in_dim3A_1557 = vector.broadcast %and3A_1556 : i32 to vector<16xi32>
      %mul3A_1558 = arith.constant 16 : i32
      %mul3A_1559 = arith.muli %scan3A_854, %mul3A_1558 : i32
      %add3A_1560 = arith.constant 12 : i32
      %add3A_1561 = arith.addi %mul3A_1559, %add3A_1560 : i32
      %broadcast_in_dim3A_1562 = vector.broadcast %add3A_1561 : i32 to vector<16xi32>
      %gather3A_1563 = arith.constant 12 : i32
      %gather3A_1564 = arith.constant 0 : i32
      %gather3A_1565 = arith.constant 0 : i32
      %gather3A_1566 = tpu.memref_slice %arg6[%gather3A_1563, %gather3A_1564, %gather3A_1565] : memref<16x32x128xf32, #tpu.memory_space<vmem>> -> memref<1x32x128xf32, #tpu.memory_space<vmem>>
      %gather3A_1567 = tpu.memref_squeeze %gather3A_1566 : memref<1x32x128xf32, #tpu.memory_space<vmem>> -> memref<32x128xf32, #tpu.memory_space<vmem>>
      %gather3A_1568 = tpu.vector_load_idx %gather3A_1567[%iota3A, %broadcast_in_dim3A_1557] : memref<32x128xf32, #tpu.memory_space<vmem>>[vector<16xi32>, vector<16xi32>], vector<16xf32>,
      %gather3A_1569 = arith.constant 12 : i32
      %gather3A_1570 = arith.constant 0 : i32
      %gather3A_1571 = arith.constant 0 : i32
      %gather3A_1572 = tpu.memref_slice %arg6[%gather3A_1569, %gather3A_1570, %gather3A_1571] : memref<16x32x128xf32, #tpu.memory_space<vmem>> -> memref<1x32x128xf32, #tpu.memory_space<vmem>>
      %gather3A_1573 = tpu.memref_squeeze %gather3A_1572 : memref<1x32x128xf32, #tpu.memory_space<vmem>> -> memref<32x128xf32, #tpu.memory_space<vmem>>
      %gather3A_1574 = tpu.vector_load_idx %gather3A_1573[%add3A_5, %broadcast_in_dim3A_1557] : memref<32x128xf32, #tpu.memory_space<vmem>>[vector<16xi32>, vector<16xi32>], vector<16xf32>,
      tpu.vector_store_idx %arg7[%iota3A, %broadcast_in_dim3A_1562], %gather3A_1568 : memref<32x512xf32, #tpu.memory_space<vmem>>[vector<16xi32>, vector<16xi32>], vector<16xf32>,
      tpu.vector_store_idx %arg7[%add3A_5, %broadcast_in_dim3A_1562], %gather3A_1574 : memref<32x512xf32, #tpu.memory_space<vmem>>[vector<16xi32>, vector<16xi32>], vector<16xf32>,
      %slice3A_1575 = vector.extract_strided_slice %get3A_865 {offsets = [12], sizes = [1], strides = [1]} : vector<16xi32> to vector<1xi32>
      %squeeze3A_1576 = vector.extract %slice3A_1575[0] : i32 from vector<1xi32>
      %shift_right_arithmetic3A_1577 = arith.constant 7 : i32
      %shift_right_arithmetic3A_1578 = arith.shrsi %squeeze3A_1576, %shift_right_arithmetic3A_1577 : i32
      %mul3A_1579 = arith.constant 128 : i32
      %mul3A_1580 = arith.muli %shift_right_arithmetic3A_1578, %mul3A_1579 : i32
      %dma_start3A_1581 = arith.constant 12 : i32
      %dma_start3A_1582 = arith.constant 0 : i32
      %dma_start3A_1583 = arith.constant 0 : i32
      %dma_start3A_1584 = tpu.memref_slice %arg6[%dma_start3A_1581, %dma_start3A_1582, %dma_start3A_1583] : memref<16x32x128xf32, #tpu.memory_space<vmem>> -> memref<1x32x128xf32, #tpu.memory_space<vmem>>
      %dma_start3A_1585 = tpu.memref_squeeze %dma_start3A_1584 : memref<1x32x128xf32, #tpu.memory_space<vmem>> -> memref<32x128xf32, #tpu.memory_space<vmem>>
      %dma_start3A_1586 = arith.constant 0 : i32
      %dma_start3A_1587 = tpu.memref_slice %arg3[%dma_start3A_1586, %mul3A_1580] : memref<32x1000001xf32, #tpu.memory_space<hbm>> -> memref<32x128xf32, #tpu.memory_space<hbm>>
      %dma_start3A_1588 = arith.constant 0 : i32
      %dma_start3A_1589 = arith.constant 0 : i32
      %dma_start3A_1590 = tpu.memref_slice %arg6[%dma_start3A_1581, %dma_start3A_1588, %dma_start3A_1589] : memref<16x32x128xf32, #tpu.memory_space<vmem>> -> memref<1x32x128xf32, #tpu.memory_space<vmem>>
      %dma_start3A_1591 = tpu.memref_squeeze %dma_start3A_1590 : memref<1x32x128xf32, #tpu.memory_space<vmem>> -> memref<32x128xf32, #tpu.memory_space<vmem>>
      %dma_start3A_1592 = arith.constant 0 : i32
      %dma_start3A_1593 = tpu.memref_slice %arg3[%dma_start3A_1592, %mul3A_1580] : memref<32x1000001xf32, #tpu.memory_space<hbm>> -> memref<32x128xf32, #tpu.memory_space<hbm>>
      tpu.enqueue_dma source(%dma_start3A_1593 : memref<32x128xf32, #tpu.memory_space<hbm>>) target(%dma_start3A_1591 : memref<32x128xf32, #tpu.memory_space<vmem>>) target_semaphore(%arg8 : memref<!tpu.dma_semaphore, #tpu.memory_space<semaphore_mem>>)
      %dma_wait3A_1594 = arith.constant 13 : i32
      %dma_wait3A_1595 = arith.constant 0 : i32
      %dma_wait3A_1596 = arith.constant 0 : i32
      %dma_wait3A_1597 = tpu.memref_slice %arg6[%dma_wait3A_1594, %dma_wait3A_1595, %dma_wait3A_1596] : memref<16x32x128xf32, #tpu.memory_space<vmem>> -> memref<1x32x128xf32, #tpu.memory_space<vmem>>
      %dma_wait3A_1598 = tpu.memref_squeeze %dma_wait3A_1597 : memref<1x32x128xf32, #tpu.memory_space<vmem>> -> memref<32x128xf32, #tpu.memory_space<vmem>>
      %dma_wait3A_1599 = arith.constant 0 : i32
      %dma_wait3A_1600 = arith.constant 0 : i32
      %dma_wait3A_1601 = tpu.memref_slice %arg3[%dma_wait3A_1599, %dma_wait3A_1600] : memref<32x1000001xf32, #tpu.memory_space<hbm>> -> memref<32x128xf32, #tpu.memory_space<hbm>>
      %dma_wait3A_1602 = arith.constant 0 : i32
      %dma_wait3A_1603 = arith.constant 0 : i32
      %dma_wait3A_1604 = tpu.memref_slice %arg6[%dma_wait3A_1594, %dma_wait3A_1602, %dma_wait3A_1603] : memref<16x32x128xf32, #tpu.memory_space<vmem>> -> memref<1x32x128xf32, #tpu.memory_space<vmem>>
      %dma_wait3A_1605 = tpu.memref_squeeze %dma_wait3A_1604 : memref<1x32x128xf32, #tpu.memory_space<vmem>> -> memref<32x128xf32, #tpu.memory_space<vmem>>
      %dma_wait3A_1606 = arith.constant 0 : i32
      %dma_wait3A_1607 = arith.constant 0 : i32
      %dma_wait3A_1608 = tpu.memref_slice %arg3[%dma_wait3A_1606, %dma_wait3A_1607] : memref<32x1000001xf32, #tpu.memory_space<hbm>> -> memref<32x128xf32, #tpu.memory_space<hbm>>
      tpu.wait_dma2 semaphore(%arg8 : memref<!tpu.dma_semaphore, #tpu.memory_space<semaphore_mem>>) src(%dma_wait3A_1608 : memref<32x128xf32, #tpu.memory_space<hbm>>) dst(%dma_wait3A_1605 : memref<32x128xf32, #tpu.memory_space<vmem>>)
      %slice3A_1609 = vector.extract_strided_slice %get3A_858 {offsets = [13], sizes = [1], strides = [1]} : vector<16xi32> to vector<1xi32>
      %squeeze3A_1610 = vector.extract %slice3A_1609[0] : i32 from vector<1xi32>
      %and3A_1611 = arith.constant 127 : i32
      %and3A_1612 = arith.andi %squeeze3A_1610, %and3A_1611 : i32
      %broadcast_in_dim3A_1613 = vector.broadcast %and3A_1612 : i32 to vector<16xi32>
      %mul3A_1614 = arith.constant 16 : i32
      %mul3A_1615 = arith.muli %scan3A_854, %mul3A_1614 : i32
      %add3A_1616 = arith.constant 13 : i32
      %add3A_1617 = arith.addi %mul3A_1615, %add3A_1616 : i32
      %broadcast_in_dim3A_1618 = vector.broadcast %add3A_1617 : i32 to vector<16xi32>
      %gather3A_1619 = arith.constant 13 : i32
      %gather3A_1620 = arith.constant 0 : i32
      %gather3A_1621 = arith.constant 0 : i32
      %gather3A_1622 = tpu.memref_slice %arg6[%gather3A_1619, %gather3A_1620, %gather3A_1621] : memref<16x32x128xf32, #tpu.memory_space<vmem>> -> memref<1x32x128xf32, #tpu.memory_space<vmem>>
      %gather3A_1623 = tpu.memref_squeeze %gather3A_1622 : memref<1x32x128xf32, #tpu.memory_space<vmem>> -> memref<32x128xf32, #tpu.memory_space<vmem>>
      %gather3A_1624 = tpu.vector_load_idx %gather3A_1623[%iota3A, %broadcast_in_dim3A_1613] : memref<32x128xf32, #tpu.memory_space<vmem>>[vector<16xi32>, vector<16xi32>], vector<16xf32>,
      %gather3A_1625 = arith.constant 13 : i32
      %gather3A_1626 = arith.constant 0 : i32
      %gather3A_1627 = arith.constant 0 : i32
      %gather3A_1628 = tpu.memref_slice %arg6[%gather3A_1625, %gather3A_1626, %gather3A_1627] : memref<16x32x128xf32, #tpu.memory_space<vmem>> -> memref<1x32x128xf32, #tpu.memory_space<vmem>>
      %gather3A_1629 = tpu.memref_squeeze %gather3A_1628 : memref<1x32x128xf32, #tpu.memory_space<vmem>> -> memref<32x128xf32, #tpu.memory_space<vmem>>
      %gather3A_1630 = tpu.vector_load_idx %gather3A_1629[%add3A_5, %broadcast_in_dim3A_1613] : memref<32x128xf32, #tpu.memory_space<vmem>>[vector<16xi32>, vector<16xi32>], vector<16xf32>,
      tpu.vector_store_idx %arg7[%iota3A, %broadcast_in_dim3A_1618], %gather3A_1624 : memref<32x512xf32, #tpu.memory_space<vmem>>[vector<16xi32>, vector<16xi32>], vector<16xf32>,
      tpu.vector_store_idx %arg7[%add3A_5, %broadcast_in_dim3A_1618], %gather3A_1630 : memref<32x512xf32, #tpu.memory_space<vmem>>[vector<16xi32>, vector<16xi32>], vector<16xf32>,
      %slice3A_1631 = vector.extract_strided_slice %get3A_865 {offsets = [13], sizes = [1], strides = [1]} : vector<16xi32> to vector<1xi32>
      %squeeze3A_1632 = vector.extract %slice3A_1631[0] : i32 from vector<1xi32>
      %shift_right_arithmetic3A_1633 = arith.constant 7 : i32
      %shift_right_arithmetic3A_1634 = arith.shrsi %squeeze3A_1632, %shift_right_arithmetic3A_1633 : i32
      %mul3A_1635 = arith.constant 128 : i32
      %mul3A_1636 = arith.muli %shift_right_arithmetic3A_1634, %mul3A_1635 : i32
      %dma_start3A_1637 = arith.constant 13 : i32
      %dma_start3A_1638 = arith.constant 0 : i32
      %dma_start3A_1639 = arith.constant 0 : i32
      %dma_start3A_1640 = tpu.memref_slice %arg6[%dma_start3A_1637, %dma_start3A_1638, %dma_start3A_1639] : memref<16x32x128xf32, #tpu.memory_space<vmem>> -> memref<1x32x128xf32, #tpu.memory_space<vmem>>
      %dma_start3A_1641 = tpu.memref_squeeze %dma_start3A_1640 : memref<1x32x128xf32, #tpu.memory_space<vmem>> -> memref<32x128xf32, #tpu.memory_space<vmem>>
      %dma_start3A_1642 = arith.constant 0 : i32
      %dma_start3A_1643 = tpu.memref_slice %arg3[%dma_start3A_1642, %mul3A_1636] : memref<32x1000001xf32, #tpu.memory_space<hbm>> -> memref<32x128xf32, #tpu.memory_space<hbm>>
      %dma_start3A_1644 = arith.constant 0 : i32
      %dma_start3A_1645 = arith.constant 0 : i32
      %dma_start3A_1646 = tpu.memref_slice %arg6[%dma_start3A_1637, %dma_start3A_1644, %dma_start3A_1645] : memref<16x32x128xf32, #tpu.memory_space<vmem>> -> memref<1x32x128xf32, #tpu.memory_space<vmem>>
      %dma_start3A_1647 = tpu.memref_squeeze %dma_start3A_1646 : memref<1x32x128xf32, #tpu.memory_space<vmem>> -> memref<32x128xf32, #tpu.memory_space<vmem>>
      %dma_start3A_1648 = arith.constant 0 : i32
      %dma_start3A_1649 = tpu.memref_slice %arg3[%dma_start3A_1648, %mul3A_1636] : memref<32x1000001xf32, #tpu.memory_space<hbm>> -> memref<32x128xf32, #tpu.memory_space<hbm>>
      tpu.enqueue_dma source(%dma_start3A_1649 : memref<32x128xf32, #tpu.memory_space<hbm>>) target(%dma_start3A_1647 : memref<32x128xf32, #tpu.memory_space<vmem>>) target_semaphore(%arg8 : memref<!tpu.dma_semaphore, #tpu.memory_space<semaphore_mem>>)
      %dma_wait3A_1650 = arith.constant 14 : i32
      %dma_wait3A_1651 = arith.constant 0 : i32
      %dma_wait3A_1652 = arith.constant 0 : i32
      %dma_wait3A_1653 = tpu.memref_slice %arg6[%dma_wait3A_1650, %dma_wait3A_1651, %dma_wait3A_1652] : memref<16x32x128xf32, #tpu.memory_space<vmem>> -> memref<1x32x128xf32, #tpu.memory_space<vmem>>
      %dma_wait3A_1654 = tpu.memref_squeeze %dma_wait3A_1653 : memref<1x32x128xf32, #tpu.memory_space<vmem>> -> memref<32x128xf32, #tpu.memory_space<vmem>>
      %dma_wait3A_1655 = arith.constant 0 : i32
      %dma_wait3A_1656 = arith.constant 0 : i32
      %dma_wait3A_1657 = tpu.memref_slice %arg3[%dma_wait3A_1655, %dma_wait3A_1656] : memref<32x1000001xf32, #tpu.memory_space<hbm>> -> memref<32x128xf32, #tpu.memory_space<hbm>>
      %dma_wait3A_1658 = arith.constant 0 : i32
      %dma_wait3A_1659 = arith.constant 0 : i32
      %dma_wait3A_1660 = tpu.memref_slice %arg6[%dma_wait3A_1650, %dma_wait3A_1658, %dma_wait3A_1659] : memref<16x32x128xf32, #tpu.memory_space<vmem>> -> memref<1x32x128xf32, #tpu.memory_space<vmem>>
      %dma_wait3A_1661 = tpu.memref_squeeze %dma_wait3A_1660 : memref<1x32x128xf32, #tpu.memory_space<vmem>> -> memref<32x128xf32, #tpu.memory_space<vmem>>
      %dma_wait3A_1662 = arith.constant 0 : i32
      %dma_wait3A_1663 = arith.constant 0 : i32
      %dma_wait3A_1664 = tpu.memref_slice %arg3[%dma_wait3A_1662, %dma_wait3A_1663] : memref<32x1000001xf32, #tpu.memory_space<hbm>> -> memref<32x128xf32, #tpu.memory_space<hbm>>
      tpu.wait_dma2 semaphore(%arg8 : memref<!tpu.dma_semaphore, #tpu.memory_space<semaphore_mem>>) src(%dma_wait3A_1664 : memref<32x128xf32, #tpu.memory_space<hbm>>) dst(%dma_wait3A_1661 : memref<32x128xf32, #tpu.memory_space<vmem>>)
      %slice3A_1665 = vector.extract_strided_slice %get3A_858 {offsets = [14], sizes = [1], strides = [1]} : vector<16xi32> to vector<1xi32>
      %squeeze3A_1666 = vector.extract %slice3A_1665[0] : i32 from vector<1xi32>
      %and3A_1667 = arith.constant 127 : i32
      %and3A_1668 = arith.andi %squeeze3A_1666, %and3A_1667 : i32
      %broadcast_in_dim3A_1669 = vector.broadcast %and3A_1668 : i32 to vector<16xi32>
      %mul3A_1670 = arith.constant 16 : i32
      %mul3A_1671 = arith.muli %scan3A_854, %mul3A_1670 : i32
      %add3A_1672 = arith.constant 14 : i32
      %add3A_1673 = arith.addi %mul3A_1671, %add3A_1672 : i32
      %broadcast_in_dim3A_1674 = vector.broadcast %add3A_1673 : i32 to vector<16xi32>
      %gather3A_1675 = arith.constant 14 : i32
      %gather3A_1676 = arith.constant 0 : i32
      %gather3A_1677 = arith.constant 0 : i32
      %gather3A_1678 = tpu.memref_slice %arg6[%gather3A_1675, %gather3A_1676, %gather3A_1677] : memref<16x32x128xf32, #tpu.memory_space<vmem>> -> memref<1x32x128xf32, #tpu.memory_space<vmem>>
      %gather3A_1679 = tpu.memref_squeeze %gather3A_1678 : memref<1x32x128xf32, #tpu.memory_space<vmem>> -> memref<32x128xf32, #tpu.memory_space<vmem>>
      %gather3A_1680 = tpu.vector_load_idx %gather3A_1679[%iota3A, %broadcast_in_dim3A_1669] : memref<32x128xf32, #tpu.memory_space<vmem>>[vector<16xi32>, vector<16xi32>], vector<16xf32>,
      %gather3A_1681 = arith.constant 14 : i32
      %gather3A_1682 = arith.constant 0 : i32
      %gather3A_1683 = arith.constant 0 : i32
      %gather3A_1684 = tpu.memref_slice %arg6[%gather3A_1681, %gather3A_1682, %gather3A_1683] : memref<16x32x128xf32, #tpu.memory_space<vmem>> -> memref<1x32x128xf32, #tpu.memory_space<vmem>>
      %gather3A_1685 = tpu.memref_squeeze %gather3A_1684 : memref<1x32x128xf32, #tpu.memory_space<vmem>> -> memref<32x128xf32, #tpu.memory_space<vmem>>
      %gather3A_1686 = tpu.vector_load_idx %gather3A_1685[%add3A_5, %broadcast_in_dim3A_1669] : memref<32x128xf32, #tpu.memory_space<vmem>>[vector<16xi32>, vector<16xi32>], vector<16xf32>,
      tpu.vector_store_idx %arg7[%iota3A, %broadcast_in_dim3A_1674], %gather3A_1680 : memref<32x512xf32, #tpu.memory_space<vmem>>[vector<16xi32>, vector<16xi32>], vector<16xf32>,
      tpu.vector_store_idx %arg7[%add3A_5, %broadcast_in_dim3A_1674], %gather3A_1686 : memref<32x512xf32, #tpu.memory_space<vmem>>[vector<16xi32>, vector<16xi32>], vector<16xf32>,
      %slice3A_1687 = vector.extract_strided_slice %get3A_865 {offsets = [14], sizes = [1], strides = [1]} : vector<16xi32> to vector<1xi32>
      %squeeze3A_1688 = vector.extract %slice3A_1687[0] : i32 from vector<1xi32>
      %shift_right_arithmetic3A_1689 = arith.constant 7 : i32
      %shift_right_arithmetic3A_1690 = arith.shrsi %squeeze3A_1688, %shift_right_arithmetic3A_1689 : i32
      %mul3A_1691 = arith.constant 128 : i32
      %mul3A_1692 = arith.muli %shift_right_arithmetic3A_1690, %mul3A_1691 : i32
      %dma_start3A_1693 = arith.constant 14 : i32
      %dma_start3A_1694 = arith.constant 0 : i32
      %dma_start3A_1695 = arith.constant 0 : i32
      %dma_start3A_1696 = tpu.memref_slice %arg6[%dma_start3A_1693, %dma_start3A_1694, %dma_start3A_1695] : memref<16x32x128xf32, #tpu.memory_space<vmem>> -> memref<1x32x128xf32, #tpu.memory_space<vmem>>
      %dma_start3A_1697 = tpu.memref_squeeze %dma_start3A_1696 : memref<1x32x128xf32, #tpu.memory_space<vmem>> -> memref<32x128xf32, #tpu.memory_space<vmem>>
      %dma_start3A_1698 = arith.constant 0 : i32
      %dma_start3A_1699 = tpu.memref_slice %arg3[%dma_start3A_1698, %mul3A_1692] : memref<32x1000001xf32, #tpu.memory_space<hbm>> -> memref<32x128xf32, #tpu.memory_space<hbm>>
      %dma_start3A_1700 = arith.constant 0 : i32
      %dma_start3A_1701 = arith.constant 0 : i32
      %dma_start3A_1702 = tpu.memref_slice %arg6[%dma_start3A_1693, %dma_start3A_1700, %dma_start3A_1701] : memref<16x32x128xf32, #tpu.memory_space<vmem>> -> memref<1x32x128xf32, #tpu.memory_space<vmem>>
      %dma_start3A_1703 = tpu.memref_squeeze %dma_start3A_1702 : memref<1x32x128xf32, #tpu.memory_space<vmem>> -> memref<32x128xf32, #tpu.memory_space<vmem>>
      %dma_start3A_1704 = arith.constant 0 : i32
      %dma_start3A_1705 = tpu.memref_slice %arg3[%dma_start3A_1704, %mul3A_1692] : memref<32x1000001xf32, #tpu.memory_space<hbm>> -> memref<32x128xf32, #tpu.memory_space<hbm>>
      tpu.enqueue_dma source(%dma_start3A_1705 : memref<32x128xf32, #tpu.memory_space<hbm>>) target(%dma_start3A_1703 : memref<32x128xf32, #tpu.memory_space<vmem>>) target_semaphore(%arg8 : memref<!tpu.dma_semaphore, #tpu.memory_space<semaphore_mem>>)
      %dma_wait3A_1706 = arith.constant 15 : i32
      %dma_wait3A_1707 = arith.constant 0 : i32
      %dma_wait3A_1708 = arith.constant 0 : i32
      %dma_wait3A_1709 = tpu.memref_slice %arg6[%dma_wait3A_1706, %dma_wait3A_1707, %dma_wait3A_1708] : memref<16x32x128xf32, #tpu.memory_space<vmem>> -> memref<1x32x128xf32, #tpu.memory_space<vmem>>
      %dma_wait3A_1710 = tpu.memref_squeeze %dma_wait3A_1709 : memref<1x32x128xf32, #tpu.memory_space<vmem>> -> memref<32x128xf32, #tpu.memory_space<vmem>>
      %dma_wait3A_1711 = arith.constant 0 : i32
      %dma_wait3A_1712 = arith.constant 0 : i32
      %dma_wait3A_1713 = tpu.memref_slice %arg3[%dma_wait3A_1711, %dma_wait3A_1712] : memref<32x1000001xf32, #tpu.memory_space<hbm>> -> memref<32x128xf32, #tpu.memory_space<hbm>>
      %dma_wait3A_1714 = arith.constant 0 : i32
      %dma_wait3A_1715 = arith.constant 0 : i32
      %dma_wait3A_1716 = tpu.memref_slice %arg6[%dma_wait3A_1706, %dma_wait3A_1714, %dma_wait3A_1715] : memref<16x32x128xf32, #tpu.memory_space<vmem>> -> memref<1x32x128xf32, #tpu.memory_space<vmem>>
      %dma_wait3A_1717 = tpu.memref_squeeze %dma_wait3A_1716 : memref<1x32x128xf32, #tpu.memory_space<vmem>> -> memref<32x128xf32, #tpu.memory_space<vmem>>
      %dma_wait3A_1718 = arith.constant 0 : i32
      %dma_wait3A_1719 = arith.constant 0 : i32
      %dma_wait3A_1720 = tpu.memref_slice %arg3[%dma_wait3A_1718, %dma_wait3A_1719] : memref<32x1000001xf32, #tpu.memory_space<hbm>> -> memref<32x128xf32, #tpu.memory_space<hbm>>
      tpu.wait_dma2 semaphore(%arg8 : memref<!tpu.dma_semaphore, #tpu.memory_space<semaphore_mem>>) src(%dma_wait3A_1720 : memref<32x128xf32, #tpu.memory_space<hbm>>) dst(%dma_wait3A_1717 : memref<32x128xf32, #tpu.memory_space<vmem>>)
      %slice3A_1721 = vector.extract_strided_slice %get3A_858 {offsets = [15], sizes = [1], strides = [1]} : vector<16xi32> to vector<1xi32>
      %squeeze3A_1722 = vector.extract %slice3A_1721[0] : i32 from vector<1xi32>
      %and3A_1723 = arith.constant 127 : i32
      %and3A_1724 = arith.andi %squeeze3A_1722, %and3A_1723 : i32
      %broadcast_in_dim3A_1725 = vector.broadcast %and3A_1724 : i32 to vector<16xi32>
      %mul3A_1726 = arith.constant 16 : i32
      %mul3A_1727 = arith.muli %scan3A_854, %mul3A_1726 : i32
      %add3A_1728 = arith.constant 15 : i32
      %add3A_1729 = arith.addi %mul3A_1727, %add3A_1728 : i32
      %broadcast_in_dim3A_1730 = vector.broadcast %add3A_1729 : i32 to vector<16xi32>
      %gather3A_1731 = arith.constant 15 : i32
      %gather3A_1732 = arith.constant 0 : i32
      %gather3A_1733 = arith.constant 0 : i32
      %gather3A_1734 = tpu.memref_slice %arg6[%gather3A_1731, %gather3A_1732, %gather3A_1733] : memref<16x32x128xf32, #tpu.memory_space<vmem>> -> memref<1x32x128xf32, #tpu.memory_space<vmem>>
      %gather3A_1735 = tpu.memref_squeeze %gather3A_1734 : memref<1x32x128xf32, #tpu.memory_space<vmem>> -> memref<32x128xf32, #tpu.memory_space<vmem>>
      %gather3A_1736 = tpu.vector_load_idx %gather3A_1735[%iota3A, %broadcast_in_dim3A_1725] : memref<32x128xf32, #tpu.memory_space<vmem>>[vector<16xi32>, vector<16xi32>], vector<16xf32>,
      %gather3A_1737 = arith.constant 15 : i32
      %gather3A_1738 = arith.constant 0 : i32
      %gather3A_1739 = arith.constant 0 : i32
      %gather3A_1740 = tpu.memref_slice %arg6[%gather3A_1737, %gather3A_1738, %gather3A_1739] : memref<16x32x128xf32, #tpu.memory_space<vmem>> -> memref<1x32x128xf32, #tpu.memory_space<vmem>>
      %gather3A_1741 = tpu.memref_squeeze %gather3A_1740 : memref<1x32x128xf32, #tpu.memory_space<vmem>> -> memref<32x128xf32, #tpu.memory_space<vmem>>
      %gather3A_1742 = tpu.vector_load_idx %gather3A_1741[%add3A_5, %broadcast_in_dim3A_1725] : memref<32x128xf32, #tpu.memory_space<vmem>>[vector<16xi32>, vector<16xi32>], vector<16xf32>,
      tpu.vector_store_idx %arg7[%iota3A, %broadcast_in_dim3A_1730], %gather3A_1736 : memref<32x512xf32, #tpu.memory_space<vmem>>[vector<16xi32>, vector<16xi32>], vector<16xf32>,
      tpu.vector_store_idx %arg7[%add3A_5, %broadcast_in_dim3A_1730], %gather3A_1742 : memref<32x512xf32, #tpu.memory_space<vmem>>[vector<16xi32>, vector<16xi32>], vector<16xf32>,
      %slice3A_1743 = vector.extract_strided_slice %get3A_865 {offsets = [15], sizes = [1], strides = [1]} : vector<16xi32> to vector<1xi32>
      %squeeze3A_1744 = vector.extract %slice3A_1743[0] : i32 from vector<1xi32>
      %shift_right_arithmetic3A_1745 = arith.constant 7 : i32
      %shift_right_arithmetic3A_1746 = arith.shrsi %squeeze3A_1744, %shift_right_arithmetic3A_1745 : i32
      %mul3A_1747 = arith.constant 128 : i32
      %mul3A_1748 = arith.muli %shift_right_arithmetic3A_1746, %mul3A_1747 : i32
      %dma_start3A_1749 = arith.constant 15 : i32
      %dma_start3A_1750 = arith.constant 0 : i32
      %dma_start3A_1751 = arith.constant 0 : i32
      %dma_start3A_1752 = tpu.memref_slice %arg6[%dma_start3A_1749, %dma_start3A_1750, %dma_start3A_1751] : memref<16x32x128xf32, #tpu.memory_space<vmem>> -> memref<1x32x128xf32, #tpu.memory_space<vmem>>
      %dma_start3A_1753 = tpu.memref_squeeze %dma_start3A_1752 : memref<1x32x128xf32, #tpu.memory_space<vmem>> -> memref<32x128xf32, #tpu.memory_space<vmem>>
      %dma_start3A_1754 = arith.constant 0 : i32
      %dma_start3A_1755 = tpu.memref_slice %arg3[%dma_start3A_1754, %mul3A_1748] : memref<32x1000001xf32, #tpu.memory_space<hbm>> -> memref<32x128xf32, #tpu.memory_space<hbm>>
      %dma_start3A_1756 = arith.constant 0 : i32
      %dma_start3A_1757 = arith.constant 0 : i32
      %dma_start3A_1758 = tpu.memref_slice %arg6[%dma_start3A_1749, %dma_start3A_1756, %dma_start3A_1757] : memref<16x32x128xf32, #tpu.memory_space<vmem>> -> memref<1x32x128xf32, #tpu.memory_space<vmem>>
      %dma_start3A_1759 = tpu.memref_squeeze %dma_start3A_1758 : memref<1x32x128xf32, #tpu.memory_space<vmem>> -> memref<32x128xf32, #tpu.memory_space<vmem>>
      %dma_start3A_1760 = arith.constant 0 : i32
      %dma_start3A_1761 = tpu.memref_slice %arg3[%dma_start3A_1760, %mul3A_1748] : memref<32x1000001xf32, #tpu.memory_space<hbm>> -> memref<32x128xf32, #tpu.memory_space<hbm>>
      tpu.enqueue_dma source(%dma_start3A_1761 : memref<32x128xf32, #tpu.memory_space<hbm>>) target(%dma_start3A_1759 : memref<32x128xf32, #tpu.memory_space<vmem>>) target_semaphore(%arg8 : memref<!tpu.dma_semaphore, #tpu.memory_space<semaphore_mem>>)
    }
    %scan3A_311 = arith.constant 32 : i32
    %get3A_312 = arith.constant 496 : index
    %get3A_313 = tpu.vector_load %arg5[%get3A_312] {strides = array<i32>} : memref<512xi32, #tpu.memory_space<vmem>>, vector<16xi32>,
    %dma_wait3A = arith.constant 0 : i32
    %dma_wait3A_314 = arith.constant 0 : i32
    %dma_wait3A_315 = arith.constant 0 : i32
    %dma_wait3A_316 = tpu.memref_slice %arg6[%dma_wait3A, %dma_wait3A_314, %dma_wait3A_315] : memref<16x32x128xf32, #tpu.memory_space<vmem>> -> memref<1x32x128xf32, #tpu.memory_space<vmem>>
    %dma_wait3A_317 = tpu.memref_squeeze %dma_wait3A_316 : memref<1x32x128xf32, #tpu.memory_space<vmem>> -> memref<32x128xf32, #tpu.memory_space<vmem>>
    %dma_wait3A_318 = arith.constant 0 : i32
    %dma_wait3A_319 = arith.constant 0 : i32
    %dma_wait3A_320 = tpu.memref_slice %arg3[%dma_wait3A_318, %dma_wait3A_319] : memref<32x1000001xf32, #tpu.memory_space<hbm>> -> memref<32x128xf32, #tpu.memory_space<hbm>>
    %dma_wait3A_321 = arith.constant 0 : i32
    %dma_wait3A_322 = arith.constant 0 : i32
    %dma_wait3A_323 = tpu.memref_slice %arg6[%dma_wait3A, %dma_wait3A_321, %dma_wait3A_322] : memref<16x32x128xf32, #tpu.memory_space<vmem>> -> memref<1x32x128xf32, #tpu.memory_space<vmem>>
    %dma_wait3A_324 = tpu.memref_squeeze %dma_wait3A_323 : memref<1x32x128xf32, #tpu.memory_space<vmem>> -> memref<32x128xf32, #tpu.memory_space<vmem>>
    %dma_wait3A_325 = arith.constant 0 : i32
    %dma_wait3A_326 = arith.constant 0 : i32
    %dma_wait3A_327 = tpu.memref_slice %arg3[%dma_wait3A_325, %dma_wait3A_326] : memref<32x1000001xf32, #tpu.memory_space<hbm>> -> memref<32x128xf32, #tpu.memory_space<hbm>>
    tpu.wait_dma2 semaphore(%arg8 : memref<!tpu.dma_semaphore, #tpu.memory_space<semaphore_mem>>) src(%dma_wait3A_327 : memref<32x128xf32, #tpu.memory_space<hbm>>) dst(%dma_wait3A_324 : memref<32x128xf32, #tpu.memory_space<vmem>>)
    %slice3A_328 = vector.extract_strided_slice %get3A_313 {offsets = [0], sizes = [1], strides = [1]} : vector<16xi32> to vector<1xi32>
    %squeeze3A_329 = vector.extract %slice3A_328[0] : i32 from vector<1xi32>
    %and3A = arith.constant 127 : i32
    %and3A_330 = arith.andi %squeeze3A_329, %and3A : i32
    %broadcast_in_dim3A = vector.broadcast %and3A_330 : i32 to vector<16xi32>
    %broadcast_in_dim3A_331 = arith.constant 496 : i32
    %broadcast_in_dim3A_332 = vector.broadcast %broadcast_in_dim3A_331 : i32 to vector<16xi32>
    %gather3A = arith.constant 0 : i32
    %gather3A_333 = arith.constant 0 : i32
    %gather3A_334 = arith.constant 0 : i32
    %gather3A_335 = tpu.memref_slice %arg6[%gather3A, %gather3A_333, %gather3A_334] : memref<16x32x128xf32, #tpu.memory_space<vmem>> -> memref<1x32x128xf32, #tpu.memory_space<vmem>>
    %gather3A_336 = tpu.memref_squeeze %gather3A_335 : memref<1x32x128xf32, #tpu.memory_space<vmem>> -> memref<32x128xf32, #tpu.memory_space<vmem>>
    %gather3A_337 = tpu.vector_load_idx %gather3A_336[%iota3A, %broadcast_in_dim3A] : memref<32x128xf32, #tpu.memory_space<vmem>>[vector<16xi32>, vector<16xi32>], vector<16xf32>,
    %gather3A_338 = arith.constant 0 : i32
    %gather3A_339 = arith.constant 0 : i32
    %gather3A_340 = arith.constant 0 : i32
    %gather3A_341 = tpu.memref_slice %arg6[%gather3A_338, %gather3A_339, %gather3A_340] : memref<16x32x128xf32, #tpu.memory_space<vmem>> -> memref<1x32x128xf32, #tpu.memory_space<vmem>>
    %gather3A_342 = tpu.memref_squeeze %gather3A_341 : memref<1x32x128xf32, #tpu.memory_space<vmem>> -> memref<32x128xf32, #tpu.memory_space<vmem>>
    %gather3A_343 = tpu.vector_load_idx %gather3A_342[%add3A_5, %broadcast_in_dim3A] : memref<32x128xf32, #tpu.memory_space<vmem>>[vector<16xi32>, vector<16xi32>], vector<16xf32>,
    tpu.vector_store_idx %arg7[%iota3A, %broadcast_in_dim3A_332], %gather3A_337 : memref<32x512xf32, #tpu.memory_space<vmem>>[vector<16xi32>, vector<16xi32>], vector<16xf32>,
    tpu.vector_store_idx %arg7[%add3A_5, %broadcast_in_dim3A_332], %gather3A_343 : memref<32x512xf32, #tpu.memory_space<vmem>>[vector<16xi32>, vector<16xi32>], vector<16xf32>,
    %dma_wait3A_344 = arith.constant 1 : i32
    %dma_wait3A_345 = arith.constant 0 : i32
    %dma_wait3A_346 = arith.constant 0 : i32
    %dma_wait3A_347 = tpu.memref_slice %arg6[%dma_wait3A_344, %dma_wait3A_345, %dma_wait3A_346] : memref<16x32x128xf32, #tpu.memory_space<vmem>> -> memref<1x32x128xf32, #tpu.memory_space<vmem>>
    %dma_wait3A_348 = tpu.memref_squeeze %dma_wait3A_347 : memref<1x32x128xf32, #tpu.memory_space<vmem>> -> memref<32x128xf32, #tpu.memory_space<vmem>>
    %dma_wait3A_349 = arith.constant 0 : i32
    %dma_wait3A_350 = arith.constant 0 : i32
    %dma_wait3A_351 = tpu.memref_slice %arg3[%dma_wait3A_349, %dma_wait3A_350] : memref<32x1000001xf32, #tpu.memory_space<hbm>> -> memref<32x128xf32, #tpu.memory_space<hbm>>
    %dma_wait3A_352 = arith.constant 0 : i32
    %dma_wait3A_353 = arith.constant 0 : i32
    %dma_wait3A_354 = tpu.memref_slice %arg6[%dma_wait3A_344, %dma_wait3A_352, %dma_wait3A_353] : memref<16x32x128xf32, #tpu.memory_space<vmem>> -> memref<1x32x128xf32, #tpu.memory_space<vmem>>
    %dma_wait3A_355 = tpu.memref_squeeze %dma_wait3A_354 : memref<1x32x128xf32, #tpu.memory_space<vmem>> -> memref<32x128xf32, #tpu.memory_space<vmem>>
    %dma_wait3A_356 = arith.constant 0 : i32
    %dma_wait3A_357 = arith.constant 0 : i32
    %dma_wait3A_358 = tpu.memref_slice %arg3[%dma_wait3A_356, %dma_wait3A_357] : memref<32x1000001xf32, #tpu.memory_space<hbm>> -> memref<32x128xf32, #tpu.memory_space<hbm>>
    tpu.wait_dma2 semaphore(%arg8 : memref<!tpu.dma_semaphore, #tpu.memory_space<semaphore_mem>>) src(%dma_wait3A_358 : memref<32x128xf32, #tpu.memory_space<hbm>>) dst(%dma_wait3A_355 : memref<32x128xf32, #tpu.memory_space<vmem>>)
    %slice3A_359 = vector.extract_strided_slice %get3A_313 {offsets = [1], sizes = [1], strides = [1]} : vector<16xi32> to vector<1xi32>
    %squeeze3A_360 = vector.extract %slice3A_359[0] : i32 from vector<1xi32>
    %and3A_361 = arith.constant 127 : i32
    %and3A_362 = arith.andi %squeeze3A_360, %and3A_361 : i32
    %broadcast_in_dim3A_363 = vector.broadcast %and3A_362 : i32 to vector<16xi32>
    %broadcast_in_dim3A_364 = arith.constant 497 : i32
    %broadcast_in_dim3A_365 = vector.broadcast %broadcast_in_dim3A_364 : i32 to vector<16xi32>
    %gather3A_366 = arith.constant 1 : i32
    %gather3A_367 = arith.constant 0 : i32
    %gather3A_368 = arith.constant 0 : i32
    %gather3A_369 = tpu.memref_slice %arg6[%gather3A_366, %gather3A_367, %gather3A_368] : memref<16x32x128xf32, #tpu.memory_space<vmem>> -> memref<1x32x128xf32, #tpu.memory_space<vmem>>
    %gather3A_370 = tpu.memref_squeeze %gather3A_369 : memref<1x32x128xf32, #tpu.memory_space<vmem>> -> memref<32x128xf32, #tpu.memory_space<vmem>>
    %gather3A_371 = tpu.vector_load_idx %gather3A_370[%iota3A, %broadcast_in_dim3A_363] : memref<32x128xf32, #tpu.memory_space<vmem>>[vector<16xi32>, vector<16xi32>], vector<16xf32>,
    %gather3A_372 = arith.constant 1 : i32
    %gather3A_373 = arith.constant 0 : i32
    %gather3A_374 = arith.constant 0 : i32
    %gather3A_375 = tpu.memref_slice %arg6[%gather3A_372, %gather3A_373, %gather3A_374] : memref<16x32x128xf32, #tpu.memory_space<vmem>> -> memref<1x32x128xf32, #tpu.memory_space<vmem>>
    %gather3A_376 = tpu.memref_squeeze %gather3A_375 : memref<1x32x128xf32, #tpu.memory_space<vmem>> -> memref<32x128xf32, #tpu.memory_space<vmem>>
    %gather3A_377 = tpu.vector_load_idx %gather3A_376[%add3A_5, %broadcast_in_dim3A_363] : memref<32x128xf32, #tpu.memory_space<vmem>>[vector<16xi32>, vector<16xi32>], vector<16xf32>,
    tpu.vector_store_idx %arg7[%iota3A, %broadcast_in_dim3A_365], %gather3A_371 : memref<32x512xf32, #tpu.memory_space<vmem>>[vector<16xi32>, vector<16xi32>], vector<16xf32>,
    tpu.vector_store_idx %arg7[%add3A_5, %broadcast_in_dim3A_365], %gather3A_377 : memref<32x512xf32, #tpu.memory_space<vmem>>[vector<16xi32>, vector<16xi32>], vector<16xf32>,
    %dma_wait3A_378 = arith.constant 2 : i32
    %dma_wait3A_379 = arith.constant 0 : i32
    %dma_wait3A_380 = arith.constant 0 : i32
    %dma_wait3A_381 = tpu.memref_slice %arg6[%dma_wait3A_378, %dma_wait3A_379, %dma_wait3A_380] : memref<16x32x128xf32, #tpu.memory_space<vmem>> -> memref<1x32x128xf32, #tpu.memory_space<vmem>>
    %dma_wait3A_382 = tpu.memref_squeeze %dma_wait3A_381 : memref<1x32x128xf32, #tpu.memory_space<vmem>> -> memref<32x128xf32, #tpu.memory_space<vmem>>
    %dma_wait3A_383 = arith.constant 0 : i32
    %dma_wait3A_384 = arith.constant 0 : i32
    %dma_wait3A_385 = tpu.memref_slice %arg3[%dma_wait3A_383, %dma_wait3A_384] : memref<32x1000001xf32, #tpu.memory_space<hbm>> -> memref<32x128xf32, #tpu.memory_space<hbm>>
    %dma_wait3A_386 = arith.constant 0 : i32
    %dma_wait3A_387 = arith.constant 0 : i32
    %dma_wait3A_388 = tpu.memref_slice %arg6[%dma_wait3A_378, %dma_wait3A_386, %dma_wait3A_387] : memref<16x32x128xf32, #tpu.memory_space<vmem>> -> memref<1x32x128xf32, #tpu.memory_space<vmem>>
    %dma_wait3A_389 = tpu.memref_squeeze %dma_wait3A_388 : memref<1x32x128xf32, #tpu.memory_space<vmem>> -> memref<32x128xf32, #tpu.memory_space<vmem>>
    %dma_wait3A_390 = arith.constant 0 : i32
    %dma_wait3A_391 = arith.constant 0 : i32
    %dma_wait3A_392 = tpu.memref_slice %arg3[%dma_wait3A_390, %dma_wait3A_391] : memref<32x1000001xf32, #tpu.memory_space<hbm>> -> memref<32x128xf32, #tpu.memory_space<hbm>>
    tpu.wait_dma2 semaphore(%arg8 : memref<!tpu.dma_semaphore, #tpu.memory_space<semaphore_mem>>) src(%dma_wait3A_392 : memref<32x128xf32, #tpu.memory_space<hbm>>) dst(%dma_wait3A_389 : memref<32x128xf32, #tpu.memory_space<vmem>>)
    %slice3A_393 = vector.extract_strided_slice %get3A_313 {offsets = [2], sizes = [1], strides = [1]} : vector<16xi32> to vector<1xi32>
    %squeeze3A_394 = vector.extract %slice3A_393[0] : i32 from vector<1xi32>
    %and3A_395 = arith.constant 127 : i32
    %and3A_396 = arith.andi %squeeze3A_394, %and3A_395 : i32
    %broadcast_in_dim3A_397 = vector.broadcast %and3A_396 : i32 to vector<16xi32>
    %broadcast_in_dim3A_398 = arith.constant 498 : i32
    %broadcast_in_dim3A_399 = vector.broadcast %broadcast_in_dim3A_398 : i32 to vector<16xi32>
    %gather3A_400 = arith.constant 2 : i32
    %gather3A_401 = arith.constant 0 : i32
    %gather3A_402 = arith.constant 0 : i32
    %gather3A_403 = tpu.memref_slice %arg6[%gather3A_400, %gather3A_401, %gather3A_402] : memref<16x32x128xf32, #tpu.memory_space<vmem>> -> memref<1x32x128xf32, #tpu.memory_space<vmem>>
    %gather3A_404 = tpu.memref_squeeze %gather3A_403 : memref<1x32x128xf32, #tpu.memory_space<vmem>> -> memref<32x128xf32, #tpu.memory_space<vmem>>
    %gather3A_405 = tpu.vector_load_idx %gather3A_404[%iota3A, %broadcast_in_dim3A_397] : memref<32x128xf32, #tpu.memory_space<vmem>>[vector<16xi32>, vector<16xi32>], vector<16xf32>,
    %gather3A_406 = arith.constant 2 : i32
    %gather3A_407 = arith.constant 0 : i32
    %gather3A_408 = arith.constant 0 : i32
    %gather3A_409 = tpu.memref_slice %arg6[%gather3A_406, %gather3A_407, %gather3A_408] : memref<16x32x128xf32, #tpu.memory_space<vmem>> -> memref<1x32x128xf32, #tpu.memory_space<vmem>>
    %gather3A_410 = tpu.memref_squeeze %gather3A_409 : memref<1x32x128xf32, #tpu.memory_space<vmem>> -> memref<32x128xf32, #tpu.memory_space<vmem>>
    %gather3A_411 = tpu.vector_load_idx %gather3A_410[%add3A_5, %broadcast_in_dim3A_397] : memref<32x128xf32, #tpu.memory_space<vmem>>[vector<16xi32>, vector<16xi32>], vector<16xf32>,
    tpu.vector_store_idx %arg7[%iota3A, %broadcast_in_dim3A_399], %gather3A_405 : memref<32x512xf32, #tpu.memory_space<vmem>>[vector<16xi32>, vector<16xi32>], vector<16xf32>,
    tpu.vector_store_idx %arg7[%add3A_5, %broadcast_in_dim3A_399], %gather3A_411 : memref<32x512xf32, #tpu.memory_space<vmem>>[vector<16xi32>, vector<16xi32>], vector<16xf32>,
    %dma_wait3A_412 = arith.constant 3 : i32
    %dma_wait3A_413 = arith.constant 0 : i32
    %dma_wait3A_414 = arith.constant 0 : i32
    %dma_wait3A_415 = tpu.memref_slice %arg6[%dma_wait3A_412, %dma_wait3A_413, %dma_wait3A_414] : memref<16x32x128xf32, #tpu.memory_space<vmem>> -> memref<1x32x128xf32, #tpu.memory_space<vmem>>
    %dma_wait3A_416 = tpu.memref_squeeze %dma_wait3A_415 : memref<1x32x128xf32, #tpu.memory_space<vmem>> -> memref<32x128xf32, #tpu.memory_space<vmem>>
    %dma_wait3A_417 = arith.constant 0 : i32
    %dma_wait3A_418 = arith.constant 0 : i32
    %dma_wait3A_419 = tpu.memref_slice %arg3[%dma_wait3A_417, %dma_wait3A_418] : memref<32x1000001xf32, #tpu.memory_space<hbm>> -> memref<32x128xf32, #tpu.memory_space<hbm>>
    %dma_wait3A_420 = arith.constant 0 : i32
    %dma_wait3A_421 = arith.constant 0 : i32
    %dma_wait3A_422 = tpu.memref_slice %arg6[%dma_wait3A_412, %dma_wait3A_420, %dma_wait3A_421] : memref<16x32x128xf32, #tpu.memory_space<vmem>> -> memref<1x32x128xf32, #tpu.memory_space<vmem>>
    %dma_wait3A_423 = tpu.memref_squeeze %dma_wait3A_422 : memref<1x32x128xf32, #tpu.memory_space<vmem>> -> memref<32x128xf32, #tpu.memory_space<vmem>>
    %dma_wait3A_424 = arith.constant 0 : i32
    %dma_wait3A_425 = arith.constant 0 : i32
    %dma_wait3A_426 = tpu.memref_slice %arg3[%dma_wait3A_424, %dma_wait3A_425] : memref<32x1000001xf32, #tpu.memory_space<hbm>> -> memref<32x128xf32, #tpu.memory_space<hbm>>
    tpu.wait_dma2 semaphore(%arg8 : memref<!tpu.dma_semaphore, #tpu.memory_space<semaphore_mem>>) src(%dma_wait3A_426 : memref<32x128xf32, #tpu.memory_space<hbm>>) dst(%dma_wait3A_423 : memref<32x128xf32, #tpu.memory_space<vmem>>)
    %slice3A_427 = vector.extract_strided_slice %get3A_313 {offsets = [3], sizes = [1], strides = [1]} : vector<16xi32> to vector<1xi32>
    %squeeze3A_428 = vector.extract %slice3A_427[0] : i32 from vector<1xi32>
    %and3A_429 = arith.constant 127 : i32
    %and3A_430 = arith.andi %squeeze3A_428, %and3A_429 : i32
    %broadcast_in_dim3A_431 = vector.broadcast %and3A_430 : i32 to vector<16xi32>
    %broadcast_in_dim3A_432 = arith.constant 499 : i32
    %broadcast_in_dim3A_433 = vector.broadcast %broadcast_in_dim3A_432 : i32 to vector<16xi32>
    %gather3A_434 = arith.constant 3 : i32
    %gather3A_435 = arith.constant 0 : i32
    %gather3A_436 = arith.constant 0 : i32
    %gather3A_437 = tpu.memref_slice %arg6[%gather3A_434, %gather3A_435, %gather3A_436] : memref<16x32x128xf32, #tpu.memory_space<vmem>> -> memref<1x32x128xf32, #tpu.memory_space<vmem>>
    %gather3A_438 = tpu.memref_squeeze %gather3A_437 : memref<1x32x128xf32, #tpu.memory_space<vmem>> -> memref<32x128xf32, #tpu.memory_space<vmem>>
    %gather3A_439 = tpu.vector_load_idx %gather3A_438[%iota3A, %broadcast_in_dim3A_431] : memref<32x128xf32, #tpu.memory_space<vmem>>[vector<16xi32>, vector<16xi32>], vector<16xf32>,
    %gather3A_440 = arith.constant 3 : i32
    %gather3A_441 = arith.constant 0 : i32
    %gather3A_442 = arith.constant 0 : i32
    %gather3A_443 = tpu.memref_slice %arg6[%gather3A_440, %gather3A_441, %gather3A_442] : memref<16x32x128xf32, #tpu.memory_space<vmem>> -> memref<1x32x128xf32, #tpu.memory_space<vmem>>
    %gather3A_444 = tpu.memref_squeeze %gather3A_443 : memref<1x32x128xf32, #tpu.memory_space<vmem>> -> memref<32x128xf32, #tpu.memory_space<vmem>>
    %gather3A_445 = tpu.vector_load_idx %gather3A_444[%add3A_5, %broadcast_in_dim3A_431] : memref<32x128xf32, #tpu.memory_space<vmem>>[vector<16xi32>, vector<16xi32>], vector<16xf32>,
    tpu.vector_store_idx %arg7[%iota3A, %broadcast_in_dim3A_433], %gather3A_439 : memref<32x512xf32, #tpu.memory_space<vmem>>[vector<16xi32>, vector<16xi32>], vector<16xf32>,
    tpu.vector_store_idx %arg7[%add3A_5, %broadcast_in_dim3A_433], %gather3A_445 : memref<32x512xf32, #tpu.memory_space<vmem>>[vector<16xi32>, vector<16xi32>], vector<16xf32>,
    %dma_wait3A_446 = arith.constant 4 : i32
    %dma_wait3A_447 = arith.constant 0 : i32
    %dma_wait3A_448 = arith.constant 0 : i32
    %dma_wait3A_449 = tpu.memref_slice %arg6[%dma_wait3A_446, %dma_wait3A_447, %dma_wait3A_448] : memref<16x32x128xf32, #tpu.memory_space<vmem>> -> memref<1x32x128xf32, #tpu.memory_space<vmem>>
    %dma_wait3A_450 = tpu.memref_squeeze %dma_wait3A_449 : memref<1x32x128xf32, #tpu.memory_space<vmem>> -> memref<32x128xf32, #tpu.memory_space<vmem>>
    %dma_wait3A_451 = arith.constant 0 : i32
    %dma_wait3A_452 = arith.constant 0 : i32
    %dma_wait3A_453 = tpu.memref_slice %arg3[%dma_wait3A_451, %dma_wait3A_452] : memref<32x1000001xf32, #tpu.memory_space<hbm>> -> memref<32x128xf32, #tpu.memory_space<hbm>>
    %dma_wait3A_454 = arith.constant 0 : i32
    %dma_wait3A_455 = arith.constant 0 : i32
    %dma_wait3A_456 = tpu.memref_slice %arg6[%dma_wait3A_446, %dma_wait3A_454, %dma_wait3A_455] : memref<16x32x128xf32, #tpu.memory_space<vmem>> -> memref<1x32x128xf32, #tpu.memory_space<vmem>>
    %dma_wait3A_457 = tpu.memref_squeeze %dma_wait3A_456 : memref<1x32x128xf32, #tpu.memory_space<vmem>> -> memref<32x128xf32, #tpu.memory_space<vmem>>
    %dma_wait3A_458 = arith.constant 0 : i32
    %dma_wait3A_459 = arith.constant 0 : i32
    %dma_wait3A_460 = tpu.memref_slice %arg3[%dma_wait3A_458, %dma_wait3A_459] : memref<32x1000001xf32, #tpu.memory_space<hbm>> -> memref<32x128xf32, #tpu.memory_space<hbm>>
    tpu.wait_dma2 semaphore(%arg8 : memref<!tpu.dma_semaphore, #tpu.memory_space<semaphore_mem>>) src(%dma_wait3A_460 : memref<32x128xf32, #tpu.memory_space<hbm>>) dst(%dma_wait3A_457 : memref<32x128xf32, #tpu.memory_space<vmem>>)
    %slice3A_461 = vector.extract_strided_slice %get3A_313 {offsets = [4], sizes = [1], strides = [1]} : vector<16xi32> to vector<1xi32>
    %squeeze3A_462 = vector.extract %slice3A_461[0] : i32 from vector<1xi32>
    %and3A_463 = arith.constant 127 : i32
    %and3A_464 = arith.andi %squeeze3A_462, %and3A_463 : i32
    %broadcast_in_dim3A_465 = vector.broadcast %and3A_464 : i32 to vector<16xi32>
    %broadcast_in_dim3A_466 = arith.constant 500 : i32
    %broadcast_in_dim3A_467 = vector.broadcast %broadcast_in_dim3A_466 : i32 to vector<16xi32>
    %gather3A_468 = arith.constant 4 : i32
    %gather3A_469 = arith.constant 0 : i32
    %gather3A_470 = arith.constant 0 : i32
    %gather3A_471 = tpu.memref_slice %arg6[%gather3A_468, %gather3A_469, %gather3A_470] : memref<16x32x128xf32, #tpu.memory_space<vmem>> -> memref<1x32x128xf32, #tpu.memory_space<vmem>>
    %gather3A_472 = tpu.memref_squeeze %gather3A_471 : memref<1x32x128xf32, #tpu.memory_space<vmem>> -> memref<32x128xf32, #tpu.memory_space<vmem>>
    %gather3A_473 = tpu.vector_load_idx %gather3A_472[%iota3A, %broadcast_in_dim3A_465] : memref<32x128xf32, #tpu.memory_space<vmem>>[vector<16xi32>, vector<16xi32>], vector<16xf32>,
    %gather3A_474 = arith.constant 4 : i32
    %gather3A_475 = arith.constant 0 : i32
    %gather3A_476 = arith.constant 0 : i32
    %gather3A_477 = tpu.memref_slice %arg6[%gather3A_474, %gather3A_475, %gather3A_476] : memref<16x32x128xf32, #tpu.memory_space<vmem>> -> memref<1x32x128xf32, #tpu.memory_space<vmem>>
    %gather3A_478 = tpu.memref_squeeze %gather3A_477 : memref<1x32x128xf32, #tpu.memory_space<vmem>> -> memref<32x128xf32, #tpu.memory_space<vmem>>
    %gather3A_479 = tpu.vector_load_idx %gather3A_478[%add3A_5, %broadcast_in_dim3A_465] : memref<32x128xf32, #tpu.memory_space<vmem>>[vector<16xi32>, vector<16xi32>], vector<16xf32>,
    tpu.vector_store_idx %arg7[%iota3A, %broadcast_in_dim3A_467], %gather3A_473 : memref<32x512xf32, #tpu.memory_space<vmem>>[vector<16xi32>, vector<16xi32>], vector<16xf32>,
    tpu.vector_store_idx %arg7[%add3A_5, %broadcast_in_dim3A_467], %gather3A_479 : memref<32x512xf32, #tpu.memory_space<vmem>>[vector<16xi32>, vector<16xi32>], vector<16xf32>,
    %dma_wait3A_480 = arith.constant 5 : i32
    %dma_wait3A_481 = arith.constant 0 : i32
    %dma_wait3A_482 = arith.constant 0 : i32
    %dma_wait3A_483 = tpu.memref_slice %arg6[%dma_wait3A_480, %dma_wait3A_481, %dma_wait3A_482] : memref<16x32x128xf32, #tpu.memory_space<vmem>> -> memref<1x32x128xf32, #tpu.memory_space<vmem>>
    %dma_wait3A_484 = tpu.memref_squeeze %dma_wait3A_483 : memref<1x32x128xf32, #tpu.memory_space<vmem>> -> memref<32x128xf32, #tpu.memory_space<vmem>>
    %dma_wait3A_485 = arith.constant 0 : i32
    %dma_wait3A_486 = arith.constant 0 : i32
    %dma_wait3A_487 = tpu.memref_slice %arg3[%dma_wait3A_485, %dma_wait3A_486] : memref<32x1000001xf32, #tpu.memory_space<hbm>> -> memref<32x128xf32, #tpu.memory_space<hbm>>
    %dma_wait3A_488 = arith.constant 0 : i32
    %dma_wait3A_489 = arith.constant 0 : i32
    %dma_wait3A_490 = tpu.memref_slice %arg6[%dma_wait3A_480, %dma_wait3A_488, %dma_wait3A_489] : memref<16x32x128xf32, #tpu.memory_space<vmem>> -> memref<1x32x128xf32, #tpu.memory_space<vmem>>
    %dma_wait3A_491 = tpu.memref_squeeze %dma_wait3A_490 : memref<1x32x128xf32, #tpu.memory_space<vmem>> -> memref<32x128xf32, #tpu.memory_space<vmem>>
    %dma_wait3A_492 = arith.constant 0 : i32
    %dma_wait3A_493 = arith.constant 0 : i32
    %dma_wait3A_494 = tpu.memref_slice %arg3[%dma_wait3A_492, %dma_wait3A_493] : memref<32x1000001xf32, #tpu.memory_space<hbm>> -> memref<32x128xf32, #tpu.memory_space<hbm>>
    tpu.wait_dma2 semaphore(%arg8 : memref<!tpu.dma_semaphore, #tpu.memory_space<semaphore_mem>>) src(%dma_wait3A_494 : memref<32x128xf32, #tpu.memory_space<hbm>>) dst(%dma_wait3A_491 : memref<32x128xf32, #tpu.memory_space<vmem>>)
    %slice3A_495 = vector.extract_strided_slice %get3A_313 {offsets = [5], sizes = [1], strides = [1]} : vector<16xi32> to vector<1xi32>
    %squeeze3A_496 = vector.extract %slice3A_495[0] : i32 from vector<1xi32>
    %and3A_497 = arith.constant 127 : i32
    %and3A_498 = arith.andi %squeeze3A_496, %and3A_497 : i32
    %broadcast_in_dim3A_499 = vector.broadcast %and3A_498 : i32 to vector<16xi32>
    %broadcast_in_dim3A_500 = arith.constant 501 : i32
    %broadcast_in_dim3A_501 = vector.broadcast %broadcast_in_dim3A_500 : i32 to vector<16xi32>
    %gather3A_502 = arith.constant 5 : i32
    %gather3A_503 = arith.constant 0 : i32
    %gather3A_504 = arith.constant 0 : i32
    %gather3A_505 = tpu.memref_slice %arg6[%gather3A_502, %gather3A_503, %gather3A_504] : memref<16x32x128xf32, #tpu.memory_space<vmem>> -> memref<1x32x128xf32, #tpu.memory_space<vmem>>
    %gather3A_506 = tpu.memref_squeeze %gather3A_505 : memref<1x32x128xf32, #tpu.memory_space<vmem>> -> memref<32x128xf32, #tpu.memory_space<vmem>>
    %gather3A_507 = tpu.vector_load_idx %gather3A_506[%iota3A, %broadcast_in_dim3A_499] : memref<32x128xf32, #tpu.memory_space<vmem>>[vector<16xi32>, vector<16xi32>], vector<16xf32>,
    %gather3A_508 = arith.constant 5 : i32
    %gather3A_509 = arith.constant 0 : i32
    %gather3A_510 = arith.constant 0 : i32
    %gather3A_511 = tpu.memref_slice %arg6[%gather3A_508, %gather3A_509, %gather3A_510] : memref<16x32x128xf32, #tpu.memory_space<vmem>> -> memref<1x32x128xf32, #tpu.memory_space<vmem>>
    %gather3A_512 = tpu.memref_squeeze %gather3A_511 : memref<1x32x128xf32, #tpu.memory_space<vmem>> -> memref<32x128xf32, #tpu.memory_space<vmem>>
    %gather3A_513 = tpu.vector_load_idx %gather3A_512[%add3A_5, %broadcast_in_dim3A_499] : memref<32x128xf32, #tpu.memory_space<vmem>>[vector<16xi32>, vector<16xi32>], vector<16xf32>,
    tpu.vector_store_idx %arg7[%iota3A, %broadcast_in_dim3A_501], %gather3A_507 : memref<32x512xf32, #tpu.memory_space<vmem>>[vector<16xi32>, vector<16xi32>], vector<16xf32>,
    tpu.vector_store_idx %arg7[%add3A_5, %broadcast_in_dim3A_501], %gather3A_513 : memref<32x512xf32, #tpu.memory_space<vmem>>[vector<16xi32>, vector<16xi32>], vector<16xf32>,
    %dma_wait3A_514 = arith.constant 6 : i32
    %dma_wait3A_515 = arith.constant 0 : i32
    %dma_wait3A_516 = arith.constant 0 : i32
    %dma_wait3A_517 = tpu.memref_slice %arg6[%dma_wait3A_514, %dma_wait3A_515, %dma_wait3A_516] : memref<16x32x128xf32, #tpu.memory_space<vmem>> -> memref<1x32x128xf32, #tpu.memory_space<vmem>>
    %dma_wait3A_518 = tpu.memref_squeeze %dma_wait3A_517 : memref<1x32x128xf32, #tpu.memory_space<vmem>> -> memref<32x128xf32, #tpu.memory_space<vmem>>
    %dma_wait3A_519 = arith.constant 0 : i32
    %dma_wait3A_520 = arith.constant 0 : i32
    %dma_wait3A_521 = tpu.memref_slice %arg3[%dma_wait3A_519, %dma_wait3A_520] : memref<32x1000001xf32, #tpu.memory_space<hbm>> -> memref<32x128xf32, #tpu.memory_space<hbm>>
    %dma_wait3A_522 = arith.constant 0 : i32
    %dma_wait3A_523 = arith.constant 0 : i32
    %dma_wait3A_524 = tpu.memref_slice %arg6[%dma_wait3A_514, %dma_wait3A_522, %dma_wait3A_523] : memref<16x32x128xf32, #tpu.memory_space<vmem>> -> memref<1x32x128xf32, #tpu.memory_space<vmem>>
    %dma_wait3A_525 = tpu.memref_squeeze %dma_wait3A_524 : memref<1x32x128xf32, #tpu.memory_space<vmem>> -> memref<32x128xf32, #tpu.memory_space<vmem>>
    %dma_wait3A_526 = arith.constant 0 : i32
    %dma_wait3A_527 = arith.constant 0 : i32
    %dma_wait3A_528 = tpu.memref_slice %arg3[%dma_wait3A_526, %dma_wait3A_527] : memref<32x1000001xf32, #tpu.memory_space<hbm>> -> memref<32x128xf32, #tpu.memory_space<hbm>>
    tpu.wait_dma2 semaphore(%arg8 : memref<!tpu.dma_semaphore, #tpu.memory_space<semaphore_mem>>) src(%dma_wait3A_528 : memref<32x128xf32, #tpu.memory_space<hbm>>) dst(%dma_wait3A_525 : memref<32x128xf32, #tpu.memory_space<vmem>>)
    %slice3A_529 = vector.extract_strided_slice %get3A_313 {offsets = [6], sizes = [1], strides = [1]} : vector<16xi32> to vector<1xi32>
    %squeeze3A_530 = vector.extract %slice3A_529[0] : i32 from vector<1xi32>
    %and3A_531 = arith.constant 127 : i32
    %and3A_532 = arith.andi %squeeze3A_530, %and3A_531 : i32
    %broadcast_in_dim3A_533 = vector.broadcast %and3A_532 : i32 to vector<16xi32>
    %broadcast_in_dim3A_534 = arith.constant 502 : i32
    %broadcast_in_dim3A_535 = vector.broadcast %broadcast_in_dim3A_534 : i32 to vector<16xi32>
    %gather3A_536 = arith.constant 6 : i32
    %gather3A_537 = arith.constant 0 : i32
    %gather3A_538 = arith.constant 0 : i32
    %gather3A_539 = tpu.memref_slice %arg6[%gather3A_536, %gather3A_537, %gather3A_538] : memref<16x32x128xf32, #tpu.memory_space<vmem>> -> memref<1x32x128xf32, #tpu.memory_space<vmem>>
    %gather3A_540 = tpu.memref_squeeze %gather3A_539 : memref<1x32x128xf32, #tpu.memory_space<vmem>> -> memref<32x128xf32, #tpu.memory_space<vmem>>
    %gather3A_541 = tpu.vector_load_idx %gather3A_540[%iota3A, %broadcast_in_dim3A_533] : memref<32x128xf32, #tpu.memory_space<vmem>>[vector<16xi32>, vector<16xi32>], vector<16xf32>,
    %gather3A_542 = arith.constant 6 : i32
    %gather3A_543 = arith.constant 0 : i32
    %gather3A_544 = arith.constant 0 : i32
    %gather3A_545 = tpu.memref_slice %arg6[%gather3A_542, %gather3A_543, %gather3A_544] : memref<16x32x128xf32, #tpu.memory_space<vmem>> -> memref<1x32x128xf32, #tpu.memory_space<vmem>>
    %gather3A_546 = tpu.memref_squeeze %gather3A_545 : memref<1x32x128xf32, #tpu.memory_space<vmem>> -> memref<32x128xf32, #tpu.memory_space<vmem>>
    %gather3A_547 = tpu.vector_load_idx %gather3A_546[%add3A_5, %broadcast_in_dim3A_533] : memref<32x128xf32, #tpu.memory_space<vmem>>[vector<16xi32>, vector<16xi32>], vector<16xf32>,
    tpu.vector_store_idx %arg7[%iota3A, %broadcast_in_dim3A_535], %gather3A_541 : memref<32x512xf32, #tpu.memory_space<vmem>>[vector<16xi32>, vector<16xi32>], vector<16xf32>,
    tpu.vector_store_idx %arg7[%add3A_5, %broadcast_in_dim3A_535], %gather3A_547 : memref<32x512xf32, #tpu.memory_space<vmem>>[vector<16xi32>, vector<16xi32>], vector<16xf32>,
    %dma_wait3A_548 = arith.constant 7 : i32
    %dma_wait3A_549 = arith.constant 0 : i32
    %dma_wait3A_550 = arith.constant 0 : i32
    %dma_wait3A_551 = tpu.memref_slice %arg6[%dma_wait3A_548, %dma_wait3A_549, %dma_wait3A_550] : memref<16x32x128xf32, #tpu.memory_space<vmem>> -> memref<1x32x128xf32, #tpu.memory_space<vmem>>
    %dma_wait3A_552 = tpu.memref_squeeze %dma_wait3A_551 : memref<1x32x128xf32, #tpu.memory_space<vmem>> -> memref<32x128xf32, #tpu.memory_space<vmem>>
    %dma_wait3A_553 = arith.constant 0 : i32
    %dma_wait3A_554 = arith.constant 0 : i32
    %dma_wait3A_555 = tpu.memref_slice %arg3[%dma_wait3A_553, %dma_wait3A_554] : memref<32x1000001xf32, #tpu.memory_space<hbm>> -> memref<32x128xf32, #tpu.memory_space<hbm>>
    %dma_wait3A_556 = arith.constant 0 : i32
    %dma_wait3A_557 = arith.constant 0 : i32
    %dma_wait3A_558 = tpu.memref_slice %arg6[%dma_wait3A_548, %dma_wait3A_556, %dma_wait3A_557] : memref<16x32x128xf32, #tpu.memory_space<vmem>> -> memref<1x32x128xf32, #tpu.memory_space<vmem>>
    %dma_wait3A_559 = tpu.memref_squeeze %dma_wait3A_558 : memref<1x32x128xf32, #tpu.memory_space<vmem>> -> memref<32x128xf32, #tpu.memory_space<vmem>>
    %dma_wait3A_560 = arith.constant 0 : i32
    %dma_wait3A_561 = arith.constant 0 : i32
    %dma_wait3A_562 = tpu.memref_slice %arg3[%dma_wait3A_560, %dma_wait3A_561] : memref<32x1000001xf32, #tpu.memory_space<hbm>> -> memref<32x128xf32, #tpu.memory_space<hbm>>
    tpu.wait_dma2 semaphore(%arg8 : memref<!tpu.dma_semaphore, #tpu.memory_space<semaphore_mem>>) src(%dma_wait3A_562 : memref<32x128xf32, #tpu.memory_space<hbm>>) dst(%dma_wait3A_559 : memref<32x128xf32, #tpu.memory_space<vmem>>)
    %slice3A_563 = vector.extract_strided_slice %get3A_313 {offsets = [7], sizes = [1], strides = [1]} : vector<16xi32> to vector<1xi32>
    %squeeze3A_564 = vector.extract %slice3A_563[0] : i32 from vector<1xi32>
    %and3A_565 = arith.constant 127 : i32
    %and3A_566 = arith.andi %squeeze3A_564, %and3A_565 : i32
    %broadcast_in_dim3A_567 = vector.broadcast %and3A_566 : i32 to vector<16xi32>
    %broadcast_in_dim3A_568 = arith.constant 503 : i32
    %broadcast_in_dim3A_569 = vector.broadcast %broadcast_in_dim3A_568 : i32 to vector<16xi32>
    %gather3A_570 = arith.constant 7 : i32
    %gather3A_571 = arith.constant 0 : i32
    %gather3A_572 = arith.constant 0 : i32
    %gather3A_573 = tpu.memref_slice %arg6[%gather3A_570, %gather3A_571, %gather3A_572] : memref<16x32x128xf32, #tpu.memory_space<vmem>> -> memref<1x32x128xf32, #tpu.memory_space<vmem>>
    %gather3A_574 = tpu.memref_squeeze %gather3A_573 : memref<1x32x128xf32, #tpu.memory_space<vmem>> -> memref<32x128xf32, #tpu.memory_space<vmem>>
    %gather3A_575 = tpu.vector_load_idx %gather3A_574[%iota3A, %broadcast_in_dim3A_567] : memref<32x128xf32, #tpu.memory_space<vmem>>[vector<16xi32>, vector<16xi32>], vector<16xf32>,
    %gather3A_576 = arith.constant 7 : i32
    %gather3A_577 = arith.constant 0 : i32
    %gather3A_578 = arith.constant 0 : i32
    %gather3A_579 = tpu.memref_slice %arg6[%gather3A_576, %gather3A_577, %gather3A_578] : memref<16x32x128xf32, #tpu.memory_space<vmem>> -> memref<1x32x128xf32, #tpu.memory_space<vmem>>
    %gather3A_580 = tpu.memref_squeeze %gather3A_579 : memref<1x32x128xf32, #tpu.memory_space<vmem>> -> memref<32x128xf32, #tpu.memory_space<vmem>>
    %gather3A_581 = tpu.vector_load_idx %gather3A_580[%add3A_5, %broadcast_in_dim3A_567] : memref<32x128xf32, #tpu.memory_space<vmem>>[vector<16xi32>, vector<16xi32>], vector<16xf32>,
    tpu.vector_store_idx %arg7[%iota3A, %broadcast_in_dim3A_569], %gather3A_575 : memref<32x512xf32, #tpu.memory_space<vmem>>[vector<16xi32>, vector<16xi32>], vector<16xf32>,
    tpu.vector_store_idx %arg7[%add3A_5, %broadcast_in_dim3A_569], %gather3A_581 : memref<32x512xf32, #tpu.memory_space<vmem>>[vector<16xi32>, vector<16xi32>], vector<16xf32>,
    %dma_wait3A_582 = arith.constant 8 : i32
    %dma_wait3A_583 = arith.constant 0 : i32
    %dma_wait3A_584 = arith.constant 0 : i32
    %dma_wait3A_585 = tpu.memref_slice %arg6[%dma_wait3A_582, %dma_wait3A_583, %dma_wait3A_584] : memref<16x32x128xf32, #tpu.memory_space<vmem>> -> memref<1x32x128xf32, #tpu.memory_space<vmem>>
    %dma_wait3A_586 = tpu.memref_squeeze %dma_wait3A_585 : memref<1x32x128xf32, #tpu.memory_space<vmem>> -> memref<32x128xf32, #tpu.memory_space<vmem>>
    %dma_wait3A_587 = arith.constant 0 : i32
    %dma_wait3A_588 = arith.constant 0 : i32
    %dma_wait3A_589 = tpu.memref_slice %arg3[%dma_wait3A_587, %dma_wait3A_588] : memref<32x1000001xf32, #tpu.memory_space<hbm>> -> memref<32x128xf32, #tpu.memory_space<hbm>>
    %dma_wait3A_590 = arith.constant 0 : i32
    %dma_wait3A_591 = arith.constant 0 : i32
    %dma_wait3A_592 = tpu.memref_slice %arg6[%dma_wait3A_582, %dma_wait3A_590, %dma_wait3A_591] : memref<16x32x128xf32, #tpu.memory_space<vmem>> -> memref<1x32x128xf32, #tpu.memory_space<vmem>>
    %dma_wait3A_593 = tpu.memref_squeeze %dma_wait3A_592 : memref<1x32x128xf32, #tpu.memory_space<vmem>> -> memref<32x128xf32, #tpu.memory_space<vmem>>
    %dma_wait3A_594 = arith.constant 0 : i32
    %dma_wait3A_595 = arith.constant 0 : i32
    %dma_wait3A_596 = tpu.memref_slice %arg3[%dma_wait3A_594, %dma_wait3A_595] : memref<32x1000001xf32, #tpu.memory_space<hbm>> -> memref<32x128xf32, #tpu.memory_space<hbm>>
    tpu.wait_dma2 semaphore(%arg8 : memref<!tpu.dma_semaphore, #tpu.memory_space<semaphore_mem>>) src(%dma_wait3A_596 : memref<32x128xf32, #tpu.memory_space<hbm>>) dst(%dma_wait3A_593 : memref<32x128xf32, #tpu.memory_space<vmem>>)
    %slice3A_597 = vector.extract_strided_slice %get3A_313 {offsets = [8], sizes = [1], strides = [1]} : vector<16xi32> to vector<1xi32>
    %squeeze3A_598 = vector.extract %slice3A_597[0] : i32 from vector<1xi32>
    %and3A_599 = arith.constant 127 : i32
    %and3A_600 = arith.andi %squeeze3A_598, %and3A_599 : i32
    %broadcast_in_dim3A_601 = vector.broadcast %and3A_600 : i32 to vector<16xi32>
    %broadcast_in_dim3A_602 = arith.constant 504 : i32
    %broadcast_in_dim3A_603 = vector.broadcast %broadcast_in_dim3A_602 : i32 to vector<16xi32>
    %gather3A_604 = arith.constant 8 : i32
    %gather3A_605 = arith.constant 0 : i32
    %gather3A_606 = arith.constant 0 : i32
    %gather3A_607 = tpu.memref_slice %arg6[%gather3A_604, %gather3A_605, %gather3A_606] : memref<16x32x128xf32, #tpu.memory_space<vmem>> -> memref<1x32x128xf32, #tpu.memory_space<vmem>>
    %gather3A_608 = tpu.memref_squeeze %gather3A_607 : memref<1x32x128xf32, #tpu.memory_space<vmem>> -> memref<32x128xf32, #tpu.memory_space<vmem>>
    %gather3A_609 = tpu.vector_load_idx %gather3A_608[%iota3A, %broadcast_in_dim3A_601] : memref<32x128xf32, #tpu.memory_space<vmem>>[vector<16xi32>, vector<16xi32>], vector<16xf32>,
    %gather3A_610 = arith.constant 8 : i32
    %gather3A_611 = arith.constant 0 : i32
    %gather3A_612 = arith.constant 0 : i32
    %gather3A_613 = tpu.memref_slice %arg6[%gather3A_610, %gather3A_611, %gather3A_612] : memref<16x32x128xf32, #tpu.memory_space<vmem>> -> memref<1x32x128xf32, #tpu.memory_space<vmem>>
    %gather3A_614 = tpu.memref_squeeze %gather3A_613 : memref<1x32x128xf32, #tpu.memory_space<vmem>> -> memref<32x128xf32, #tpu.memory_space<vmem>>
    %gather3A_615 = tpu.vector_load_idx %gather3A_614[%add3A_5, %broadcast_in_dim3A_601] : memref<32x128xf32, #tpu.memory_space<vmem>>[vector<16xi32>, vector<16xi32>], vector<16xf32>,
    tpu.vector_store_idx %arg7[%iota3A, %broadcast_in_dim3A_603], %gather3A_609 : memref<32x512xf32, #tpu.memory_space<vmem>>[vector<16xi32>, vector<16xi32>], vector<16xf32>,
    tpu.vector_store_idx %arg7[%add3A_5, %broadcast_in_dim3A_603], %gather3A_615 : memref<32x512xf32, #tpu.memory_space<vmem>>[vector<16xi32>, vector<16xi32>], vector<16xf32>,
    %dma_wait3A_616 = arith.constant 9 : i32
    %dma_wait3A_617 = arith.constant 0 : i32
    %dma_wait3A_618 = arith.constant 0 : i32
    %dma_wait3A_619 = tpu.memref_slice %arg6[%dma_wait3A_616, %dma_wait3A_617, %dma_wait3A_618] : memref<16x32x128xf32, #tpu.memory_space<vmem>> -> memref<1x32x128xf32, #tpu.memory_space<vmem>>
    %dma_wait3A_620 = tpu.memref_squeeze %dma_wait3A_619 : memref<1x32x128xf32, #tpu.memory_space<vmem>> -> memref<32x128xf32, #tpu.memory_space<vmem>>
    %dma_wait3A_621 = arith.constant 0 : i32
    %dma_wait3A_622 = arith.constant 0 : i32
    %dma_wait3A_623 = tpu.memref_slice %arg3[%dma_wait3A_621, %dma_wait3A_622] : memref<32x1000001xf32, #tpu.memory_space<hbm>> -> memref<32x128xf32, #tpu.memory_space<hbm>>
    %dma_wait3A_624 = arith.constant 0 : i32
    %dma_wait3A_625 = arith.constant 0 : i32
    %dma_wait3A_626 = tpu.memref_slice %arg6[%dma_wait3A_616, %dma_wait3A_624, %dma_wait3A_625] : memref<16x32x128xf32, #tpu.memory_space<vmem>> -> memref<1x32x128xf32, #tpu.memory_space<vmem>>
    %dma_wait3A_627 = tpu.memref_squeeze %dma_wait3A_626 : memref<1x32x128xf32, #tpu.memory_space<vmem>> -> memref<32x128xf32, #tpu.memory_space<vmem>>
    %dma_wait3A_628 = arith.constant 0 : i32
    %dma_wait3A_629 = arith.constant 0 : i32
    %dma_wait3A_630 = tpu.memref_slice %arg3[%dma_wait3A_628, %dma_wait3A_629] : memref<32x1000001xf32, #tpu.memory_space<hbm>> -> memref<32x128xf32, #tpu.memory_space<hbm>>
    tpu.wait_dma2 semaphore(%arg8 : memref<!tpu.dma_semaphore, #tpu.memory_space<semaphore_mem>>) src(%dma_wait3A_630 : memref<32x128xf32, #tpu.memory_space<hbm>>) dst(%dma_wait3A_627 : memref<32x128xf32, #tpu.memory_space<vmem>>)
    %slice3A_631 = vector.extract_strided_slice %get3A_313 {offsets = [9], sizes = [1], strides = [1]} : vector<16xi32> to vector<1xi32>
    %squeeze3A_632 = vector.extract %slice3A_631[0] : i32 from vector<1xi32>
    %and3A_633 = arith.constant 127 : i32
    %and3A_634 = arith.andi %squeeze3A_632, %and3A_633 : i32
    %broadcast_in_dim3A_635 = vector.broadcast %and3A_634 : i32 to vector<16xi32>
    %broadcast_in_dim3A_636 = arith.constant 505 : i32
    %broadcast_in_dim3A_637 = vector.broadcast %broadcast_in_dim3A_636 : i32 to vector<16xi32>
    %gather3A_638 = arith.constant 9 : i32
    %gather3A_639 = arith.constant 0 : i32
    %gather3A_640 = arith.constant 0 : i32
    %gather3A_641 = tpu.memref_slice %arg6[%gather3A_638, %gather3A_639, %gather3A_640] : memref<16x32x128xf32, #tpu.memory_space<vmem>> -> memref<1x32x128xf32, #tpu.memory_space<vmem>>
    %gather3A_642 = tpu.memref_squeeze %gather3A_641 : memref<1x32x128xf32, #tpu.memory_space<vmem>> -> memref<32x128xf32, #tpu.memory_space<vmem>>
    %gather3A_643 = tpu.vector_load_idx %gather3A_642[%iota3A, %broadcast_in_dim3A_635] : memref<32x128xf32, #tpu.memory_space<vmem>>[vector<16xi32>, vector<16xi32>], vector<16xf32>,
    %gather3A_644 = arith.constant 9 : i32
    %gather3A_645 = arith.constant 0 : i32
    %gather3A_646 = arith.constant 0 : i32
    %gather3A_647 = tpu.memref_slice %arg6[%gather3A_644, %gather3A_645, %gather3A_646] : memref<16x32x128xf32, #tpu.memory_space<vmem>> -> memref<1x32x128xf32, #tpu.memory_space<vmem>>
    %gather3A_648 = tpu.memref_squeeze %gather3A_647 : memref<1x32x128xf32, #tpu.memory_space<vmem>> -> memref<32x128xf32, #tpu.memory_space<vmem>>
    %gather3A_649 = tpu.vector_load_idx %gather3A_648[%add3A_5, %broadcast_in_dim3A_635] : memref<32x128xf32, #tpu.memory_space<vmem>>[vector<16xi32>, vector<16xi32>], vector<16xf32>,
    tpu.vector_store_idx %arg7[%iota3A, %broadcast_in_dim3A_637], %gather3A_643 : memref<32x512xf32, #tpu.memory_space<vmem>>[vector<16xi32>, vector<16xi32>], vector<16xf32>,
    tpu.vector_store_idx %arg7[%add3A_5, %broadcast_in_dim3A_637], %gather3A_649 : memref<32x512xf32, #tpu.memory_space<vmem>>[vector<16xi32>, vector<16xi32>], vector<16xf32>,
    %dma_wait3A_650 = arith.constant 10 : i32
    %dma_wait3A_651 = arith.constant 0 : i32
    %dma_wait3A_652 = arith.constant 0 : i32
    %dma_wait3A_653 = tpu.memref_slice %arg6[%dma_wait3A_650, %dma_wait3A_651, %dma_wait3A_652] : memref<16x32x128xf32, #tpu.memory_space<vmem>> -> memref<1x32x128xf32, #tpu.memory_space<vmem>>
    %dma_wait3A_654 = tpu.memref_squeeze %dma_wait3A_653 : memref<1x32x128xf32, #tpu.memory_space<vmem>> -> memref<32x128xf32, #tpu.memory_space<vmem>>
    %dma_wait3A_655 = arith.constant 0 : i32
    %dma_wait3A_656 = arith.constant 0 : i32
    %dma_wait3A_657 = tpu.memref_slice %arg3[%dma_wait3A_655, %dma_wait3A_656] : memref<32x1000001xf32, #tpu.memory_space<hbm>> -> memref<32x128xf32, #tpu.memory_space<hbm>>
    %dma_wait3A_658 = arith.constant 0 : i32
    %dma_wait3A_659 = arith.constant 0 : i32
    %dma_wait3A_660 = tpu.memref_slice %arg6[%dma_wait3A_650, %dma_wait3A_658, %dma_wait3A_659] : memref<16x32x128xf32, #tpu.memory_space<vmem>> -> memref<1x32x128xf32, #tpu.memory_space<vmem>>
    %dma_wait3A_661 = tpu.memref_squeeze %dma_wait3A_660 : memref<1x32x128xf32, #tpu.memory_space<vmem>> -> memref<32x128xf32, #tpu.memory_space<vmem>>
    %dma_wait3A_662 = arith.constant 0 : i32
    %dma_wait3A_663 = arith.constant 0 : i32
    %dma_wait3A_664 = tpu.memref_slice %arg3[%dma_wait3A_662, %dma_wait3A_663] : memref<32x1000001xf32, #tpu.memory_space<hbm>> -> memref<32x128xf32, #tpu.memory_space<hbm>>
    tpu.wait_dma2 semaphore(%arg8 : memref<!tpu.dma_semaphore, #tpu.memory_space<semaphore_mem>>) src(%dma_wait3A_664 : memref<32x128xf32, #tpu.memory_space<hbm>>) dst(%dma_wait3A_661 : memref<32x128xf32, #tpu.memory_space<vmem>>)
    %slice3A_665 = vector.extract_strided_slice %get3A_313 {offsets = [10], sizes = [1], strides = [1]} : vector<16xi32> to vector<1xi32>
    %squeeze3A_666 = vector.extract %slice3A_665[0] : i32 from vector<1xi32>
    %and3A_667 = arith.constant 127 : i32
    %and3A_668 = arith.andi %squeeze3A_666, %and3A_667 : i32
    %broadcast_in_dim3A_669 = vector.broadcast %and3A_668 : i32 to vector<16xi32>
    %broadcast_in_dim3A_670 = arith.constant 506 : i32
    %broadcast_in_dim3A_671 = vector.broadcast %broadcast_in_dim3A_670 : i32 to vector<16xi32>
    %gather3A_672 = arith.constant 10 : i32
    %gather3A_673 = arith.constant 0 : i32
    %gather3A_674 = arith.constant 0 : i32
    %gather3A_675 = tpu.memref_slice %arg6[%gather3A_672, %gather3A_673, %gather3A_674] : memref<16x32x128xf32, #tpu.memory_space<vmem>> -> memref<1x32x128xf32, #tpu.memory_space<vmem>>
    %gather3A_676 = tpu.memref_squeeze %gather3A_675 : memref<1x32x128xf32, #tpu.memory_space<vmem>> -> memref<32x128xf32, #tpu.memory_space<vmem>>
    %gather3A_677 = tpu.vector_load_idx %gather3A_676[%iota3A, %broadcast_in_dim3A_669] : memref<32x128xf32, #tpu.memory_space<vmem>>[vector<16xi32>, vector<16xi32>], vector<16xf32>,
    %gather3A_678 = arith.constant 10 : i32
    %gather3A_679 = arith.constant 0 : i32
    %gather3A_680 = arith.constant 0 : i32
    %gather3A_681 = tpu.memref_slice %arg6[%gather3A_678, %gather3A_679, %gather3A_680] : memref<16x32x128xf32, #tpu.memory_space<vmem>> -> memref<1x32x128xf32, #tpu.memory_space<vmem>>
    %gather3A_682 = tpu.memref_squeeze %gather3A_681 : memref<1x32x128xf32, #tpu.memory_space<vmem>> -> memref<32x128xf32, #tpu.memory_space<vmem>>
    %gather3A_683 = tpu.vector_load_idx %gather3A_682[%add3A_5, %broadcast_in_dim3A_669] : memref<32x128xf32, #tpu.memory_space<vmem>>[vector<16xi32>, vector<16xi32>], vector<16xf32>,
    tpu.vector_store_idx %arg7[%iota3A, %broadcast_in_dim3A_671], %gather3A_677 : memref<32x512xf32, #tpu.memory_space<vmem>>[vector<16xi32>, vector<16xi32>], vector<16xf32>,
    tpu.vector_store_idx %arg7[%add3A_5, %broadcast_in_dim3A_671], %gather3A_683 : memref<32x512xf32, #tpu.memory_space<vmem>>[vector<16xi32>, vector<16xi32>], vector<16xf32>,
    %dma_wait3A_684 = arith.constant 11 : i32
    %dma_wait3A_685 = arith.constant 0 : i32
    %dma_wait3A_686 = arith.constant 0 : i32
    %dma_wait3A_687 = tpu.memref_slice %arg6[%dma_wait3A_684, %dma_wait3A_685, %dma_wait3A_686] : memref<16x32x128xf32, #tpu.memory_space<vmem>> -> memref<1x32x128xf32, #tpu.memory_space<vmem>>
    %dma_wait3A_688 = tpu.memref_squeeze %dma_wait3A_687 : memref<1x32x128xf32, #tpu.memory_space<vmem>> -> memref<32x128xf32, #tpu.memory_space<vmem>>
    %dma_wait3A_689 = arith.constant 0 : i32
    %dma_wait3A_690 = arith.constant 0 : i32
    %dma_wait3A_691 = tpu.memref_slice %arg3[%dma_wait3A_689, %dma_wait3A_690] : memref<32x1000001xf32, #tpu.memory_space<hbm>> -> memref<32x128xf32, #tpu.memory_space<hbm>>
    %dma_wait3A_692 = arith.constant 0 : i32
    %dma_wait3A_693 = arith.constant 0 : i32
    %dma_wait3A_694 = tpu.memref_slice %arg6[%dma_wait3A_684, %dma_wait3A_692, %dma_wait3A_693] : memref<16x32x128xf32, #tpu.memory_space<vmem>> -> memref<1x32x128xf32, #tpu.memory_space<vmem>>
    %dma_wait3A_695 = tpu.memref_squeeze %dma_wait3A_694 : memref<1x32x128xf32, #tpu.memory_space<vmem>> -> memref<32x128xf32, #tpu.memory_space<vmem>>
    %dma_wait3A_696 = arith.constant 0 : i32
    %dma_wait3A_697 = arith.constant 0 : i32
    %dma_wait3A_698 = tpu.memref_slice %arg3[%dma_wait3A_696, %dma_wait3A_697] : memref<32x1000001xf32, #tpu.memory_space<hbm>> -> memref<32x128xf32, #tpu.memory_space<hbm>>
    tpu.wait_dma2 semaphore(%arg8 : memref<!tpu.dma_semaphore, #tpu.memory_space<semaphore_mem>>) src(%dma_wait3A_698 : memref<32x128xf32, #tpu.memory_space<hbm>>) dst(%dma_wait3A_695 : memref<32x128xf32, #tpu.memory_space<vmem>>)
    %slice3A_699 = vector.extract_strided_slice %get3A_313 {offsets = [11], sizes = [1], strides = [1]} : vector<16xi32> to vector<1xi32>
    %squeeze3A_700 = vector.extract %slice3A_699[0] : i32 from vector<1xi32>
    %and3A_701 = arith.constant 127 : i32
    %and3A_702 = arith.andi %squeeze3A_700, %and3A_701 : i32
    %broadcast_in_dim3A_703 = vector.broadcast %and3A_702 : i32 to vector<16xi32>
    %broadcast_in_dim3A_704 = arith.constant 507 : i32
    %broadcast_in_dim3A_705 = vector.broadcast %broadcast_in_dim3A_704 : i32 to vector<16xi32>
    %gather3A_706 = arith.constant 11 : i32
    %gather3A_707 = arith.constant 0 : i32
    %gather3A_708 = arith.constant 0 : i32
    %gather3A_709 = tpu.memref_slice %arg6[%gather3A_706, %gather3A_707, %gather3A_708] : memref<16x32x128xf32, #tpu.memory_space<vmem>> -> memref<1x32x128xf32, #tpu.memory_space<vmem>>
    %gather3A_710 = tpu.memref_squeeze %gather3A_709 : memref<1x32x128xf32, #tpu.memory_space<vmem>> -> memref<32x128xf32, #tpu.memory_space<vmem>>
    %gather3A_711 = tpu.vector_load_idx %gather3A_710[%iota3A, %broadcast_in_dim3A_703] : memref<32x128xf32, #tpu.memory_space<vmem>>[vector<16xi32>, vector<16xi32>], vector<16xf32>,
    %gather3A_712 = arith.constant 11 : i32
    %gather3A_713 = arith.constant 0 : i32
    %gather3A_714 = arith.constant 0 : i32
    %gather3A_715 = tpu.memref_slice %arg6[%gather3A_712, %gather3A_713, %gather3A_714] : memref<16x32x128xf32, #tpu.memory_space<vmem>> -> memref<1x32x128xf32, #tpu.memory_space<vmem>>
    %gather3A_716 = tpu.memref_squeeze %gather3A_715 : memref<1x32x128xf32, #tpu.memory_space<vmem>> -> memref<32x128xf32, #tpu.memory_space<vmem>>
    %gather3A_717 = tpu.vector_load_idx %gather3A_716[%add3A_5, %broadcast_in_dim3A_703] : memref<32x128xf32, #tpu.memory_space<vmem>>[vector<16xi32>, vector<16xi32>], vector<16xf32>,
    tpu.vector_store_idx %arg7[%iota3A, %broadcast_in_dim3A_705], %gather3A_711 : memref<32x512xf32, #tpu.memory_space<vmem>>[vector<16xi32>, vector<16xi32>], vector<16xf32>,
    tpu.vector_store_idx %arg7[%add3A_5, %broadcast_in_dim3A_705], %gather3A_717 : memref<32x512xf32, #tpu.memory_space<vmem>>[vector<16xi32>, vector<16xi32>], vector<16xf32>,
    %dma_wait3A_718 = arith.constant 12 : i32
    %dma_wait3A_719 = arith.constant 0 : i32
    %dma_wait3A_720 = arith.constant 0 : i32
    %dma_wait3A_721 = tpu.memref_slice %arg6[%dma_wait3A_718, %dma_wait3A_719, %dma_wait3A_720] : memref<16x32x128xf32, #tpu.memory_space<vmem>> -> memref<1x32x128xf32, #tpu.memory_space<vmem>>
    %dma_wait3A_722 = tpu.memref_squeeze %dma_wait3A_721 : memref<1x32x128xf32, #tpu.memory_space<vmem>> -> memref<32x128xf32, #tpu.memory_space<vmem>>
    %dma_wait3A_723 = arith.constant 0 : i32
    %dma_wait3A_724 = arith.constant 0 : i32
    %dma_wait3A_725 = tpu.memref_slice %arg3[%dma_wait3A_723, %dma_wait3A_724] : memref<32x1000001xf32, #tpu.memory_space<hbm>> -> memref<32x128xf32, #tpu.memory_space<hbm>>
    %dma_wait3A_726 = arith.constant 0 : i32
    %dma_wait3A_727 = arith.constant 0 : i32
    %dma_wait3A_728 = tpu.memref_slice %arg6[%dma_wait3A_718, %dma_wait3A_726, %dma_wait3A_727] : memref<16x32x128xf32, #tpu.memory_space<vmem>> -> memref<1x32x128xf32, #tpu.memory_space<vmem>>
    %dma_wait3A_729 = tpu.memref_squeeze %dma_wait3A_728 : memref<1x32x128xf32, #tpu.memory_space<vmem>> -> memref<32x128xf32, #tpu.memory_space<vmem>>
    %dma_wait3A_730 = arith.constant 0 : i32
    %dma_wait3A_731 = arith.constant 0 : i32
    %dma_wait3A_732 = tpu.memref_slice %arg3[%dma_wait3A_730, %dma_wait3A_731] : memref<32x1000001xf32, #tpu.memory_space<hbm>> -> memref<32x128xf32, #tpu.memory_space<hbm>>
    tpu.wait_dma2 semaphore(%arg8 : memref<!tpu.dma_semaphore, #tpu.memory_space<semaphore_mem>>) src(%dma_wait3A_732 : memref<32x128xf32, #tpu.memory_space<hbm>>) dst(%dma_wait3A_729 : memref<32x128xf32, #tpu.memory_space<vmem>>)
    %slice3A_733 = vector.extract_strided_slice %get3A_313 {offsets = [12], sizes = [1], strides = [1]} : vector<16xi32> to vector<1xi32>
    %squeeze3A_734 = vector.extract %slice3A_733[0] : i32 from vector<1xi32>
    %and3A_735 = arith.constant 127 : i32
    %and3A_736 = arith.andi %squeeze3A_734, %and3A_735 : i32
    %broadcast_in_dim3A_737 = vector.broadcast %and3A_736 : i32 to vector<16xi32>
    %broadcast_in_dim3A_738 = arith.constant 508 : i32
    %broadcast_in_dim3A_739 = vector.broadcast %broadcast_in_dim3A_738 : i32 to vector<16xi32>
    %gather3A_740 = arith.constant 12 : i32
    %gather3A_741 = arith.constant 0 : i32
    %gather3A_742 = arith.constant 0 : i32
    %gather3A_743 = tpu.memref_slice %arg6[%gather3A_740, %gather3A_741, %gather3A_742] : memref<16x32x128xf32, #tpu.memory_space<vmem>> -> memref<1x32x128xf32, #tpu.memory_space<vmem>>
    %gather3A_744 = tpu.memref_squeeze %gather3A_743 : memref<1x32x128xf32, #tpu.memory_space<vmem>> -> memref<32x128xf32, #tpu.memory_space<vmem>>
    %gather3A_745 = tpu.vector_load_idx %gather3A_744[%iota3A, %broadcast_in_dim3A_737] : memref<32x128xf32, #tpu.memory_space<vmem>>[vector<16xi32>, vector<16xi32>], vector<16xf32>,
    %gather3A_746 = arith.constant 12 : i32
    %gather3A_747 = arith.constant 0 : i32
    %gather3A_748 = arith.constant 0 : i32
    %gather3A_749 = tpu.memref_slice %arg6[%gather3A_746, %gather3A_747, %gather3A_748] : memref<16x32x128xf32, #tpu.memory_space<vmem>> -> memref<1x32x128xf32, #tpu.memory_space<vmem>>
    %gather3A_750 = tpu.memref_squeeze %gather3A_749 : memref<1x32x128xf32, #tpu.memory_space<vmem>> -> memref<32x128xf32, #tpu.memory_space<vmem>>
    %gather3A_751 = tpu.vector_load_idx %gather3A_750[%add3A_5, %broadcast_in_dim3A_737] : memref<32x128xf32, #tpu.memory_space<vmem>>[vector<16xi32>, vector<16xi32>], vector<16xf32>,
    tpu.vector_store_idx %arg7[%iota3A, %broadcast_in_dim3A_739], %gather3A_745 : memref<32x512xf32, #tpu.memory_space<vmem>>[vector<16xi32>, vector<16xi32>], vector<16xf32>,
    tpu.vector_store_idx %arg7[%add3A_5, %broadcast_in_dim3A_739], %gather3A_751 : memref<32x512xf32, #tpu.memory_space<vmem>>[vector<16xi32>, vector<16xi32>], vector<16xf32>,
    %dma_wait3A_752 = arith.constant 13 : i32
    %dma_wait3A_753 = arith.constant 0 : i32
    %dma_wait3A_754 = arith.constant 0 : i32
    %dma_wait3A_755 = tpu.memref_slice %arg6[%dma_wait3A_752, %dma_wait3A_753, %dma_wait3A_754] : memref<16x32x128xf32, #tpu.memory_space<vmem>> -> memref<1x32x128xf32, #tpu.memory_space<vmem>>
    %dma_wait3A_756 = tpu.memref_squeeze %dma_wait3A_755 : memref<1x32x128xf32, #tpu.memory_space<vmem>> -> memref<32x128xf32, #tpu.memory_space<vmem>>
    %dma_wait3A_757 = arith.constant 0 : i32
    %dma_wait3A_758 = arith.constant 0 : i32
    %dma_wait3A_759 = tpu.memref_slice %arg3[%dma_wait3A_757, %dma_wait3A_758] : memref<32x1000001xf32, #tpu.memory_space<hbm>> -> memref<32x128xf32, #tpu.memory_space<hbm>>
    %dma_wait3A_760 = arith.constant 0 : i32
    %dma_wait3A_761 = arith.constant 0 : i32
    %dma_wait3A_762 = tpu.memref_slice %arg6[%dma_wait3A_752, %dma_wait3A_760, %dma_wait3A_761] : memref<16x32x128xf32, #tpu.memory_space<vmem>> -> memref<1x32x128xf32, #tpu.memory_space<vmem>>
    %dma_wait3A_763 = tpu.memref_squeeze %dma_wait3A_762 : memref<1x32x128xf32, #tpu.memory_space<vmem>> -> memref<32x128xf32, #tpu.memory_space<vmem>>
    %dma_wait3A_764 = arith.constant 0 : i32
    %dma_wait3A_765 = arith.constant 0 : i32
    %dma_wait3A_766 = tpu.memref_slice %arg3[%dma_wait3A_764, %dma_wait3A_765] : memref<32x1000001xf32, #tpu.memory_space<hbm>> -> memref<32x128xf32, #tpu.memory_space<hbm>>
    tpu.wait_dma2 semaphore(%arg8 : memref<!tpu.dma_semaphore, #tpu.memory_space<semaphore_mem>>) src(%dma_wait3A_766 : memref<32x128xf32, #tpu.memory_space<hbm>>) dst(%dma_wait3A_763 : memref<32x128xf32, #tpu.memory_space<vmem>>)
    %slice3A_767 = vector.extract_strided_slice %get3A_313 {offsets = [13], sizes = [1], strides = [1]} : vector<16xi32> to vector<1xi32>
    %squeeze3A_768 = vector.extract %slice3A_767[0] : i32 from vector<1xi32>
    %and3A_769 = arith.constant 127 : i32
    %and3A_770 = arith.andi %squeeze3A_768, %and3A_769 : i32
    %broadcast_in_dim3A_771 = vector.broadcast %and3A_770 : i32 to vector<16xi32>
    %broadcast_in_dim3A_772 = arith.constant 509 : i32
    %broadcast_in_dim3A_773 = vector.broadcast %broadcast_in_dim3A_772 : i32 to vector<16xi32>
    %gather3A_774 = arith.constant 13 : i32
    %gather3A_775 = arith.constant 0 : i32
    %gather3A_776 = arith.constant 0 : i32
    %gather3A_777 = tpu.memref_slice %arg6[%gather3A_774, %gather3A_775, %gather3A_776] : memref<16x32x128xf32, #tpu.memory_space<vmem>> -> memref<1x32x128xf32, #tpu.memory_space<vmem>>
    %gather3A_778 = tpu.memref_squeeze %gather3A_777 : memref<1x32x128xf32, #tpu.memory_space<vmem>> -> memref<32x128xf32, #tpu.memory_space<vmem>>
    %gather3A_779 = tpu.vector_load_idx %gather3A_778[%iota3A, %broadcast_in_dim3A_771] : memref<32x128xf32, #tpu.memory_space<vmem>>[vector<16xi32>, vector<16xi32>], vector<16xf32>,
    %gather3A_780 = arith.constant 13 : i32
    %gather3A_781 = arith.constant 0 : i32
    %gather3A_782 = arith.constant 0 : i32
    %gather3A_783 = tpu.memref_slice %arg6[%gather3A_780, %gather3A_781, %gather3A_782] : memref<16x32x128xf32, #tpu.memory_space<vmem>> -> memref<1x32x128xf32, #tpu.memory_space<vmem>>
    %gather3A_784 = tpu.memref_squeeze %gather3A_783 : memref<1x32x128xf32, #tpu.memory_space<vmem>> -> memref<32x128xf32, #tpu.memory_space<vmem>>
    %gather3A_785 = tpu.vector_load_idx %gather3A_784[%add3A_5, %broadcast_in_dim3A_771] : memref<32x128xf32, #tpu.memory_space<vmem>>[vector<16xi32>, vector<16xi32>], vector<16xf32>,
    tpu.vector_store_idx %arg7[%iota3A, %broadcast_in_dim3A_773], %gather3A_779 : memref<32x512xf32, #tpu.memory_space<vmem>>[vector<16xi32>, vector<16xi32>], vector<16xf32>,
    tpu.vector_store_idx %arg7[%add3A_5, %broadcast_in_dim3A_773], %gather3A_785 : memref<32x512xf32, #tpu.memory_space<vmem>>[vector<16xi32>, vector<16xi32>], vector<16xf32>,
    %dma_wait3A_786 = arith.constant 14 : i32
    %dma_wait3A_787 = arith.constant 0 : i32
    %dma_wait3A_788 = arith.constant 0 : i32
    %dma_wait3A_789 = tpu.memref_slice %arg6[%dma_wait3A_786, %dma_wait3A_787, %dma_wait3A_788] : memref<16x32x128xf32, #tpu.memory_space<vmem>> -> memref<1x32x128xf32, #tpu.memory_space<vmem>>
    %dma_wait3A_790 = tpu.memref_squeeze %dma_wait3A_789 : memref<1x32x128xf32, #tpu.memory_space<vmem>> -> memref<32x128xf32, #tpu.memory_space<vmem>>
    %dma_wait3A_791 = arith.constant 0 : i32
    %dma_wait3A_792 = arith.constant 0 : i32
    %dma_wait3A_793 = tpu.memref_slice %arg3[%dma_wait3A_791, %dma_wait3A_792] : memref<32x1000001xf32, #tpu.memory_space<hbm>> -> memref<32x128xf32, #tpu.memory_space<hbm>>
    %dma_wait3A_794 = arith.constant 0 : i32
    %dma_wait3A_795 = arith.constant 0 : i32
    %dma_wait3A_796 = tpu.memref_slice %arg6[%dma_wait3A_786, %dma_wait3A_794, %dma_wait3A_795] : memref<16x32x128xf32, #tpu.memory_space<vmem>> -> memref<1x32x128xf32, #tpu.memory_space<vmem>>
    %dma_wait3A_797 = tpu.memref_squeeze %dma_wait3A_796 : memref<1x32x128xf32, #tpu.memory_space<vmem>> -> memref<32x128xf32, #tpu.memory_space<vmem>>
    %dma_wait3A_798 = arith.constant 0 : i32
    %dma_wait3A_799 = arith.constant 0 : i32
    %dma_wait3A_800 = tpu.memref_slice %arg3[%dma_wait3A_798, %dma_wait3A_799] : memref<32x1000001xf32, #tpu.memory_space<hbm>> -> memref<32x128xf32, #tpu.memory_space<hbm>>
    tpu.wait_dma2 semaphore(%arg8 : memref<!tpu.dma_semaphore, #tpu.memory_space<semaphore_mem>>) src(%dma_wait3A_800 : memref<32x128xf32, #tpu.memory_space<hbm>>) dst(%dma_wait3A_797 : memref<32x128xf32, #tpu.memory_space<vmem>>)
    %slice3A_801 = vector.extract_strided_slice %get3A_313 {offsets = [14], sizes = [1], strides = [1]} : vector<16xi32> to vector<1xi32>
    %squeeze3A_802 = vector.extract %slice3A_801[0] : i32 from vector<1xi32>
    %and3A_803 = arith.constant 127 : i32
    %and3A_804 = arith.andi %squeeze3A_802, %and3A_803 : i32
    %broadcast_in_dim3A_805 = vector.broadcast %and3A_804 : i32 to vector<16xi32>
    %broadcast_in_dim3A_806 = arith.constant 510 : i32
    %broadcast_in_dim3A_807 = vector.broadcast %broadcast_in_dim3A_806 : i32 to vector<16xi32>
    %gather3A_808 = arith.constant 14 : i32
    %gather3A_809 = arith.constant 0 : i32
    %gather3A_810 = arith.constant 0 : i32
    %gather3A_811 = tpu.memref_slice %arg6[%gather3A_808, %gather3A_809, %gather3A_810] : memref<16x32x128xf32, #tpu.memory_space<vmem>> -> memref<1x32x128xf32, #tpu.memory_space<vmem>>
    %gather3A_812 = tpu.memref_squeeze %gather3A_811 : memref<1x32x128xf32, #tpu.memory_space<vmem>> -> memref<32x128xf32, #tpu.memory_space<vmem>>
    %gather3A_813 = tpu.vector_load_idx %gather3A_812[%iota3A, %broadcast_in_dim3A_805] : memref<32x128xf32, #tpu.memory_space<vmem>>[vector<16xi32>, vector<16xi32>], vector<16xf32>,
    %gather3A_814 = arith.constant 14 : i32
    %gather3A_815 = arith.constant 0 : i32
    %gather3A_816 = arith.constant 0 : i32
    %gather3A_817 = tpu.memref_slice %arg6[%gather3A_814, %gather3A_815, %gather3A_816] : memref<16x32x128xf32, #tpu.memory_space<vmem>> -> memref<1x32x128xf32, #tpu.memory_space<vmem>>
    %gather3A_818 = tpu.memref_squeeze %gather3A_817 : memref<1x32x128xf32, #tpu.memory_space<vmem>> -> memref<32x128xf32, #tpu.memory_space<vmem>>
    %gather3A_819 = tpu.vector_load_idx %gather3A_818[%add3A_5, %broadcast_in_dim3A_805] : memref<32x128xf32, #tpu.memory_space<vmem>>[vector<16xi32>, vector<16xi32>], vector<16xf32>,
    tpu.vector_store_idx %arg7[%iota3A, %broadcast_in_dim3A_807], %gather3A_813 : memref<32x512xf32, #tpu.memory_space<vmem>>[vector<16xi32>, vector<16xi32>], vector<16xf32>,
    tpu.vector_store_idx %arg7[%add3A_5, %broadcast_in_dim3A_807], %gather3A_819 : memref<32x512xf32, #tpu.memory_space<vmem>>[vector<16xi32>, vector<16xi32>], vector<16xf32>,
    %dma_wait3A_820 = arith.constant 15 : i32
    %dma_wait3A_821 = arith.constant 0 : i32
    %dma_wait3A_822 = arith.constant 0 : i32
    %dma_wait3A_823 = tpu.memref_slice %arg6[%dma_wait3A_820, %dma_wait3A_821, %dma_wait3A_822] : memref<16x32x128xf32, #tpu.memory_space<vmem>> -> memref<1x32x128xf32, #tpu.memory_space<vmem>>
    %dma_wait3A_824 = tpu.memref_squeeze %dma_wait3A_823 : memref<1x32x128xf32, #tpu.memory_space<vmem>> -> memref<32x128xf32, #tpu.memory_space<vmem>>
    %dma_wait3A_825 = arith.constant 0 : i32
    %dma_wait3A_826 = arith.constant 0 : i32
    %dma_wait3A_827 = tpu.memref_slice %arg3[%dma_wait3A_825, %dma_wait3A_826] : memref<32x1000001xf32, #tpu.memory_space<hbm>> -> memref<32x128xf32, #tpu.memory_space<hbm>>
    %dma_wait3A_828 = arith.constant 0 : i32
    %dma_wait3A_829 = arith.constant 0 : i32
    %dma_wait3A_830 = tpu.memref_slice %arg6[%dma_wait3A_820, %dma_wait3A_828, %dma_wait3A_829] : memref<16x32x128xf32, #tpu.memory_space<vmem>> -> memref<1x32x128xf32, #tpu.memory_space<vmem>>
    %dma_wait3A_831 = tpu.memref_squeeze %dma_wait3A_830 : memref<1x32x128xf32, #tpu.memory_space<vmem>> -> memref<32x128xf32, #tpu.memory_space<vmem>>
    %dma_wait3A_832 = arith.constant 0 : i32
    %dma_wait3A_833 = arith.constant 0 : i32
    %dma_wait3A_834 = tpu.memref_slice %arg3[%dma_wait3A_832, %dma_wait3A_833] : memref<32x1000001xf32, #tpu.memory_space<hbm>> -> memref<32x128xf32, #tpu.memory_space<hbm>>
    tpu.wait_dma2 semaphore(%arg8 : memref<!tpu.dma_semaphore, #tpu.memory_space<semaphore_mem>>) src(%dma_wait3A_834 : memref<32x128xf32, #tpu.memory_space<hbm>>) dst(%dma_wait3A_831 : memref<32x128xf32, #tpu.memory_space<vmem>>)
    %slice3A_835 = vector.extract_strided_slice %get3A_313 {offsets = [15], sizes = [1], strides = [1]} : vector<16xi32> to vector<1xi32>
    %squeeze3A_836 = vector.extract %slice3A_835[0] : i32 from vector<1xi32>
    %and3A_837 = arith.constant 127 : i32
    %and3A_838 = arith.andi %squeeze3A_836, %and3A_837 : i32
    %broadcast_in_dim3A_839 = vector.broadcast %and3A_838 : i32 to vector<16xi32>
    %broadcast_in_dim3A_840 = arith.constant 511 : i32
    %broadcast_in_dim3A_841 = vector.broadcast %broadcast_in_dim3A_840 : i32 to vector<16xi32>
    %gather3A_842 = arith.constant 15 : i32
    %gather3A_843 = arith.constant 0 : i32
    %gather3A_844 = arith.constant 0 : i32
    %gather3A_845 = tpu.memref_slice %arg6[%gather3A_842, %gather3A_843, %gather3A_844] : memref<16x32x128xf32, #tpu.memory_space<vmem>> -> memref<1x32x128xf32, #tpu.memory_space<vmem>>
    %gather3A_846 = tpu.memref_squeeze %gather3A_845 : memref<1x32x128xf32, #tpu.memory_space<vmem>> -> memref<32x128xf32, #tpu.memory_space<vmem>>
    %gather3A_847 = tpu.vector_load_idx %gather3A_846[%iota3A, %broadcast_in_dim3A_839] : memref<32x128xf32, #tpu.memory_space<vmem>>[vector<16xi32>, vector<16xi32>], vector<16xf32>,
    %gather3A_848 = arith.constant 15 : i32
    %gather3A_849 = arith.constant 0 : i32
    %gather3A_850 = arith.constant 0 : i32
    %gather3A_851 = tpu.memref_slice %arg6[%gather3A_848, %gather3A_849, %gather3A_850] : memref<16x32x128xf32, #tpu.memory_space<vmem>> -> memref<1x32x128xf32, #tpu.memory_space<vmem>>
    %gather3A_852 = tpu.memref_squeeze %gather3A_851 : memref<1x32x128xf32, #tpu.memory_space<vmem>> -> memref<32x128xf32, #tpu.memory_space<vmem>>
    %gather3A_853 = tpu.vector_load_idx %gather3A_852[%add3A_5, %broadcast_in_dim3A_839] : memref<32x128xf32, #tpu.memory_space<vmem>>[vector<16xi32>, vector<16xi32>], vector<16xf32>,
    tpu.vector_store_idx %arg7[%iota3A, %broadcast_in_dim3A_841], %gather3A_847 : memref<32x512xf32, #tpu.memory_space<vmem>>[vector<16xi32>, vector<16xi32>], vector<16xf32>,
    tpu.vector_store_idx %arg7[%add3A_5, %broadcast_in_dim3A_841], %gather3A_853 : memref<32x512xf32, #tpu.memory_space<vmem>>[vector<16xi32>, vector<16xi32>], vector<16xf32>,
    "tpu.region"() ({
      %run_scoped3A = tpu.sem_alloc : memref<!tpu.dma_semaphore, #tpu.memory_space<semaphore_mem>>
      %dma_start3A_854 = arith.constant 0 : i32
      %dma_start3A_855 = tpu.memref_slice %arg4[%dma_start3A_854, %mul3A_2] : memref<32x16384xf32, #tpu.memory_space<hbm>> -> memref<32x512xf32, #tpu.memory_space<hbm>>
      %dma_start3A_856 = arith.constant 0 : i32
      %dma_start3A_857 = tpu.memref_slice %arg4[%dma_start3A_856, %mul3A_2] : memref<32x16384xf32, #tpu.memory_space<hbm>> -> memref<32x512xf32, #tpu.memory_space<hbm>>
      tpu.enqueue_dma source(%arg7 : memref<32x512xf32, #tpu.memory_space<vmem>>) target(%dma_start3A_857 : memref<32x512xf32, #tpu.memory_space<hbm>>) target_semaphore(%run_scoped3A : memref<!tpu.dma_semaphore, #tpu.memory_space<semaphore_mem>>)
      %dma_wait3A_858 = arith.constant 0 : i32
      %dma_wait3A_859 = tpu.memref_slice %arg4[%dma_wait3A_858, %mul3A_2] : memref<32x16384xf32, #tpu.memory_space<hbm>> -> memref<32x512xf32, #tpu.memory_space<hbm>>
      %dma_wait3A_860 = arith.constant 0 : i32
      %dma_wait3A_861 = tpu.memref_slice %arg4[%dma_wait3A_860, %mul3A_2] : memref<32x16384xf32, #tpu.memory_space<hbm>> -> memref<32x512xf32, #tpu.memory_space<hbm>>
      tpu.wait_dma2 semaphore(%run_scoped3A : memref<!tpu.dma_semaphore, #tpu.memory_space<semaphore_mem>>) src(%arg7 : memref<32x512xf32, #tpu.memory_space<vmem>>) dst(%dma_wait3A_861 : memref<32x512xf32, #tpu.memory_space<hbm>>)
      tpu.yield
    }) : () -> ()
    return
  }
}

module attributes {stable_mosaic.version = 14 : i64} {
  func.func @_mlp_body(%arg0: i32, %arg1: memref<32x2048xf32, #tpu.memory_space<vmem>>, %arg2: memref<2048x1xi32, #tpu.memory_space<vmem>>, %arg3: memref<2048x1xi32, #tpu.memory_space<vmem>>, %arg4: memref<2048x1xi32, #tpu.memory_space<vmem>>, %arg5: memref<8x4xf32, #tpu.memory_space<vmem>>, %arg6: memref<3x1xf32, #tpu.memory_space<vmem>>, %arg7: memref<22x8xf32, #tpu.memory_space<vmem>>, %arg8: memref<32x64xf32, #tpu.memory_space<vmem>>, %arg9: memref<4x64xf32, #tpu.memory_space<vmem>>, %arg10: memref<1x64xf32, #tpu.memory_space<vmem>>, %arg11: memref<8x64xf32, #tpu.memory_space<vmem>>, %arg12: memref<1x64xf32, #tpu.memory_space<vmem>>, %arg13: memref<64x32xf32, #tpu.memory_space<vmem>>, %arg14: memref<32x1xf32, #tpu.memory_space<vmem>>, %arg15: memref<32x2048xf32, #tpu.memory_space<vmem>>) attributes {dimension_semantics = [#tpu.dimension_semantics<arbitrary>], iteration_bounds = array<i64: 8>, scalar_prefetch = 0 : i64, scratch_operands = 0 : i64, tpu.core_type = #tpu.core_type<tc>, window_params = [{transform_indices = @transform_0, window_bounds = array<i64: 32, 2048>}, {transform_indices = @transform_1, window_bounds = array<i64: 2048, 1>}, {transform_indices = @transform_2, window_bounds = array<i64: 2048, 1>}, {transform_indices = @transform_3, window_bounds = array<i64: 2048, 1>}, {pipeline_mode = #tpu.pipeline_mode<synchronous>, transform_indices = @transform_4, window_bounds = array<i64: 8, 4>}, {pipeline_mode = #tpu.pipeline_mode<synchronous>, transform_indices = @transform_5, window_bounds = array<i64: 3, 1>}, {pipeline_mode = #tpu.pipeline_mode<synchronous>, transform_indices = @transform_6, window_bounds = array<i64: 22, 8>}, {pipeline_mode = #tpu.pipeline_mode<synchronous>, transform_indices = @transform_7, window_bounds = array<i64: 32, 64>}, {pipeline_mode = #tpu.pipeline_mode<synchronous>, transform_indices = @transform_8, window_bounds = array<i64: 4, 64>}, {pipeline_mode = #tpu.pipeline_mode<synchronous>, transform_indices = @transform_9, window_bounds = array<i64: 1, 64>}, {pipeline_mode = #tpu.pipeline_mode<synchronous>, transform_indices = @transform_10, window_bounds = array<i64: 8, 64>}, {pipeline_mode = #tpu.pipeline_mode<synchronous>, transform_indices = @transform_11, window_bounds = array<i64: 1, 64>}, {pipeline_mode = #tpu.pipeline_mode<synchronous>, transform_indices = @transform_12, window_bounds = array<i64: 64, 32>}, {pipeline_mode = #tpu.pipeline_mode<synchronous>, transform_indices = @transform_13, window_bounds = array<i64: 32, 1>}, {transform_indices = @transform_14, window_bounds = array<i64: 32, 2048>}]} {
    %get3A = arith.constant 0 : index
    %get3A_0 = arith.constant 0 : index
    %get3A_1 = vector.load %arg5[%get3A, %get3A_0] : memref<8x4xf32, #tpu.memory_space<vmem>>, vector<8x4xf32>
    %get3A_2 = arith.constant 0 : index
    %get3A_3 = arith.constant 0 : index
    %get3A_4 = vector.load %arg9[%get3A_2, %get3A_3] : memref<4x64xf32, #tpu.memory_space<vmem>>, vector<4x64xf32>
    %dot_general3A = arith.constant dense<0.000000e+00> : vector<8x64xf32>
    %dot_general3A_5 = tpu.matmul %get3A_1, %get3A_4, %dot_general3A {dimension_numbers = #tpu.dot_dimension_numbers<[1], [0], [0], [1], [0, 0, 1, 1], [], []>, transpose_lhs_hint = false} : vector<8x4xf32>, vector<4x64xf32>, vector<8x64xf32> -> vector<8x64xf32>
    %get3A_6 = arith.constant 0 : index
    %get3A_7 = arith.constant 0 : index
    %get3A_8 = vector.load %arg6[%get3A_6, %get3A_7] : memref<3x1xf32, #tpu.memory_space<vmem>>, vector<3x1xf32>
    %get3A_9 = arith.constant 0 : index
    %get3A_10 = arith.constant 0 : index
    %get3A_11 = vector.load %arg10[%get3A_9, %get3A_10] : memref<1x64xf32, #tpu.memory_space<vmem>>, vector<1x64xf32>
    %dot_general3A_12 = arith.constant dense<0.000000e+00> : vector<3x64xf32>
    %dot_general3A_13 = tpu.matmul %get3A_8, %get3A_11, %dot_general3A_12 {dimension_numbers = #tpu.dot_dimension_numbers<[1], [0], [0], [1], [0, 0, 1, 1], [], []>, transpose_lhs_hint = false} : vector<3x1xf32>, vector<1x64xf32>, vector<3x64xf32> -> vector<3x64xf32>
    %get3A_14 = arith.constant 0 : index
    %get3A_15 = arith.constant 0 : index
    %get3A_16 = vector.load %arg7[%get3A_14, %get3A_15] : memref<22x8xf32, #tpu.memory_space<vmem>>, vector<22x8xf32>
    %get3A_17 = arith.constant 0 : index
    %get3A_18 = arith.constant 0 : index
    %get3A_19 = vector.load %arg11[%get3A_17, %get3A_18] : memref<8x64xf32, #tpu.memory_space<vmem>>, vector<8x64xf32>
    %dot_general3A_20 = arith.constant dense<0.000000e+00> : vector<22x64xf32>
    %dot_general3A_21 = tpu.matmul %get3A_16, %get3A_19, %dot_general3A_20 {dimension_numbers = #tpu.dot_dimension_numbers<[1], [0], [0], [1], [0, 0, 1, 1], [], []>, transpose_lhs_hint = false} : vector<22x8xf32>, vector<8x64xf32>, vector<22x64xf32> -> vector<22x64xf32>
    %get3A_22 = arith.constant 0 : index
    %get3A_23 = arith.constant 0 : index
    %get3A_24 = vector.load %arg2[%get3A_22, %get3A_23] : memref<2048x1xi32, #tpu.memory_space<vmem>>, vector<2048x1xi32>
    %iota3A = tpu.iota {dimensions = array<i32: 1>} : vector<1x8xi32>
    %eq3A = vector.broadcast %get3A_24 : vector<2048x1xi32> to vector<2048x8xi32>
    %eq3A_25 = vector.broadcast %iota3A : vector<1x8xi32> to vector<2048x8xi32>
    %eq3A_26 = arith.cmpi eq, %eq3A, %eq3A_25 : vector<2048x8xi32>
    %convert_element_type3A = arith.extui %eq3A_26 : vector<2048x8xi1> to vector<2048x8xi32>
    %convert_element_type3A_27 = arith.sitofp %convert_element_type3A : vector<2048x8xi32> to vector<2048x8xf32>
    %get3A_28 = arith.constant 0 : index
    %get3A_29 = arith.constant 0 : index
    %get3A_30 = vector.load %arg3[%get3A_28, %get3A_29] : memref<2048x1xi32, #tpu.memory_space<vmem>>, vector<2048x1xi32>
    %iota3A_31 = tpu.iota {dimensions = array<i32: 1>} : vector<1x3xi32>
    %eq3A_32 = vector.broadcast %get3A_30 : vector<2048x1xi32> to vector<2048x3xi32>
    %eq3A_33 = vector.broadcast %iota3A_31 : vector<1x3xi32> to vector<2048x3xi32>
    %eq3A_34 = arith.cmpi eq, %eq3A_32, %eq3A_33 : vector<2048x3xi32>
    %convert_element_type3A_35 = arith.extui %eq3A_34 : vector<2048x3xi1> to vector<2048x3xi32>
    %convert_element_type3A_36 = arith.sitofp %convert_element_type3A_35 : vector<2048x3xi32> to vector<2048x3xf32>
    %get3A_37 = arith.constant 0 : index
    %get3A_38 = arith.constant 0 : index
    %get3A_39 = vector.load %arg4[%get3A_37, %get3A_38] : memref<2048x1xi32, #tpu.memory_space<vmem>>, vector<2048x1xi32>
    %iota3A_40 = tpu.iota {dimensions = array<i32: 1>} : vector<1x22xi32>
    %eq3A_41 = vector.broadcast %get3A_39 : vector<2048x1xi32> to vector<2048x22xi32>
    %eq3A_42 = vector.broadcast %iota3A_40 : vector<1x22xi32> to vector<2048x22xi32>
    %eq3A_43 = arith.cmpi eq, %eq3A_41, %eq3A_42 : vector<2048x22xi32>
    %convert_element_type3A_44 = arith.extui %eq3A_43 : vector<2048x22xi1> to vector<2048x22xi32>
    %convert_element_type3A_45 = arith.sitofp %convert_element_type3A_44 : vector<2048x22xi32> to vector<2048x22xf32>
    %get3A_46 = arith.constant 0 : index
    %get3A_47 = arith.constant 0 : index
    %get3A_48 = vector.load %arg1[%get3A_46, %get3A_47] : memref<32x2048xf32, #tpu.memory_space<vmem>>, vector<32x2048xf32>
    %get3A_49 = arith.constant 0 : index
    %get3A_50 = arith.constant 0 : index
    %get3A_51 = vector.load %arg8[%get3A_49, %get3A_50] : memref<32x64xf32, #tpu.memory_space<vmem>>, vector<32x64xf32>
    %dot_general3A_52 = arith.constant dense<0.000000e+00> : vector<2048x64xf32>
    %dot_general3A_53 = tpu.matmul %get3A_48, %get3A_51, %dot_general3A_52 {dimension_numbers = #tpu.dot_dimension_numbers<[0], [0], [1], [1], [0, 1, 1, 1], [], []>, transpose_lhs_hint = false} : vector<32x2048xf32>, vector<32x64xf32>, vector<2048x64xf32> -> vector<2048x64xf32>
    %dot_general3A_54 = arith.constant dense<0.000000e+00> : vector<2048x64xf32>
    %dot_general3A_55 = tpu.matmul %convert_element_type3A_27, %dot_general3A_5, %dot_general3A_54 {dimension_numbers = #tpu.dot_dimension_numbers<[1], [0], [0], [1], [0, 0, 1, 1], [], []>, transpose_lhs_hint = false} : vector<2048x8xf32>, vector<8x64xf32>, vector<2048x64xf32> -> vector<2048x64xf32>
    %add3A = arith.addf %dot_general3A_53, %dot_general3A_55 : vector<2048x64xf32>
    %dot_general3A_56 = arith.constant dense<0.000000e+00> : vector<2048x64xf32>
    %dot_general3A_57 = tpu.matmul %convert_element_type3A_36, %dot_general3A_13, %dot_general3A_56 {dimension_numbers = #tpu.dot_dimension_numbers<[1], [0], [0], [1], [0, 0, 1, 1], [], []>, transpose_lhs_hint = false} : vector<2048x3xf32>, vector<3x64xf32>, vector<2048x64xf32> -> vector<2048x64xf32>
    %add3A_58 = arith.addf %add3A, %dot_general3A_57 : vector<2048x64xf32>
    %dot_general3A_59 = arith.constant dense<0.000000e+00> : vector<2048x64xf32>
    %dot_general3A_60 = tpu.matmul %convert_element_type3A_45, %dot_general3A_21, %dot_general3A_59 {dimension_numbers = #tpu.dot_dimension_numbers<[1], [0], [0], [1], [0, 0, 1, 1], [], []>, transpose_lhs_hint = false} : vector<2048x22xf32>, vector<22x64xf32>, vector<2048x64xf32> -> vector<2048x64xf32>
    %add3A_61 = arith.addf %add3A_58, %dot_general3A_60 : vector<2048x64xf32>
    %get3A_62 = arith.constant 0 : index
    %get3A_63 = arith.constant 0 : index
    %get3A_64 = vector.load %arg12[%get3A_62, %get3A_63] : memref<1x64xf32, #tpu.memory_space<vmem>>, vector<1x64xf32>
    %add3A_65 = vector.broadcast %get3A_64 : vector<1x64xf32> to vector<2048x64xf32>
    %add3A_66 = arith.addf %add3A_61, %add3A_65 : vector<2048x64xf32>
    %max3A = arith.constant 0.000000e+00 : f32
    %max3A_67 = vector.broadcast %max3A : f32 to vector<2048x64xf32>
    %max3A_68 = arith.maximumf %add3A_66, %max3A_67 : vector<2048x64xf32>
    %get3A_69 = arith.constant 0 : index
    %get3A_70 = arith.constant 0 : index
    %get3A_71 = vector.load %arg13[%get3A_69, %get3A_70] : memref<64x32xf32, #tpu.memory_space<vmem>>, vector<64x32xf32>
    %dot_general3A_72 = arith.constant dense<0.000000e+00> : vector<32x2048xf32>
    %dot_general3A_73 = tpu.matmul %get3A_71, %max3A_68, %dot_general3A_72 {dimension_numbers = #tpu.dot_dimension_numbers<[0], [1], [1], [0], [0, 1, 1, 0], [], []>, transpose_lhs_hint = false} : vector<64x32xf32>, vector<2048x64xf32>, vector<32x2048xf32> -> vector<32x2048xf32>
    %get3A_74 = arith.constant 0 : index
    %get3A_75 = arith.constant 0 : index
    %get3A_76 = vector.load %arg14[%get3A_74, %get3A_75] : memref<32x1xf32, #tpu.memory_space<vmem>>, vector<32x1xf32>
    %add3A_77 = vector.broadcast %get3A_76 : vector<32x1xf32> to vector<32x2048xf32>
    %add3A_78 = arith.addf %dot_general3A_73, %add3A_77 : vector<32x2048xf32>
    %swap3A = arith.constant 0 : index
    %swap3A_79 = arith.constant 0 : index
    %swap3A_80 = vector.load %arg15[%swap3A, %swap3A_79] : memref<32x2048xf32, #tpu.memory_space<vmem>>, vector<32x2048xf32>
    tpu.vector_store %arg15[%swap3A, %swap3A_79], %add3A_78 {strides = array<i32>} : memref<32x2048xf32, #tpu.memory_space<vmem>>, vector<32x2048xf32>,
    return
  }
  func.func @transform_0(%arg0: i32) -> (i32, i32) {
    %c0_i32 = arith.constant 0 : i32
    %c0_i32_0 = arith.constant 0 : i32
    return %c0_i32, %arg0 : i32, i32
  }
  func.func @transform_1(%arg0: i32) -> (i32, i32) {
    %c0_i32 = arith.constant 0 : i32
    %c0_i32_0 = arith.constant 0 : i32
    return %arg0, %c0_i32 : i32, i32
  }
  func.func @transform_2(%arg0: i32) -> (i32, i32) {
    %c0_i32 = arith.constant 0 : i32
    %c0_i32_0 = arith.constant 0 : i32
    return %arg0, %c0_i32 : i32, i32
  }
  func.func @transform_3(%arg0: i32) -> (i32, i32) {
    %c0_i32 = arith.constant 0 : i32
    %c0_i32_0 = arith.constant 0 : i32
    return %arg0, %c0_i32 : i32, i32
  }
  func.func @transform_4(%arg0: i32) -> (i32, i32) {
    %c0_i32 = arith.constant 0 : i32
    %c0_i32_0 = arith.constant 0 : i32
    %c0_i32_1 = arith.constant 0 : i32
    return %c0_i32, %c0_i32_0 : i32, i32
  }
  func.func @transform_5(%arg0: i32) -> (i32, i32) {
    %c0_i32 = arith.constant 0 : i32
    %c0_i32_0 = arith.constant 0 : i32
    %c0_i32_1 = arith.constant 0 : i32
    return %c0_i32, %c0_i32_0 : i32, i32
  }
  func.func @transform_6(%arg0: i32) -> (i32, i32) {
    %c0_i32 = arith.constant 0 : i32
    %c0_i32_0 = arith.constant 0 : i32
    %c0_i32_1 = arith.constant 0 : i32
    return %c0_i32, %c0_i32_0 : i32, i32
  }
  func.func @transform_7(%arg0: i32) -> (i32, i32) {
    %c0_i32 = arith.constant 0 : i32
    %c0_i32_0 = arith.constant 0 : i32
    %c0_i32_1 = arith.constant 0 : i32
    return %c0_i32, %c0_i32_0 : i32, i32
  }
  func.func @transform_8(%arg0: i32) -> (i32, i32) {
    %c0_i32 = arith.constant 0 : i32
    %c0_i32_0 = arith.constant 0 : i32
    %c0_i32_1 = arith.constant 0 : i32
    return %c0_i32, %c0_i32_0 : i32, i32
  }
  func.func @transform_9(%arg0: i32) -> (i32, i32) {
    %c0_i32 = arith.constant 0 : i32
    %c0_i32_0 = arith.constant 0 : i32
    %c0_i32_1 = arith.constant 0 : i32
    return %c0_i32, %c0_i32_0 : i32, i32
  }
  func.func @transform_10(%arg0: i32) -> (i32, i32) {
    %c0_i32 = arith.constant 0 : i32
    %c0_i32_0 = arith.constant 0 : i32
    %c0_i32_1 = arith.constant 0 : i32
    return %c0_i32, %c0_i32_0 : i32, i32
  }
  func.func @transform_11(%arg0: i32) -> (i32, i32) {
    %c0_i32 = arith.constant 0 : i32
    %c0_i32_0 = arith.constant 0 : i32
    %c0_i32_1 = arith.constant 0 : i32
    return %c0_i32, %c0_i32_0 : i32, i32
  }
  func.func @transform_12(%arg0: i32) -> (i32, i32) {
    %c0_i32 = arith.constant 0 : i32
    %c0_i32_0 = arith.constant 0 : i32
    %c0_i32_1 = arith.constant 0 : i32
    return %c0_i32, %c0_i32_0 : i32, i32
  }
  func.func @transform_13(%arg0: i32) -> (i32, i32) {
    %c0_i32 = arith.constant 0 : i32
    %c0_i32_0 = arith.constant 0 : i32
    %c0_i32_1 = arith.constant 0 : i32
    return %c0_i32, %c0_i32_0 : i32, i32
  }
  func.func @transform_14(%arg0: i32) -> (i32, i32) {
    %c0_i32 = arith.constant 0 : i32
    %c0_i32_0 = arith.constant 0 : i32
    return %c0_i32, %arg0 : i32, i32
  }
}

</mosaic_0001>

<sc_bundles>
// kernel: kernel.4.cloned.1.call-start
scs
__scs_entry_jumppad:
0x0: {  	(pc) =	sbr.rel $0x88, $3  }
0x1: {  	(tag) =	ssettag $0x0;
	lr =	simm.s32 $0x1  }
0x2: {  	[smem:$0x3F95] =	sst lr;
	_ =	strace $0xD0000000  }
0x3: {  	_ = 	snop  }
0x4: {  	_ = 	snop  }
0x5: {  	_ = 	snop  }
0x6: {  	_ = 	snop  }
0x7: {  	_ = 	snop  }
__scs_overlays_trampoline_lowered:
0x8: {  	[smem:$0x3FA4] =	sst s0  }
0x9: {  	[smem:$0x3FA5] =	sst s1  }
0xa: {  	[smem:$0x3FA6] =	sst s2  }
0xb: {  	[smem:$0x3FA7] =	sst s3  }
0xc: {  	[smem:$0x3FA8] =	sst s4  }
0xd: {  	[smem:$0x3FA9] =	sst s5  }
0xe: {  	[smem:$0x3FAA] =	sst s6  }
0xf: {  	[smem:$0x3FAB] =	sst s7  }
0x10: {  	[smem:$0x3FAC] =	sst s8  }
0x11: {  	[smem:$0x3FAD] =	sst s9;
	s0 =	simm.s32 @!p0 $0x0  }
0x12: {  	s1 =	sld [smem:$0x3F93];
	s0 =	simm.s32 @p0 $0x1  }
0x13: {  	[smem:$0x3FAE] =	sst s0;
	s0 =	simm.s32 @!p1 $0x0  }
0x14: {  	s2 =	sld [smem:$0x3F92];
	s0 =	simm.s32 @p1 $0x1  }
0x15: {  	[smem:$0x3FAF] =	sst s0;
	s0 =	simm.s32 @!p2 $0x0  }
0x16: {  	s3 =	sld [smem:$0x3FDB];
	s0 =	simm.s32 @p2 $0x1  }
0x17: {  	s4 =	simm.s32 $0x1BF5;
	[smem:$0x3FB1] =	sst s0  }
0x18: {  	s0 =	sld [smem:$0x3F94];
	_ =	swait.ge [sflag:s4], $0x0  }
0x19: {  	s7 =	sld [smem:$0x3F95]  }
0x1a: {  	s8 =	sadd.s32 $0xFFFFE003, lr  }
0x1b: {  	s9 =	sadd.s32 $0xFFFFFEF7, lr;
	s5 =	simm.s32 $0xFFFFFFFF;
	p2 =	slt.u32 s8, $0xFFFFF086  }
0x1c: {  	p1 =	slt.u32 s9, $0xF7A;
	s5 =	simm.s32 @!p2 $0x0  }
0x1d: {  	s5 =	simm.s32 @p1 $0x1;
	p0 =	seq.s32 s7, s2  }
0x1e: {  	s7 =	smul.u32 @!p0 $0xF7A, s2;
	p2 =	seq.s32 @!p0 s5, $0x0  }
0x1f: {  	s9 =	smul.u32 $0xF7A, s1;
	s8 =	simm.s32 @!p0 $0x1BF5;
	p2 =	por !p2, p0  }
0x20: {  	[sflag:s8] =	ssyncset.s32 @!p0 $0xFFFFF086;
	s6 =	sadd.s32 @!p0 s3, s7;
	s7 =	simm.s32 @!p0 $0x108  }
0x21: {  	s3 =	sadd.s32 s3, s9;
	s6 =	sadd.s32 @!p0 $0x88, s6;
	s7 =	simm.s32 @p2 $0x1082  }
0x22: {  	[simem:s7], [sflag:s8] =	dma.local @!p0 [hbm:s6], $0xF7A  }
0x23: {  	s9 =	sor.u32 $0xD0000000, s2;
	s6 =	simm.s32 $0x108;
	_ =	swait.ge @!p0 [sflag:s8], $0x0  }
0x24: {  	s3 =	sadd.s32 $0x88, s3;
	s6 =	simm.s32 @!p1 $0x1082;
	[sflag:s4] =	ssyncset.s32 $0xFFFFF086  }
0x25: {  	[simem:s6], [sflag:s4] =	dma.local [hbm:s3], $0xF7A  }
0x26: {  	[smem:$0x3F95] =	sst s1;
	(tag) =	ssettag s2;
	_ =	strace s9  }
0x27: {  	s1 =	sld [smem:$0x3FA5]  }
0x28: {  	s2 =	sld [smem:$0x3FA6]  }
0x29: {  	s4 =	sld [smem:$0x3FA8]  }
0x2a: {  	p0 =	seq.s32 s5, $0x0;
	s5 =	sld [smem:$0x3FA9]  }
0x2b: {  	s6 =	sld [smem:$0x3FAA]  }
0x2c: {  	s7 =	sld [smem:$0x3FAB]  }
0x2d: {  	s3 =	simm.s32 $0x108;
	s8 =	sld [smem:$0x3FAC]  }
0x2e: {  	s3 =	simm.s32 @!p0 $0x1082;
	s9 =	sld [smem:$0x3FAD]  }
0x2f: {  	lr =	sadd.s32 s0, s3;
	s0 =	sld [smem:$0x3FA4]  }
0x30: {  	s3 =	sld [smem:$0x3FA7]  }
0x31: {  	[smem:$0x3FB0] =	sst s10  }
0x32: {  	s10 =	sld [smem:$0x3FAE];
	_ =	sdelay $0x3  }
0x33: {  	p0 =	seq.s32 s10, $0x1;
	s10 =	sld [smem:$0x3FB0];
	_ =	sdelay $0x3  }
0x34: {  	[smem:$0x3FB0] =	sst s10  }
0x35: {  	s10 =	sld [smem:$0x3FAF];
	_ =	sdelay $0x3  }
0x36: {  	p1 =	seq.s32 s10, $0x1;
	s10 =	sld [smem:$0x3FB0];
	_ =	sdelay $0x3  }
0x37: {  	[smem:$0x3FB0] =	sst s10  }
0x38: {  	s10 =	sld [smem:$0x3FB1]  }
0x39: {  	_ = 	snop;
	(pc) =	sbr.ind lr, $3  }
0x3a: {  	_ = 	snop  }
0x3b: {  	_ = 	snop  }
0x3c: {  	p2 =	seq.s32 s10, $0x1;
	s10 =	sld [smem:$0x3FB0]  }
0x3d: {  	_ =	shalt  }
0x3e: {  	_ =	shalt  }
0x3f: {  	_ =	shalt  }
0x40: {  	_ =	shalt  }
0x41: {  	_ =	shalt  }
0x42: {  	_ =	shalt  }
0x43: {  	_ =	shalt  }
0x44: {  	_ =	shalt  }
0x45: {  	_ =	shalt  }
0x46: {  	_ =	shalt  }
0x47: {  	_ =	shalt  }
0x48: {  	_ =	shalt  }
0x49: {  	_ =	shalt  }
0x4a: {  	_ =	shalt  }
0x4b: {  	_ =	shalt  }
0x4c: {  	_ =	shalt  }
0x4d: {  	_ =	shalt  }
0x4e: {  	_ =	shalt  }
0x4f: {  	_ =	shalt  }
0x50: {  	_ =	shalt  }
0x51: {  	_ =	shalt  }
0x52: {  	_ =	shalt  }
0x53: {  	_ =	shalt  }
0x54: {  	_ =	shalt  }
0x55: {  	_ =	shalt  }
0x56: {  	_ =	shalt  }
0x57: {  	_ =	shalt  }
0x58: {  	_ =	shalt  }
0x59: {  	_ =	shalt  }
0x5a: {  	_ =	shalt  }
0x5b: {  	_ =	shalt  }
0x5c: {  	_ =	shalt  }
0x5d: {  	_ =	shalt  }
0x5e: {  	_ =	shalt  }
0x5f: {  	_ =	shalt  }
0x60: {  	_ =	shalt  }
0x61: {  	_ =	shalt  }
0x62: {  	_ =	shalt  }
0x63: {  	_ =	shalt  }
0x64: {  	_ =	shalt  }
0x65: {  	_ =	shalt  }
0x66: {  	_ =	shalt  }
0x67: {  	_ =	shalt  }
0x68: {  	_ =	shalt  }
0x69: {  	_ =	shalt  }
0x6a: {  	_ =	shalt  }
0x6b: {  	_ =	shalt  }
0x6c: {  	_ =	shalt  }
0x6d: {  	_ =	shalt  }
0x6e: {  	_ =	shalt  }
0x6f: {  	_ =	shalt  }
0x70: {  	_ =	shalt  }
0x71: {  	_ =	shalt  }
0x72: {  	_ =	shalt  }
0x73: {  	_ =	shalt  }
0x74: {  	_ =	shalt  }
0x75: {  	_ =	shalt  }
0x76: {  	_ =	shalt  }
0x77: {  	_ =	shalt  }
0x78: {  	_ =	shalt  }
0x79: {  	_ =	shalt  }
0x7a: {  	_ =	shalt  }
0x7b: {  	_ =	shalt  }
0x7c: {  	_ =	shalt  }
0x7d: {  	_ =	shalt  }
0x7e: {  	_ =	shalt  }
0x7f: {  	_ =	shalt  }
0x80: {  	_ =	shalt  }
0x81: {  	_ =	shalt  }
0x82: {  	_ =	shalt  }
0x83: {  	_ =	shalt  }
0x84: {  	_ =	shalt  }
0x85: {  	_ =	shalt  }
0x86: {  	_ =	shalt  }
0x87: {  	_ =	shalt  }
.Lfunc_end0:
.L_simem_size_0:
called_computation_lowered:
.L_overlay_start_0:
0x88: {  	s2 =	sld [smem:$0x3FD9]  }
0x89: {  	s3 =	sld [smem:$0x3FFE];
	_ =	sdelay $0x1  }
0x8a: {  	s1 =	srdreg.scid  }
0x8b: {  	s0 =	sand.u32 $0x1, s1  }
0x8c: {  	s18 =	sshll.u32 s0, $0xA;
	s2 =	sadd.s32 s3, s2  }
0x8d: {  	s2 =	sadd.s32 s2, s18  }
0x8e: {  	[smem:$0x3FBC] =	sst s2  }
0x8f: {  	_ = 	snop  }
0x90: {  	s2 =	sld [smem:$0x3FC9]  }
0x91: {  	s19 =	sld [smem:$0x3FC5]  }
0x92: {  	s4 =	sld [smem:$0x3FD0];
	(tm) =	ssettm $0x1  }
0x93: {  	s5 =	sld [smem:$0x3FFB];
	_ =	sdelay $0x3  }
0x94: {  	_ =	strace s5  }
0x95: {  	s5 =	sld [smem:$0x3FFC];
	_ =	sdelay $0x3  }
0x96: {  	_ =	strace s5  }
0x97: {  	s5 =	sld [smem:$0x3FFD];
	_ =	sdelay $0x3  }
0x98: {  	_ =	strace s5  }
0x99: {  	_ =	strace $0x8FFFFFFF  }
0x9a: {  	s20 =	sld [smem:$0x3FDB];
	_ =	sdelay $0x1  }
0x9b: {  	s6 =	simm.s32 $_scs_section_size  }
0x9c: {  	s7 =	simm.s32 $_size__tile_overlayer_lowered;
	s8 =	simm.s32 $_tile_overlayer_lowered  }
0x9d: {  	s23 =	simm.s32 $0x1BFF;
	s22 =	sshll.u32 s8, $0x1;
	s5 =	sadd.s32 s6, s20  }
0x9e: {  	s9 =	simm.s32 $0x0;
	s21 =	sshll.u32 s7, $0x1;
	s7 =	sadd.s32 s22, s5  }
0x9f: {  	[timem:s9], [sflag:s23] =	dma.local [hbm:s7], s21  }
0xa0: {  	_ =	swait.ge [sflag:s23], s21  }
0xa1: {  	s6 =	ssub.s32 $0x0, s21;
	[sflag:s23] =	ssyncset.done $0x0  }
0xa2: {  	[sflag:s23] =	ssyncadd.s32 s6;
	_ =	sdelay $0x1  }
0xa3: {  	s24 =	simm.s32 $0x1B8B  }
0xa4: {  	_ =	swait.ge [sflag:s24], $0x1  }
0xa5: {  	[sflag:s24] =	ssyncset.done $0x0  }
0xa6: {  	s25 =	simm.s32 $0x1B8E;
	[sflag:s24] =	ssyncadd.s32 $0xFFFFFFFF  }
0xa7: {  	s26 =	simm.s32 $execute0_lowered;
	[smem:$0x3FD2] =	sst s25  }
0xa8: {  	s6 =	sshll.u32 s26, $0x1;
	_ =	strace $0x80000046;
	[dreg:$0x1] =	wrdreg $0xFFFFFFFF  }
0xa9: {  	s28 =	simm.s32 $_size_execute0_lowered;
	s5 =	sadd.s32 s5, s6;
	[dreg:$0x0] =	wrdreg $0x0  }
0xaa: {  	s6 =	sshll.u32 s28, $0x1;
	[dreg:$0x2] =	wrdreg s5  }
0xab: {  	[dreg:$0x3] =	wrdreg s6  }
0xac: {  	[dreg:$0x4] =	wrdreg $0xC0  }
0xad: {  	_ =	task [dreg:s9], $0x5FFFF  }
0xae: {  	[dreg:$0x1] =	wrdreg $0xFFFFFFFF  }
0xaf: {  	[dreg:$0x0] =	wrdreg $0x60  }
0xb0: {  	[dreg:$0x2] =	wrdreg s2  }
0xb1: {  	[dreg:$0x3] =	wrdreg s19  }
0xb2: {  	[dreg:$0x4] =	wrdreg s4  }
0xb3: {  	[dreg:$0x5] =	wrdreg $0x9  }
0xb4: {  	_ =	task.clear_ibuf [dreg:s9], $0x6FFFF;
	_ =	strace $0x90000046  }
0xb5: {  	s29 =	simm.s32 $0x9;
	_ =	strace $0x80000048  }
0xb6: {  	_ =	swait.ge [sflag:s29], $0x1  }
0xb7: {  	[sflag:s29] =	ssyncadd.s32 $0xFFFFFFFF  }
0xb8: {  	_ =	strace $0x90000048  }
0xb9: {  	_ =	sfence  }
0xba: {  	s30 =	sld [smem:$0x0];
	_ =	sdelay $0x2  }
0xbb: {  	s31 =	sshll.u32 s1, $0xD;
	s1 =	sshrl.u32 s1, $0x2  }
0xbc: {  	s3 =	sand.u32 $0x4000, s31;
	s1 =	sadd.s32 s1, s30  }
0xbd: {  	s0 =	sor.u32 s3, s0;
	s1 =	sshll.u32 s1, $0x11  }
0xbe: {  	s0 =	sor.u32 s1, s0  }
0xbf: {  	s0 =	sadd.s32 $0x8F2B, s0  }
0xc0: {  	[sflag:s0] =	ssyncadd.remote.s32 $0x1  }
0xc1: {  	_ =	sfence.sel $0xFFFF  }
0xc2: {  	[dreg:$0x0] =	wrdreg $0xFFFFFFFF;
	(pc) =	sbr.abs _section_cstart, $3  }
0xc3: {  	[dreg:$0x1] =	wrdreg $0xFFFFFFFF  }
0xc4: {  	_ =	task.clear_ibuf [dreg:s9], $0x2FFFF;
	_ =	strace $0x9FFFFFFF  }
0xc5: {  	(tm) =	ssettm $0x7FFFFFFF  }
tec
execute0_lowered:
.L_overlay_start_1:
0x0: {  	(tag) =	ssettag $0x1  }
0x1: {  	v0 =	vimm.s32 $0x1380  }
0x2: {  	vm14 =	vcmask $0x300;
	vm13 =	vcmask $0x704;
	vm12 =	vcmask $0xB08  }
0x3: {  	vm11 =	vcmask $0xF0C;
	vm10 =	vcmask $0x1310;
	vm9 =	vcmask $0x1714  }
0x4: {  	vm8 =	vcmask $0x1B18;
	vm7 =	vcmask $0x1F1C;
	vm6 =	vcmask $0x2320  }
0x5: {  	vm5 =	vcmask $0x2724;
	vm4 =	vcmask $0x2B28;
	vm3 =	vcmask $0x2F2C  }
0x6: {  	v1 =	vlaneseq.u32;
	vm2 =	vcmask $0x3330;
	vm1 =	vcmask $0x3734  }
0x7: {  	vm0 =	vcmask $0x3B38;
	v3 =	vimm.s32 $0x3380;
	v4 =	vimm.s32 $0x1FF0  }
0x8: {  	v5 =	vimm.s32 $0x3FF0;
	v6 =	vimm.s32 $0x1FF1;
	v7 =	vimm.s32 $0x3FF1  }
0x9: {  	v8 =	vimm.s32 $0x1FF2;
	v9 =	vimm.s32 $0x3FF2;
	v10 =	vimm.s32 $0x1FF3  }
0xa: {  	v11 =	vimm.s32 $0x3FF3;
	v12 =	vimm.s32 $0x1FF4;
	v13 =	vimm.s32 $0x3FF4  }
0xb: {  	v14 =	vimm.s32 $0x1FF5;
	v15 =	vimm.s32 $0x3FF5;
	v16 =	vimm.s32 $0x1FF6  }
0xc: {  	v17 =	vimm.s32 $0x3FF6;
	v18 =	vimm.s32 $0x1FF7;
	v19 =	vimm.s32 $0x3FF7  }
0xd: {  	v20 =	vimm.s32 $0x1FF8;
	v21 =	vimm.s32 $0x3FF8;
	v22 =	vimm.s32 $0x1FF9  }
0xe: {  	v23 =	vimm.s32 $0x3FF9;
	v24 =	vimm.s32 $0x1FFA;
	v25 =	vimm.s32 $0x3FFA  }
0xf: {  	v26 =	vimm.s32 $0x1FFB;
	v27 =	vimm.s32 $0x3FFB;
	v28 =	vimm.s32 $0x1FFC  }
0x10: {  	v29 =	vimm.s32 $0x3FFC;
	v30 =	vimm.s32 $0x1FFD;
	v31 =	vimm.s32 $0x3FFD  }
0x11: {  	v32 =	vimm.s32 $0x1FFE;
	v33 =	vimm.s32 $0x3FFE;
	v34 =	vimm.s32 $0x1FFF  }
0x12: {  	v35 =	vimm.s32 $0x3FFF;
	v0 =	vsel vm14, $0x0, v0;
	v3 =	vsel vm14, $0x2000, v3  }
0x13: {  	v4 =	vsel vm14, $0xC70, v4;
	v5 =	vsel vm14, $0x2C70, v5;
	v6 =	vsel vm14, $0xC71, v6  }
0x14: {  	v7 =	vsel vm14, $0x2C71, v7;
	v8 =	vsel vm14, $0xC72, v8;
	v9 =	vsel vm14, $0x2C72, v9  }
0x15: {  	v10 =	vsel vm14, $0xC73, v10;
	v11 =	vsel vm14, $0x2C73, v11;
	v12 =	vsel vm14, $0xC74, v12  }
0x16: {  	v13 =	vsel vm14, $0x2C74, v13;
	v14 =	vsel vm14, $0xC75, v14;
	v15 =	vsel vm14, $0x2C75, v15  }
0x17: {  	v16 =	vsel vm14, $0xC76, v16;
	v17 =	vsel vm14, $0x2C76, v17;
	v18 =	vsel vm14, $0xC77, v18  }
0x18: {  	v19 =	vsel vm14, $0x2C77, v19;
	v20 =	vsel vm14, $0xC78, v20;
	v21 =	vsel vm14, $0x2C78, v21  }
0x19: {  	v22 =	vsel vm14, $0xC79, v22;
	v23 =	vsel vm14, $0x2C79, v23;
	v24 =	vsel vm14, $0xC7A, v24  }
0x1a: {  	v25 =	vsel vm14, $0x2C7A, v25;
	v26 =	vsel vm14, $0xC7B, v26;
	v27 =	vsel vm14, $0x2C7B, v27  }
0x1b: {  	v28 =	vsel vm14, $0xC7C, v28;
	v29 =	vsel vm14, $0x2C7C, v29;
	v30 =	vsel vm14, $0xC7D, v30  }
0x1c: {  	v31 =	vsel vm14, $0x2C7D, v31;
	v32 =	vsel vm14, $0xC7E, v32;
	v33 =	vsel vm14, $0x2C7E, v33  }
0x1d: {  	v34 =	vsel vm14, $0xC7F, v34;
	v35 =	vsel vm14, $0x2C7F, v35;
	v0 =	vsel vm13, $0x80, v0  }
0x1e: {  	v3 =	vsel vm13, $0x2080, v3;
	v4 =	vsel vm13, $0xCF0, v4;
	v5 =	vsel vm13, $0x2CF0, v5  }
0x1f: {  	v6 =	vsel vm13, $0xCF1, v6;
	v7 =	vsel vm13, $0x2CF1, v7;
	v8 =	vsel vm13, $0xCF2, v8  }
0x20: {  	v9 =	vsel vm13, $0x2CF2, v9;
	v10 =	vsel vm13, $0xCF3, v10;
	v11 =	vsel vm13, $0x2CF3, v11  }
0x21: {  	v12 =	vsel vm13, $0xCF4, v12;
	v13 =	vsel vm13, $0x2CF4, v13;
	v14 =	vsel vm13, $0xCF5, v14  }
0x22: {  	v15 =	vsel vm13, $0x2CF5, v15;
	v16 =	vsel vm13, $0xCF6, v16;
	v17 =	vsel vm13, $0x2CF6, v17  }
0x23: {  	v18 =	vsel vm13, $0xCF7, v18;
	v19 =	vsel vm13, $0x2CF7, v19;
	v20 =	vsel vm13, $0xCF8, v20  }
0x24: {  	v21 =	vsel vm13, $0x2CF8, v21;
	v22 =	vsel vm13, $0xCF9, v22;
	v23 =	vsel vm13, $0x2CF9, v23  }
0x25: {  	v24 =	vsel vm13, $0xCFA, v24;
	v25 =	vsel vm13, $0x2CFA, v25;
	v26 =	vsel vm13, $0xCFB, v26  }
0x26: {  	v27 =	vsel vm13, $0x2CFB, v27;
	v28 =	vsel vm13, $0xCFC, v28;
	v29 =	vsel vm13, $0x2CFC, v29  }
0x27: {  	v30 =	vsel vm13, $0xCFD, v30;
	v31 =	vsel vm13, $0x2CFD, v31;
	v32 =	vsel vm13, $0xCFE, v32  }
0x28: {  	v33 =	vsel vm13, $0x2CFE, v33;
	v34 =	vsel vm13, $0xCFF, v34;
	v35 =	vsel vm13, $0x2CFF, v35  }
0x29: {  	v0 =	vsel vm12, $0x100, v0;
	v3 =	vsel vm12, $0x2100, v3;
	v4 =	vsel vm12, $0xD70, v4  }
0x2a: {  	v5 =	vsel vm12, $0x2D70, v5;
	v6 =	vsel vm12, $0xD71, v6;
	v7 =	vsel vm12, $0x2D71, v7  }
0x2b: {  	v8 =	vsel vm12, $0xD72, v8;
	v9 =	vsel vm12, $0x2D72, v9;
	v10 =	vsel vm12, $0xD73, v10  }
0x2c: {  	v11 =	vsel vm12, $0x2D73, v11;
	v12 =	vsel vm12, $0xD74, v12;
	v13 =	vsel vm12, $0x2D74, v13  }
0x2d: {  	v14 =	vsel vm12, $0xD75, v14;
	v15 =	vsel vm12, $0x2D75, v15;
	v16 =	vsel vm12, $0xD76, v16  }
0x2e: {  	v17 =	vsel vm12, $0x2D76, v17;
	v18 =	vsel vm12, $0xD77, v18;
	v19 =	vsel vm12, $0x2D77, v19  }
0x2f: {  	v20 =	vsel vm12, $0xD78, v20;
	v21 =	vsel vm12, $0x2D78, v21;
	v22 =	vsel vm12, $0xD79, v22  }
0x30: {  	v23 =	vsel vm12, $0x2D79, v23;
	v24 =	vsel vm12, $0xD7A, v24;
	v25 =	vsel vm12, $0x2D7A, v25  }
0x31: {  	v26 =	vsel vm12, $0xD7B, v26;
	v27 =	vsel vm12, $0x2D7B, v27;
	v28 =	vsel vm12, $0xD7C, v28  }
0x32: {  	v29 =	vsel vm12, $0x2D7C, v29;
	v30 =	vsel vm12, $0xD7D, v30;
	v31 =	vsel vm12, $0x2D7D, v31  }
0x33: {  	v32 =	vsel vm12, $0xD7E, v32;
	v33 =	vsel vm12, $0x2D7E, v33;
	v34 =	vsel vm12, $0xD7F, v34  }
0x34: {  	v35 =	vsel vm12, $0x2D7F, v35;
	v0 =	vsel vm11, $0x180, v0;
	v3 =	vsel vm11, $0x2180, v3  }
0x35: {  	v4 =	vsel vm11, $0xDF0, v4;
	v5 =	vsel vm11, $0x2DF0, v5;
	v6 =	vsel vm11, $0xDF1, v6  }
0x36: {  	v7 =	vsel vm11, $0x2DF1, v7;
	v8 =	vsel vm11, $0xDF2, v8;
	v9 =	vsel vm11, $0x2DF2, v9  }
0x37: {  	v10 =	vsel vm11, $0xDF3, v10;
	v11 =	vsel vm11, $0x2DF3, v11;
	v12 =	vsel vm11, $0xDF4, v12  }
0x38: {  	v13 =	vsel vm11, $0x2DF4, v13;
	v14 =	vsel vm11, $0xDF5, v14;
	v15 =	vsel vm11, $0x2DF5, v15  }
0x39: {  	v16 =	vsel vm11, $0xDF6, v16;
	v17 =	vsel vm11, $0x2DF6, v17;
	v18 =	vsel vm11, $0xDF7, v18  }
0x3a: {  	v19 =	vsel vm11, $0x2DF7, v19;
	v20 =	vsel vm11, $0xDF8, v20;
	v21 =	vsel vm11, $0x2DF8, v21  }
0x3b: {  	v22 =	vsel vm11, $0xDF9, v22;
	v23 =	vsel vm11, $0x2DF9, v23;
	v24 =	vsel vm11, $0xDFA, v24  }
0x3c: {  	v25 =	vsel vm11, $0x2DFA, v25;
	v26 =	vsel vm11, $0xDFB, v26;
	v27 =	vsel vm11, $0x2DFB, v27  }
0x3d: {  	v28 =	vsel vm11, $0xDFC, v28;
	v29 =	vsel vm11, $0x2DFC, v29;
	v30 =	vsel vm11, $0xDFD, v30  }
0x3e: {  	v31 =	vsel vm11, $0x2DFD, v31;
	v32 =	vsel vm11, $0xDFE, v32;
	v33 =	vsel vm11, $0x2DFE, v33  }
0x3f: {  	v34 =	vsel vm11, $0xDFF, v34;
	v35 =	vsel vm11, $0x2DFF, v35;
	v0 =	vsel vm10, $0x200, v0  }
0x40: {  	v3 =	vsel vm10, $0x2200, v3;
	v4 =	vsel vm10, $0xE70, v4;
	v5 =	vsel vm10, $0x2E70, v5  }
0x41: {  	v6 =	vsel vm10, $0xE71, v6;
	v7 =	vsel vm10, $0x2E71, v7;
	v8 =	vsel vm10, $0xE72, v8  }
0x42: {  	v9 =	vsel vm10, $0x2E72, v9;
	v10 =	vsel vm10, $0xE73, v10;
	v11 =	vsel vm10, $0x2E73, v11  }
0x43: {  	v12 =	vsel vm10, $0xE74, v12;
	v13 =	vsel vm10, $0x2E74, v13;
	v14 =	vsel vm10, $0xE75, v14  }
0x44: {  	v15 =	vsel vm10, $0x2E75, v15;
	v16 =	vsel vm10, $0xE76, v16;
	v17 =	vsel vm10, $0x2E76, v17  }
0x45: {  	v18 =	vsel vm10, $0xE77, v18;
	v19 =	vsel vm10, $0x2E77, v19;
	v20 =	vsel vm10, $0xE78, v20  }
0x46: {  	v21 =	vsel vm10, $0x2E78, v21;
	v22 =	vsel vm10, $0xE79, v22;
	v23 =	vsel vm10, $0x2E79, v23  }
0x47: {  	v24 =	vsel vm10, $0xE7A, v24;
	v25 =	vsel vm10, $0x2E7A, v25;
	v26 =	vsel vm10, $0xE7B, v26  }
0x48: {  	v27 =	vsel vm10, $0x2E7B, v27;
	v28 =	vsel vm10, $0xE7C, v28;
	v29 =	vsel vm10, $0x2E7C, v29  }
0x49: {  	v30 =	vsel vm10, $0xE7D, v30;
	v31 =	vsel vm10, $0x2E7D, v31;
	v32 =	vsel vm10, $0xE7E, v32  }
0x4a: {  	v33 =	vsel vm10, $0x2E7E, v33;
	v34 =	vsel vm10, $0xE7F, v34;
	v35 =	vsel vm10, $0x2E7F, v35  }
0x4b: {  	v0 =	vsel vm9, $0x280, v0;
	v3 =	vsel vm9, $0x2280, v3;
	v4 =	vsel vm9, $0xEF0, v4  }
0x4c: {  	v5 =	vsel vm9, $0x2EF0, v5;
	v6 =	vsel vm9, $0xEF1, v6;
	v7 =	vsel vm9, $0x2EF1, v7  }
0x4d: {  	v8 =	vsel vm9, $0xEF2, v8;
	v9 =	vsel vm9, $0x2EF2, v9;
	v10 =	vsel vm9, $0xEF3, v10  }
0x4e: {  	v11 =	vsel vm9, $0x2EF3, v11;
	v12 =	vsel vm9, $0xEF4, v12;
	v13 =	vsel vm9, $0x2EF4, v13  }
0x4f: {  	v14 =	vsel vm9, $0xEF5, v14;
	v15 =	vsel vm9, $0x2EF5, v15;
	v16 =	vsel vm9, $0xEF6, v16  }
0x50: {  	v17 =	vsel vm9, $0x2EF6, v17;
	v18 =	vsel vm9, $0xEF7, v18;
	v19 =	vsel vm9, $0x2EF7, v19  }
0x51: {  	v20 =	vsel vm9, $0xEF8, v20;
	v21 =	vsel vm9, $0x2EF8, v21;
	v22 =	vsel vm9, $0xEF9, v22  }
0x52: {  	v23 =	vsel vm9, $0x2EF9, v23;
	v24 =	vsel vm9, $0xEFA, v24;
	v25 =	vsel vm9, $0x2EFA, v25  }
0x53: {  	v26 =	vsel vm9, $0xEFB, v26;
	v27 =	vsel vm9, $0x2EFB, v27;
	v28 =	vsel vm9, $0xEFC, v28  }
0x54: {  	v29 =	vsel vm9, $0x2EFC, v29;
	v30 =	vsel vm9, $0xEFD, v30;
	v31 =	vsel vm9, $0x2EFD, v31  }
0x55: {  	v32 =	vsel vm9, $0xEFE, v32;
	v33 =	vsel vm9, $0x2EFE, v33;
	v34 =	vsel vm9, $0xEFF, v34  }
0x56: {  	v35 =	vsel vm9, $0x2EFF, v35;
	v0 =	vsel vm8, $0x300, v0;
	v3 =	vsel vm8, $0x2300, v3  }
0x57: {  	v4 =	vsel vm8, $0xF70, v4;
	v5 =	vsel vm8, $0x2F70, v5;
	v6 =	vsel vm8, $0xF71, v6  }
0x58: {  	v7 =	vsel vm8, $0x2F71, v7;
	v8 =	vsel vm8, $0xF72, v8;
	v9 =	vsel vm8, $0x2F72, v9  }
0x59: {  	v10 =	vsel vm8, $0xF73, v10;
	v11 =	vsel vm8, $0x2F73, v11;
	v12 =	vsel vm8, $0xF74, v12  }
0x5a: {  	v13 =	vsel vm8, $0x2F74, v13;
	v14 =	vsel vm8, $0xF75, v14;
	v15 =	vsel vm8, $0x2F75, v15  }
0x5b: {  	v16 =	vsel vm8, $0xF76, v16;
	v17 =	vsel vm8, $0x2F76, v17;
	v18 =	vsel vm8, $0xF77, v18  }
0x5c: {  	v19 =	vsel vm8, $0x2F77, v19;
	v20 =	vsel vm8, $0xF78, v20;
	v21 =	vsel vm8, $0x2F78, v21  }
0x5d: {  	v22 =	vsel vm8, $0xF79, v22;
	v23 =	vsel vm8, $0x2F79, v23;
	v24 =	vsel vm8, $0xF7A, v24  }
0x5e: {  	v25 =	vsel vm8, $0x2F7A, v25;
	v26 =	vsel vm8, $0xF7B, v26;
	v27 =	vsel vm8, $0x2F7B, v27  }
0x5f: {  	v28 =	vsel vm8, $0xF7C, v28;
	v29 =	vsel vm8, $0x2F7C, v29;
	v30 =	vsel vm8, $0xF7D, v30  }
0x60: {  	v31 =	vsel vm8, $0x2F7D, v31;
	v32 =	vsel vm8, $0xF7E, v32;
	v33 =	vsel vm8, $0x2F7E, v33  }
0x61: {  	v34 =	vsel vm8, $0xF7F, v34;
	v35 =	vsel vm8, $0x2F7F, v35;
	v0 =	vsel vm7, $0x380, v0  }
0x62: {  	v3 =	vsel vm7, $0x2380, v3;
	v4 =	vsel vm7, $0xFF0, v4;
	v5 =	vsel vm7, $0x2FF0, v5  }
0x63: {  	v6 =	vsel vm7, $0xFF1, v6;
	v7 =	vsel vm7, $0x2FF1, v7;
	v8 =	vsel vm7, $0xFF2, v8  }
0x64: {  	v9 =	vsel vm7, $0x2FF2, v9;
	v10 =	vsel vm7, $0xFF3, v10;
	v11 =	vsel vm7, $0x2FF3, v11  }
0x65: {  	v12 =	vsel vm7, $0xFF4, v12;
	v13 =	vsel vm7, $0x2FF4, v13;
	v14 =	vsel vm7, $0xFF5, v14  }
0x66: {  	v15 =	vsel vm7, $0x2FF5, v15;
	v16 =	vsel vm7, $0xFF6, v16;
	v17 =	vsel vm7, $0x2FF6, v17  }
0x67: {  	v18 =	vsel vm7, $0xFF7, v18;
	v19 =	vsel vm7, $0x2FF7, v19;
	v20 =	vsel vm7, $0xFF8, v20  }
0x68: {  	v21 =	vsel vm7, $0x2FF8, v21;
	v22 =	vsel vm7, $0xFF9, v22;
	v23 =	vsel vm7, $0x2FF9, v23  }
0x69: {  	v24 =	vsel vm7, $0xFFA, v24;
	v25 =	vsel vm7, $0x2FFA, v25;
	v26 =	vsel vm7, $0xFFB, v26  }
0x6a: {  	v27 =	vsel vm7, $0x2FFB, v27;
	v28 =	vsel vm7, $0xFFC, v28;
	v29 =	vsel vm7, $0x2FFC, v29  }
0x6b: {  	v30 =	vsel vm7, $0xFFD, v30;
	v31 =	vsel vm7, $0x2FFD, v31;
	v32 =	vsel vm7, $0xFFE, v32  }
0x6c: {  	v33 =	vsel vm7, $0x2FFE, v33;
	v34 =	vsel vm7, $0xFFF, v34;
	v35 =	vsel vm7, $0x2FFF, v35  }
0x6d: {  	v0 =	vsel vm6, $0x1000, v0;
	v3 =	vsel vm6, $0x3000, v3;
	v4 =	vsel vm6, $0x1C70, v4  }
0x6e: {  	v5 =	vsel vm6, $0x3C70, v5;
	v6 =	vsel vm6, $0x1C71, v6;
	v7 =	vsel vm6, $0x3C71, v7  }
0x6f: {  	v8 =	vsel vm6, $0x1C72, v8;
	v9 =	vsel vm6, $0x3C72, v9;
	v10 =	vsel vm6, $0x1C73, v10  }
0x70: {  	v11 =	vsel vm6, $0x3C73, v11;
	v12 =	vsel vm6, $0x1C74, v12;
	v13 =	vsel vm6, $0x3C74, v13  }
0x71: {  	v14 =	vsel vm6, $0x1C75, v14;
	v15 =	vsel vm6, $0x3C75, v15;
	v16 =	vsel vm6, $0x1C76, v16  }
0x72: {  	v17 =	vsel vm6, $0x3C76, v17;
	v18 =	vsel vm6, $0x1C77, v18;
	v19 =	vsel vm6, $0x3C77, v19  }
0x73: {  	v20 =	vsel vm6, $0x1C78, v20;
	v21 =	vsel vm6, $0x3C78, v21;
	v22 =	vsel vm6, $0x1C79, v22  }
0x74: {  	v23 =	vsel vm6, $0x3C79, v23;
	v24 =	vsel vm6, $0x1C7A, v24;
	v25 =	vsel vm6, $0x3C7A, v25  }
0x75: {  	v26 =	vsel vm6, $0x1C7B, v26;
	v27 =	vsel vm6, $0x3C7B, v27;
	v28 =	vsel vm6, $0x1C7C, v28  }
0x76: {  	v29 =	vsel vm6, $0x3C7C, v29;
	v30 =	vsel vm6, $0x1C7D, v30;
	v31 =	vsel vm6, $0x3C7D, v31  }
0x77: {  	v32 =	vsel vm6, $0x1C7E, v32;
	v33 =	vsel vm6, $0x3C7E, v33;
	v34 =	vsel vm6, $0x1C7F, v34  }
0x78: {  	v35 =	vsel vm6, $0x3C7F, v35;
	v0 =	vsel vm5, $0x1080, v0;
	v3 =	vsel vm5, $0x3080, v3  }
0x79: {  	v4 =	vsel vm5, $0x1CF0, v4;
	v5 =	vsel vm5, $0x3CF0, v5;
	v6 =	vsel vm5, $0x1CF1, v6  }
0x7a: {  	v7 =	vsel vm5, $0x3CF1, v7;
	v8 =	vsel vm5, $0x1CF2, v8;
	v9 =	vsel vm5, $0x3CF2, v9  }
0x7b: {  	v10 =	vsel vm5, $0x1CF3, v10;
	v11 =	vsel vm5, $0x3CF3, v11;
	v12 =	vsel vm5, $0x1CF4, v12  }
0x7c: {  	v13 =	vsel vm5, $0x3CF4, v13;
	v14 =	vsel vm5, $0x1CF5, v14;
	v15 =	vsel vm5, $0x3CF5, v15  }
0x7d: {  	v16 =	vsel vm5, $0x1CF6, v16;
	v17 =	vsel vm5, $0x3CF6, v17;
	v18 =	vsel vm5, $0x1CF7, v18  }
0x7e: {  	v19 =	vsel vm5, $0x3CF7, v19;
	v20 =	vsel vm5, $0x1CF8, v20;
	v21 =	vsel vm5, $0x3CF8, v21  }
0x7f: {  	v22 =	vsel vm5, $0x1CF9, v22;
	v23 =	vsel vm5, $0x3CF9, v23;
	v24 =	vsel vm5, $0x1CFA, v24  }
0x80: {  	v25 =	vsel vm5, $0x3CFA, v25;
	v26 =	vsel vm5, $0x1CFB, v26;
	v27 =	vsel vm5, $0x3CFB, v27  }
0x81: {  	v28 =	vsel vm5, $0x1CFC, v28;
	v29 =	vsel vm5, $0x3CFC, v29;
	v30 =	vsel vm5, $0x1CFD, v30  }
0x82: {  	v31 =	vsel vm5, $0x3CFD, v31;
	v32 =	vsel vm5, $0x1CFE, v32;
	v33 =	vsel vm5, $0x3CFE, v33  }
0x83: {  	v34 =	vsel vm5, $0x1CFF, v34;
	v35 =	vsel vm5, $0x3CFF, v35;
	v0 =	vsel vm4, $0x1100, v0  }
0x84: {  	v3 =	vsel vm4, $0x3100, v3;
	v4 =	vsel vm4, $0x1D70, v4;
	v5 =	vsel vm4, $0x3D70, v5  }
0x85: {  	v6 =	vsel vm4, $0x1D71, v6;
	v7 =	vsel vm4, $0x3D71, v7;
	v8 =	vsel vm4, $0x1D72, v8  }
0x86: {  	v9 =	vsel vm4, $0x3D72, v9;
	v10 =	vsel vm4, $0x1D73, v10;
	v11 =	vsel vm4, $0x3D73, v11  }
0x87: {  	v12 =	vsel vm4, $0x1D74, v12;
	v13 =	vsel vm4, $0x3D74, v13;
	v14 =	vsel vm4, $0x1D75, v14  }
0x88: {  	v15 =	vsel vm4, $0x3D75, v15;
	v16 =	vsel vm4, $0x1D76, v16;
	v17 =	vsel vm4, $0x3D76, v17  }
0x89: {  	v18 =	vsel vm4, $0x1D77, v18;
	v19 =	vsel vm4, $0x3D77, v19;
	v20 =	vsel vm4, $0x1D78, v20  }
0x8a: {  	v21 =	vsel vm4, $0x3D78, v21;
	v22 =	vsel vm4, $0x1D79, v22;
	v23 =	vsel vm4, $0x3D79, v23  }
0x8b: {  	v24 =	vsel vm4, $0x1D7A, v24;
	v25 =	vsel vm4, $0x3D7A, v25;
	v26 =	vsel vm4, $0x1D7B, v26  }
0x8c: {  	v27 =	vsel vm4, $0x3D7B, v27;
	v28 =	vsel vm4, $0x1D7C, v28;
	v29 =	vsel vm4, $0x3D7C, v29  }
0x8d: {  	v30 =	vsel vm4, $0x1D7D, v30;
	v31 =	vsel vm4, $0x3D7D, v31;
	v32 =	vsel vm4, $0x1D7E, v32  }
0x8e: {  	v33 =	vsel vm4, $0x3D7E, v33;
	v34 =	vsel vm4, $0x1D7F, v34;
	v35 =	vsel vm4, $0x3D7F, v35  }
0x8f: {  	v2 =	vsel vm3, $0x1180, v0;
	v0 =	vmul.u32 $0x80, v1;
	v3 =	vsel vm3, $0x3180, v3  }
0x90: {  	v4 =	vsel vm3, $0x1DF0, v4;
	v5 =	vsel vm3, $0x3DF0, v5;
	v6 =	vsel vm3, $0x1DF1, v6  }
0x91: {  	v7 =	vsel vm3, $0x3DF1, v7;
	v8 =	vsel vm3, $0x1DF2, v8;
	v9 =	vsel vm3, $0x3DF2, v9  }
0x92: {  	v10 =	vsel vm3, $0x1DF3, v10;
	v11 =	vsel vm3, $0x3DF3, v11;
	v12 =	vsel vm3, $0x1DF4, v12  }
0x93: {  	v13 =	vsel vm3, $0x3DF4, v13;
	v14 =	vsel vm3, $0x1DF5, v14;
	v15 =	vsel vm3, $0x3DF5, v15  }
0x94: {  	v16 =	vsel vm3, $0x1DF6, v16;
	v17 =	vsel vm3, $0x3DF6, v17;
	v18 =	vsel vm3, $0x1DF7, v18  }
0x95: {  	v19 =	vsel vm3, $0x3DF7, v19;
	v20 =	vsel vm3, $0x1DF8, v20;
	v21 =	vsel vm3, $0x3DF8, v21  }
0x96: {  	v22 =	vsel vm3, $0x1DF9, v22;
	v23 =	vsel vm3, $0x3DF9, v23;
	v24 =	vsel vm3, $0x1DFA, v24  }
0x97: {  	v25 =	vsel vm3, $0x3DFA, v25;
	v26 =	vsel vm3, $0x1DFB, v26;
	v27 =	vsel vm3, $0x3DFB, v27  }
0x98: {  	v28 =	vsel vm3, $0x1DFC, v28;
	v29 =	vsel vm3, $0x3DFC, v29;
	v30 =	vsel vm3, $0x1DFD, v30  }
0x99: {  	v31 =	vsel vm3, $0x3DFD, v31;
	v32 =	vsel vm3, $0x1DFE, v32;
	v33 =	vsel vm3, $0x3DFE, v33  }
0x9a: {  	v34 =	vsel vm3, $0x1DFF, v34;
	v35 =	vsel vm3, $0x3DFF, v35;
	v1 =	vsel vm2, $0x1200, v2  }
0x9b: {  	v3 =	vsel vm2, $0x3200, v3;
	v4 =	vsel vm2, $0x1E70, v4;
	v5 =	vsel vm2, $0x3E70, v5  }
0x9c: {  	v6 =	vsel vm2, $0x1E71, v6;
	v7 =	vsel vm2, $0x3E71, v7;
	v8 =	vsel vm2, $0x1E72, v8  }
0x9d: {  	v9 =	vsel vm2, $0x3E72, v9;
	v10 =	vsel vm2, $0x1E73, v10;
	v11 =	vsel vm2, $0x3E73, v11  }
0x9e: {  	v12 =	vsel vm2, $0x1E74, v12;
	v13 =	vsel vm2, $0x3E74, v13;
	v14 =	vsel vm2, $0x1E75, v14  }
0x9f: {  	v15 =	vsel vm2, $0x3E75, v15;
	v16 =	vsel vm2, $0x1E76, v16;
	v17 =	vsel vm2, $0x3E76, v17  }
0xa0: {  	v18 =	vsel vm2, $0x1E77, v18;
	v19 =	vsel vm2, $0x3E77, v19;
	v20 =	vsel vm2, $0x1E78, v20  }
0xa1: {  	v21 =	vsel vm2, $0x3E78, v21;
	v22 =	vsel vm2, $0x1E79, v22;
	v23 =	vsel vm2, $0x3E79, v23  }
0xa2: {  	v24 =	vsel vm2, $0x1E7A, v24;
	v25 =	vsel vm2, $0x3E7A, v25;
	v26 =	vsel vm2, $0x1E7B, v26  }
0xa3: {  	v27 =	vsel vm2, $0x3E7B, v27;
	v28 =	vsel vm2, $0x1E7C, v28;
	v29 =	vsel vm2, $0x3E7C, v29  }
0xa4: {  	v30 =	vsel vm2, $0x1E7D, v30;
	v31 =	vsel vm2, $0x3E7D, v31;
	v32 =	vsel vm2, $0x1E7E, v32  }
0xa5: {  	v33 =	vsel vm2, $0x3E7E, v33;
	v34 =	vsel vm2, $0x1E7F, v34;
	v35 =	vsel vm2, $0x3E7F, v35  }
0xa6: {  	v2 =	vsel vm1, $0x1280, v1;
	v1 =	vor.u32 $0x800, v0;
	v3 =	vsel vm1, $0x3280, v3  }
0xa7: {  	v4 =	vsel vm1, $0x1EF0, v4;
	v5 =	vsel vm1, $0x3EF0, v5;
	v6 =	vsel vm1, $0x1EF1, v6  }
0xa8: {  	v7 =	vsel vm1, $0x3EF1, v7;
	v8 =	vsel vm1, $0x1EF2, v8;
	v9 =	vsel vm1, $0x3EF2, v9  }
0xa9: {  	v10 =	vsel vm1, $0x1EF3, v10;
	v11 =	vsel vm1, $0x3EF3, v11;
	v12 =	vsel vm1, $0x1EF4, v12  }
0xaa: {  	v13 =	vsel vm1, $0x3EF4, v13;
	v14 =	vsel vm1, $0x1EF5, v14;
	v15 =	vsel vm1, $0x3EF5, v15  }
0xab: {  	v16 =	vsel vm1, $0x1EF6, v16;
	v17 =	vsel vm1, $0x3EF6, v17;
	v18 =	vsel vm1, $0x1EF7, v18  }
0xac: {  	v19 =	vsel vm1, $0x3EF7, v19;
	v20 =	vsel vm1, $0x1EF8, v20;
	v21 =	vsel vm1, $0x3EF8, v21  }
0xad: {  	v22 =	vsel vm1, $0x1EF9, v22;
	v23 =	vsel vm1, $0x3EF9, v23;
	v24 =	vsel vm1, $0x1EFA, v24  }
0xae: {  	v25 =	vsel vm1, $0x3EFA, v25;
	v26 =	vsel vm1, $0x1EFB, v26;
	v27 =	vsel vm1, $0x3EFB, v27  }
0xaf: {  	v28 =	vsel vm1, $0x1EFC, v28;
	v29 =	vsel vm1, $0x3EFC, v29;
	v30 =	vsel vm1, $0x1EFD, v30  }
0xb0: {  	v31 =	vsel vm1, $0x3EFD, v31;
	v32 =	vsel vm1, $0x1EFE, v32;
	v33 =	vsel vm1, $0x3EFE, v33  }
0xb1: {  	v34 =	vsel vm1, $0x1EFF, v34;
	v35 =	vsel vm1, $0x3EFF, v35;
	v2 =	vsel vm0, $0x1300, v2  }
0xb2: {  	s0 =	rddreg [dreg:$0x0];
	v3 =	vsel vm0, $0x3300, v3;
	v4 =	vsel vm0, $0x1F70, v4;
	v5 =	vsel vm0, $0x3F70, v5  }
0xb3: {  	s8 =	rddreg [dreg:$0x1];
	v6 =	vsel vm0, $0x1F71, v6;
	v7 =	vsel vm0, $0x3F71, v7;
	v8 =	vsel vm0, $0x1F72, v8  }
0xb4: {  	s1 =	rddreg [dreg:$0x2];
	v9 =	vsel vm0, $0x3F72, v9;
	v10 =	vsel vm0, $0x1F73, v10;
	v11 =	vsel vm0, $0x3F73, v11  }
0xb5: {  	s2 =	srdreg.scid;
	s4 =	stileid.u32;
	v12 =	vsel vm0, $0x1F74, v12;
	v13 =	vsel vm0, $0x3F74, v13;
	v14 =	vsel vm0, $0x1F75, v14  }
0xb6: {  	s5 =	simm.s32 $0x0;
	s2 =	sand.u32 $0x1, s2;
	s4 =	sshll.u32 s4, $0xA;
	v15 =	vsel vm0, $0x3F75, v15;
	v16 =	vsel vm0, $0x1F76, v16;
	v17 =	vsel vm0, $0x3F76, v17  }
0xb7: {  	[smem:$0x7FF] =	sst s5;
	s3 =	ssub.s32 $0x2, s2;
	s2 =	sshll.u32 s2, $0x9;
	v18 =	vsel vm0, $0x1F77, v18;
	v19 =	vsel vm0, $0x3F77, v19;
	v20 =	vsel vm0, $0x1F78, v20  }
0xb8: {  	s26 =	simm.s32 $0x1;
	_ =	strace $0x80000047;
	s2 =	sor.u32 s2, s4;
	v21 =	vsel vm0, $0x3F78, v21;
	v22 =	vsel vm0, $0x1F79, v22;
	v23 =	vsel vm0, $0x3F79, v23  }
0xb9: {  	s29 =	sshrl.u32 s3, $0x1;
	s4 =	sshrl.u32 s2, $0x3;
	s30 =	sadd.s32 s1, s2;
	v24 =	vsel vm0, $0x1F7A, v24;
	v25 =	vsel vm0, $0x3F7A, v25;
	v26 =	vsel vm0, $0x1F7B, v26  }
0xba: {  	s3 =	ssub.s32 s3, s29;
	s0 =	sadd.s32 s0, s4;
	[dreg:$0xd] =	wrdreg s30;
	v27 =	vsel vm0, $0x3F7B, v27;
	v28 =	vsel vm0, $0x1F7C, v28;
	v29 =	vsel vm0, $0x3F7C, v29  }
0xbb: {  	s28 =	simm.s32 $0x10200;
	s31 =	smax.u32 s3, $0x1;
	[dreg:$0xc] =	wrdreg s0;
	v30 =	vsel vm0, $0x1F7D, v30;
	v31 =	vsel vm0, $0x3F7D, v31;
	v32 =	vsel vm0, $0x1F7E, v32  }
0xbc: {  	s2 =	simm.s32 $0x2;
	s1 =	simm.s32 $0x0;
	[dreg:$0xe] =	wrdreg s31;
	v33 =	vsel vm0, $0x3F7E, v33;
	v34 =	vsel vm0, $0x1F7F, v34;
	v35 =	vsel vm0, $0x3F7F, v35  }
.LBB2_1:
0xbd: {  	[dreg:$0xf] =	wrdreg s1  }
0xbe: {  	s1 =	simm.s32 $0x0;
	s0 =	rddreg [dreg:$0xc]  }
0xbf: {  	[tilespmem:s1], [sflag:$0x2] =	stream.linear.gather [hbm4b:s0+s1], $0x200, $0x38;
	[tilespmem:$0x14200] =	vst v63  }
0xc0: {  	_ =	swait.ge [sflag:s2], $0x200  }
0xc1: {  	[sflag:s2] =	ssyncset.done $0x0  }
0xc2: {  	[sflag:s2] =	ssyncadd.s32 $0xFFFFFE00  }
0xc3: {  	v36 =	vld [tilespmem:$0x0];
	_ =	sdelay $0x4  }
0xc4: {  	(v2sf) =	vpush v36, $0x0;
	_ =	sdelay $0x1  }
0xc5: {  	(v2sf) =	vpush v36, $0x1;
	_ =	sdelay $0x2  }
0xc6: {  	(v2sf) =	vpush v36, $0x2;
	_ =	sdelay $0x2  }
0xc7: {  	(v2sf) =	vpush v36, $0x3;
	_ =	sdelay $0x2  }
0xc8: {  	(v2sf) =	vpush v36, $0x4;
	_ =	sdelay $0x2  }
0xc9: {  	(v2sf) =	vpush v36, $0x5  }
0xca: {  	s9 =	simm.s32 $0x400;
	s25 =	spop (v2sf)  }
0xcb: {  	s10 =	simm.s32 $0x7A1400;
	s0 =	sand.u32 $0xFFFFF80, s25  }
0xcc: {  	s5 =	simm.s32 $0x200;
	(v2sf) =	vpush v36, $0x6;
	s30 =	spop (v2sf);
	s0 =	sadd.s32 s8, s0  }
0xcd: {  	[tilespmem:s5], [sflag:$0x1] =	stream.strided.gather [hbm4b:s0+s9], $0x1000, s10, s9, $0x38;
	[tilespmem:$0x14200] =	vst v63  }
0xce: {  	s0 =	sand.u32 $0xFFFFF80, s30  }
0xcf: {  	s12 =	simm.s32 $0x1200;
	(v2sf) =	vpush v36, $0x7;
	s31 =	spop (v2sf);
	s0 =	sadd.s32 s8, s0  }
0xd0: {  	[tilespmem:s12], [sflag:$0x1] =	stream.strided.gather [hbm4b:s0+s9], $0x1000, s10, s9, $0x38;
	[tilespmem:$0x14200] =	vst v63  }
0xd1: {  	s0 =	sand.u32 $0xFFFFF80, s31  }
0xd2: {  	s7 =	simm.s32 $0x2200;
	(v2sf) =	vpush v36, $0x8;
	s2 =	spop (v2sf);
	s0 =	sadd.s32 s8, s0  }
0xd3: {  	[tilespmem:s7], [sflag:$0x1] =	stream.strided.gather [hbm4b:s0+s9], $0x1000, s10, s9, $0x38;
	[tilespmem:$0x14200] =	vst v63  }
0xd4: {  	s0 =	sand.u32 $0xFFFFF80, s2  }
0xd5: {  	s11 =	simm.s32 $0x3200;
	(v2sf) =	vpush v36, $0x9;
	s3 =	spop (v2sf);
	s0 =	sadd.s32 s8, s0  }
0xd6: {  	[tilespmem:s11], [sflag:$0x1] =	stream.strided.gather [hbm4b:s0+s9], $0x1000, s10, s9, $0x38;
	[tilespmem:$0x14200] =	vst v63  }
0xd7: {  	s0 =	sand.u32 $0xFFFFF80, s3  }
0xd8: {  	s13 =	simm.s32 $0x4200;
	(v2sf) =	vpush v36, $0xA;
	s4 =	spop (v2sf);
	s0 =	sadd.s32 s8, s0  }
0xd9: {  	[tilespmem:s13], [sflag:$0x1] =	stream.strided.gather [hbm4b:s0+s9], $0x1000, s10, s9, $0x38;
	[tilespmem:$0x14200] =	vst v63  }
0xda: {  	s0 =	sand.u32 $0xFFFFF80, s4  }
0xdb: {  	s14 =	simm.s32 $0x5200;
	(v2sf) =	vpush v36, $0xB;
	s6 =	spop (v2sf);
	s0 =	sadd.s32 s8, s0  }
0xdc: {  	[tilespmem:s14], [sflag:$0x1] =	stream.strided.gather [hbm4b:s0+s9], $0x1000, s10, s9, $0x38;
	[tilespmem:$0x14200] =	vst v63  }
0xdd: {  	s0 =	sand.u32 $0xFFFFF80, s6  }
0xde: {  	s15 =	simm.s32 $0x6200;
	(v2sf) =	vpush v36, $0xC;
	s16 =	spop (v2sf);
	s0 =	sadd.s32 s8, s0  }
0xdf: {  	[tilespmem:s15], [sflag:$0x1] =	stream.strided.gather [hbm4b:s0+s9], $0x1000, s10, s9, $0x38;
	[tilespmem:$0x14200] =	vst v63  }
0xe0: {  	s0 =	sand.u32 $0xFFFFF80, s16  }
0xe1: {  	s17 =	simm.s32 $0x7200;
	(v2sf) =	vpush v36, $0xD;
	s18 =	spop (v2sf);
	s0 =	sadd.s32 s8, s0  }
0xe2: {  	[tilespmem:s17], [sflag:$0x1] =	stream.strided.gather [hbm4b:s0+s9], $0x1000, s10, s9, $0x38;
	[tilespmem:$0x14200] =	vst v63  }
0xe3: {  	s0 =	sand.u32 $0xFFFFF80, s18  }
0xe4: {  	s19 =	simm.s32 $0x8200;
	(v2sf) =	vpush v36, $0xE;
	s20 =	spop (v2sf);
	s0 =	sadd.s32 s8, s0  }
0xe5: {  	[tilespmem:s19], [sflag:$0x1] =	stream.strided.gather [hbm4b:s0+s9], $0x1000, s10, s9, $0x38;
	[tilespmem:$0x14200] =	vst v63  }
0xe6: {  	s0 =	sand.u32 $0xFFFFF80, s20  }
0xe7: {  	s21 =	simm.s32 $0x9200;
	(v2sf) =	vpush v36, $0xF;
	s22 =	spop (v2sf);
	s0 =	sadd.s32 s8, s0  }
0xe8: {  	[tilespmem:s21], [sflag:$0x1] =	stream.strided.gather [hbm4b:s0+s9], $0x1000, s10, s9, $0x38;
	[tilespmem:$0x14200] =	vst v63  }
0xe9: {  	s0 =	sand.u32 $0xFFFFF80, s22  }
0xea: {  	s23 =	simm.s32 $0xA200;
	s24 =	spop (v2sf);
	s0 =	sadd.s32 s8, s0  }
0xeb: {  	[tilespmem:s23], [sflag:$0x1] =	stream.strided.gather [hbm4b:s0+s9], $0x1000, s10, s9, $0x38;
	[tilespmem:$0x14200] =	vst v63  }
0xec: {  	s0 =	sand.u32 $0xFFFFF80, s24  }
0xed: {  	s25 =	simm.s32 $0xB200;
	s30 =	spop (v2sf);
	s0 =	sadd.s32 s8, s0  }
0xee: {  	[tilespmem:s25], [sflag:$0x1] =	stream.strided.gather [hbm4b:s0+s9], $0x1000, s10, s9, $0x38;
	[tilespmem:$0x14200] =	vst v63  }
0xef: {  	s0 =	sand.u32 $0xFFFFF80, s30  }
0xf0: {  	s31 =	simm.s32 $0xC200;
	s2 =	spop (v2sf);
	s0 =	sadd.s32 s8, s0  }
0xf1: {  	[tilespmem:s31], [sflag:$0x1] =	stream.strided.gather [hbm4b:s0+s9], $0x1000, s10, s9, $0x38;
	[tilespmem:$0x14200] =	vst v63  }
0xf2: {  	s0 =	sand.u32 $0xFFFFF80, s2  }
0xf3: {  	s3 =	simm.s32 $0xD200;
	s4 =	spop (v2sf);
	s0 =	sadd.s32 s8, s0  }
0xf4: {  	[tilespmem:s3], [sflag:$0x1] =	stream.strided.gather [hbm4b:s0+s9], $0x1000, s10, s9, $0x38;
	[tilespmem:$0x14200] =	vst v63  }
0xf5: {  	s0 =	sand.u32 $0xFFFFF80, s4  }
0xf6: {  	s6 =	simm.s32 $0xE200;
	s15 =	spop (v2sf);
	s0 =	sadd.s32 s8, s0  }
0xf7: {  	[tilespmem:s6], [sflag:$0x1] =	stream.strided.gather [hbm4b:s0+s9], $0x1000, s10, s9, $0x38;
	[tilespmem:$0x14200] =	vst v63  }
0xf8: {  	s0 =	sand.u32 $0xFFFFF80, s15  }
0xf9: {  	s16 =	simm.s32 $0xF200;
	s0 =	sadd.s32 s8, s0  }
0xfa: {  	[tilespmem:s16], [sflag:$0x1] =	stream.strided.gather [hbm4b:s0+s9], $0x1000, s10, s9, $0x38;
	[tilespmem:$0x14200] =	vst v63  }
0xfb: {  	v47 =	vld [tilespmem:s1+$0x0];
	_ =	sdelay $0x4  }
0xfc: {  	(v2sf) =	vpush v47, $0x0  }
0xfd: {  	(v2sf) =	vpush v47, $0x1  }
0xfe: {  	(v2sf) =	vpush v47, $0x2  }
0xff: {  	(v2sf) =	vpush v47, $0x3;
	_ =	sdelay $0x1  }
0x100: {  	(v2sf) =	vpush v47, $0x4  }
0x101: {  	s17 =	smin.u32 s26, $0x1F;
	(v2sf) =	vpush v47, $0x5  }
0x102: {  	s0 =	sshll.u32 s17, $0x4;
	(v2sf) =	vpush v47, $0x6  }
0x103: {  	v37 =	vld [tilespmem:s0+$0x0];
	(v2sf) =	vpush v47, $0x7  }
0x104: {  	(v2sf) =	vpush v47, $0x8  }
0x105: {  	(v2sf) =	vpush v47, $0x9  }
0x106: {  	(v2sf) =	vpush v47, $0xA  }
0x107: {  	(v2sf) =	vpush v47, $0xB  }
0x108: {  	(v2sf) =	vpush v37, $0x0  }
0x109: {  	(v2sf) =	vpush v37, $0x1  }
0x10a: {  	(v2sf) =	vpush v37, $0x2;
	s18 =	spop (v2sf)  }
0x10b: {  	(v2sf) =	vpush v37, $0x3;
	s19 =	spop (v2sf)  }
0x10c: {  	(v2sf) =	vpush v37, $0x4;
	s1 =	spop (v2sf)  }
0x10d: {  	s3 =	sand.u32 $0x7F, s18;
	(v2sf) =	vpush v37, $0x5;
	s0 =	spop (v2sf)  }
0x10e: {  	s4 =	simm.s32 $0x0;
	v38 =	vor.u32 s3, v0;
	_ =	swait.ge [sflag:s26], $0x1000  }
0x10f: {  	v40 =	vmov s4;
	v39 =	vor.u32 s3, v1;
	s24 =	spop (v2sf)  }
0x110: {  	v41 =	vshll.u32 v40, $0x3;
	(v2sf) =	vpush v37, $0x6;
	s22 =	spop (v2sf)  }
0x111: {  	v40 =	vand.u32 $0x70, v40;
	v41 =	vand.u32 $0xC00, v41;
	[sflag:s26] =	ssyncset.done $0x0;
	(v2sf) =	vpush v37, $0x7;
	s20 =	spop (v2sf)  }
0x112: {  	v40 =	vor.u32 v40, v41;
	[sflag:s26] =	ssyncadd.s32 $0xFFFFF000;
	(v2sf) =	vpush v37, $0x8;
	s18 =	spop (v2sf)  }
0x113: {  	v41 =	vor.u32 v2, v40;
	v38 =	vld.idx.msk [tilespmem:v38+s5+$0x0], $0xffff;
	(v2sf) =	vpush v37, $0x9;
	s16 =	spop (v2sf)  }
0x114: {  	v40 =	vor.u32 v3, v40;
	v39 =	vld.idx.msk [tilespmem:v39+s5+$0x0], $0xffff;
	(v2sf) =	vpush v37, $0xA;
	s15 =	spop (v2sf)  }
0x115: {  	(v2sf) =	vpush v37, $0xB;
	s21 =	spop (v2sf)  }
0x116: {  	(v2sf) =	vpush v47, $0xC;
	s23 =	spop (v2sf)  }
0x117: {  	s30 =	simm.s32 $0x1;
	s2 =	sand.u32 $0x7F, s19;
	s25 =	spop (v2sf)  }
0x118: {  	[dreg:$0x14] =	wrdreg s21;
	(v2sf) =	vpush v37, $0xC;
	[tilespmem:v41+s28+$0x0] =	vst.idx.msk $0xffff, v38;
	s4 =	sand.u32 $0xFFFFF80, s25;
	s6 =	spop (v2sf)  }
0x119: {  	[dreg:$0x11] =	wrdreg s23;
	[tilespmem:v40+s28+$0x0] =	vst.idx.msk $0xffff, v39;
	(v2sf) =	vpush v47, $0xD;
	s4 =	sadd.s32 s8, s4;
	s31 =	spop (v2sf)  }
0x11a: {  	v48 =	vor.u32 s2, v0;
	(v2sf) =	vpush v37, $0xD;
	[tilespmem:s5], [sflag:$0x1] =	stream.strided.gather [hbm4b:s4+s9], $0x1000, s10, s9, $0x38;
	[tilespmem:$0x14200] =	vst v63  }
0x11b: {  	v49 =	vmov s30;
	v50 =	vor.u32 s2, v1;
	_ =	swait.ge [sflag:s26], $0x1000  }
0x11c: {  	v51 =	vshll.u32 v49, $0x3;
	s30 =	spop (v2sf)  }
0x11d: {  	v41 =	vand.u32 $0xC00, v51;
	v39 =	vand.u32 $0x71, v49;
	[sflag:s26] =	ssyncset.done $0x0;
	s25 =	spop (v2sf)  }
0x11e: {  	v39 =	vor.u32 v39, v41;
	[sflag:s26] =	ssyncadd.s32 $0xFFFFF000;
	s5 =	spop (v2sf)  }
0x11f: {  	v41 =	vor.u32 v2, v39;
	v38 =	vld.idx.msk [tilespmem:v48+s12+$0x0], $0xffff;
	s23 =	spop (v2sf)  }
0x120: {  	v39 =	vor.u32 v3, v39;
	v40 =	vld.idx.msk [tilespmem:v50+s12+$0x0], $0xffff;
	s21 =	spop (v2sf)  }
0x121: {  	(v2sf) =	vpush v47, $0xE;
	s19 =	spop (v2sf)  }
0x122: {  	(v2sf) =	vpush v37, $0xE;
	s17 =	spop (v2sf)  }
0x123: {  	(v2sf) =	vpush v47, $0xF;
	s29 =	spop (v2sf)  }
0x124: {  	s4 =	sand.u32 $0xFFFFF80, s6;
	[tilespmem:v41+s28+$0x0] =	vst.idx.msk $0xffff, v38;
	s3 =	spop (v2sf)  }
0x125: {  	s1 =	sand.u32 $0x7F, s1;
	s2 =	sadd.s32 s8, s4;
	(v2sf) =	vpush v37, $0xF;
	[tilespmem:v39+s28+$0x0] =	vst.idx.msk $0xffff, v40;
	s6 =	spop (v2sf)  }
0x126: {  	[tilespmem:s12], [sflag:$0x1] =	stream.strided.gather [hbm4b:s2+s9], $0x1000, s10, s9, $0x38;
	[tilespmem:$0x14200] =	vst v63  }
0x127: {  	v52 =	vor.u32 s1, v0;
	s4 =	simm.s32 $0x2;
	[dreg:$0x13] =	wrdreg s3;
	s3 =	spop (v2sf)  }
0x128: {  	v54 =	vor.u32 s1, v1;
	v53 =	vmov s4;
	[dreg:$0x12] =	wrdreg s3  }
0x129: {  	v55 =	vshll.u32 v53, $0x3;
	_ =	swait.ge [sflag:s26], $0x1000  }
0x12a: {  	v37 =	vand.u32 $0x72, v53;
	v39 =	vand.u32 $0xC00, v55;
	[sflag:s26] =	ssyncset.done $0x0  }
0x12b: {  	v37 =	vor.u32 v37, v39;
	[sflag:s26] =	ssyncadd.s32 $0xFFFFF000  }
0x12c: {  	v39 =	vor.u32 v2, v37;
	v36 =	vld.idx.msk [tilespmem:v52+s7+$0x0], $0xffff  }
0x12d: {  	v37 =	vor.u32 v3, v37;
	v38 =	vld.idx.msk [tilespmem:v54+s7+$0x0], $0xffff  }
0x12e: {  	s12 =	spop (v2sf)  }
0x12f: {  	s4 =	spop (v2sf)  }
0x130: {  	s2 =	sand.u32 $0xFFFFF80, s31;
	s1 =	spop (v2sf)  }
0x131: {  	s31 =	sand.u32 $0x7F, s0;
	s2 =	sadd.s32 s8, s2;
	s3 =	spop (v2sf);
	[tilespmem:v39+s28+$0x0] =	vst.idx.msk $0xffff, v36  }
0x132: {  	[dreg:$0x10] =	wrdreg s3;
	s0 =	spop (v2sf);
	s3 =	simm.s32 $0x3;
	[tilespmem:v37+s28+$0x0] =	vst.idx.msk $0xffff, v38  }
0x133: {  	v56 =	vor.u32 s31, v0;
	[tilespmem:s7], [sflag:$0x1] =	stream.strided.gather [hbm4b:s2+s9], $0x1000, s10, s9, $0x38;
	[tilespmem:$0x14200] =	vst v63  }
0x134: {  	v58 =	vor.u32 s31, v1;
	v57 =	vmov s3;
	s2 =	spop (v2sf)  }
0x135: {  	v59 =	vshll.u32 v57, $0x3;
	_ =	swait.ge [sflag:s26], $0x1000  }
0x136: {  	v39 =	vand.u32 $0xC00, v59;
	v37 =	vand.u32 $0x73, v57;
	[sflag:s26] =	ssyncset.done $0x0  }
0x137: {  	v37 =	vor.u32 v37, v39;
	[sflag:s26] =	ssyncadd.s32 $0xFFFFF000  }
0x138: {  	v39 =	vor.u32 v2, v37;
	v36 =	vld.idx.msk [tilespmem:v56+s11+$0x0], $0xffff  }
0x139: {  	v37 =	vor.u32 v3, v37;
	v38 =	vld.idx.msk [tilespmem:v58+s11+$0x0], $0xffff;
	_ =	sdelay $0x3  }
0x13a: {  	s24 =	sand.u32 $0x7F, s24;
	s30 =	sand.u32 $0xFFFFF80, s30;
	[tilespmem:v39+s28+$0x0] =	vst.idx.msk $0xffff, v36  }
0x13b: {  	v60 =	vor.u32 s24, v0;
	s30 =	sadd.s32 s8, s30;
	s7 =	simm.s32 $0x4;
	[tilespmem:v37+s28+$0x0] =	vst.idx.msk $0xffff, v38  }
0x13c: {  	v62 =	vor.u32 s24, v1;
	v61 =	vmov s7;
	[tilespmem:s11], [sflag:$0x1] =	stream.strided.gather [hbm4b:s30+s9], $0x1000, s10, s9, $0x38;
	[tilespmem:$0x14200] =	vst v63  }
0x13d: {  	v63 =	vshll.u32 v61, $0x3;
	_ =	swait.ge [sflag:s26], $0x1000  }
0x13e: {  	v39 =	vand.u32 $0xC00, v63;
	v37 =	vand.u32 $0x74, v61;
	[sflag:s26] =	ssyncset.done $0x0  }
0x13f: {  	v37 =	vor.u32 v37, v39;
	[sflag:s26] =	ssyncadd.s32 $0xFFFFF000  }
0x140: {  	v39 =	vor.u32 v2, v37;
	v36 =	vld.idx.msk [tilespmem:v60+s13+$0x0], $0xffff  }
0x141: {  	v37 =	vor.u32 v3, v37;
	v38 =	vld.idx.msk [tilespmem:v62+s13+$0x0], $0xffff;
	_ =	sdelay $0x3  }
0x142: {  	s22 =	sand.u32 $0x7F, s22;
	s25 =	sand.u32 $0xFFFFF80, s25;
	[tilespmem:v39+s28+$0x0] =	vst.idx.msk $0xffff, v36  }
0x143: {  	v42 =	vor.u32 s22, v0;
	s24 =	sadd.s32 s8, s25;
	s30 =	simm.s32 $0x5;
	[tilespmem:v37+s28+$0x0] =	vst.idx.msk $0xffff, v38  }
0x144: {  	v44 =	vor.u32 s22, v1;
	v43 =	vmov s30;
	[tilespmem:s13], [sflag:$0x1] =	stream.strided.gather [hbm4b:s24+s9], $0x1000, s10, s9, $0x38;
	[tilespmem:$0x14200] =	vst v63  }
0x145: {  	v45 =	vshll.u32 v43, $0x3;
	_ =	swait.ge [sflag:s26], $0x1000  }
0x146: {  	v39 =	vand.u32 $0xC00, v45;
	v37 =	vand.u32 $0x75, v43;
	[sflag:s26] =	ssyncset.done $0x0  }
0x147: {  	v37 =	vor.u32 v37, v39;
	[sflag:s26] =	ssyncadd.s32 $0xFFFFF000  }
0x148: {  	v39 =	vor.u32 v2, v37;
	v36 =	vld.idx.msk [tilespmem:v42+s14+$0x0], $0xffff  }
0x149: {  	v37 =	vor.u32 v3, v37;
	v38 =	vld.idx.msk [tilespmem:v44+s14+$0x0], $0xffff;
	_ =	sdelay $0x3  }
0x14a: {  	s20 =	sand.u32 $0x7F, s20;
	s5 =	sand.u32 $0xFFFFF80, s5;
	[tilespmem:v39+s28+$0x0] =	vst.idx.msk $0xffff, v36  }
0x14b: {  	v46 =	vor.u32 s20, v0;
	s5 =	sadd.s32 s8, s5;
	s31 =	simm.s32 $0x6;
	[tilespmem:v37+s28+$0x0] =	vst.idx.msk $0xffff, v38  }
0x14c: {  	v48 =	vor.u32 s20, v1;
	v47 =	vmov s31;
	[tilespmem:s14], [sflag:$0x1] =	stream.strided.gather [hbm4b:s5+s9], $0x1000, s10, s9, $0x38;
	[tilespmem:$0x14200] =	vst v63  }
0x14d: {  	v49 =	vshll.u32 v47, $0x3;
	_ =	swait.ge [sflag:s26], $0x1000  }
0x14e: {  	v39 =	vand.u32 $0xC00, v49;
	v37 =	vand.u32 $0x76, v47;
	[sflag:s26] =	ssyncset.done $0x0  }
0x14f: {  	s3 =	simm.s32 $0x6200;
	v37 =	vor.u32 v37, v39;
	[sflag:s26] =	ssyncadd.s32 $0xFFFFF000  }
0x150: {  	v39 =	vor.u32 v2, v37;
	v36 =	vld.idx.msk [tilespmem:v46+s3+$0x0], $0xffff  }
0x151: {  	v37 =	vor.u32 v3, v37;
	v38 =	vld.idx.msk [tilespmem:v48+s3+$0x0], $0xffff;
	_ =	sdelay $0x3  }
0x152: {  	s11 =	sand.u32 $0x7F, s18;
	s13 =	sand.u32 $0xFFFFF80, s23;
	[tilespmem:v39+s28+$0x0] =	vst.idx.msk $0xffff, v36  }
0x153: {  	v50 =	vor.u32 s11, v0;
	s18 =	sadd.s32 s8, s13;
	s5 =	simm.s32 $0x6200;
	s14 =	simm.s32 $0x7;
	[tilespmem:v37+s28+$0x0] =	vst.idx.msk $0xffff, v38  }
0x154: {  	v52 =	vor.u32 s11, v1;
	v51 =	vmov s14;
	[tilespmem:s5], [sflag:$0x1] =	stream.strided.gather [hbm4b:s18+s9], $0x1000, s10, s9, $0x38;
	[tilespmem:$0x14200] =	vst v63  }
0x155: {  	v53 =	vshll.u32 v51, $0x3;
	_ =	swait.ge [sflag:s26], $0x1000  }
0x156: {  	v39 =	vand.u32 $0xC00, v53;
	v37 =	vand.u32 $0x77, v51;
	[sflag:s26] =	ssyncset.done $0x0  }
0x157: {  	v37 =	vor.u32 v37, v39;
	s18 =	simm.s32 $0x7200;
	[sflag:s26] =	ssyncadd.s32 $0xFFFFF000  }
0x158: {  	v39 =	vor.u32 v2, v37;
	v36 =	vld.idx.msk [tilespmem:v50+s18+$0x0], $0xffff  }
0x159: {  	v37 =	vor.u32 v3, v37;
	v38 =	vld.idx.msk [tilespmem:v52+s18+$0x0], $0xffff;
	_ =	sdelay $0x3  }
0x15a: {  	s22 =	sand.u32 $0x7F, s16;
	s23 =	sand.u32 $0xFFFFF80, s21;
	[tilespmem:v39+s28+$0x0] =	vst.idx.msk $0xffff, v36  }
0x15b: {  	s20 =	simm.s32 $0x7200;
	v54 =	vor.u32 s22, v0;
	s24 =	simm.s32 $0x8;
	s16 =	sadd.s32 s8, s23;
	[tilespmem:v37+s28+$0x0] =	vst.idx.msk $0xffff, v38  }
0x15c: {  	v56 =	vor.u32 s22, v1;
	v55 =	vmov s24;
	[tilespmem:s20], [sflag:$0x1] =	stream.strided.gather [hbm4b:s16+s9], $0x1000, s10, s9, $0x38;
	[tilespmem:$0x14200] =	vst v63  }
0x15d: {  	v57 =	vshll.u32 v55, $0x3;
	_ =	swait.ge [sflag:s26], $0x1000  }
0x15e: {  	v39 =	vand.u32 $0xC00, v57;
	v37 =	vand.u32 $0x78, v55;
	[sflag:s26] =	ssyncset.done $0x0  }
0x15f: {  	s25 =	simm.s32 $0x8200;
	v37 =	vor.u32 v37, v39;
	[sflag:s26] =	ssyncadd.s32 $0xFFFFF000  }
0x160: {  	v39 =	vor.u32 v2, v37;
	v36 =	vld.idx.msk [tilespmem:v54+s25+$0x0], $0xffff  }
0x161: {  	v37 =	vor.u32 v3, v37;
	v38 =	vld.idx.msk [tilespmem:v56+s25+$0x0], $0xffff;
	_ =	sdelay $0x3  }
0x162: {  	s31 =	sand.u32 $0x7F, s15;
	s3 =	sand.u32 $0xFFFFF80, s19;
	[tilespmem:v39+s28+$0x0] =	vst.idx.msk $0xffff, v36  }
0x163: {  	v58 =	vor.u32 s31, v0;
	s30 =	simm.s32 $0x8200;
	s11 =	simm.s32 $0x9;
	s15 =	sadd.s32 s8, s3;
	[tilespmem:v37+s28+$0x0] =	vst.idx.msk $0xffff, v38  }
0x164: {  	v59 =	vmov s11;
	v60 =	vor.u32 s31, v1;
	[tilespmem:s30], [sflag:$0x1] =	stream.strided.gather [hbm4b:s15+s9], $0x1000, s10, s9, $0x38;
	[tilespmem:$0x14200] =	vst v63  }
0x165: {  	v61 =	vshll.u32 v59, $0x3;
	_ =	swait.ge [sflag:s26], $0x1000  }
0x166: {  	v39 =	vand.u32 $0xC00, v61;
	v37 =	vand.u32 $0x79, v59;
	[sflag:s26] =	ssyncset.done $0x0  }
0x167: {  	s13 =	simm.s32 $0x9200;
	v37 =	vor.u32 v37, v39;
	[sflag:s26] =	ssyncadd.s32 $0xFFFFF000  }
0x168: {  	v39 =	vor.u32 v2, v37;
	v36 =	vld.idx.msk [tilespmem:v58+s13+$0x0], $0xffff  }
0x169: {  	v37 =	vor.u32 v3, v37;
	v38 =	vld.idx.msk [tilespmem:v60+s13+$0x0], $0xffff;
	_ =	sdelay $0x2  }
0x16a: {  	s15 =	rddreg [dreg:$0x14]  }
0x16b: {  	s17 =	sand.u32 $0xFFFFF80, s17;
	s16 =	sand.u32 $0x7F, s15;
	[tilespmem:v39+s28+$0x0] =	vst.idx.msk $0xffff, v36  }
0x16c: {  	s11 =	sadd.s32 s8, s17;
	s14 =	simm.s32 $0x9200;
	s18 =	simm.s32 $0xA;
	v62 =	vor.u32 s16, v0;
	[tilespmem:v37+s28+$0x0] =	vst.idx.msk $0xffff, v38  }
0x16d: {  	v63 =	vmov s18;
	v42 =	vor.u32 s16, v1;
	[tilespmem:s14], [sflag:$0x1] =	stream.strided.gather [hbm4b:s11+s9], $0x1000, s10, s9, $0x38;
	[tilespmem:$0x14200] =	vst v63  }
0x16e: {  	v43 =	vshll.u32 v63, $0x3;
	_ =	swait.ge [sflag:s26], $0x1000  }
0x16f: {  	v39 =	vand.u32 $0xC00, v43;
	v37 =	vand.u32 $0x7A, v63;
	[sflag:s26] =	ssyncset.done $0x0  }
0x170: {  	s19 =	simm.s32 $0xA200;
	v37 =	vor.u32 v37, v39;
	[sflag:s26] =	ssyncadd.s32 $0xFFFFF000  }
0x171: {  	v39 =	vor.u32 v2, v37;
	v36 =	vld.idx.msk [tilespmem:v62+s19+$0x0], $0xffff  }
0x172: {  	v37 =	vor.u32 v3, v37;
	v38 =	vld.idx.msk [tilespmem:v42+s19+$0x0], $0xffff;
	_ =	sdelay $0x2  }
0x173: {  	s21 =	rddreg [dreg:$0x11]  }
0x174: {  	s22 =	sand.u32 $0xFFFFF80, s29;
	s3 =	sand.u32 $0x7F, s21;
	[tilespmem:v39+s28+$0x0] =	vst.idx.msk $0xffff, v36  }
0x175: {  	s23 =	simm.s32 $0xB;
	s5 =	sadd.s32 s8, s22;
	s20 =	simm.s32 $0xA200;
	v44 =	vor.u32 s3, v0;
	[tilespmem:v37+s28+$0x0] =	vst.idx.msk $0xffff, v38  }
0x176: {  	v45 =	vmov s23;
	v46 =	vor.u32 s3, v1;
	[tilespmem:s20], [sflag:$0x1] =	stream.strided.gather [hbm4b:s5+s9], $0x1000, s10, s9, $0x38;
	[tilespmem:$0x14200] =	vst v63  }
0x177: {  	v47 =	vshll.u32 v45, $0x3;
	_ =	swait.ge [sflag:s26], $0x1000  }
0x178: {  	v39 =	vand.u32 $0xC00, v47;
	v37 =	vand.u32 $0x7B, v45;
	[sflag:s26] =	ssyncset.done $0x0  }
0x179: {  	s24 =	simm.s32 $0xB200;
	v37 =	vor.u32 v37, v39;
	[sflag:s26] =	ssyncadd.s32 $0xFFFFF000  }
0x17a: {  	v39 =	vor.u32 v2, v37;
	v36 =	vld.idx.msk [tilespmem:v44+s24+$0x0], $0xffff  }
0x17b: {  	v37 =	vor.u32 v3, v37;
	v38 =	vld.idx.msk [tilespmem:v46+s24+$0x0], $0xffff;
	_ =	sdelay $0x2  }
0x17c: {  	s30 =	rddreg [dreg:$0x13]  }
0x17d: {  	s31 =	sand.u32 $0x7F, s6;
	s3 =	sand.u32 $0xFFFFF80, s30;
	[tilespmem:v39+s28+$0x0] =	vst.idx.msk $0xffff, v36  }
0x17e: {  	s6 =	simm.s32 $0xC;
	v48 =	vor.u32 s31, v0;
	s25 =	simm.s32 $0xB200;
	s3 =	sadd.s32 s8, s3;
	[tilespmem:v37+s28+$0x0] =	vst.idx.msk $0xffff, v38  }
0x17f: {  	v49 =	vmov s6;
	v50 =	vor.u32 s31, v1;
	[tilespmem:s25], [sflag:$0x1] =	stream.strided.gather [hbm4b:s3+s9], $0x1000, s10, s9, $0x38;
	[tilespmem:$0x14200] =	vst v63  }
0x180: {  	v51 =	vshll.u32 v49, $0x3;
	_ =	swait.ge [sflag:s26], $0x1000  }
0x181: {  	v39 =	vand.u32 $0xC00, v51;
	v37 =	vand.u32 $0x7C, v49;
	[sflag:s26] =	ssyncset.done $0x0  }
0x182: {  	s11 =	simm.s32 $0xC200;
	v37 =	vor.u32 v37, v39;
	[sflag:s26] =	ssyncadd.s32 $0xFFFFF000  }
0x183: {  	v39 =	vor.u32 v2, v37;
	v36 =	vld.idx.msk [tilespmem:v48+s11+$0x0], $0xffff  }
0x184: {  	v37 =	vor.u32 v3, v37;
	v38 =	vld.idx.msk [tilespmem:v50+s11+$0x0], $0xffff;
	_ =	sdelay $0x2  }
0x185: {  	s14 =	rddreg [dreg:$0x12]  }
0x186: {  	s15 =	sand.u32 $0x7F, s12;
	s3 =	sand.u32 $0xFFFFF80, s14;
	[tilespmem:v39+s28+$0x0] =	vst.idx.msk $0xffff, v36  }
0x187: {  	s13 =	simm.s32 $0xC200;
	s16 =	simm.s32 $0xD;
	v52 =	vor.u32 s15, v0;
	s3 =	sadd.s32 s8, s3;
	[tilespmem:v37+s28+$0x0] =	vst.idx.msk $0xffff, v38  }
0x188: {  	v54 =	vor.u32 s15, v1;
	v53 =	vmov s16;
	[tilespmem:s13], [sflag:$0x1] =	stream.strided.gather [hbm4b:s3+s9], $0x1000, s10, s9, $0x38;
	[tilespmem:$0x14200] =	vst v63  }
0x189: {  	v55 =	vshll.u32 v53, $0x3;
	_ =	swait.ge [sflag:s26], $0x1000  }
0x18a: {  	v39 =	vand.u32 $0xC00, v55;
	v37 =	vand.u32 $0x7D, v53;
	[sflag:s26] =	ssyncset.done $0x0  }
0x18b: {  	s17 =	simm.s32 $0xD200;
	v37 =	vor.u32 v37, v39;
	[sflag:s26] =	ssyncadd.s32 $0xFFFFF000  }
0x18c: {  	v39 =	vor.u32 v2, v37;
	v36 =	vld.idx.msk [tilespmem:v52+s17+$0x0], $0xffff  }
0x18d: {  	v37 =	vor.u32 v3, v37;
	v38 =	vld.idx.msk [tilespmem:v54+s17+$0x0], $0xffff;
	_ =	sdelay $0x3  }
0x18e: {  	s19 =	sand.u32 $0xFFFFF80, s4;
	s20 =	sand.u32 $0x7F, s1;
	[tilespmem:v39+s28+$0x0] =	vst.idx.msk $0xffff, v36  }
0x18f: {  	s18 =	simm.s32 $0xD200;
	s21 =	simm.s32 $0xE;
	v56 =	vor.u32 s20, v0;
	s3 =	sadd.s32 s8, s19;
	[tilespmem:v37+s28+$0x0] =	vst.idx.msk $0xffff, v38  }
0x190: {  	v57 =	vmov s21;
	v58 =	vor.u32 s20, v1;
	[tilespmem:s18], [sflag:$0x1] =	stream.strided.gather [hbm4b:s3+s9], $0x1000, s10, s9, $0x38;
	[tilespmem:$0x14200] =	vst v63  }
0x191: {  	v59 =	vshll.u32 v57, $0x3;
	_ =	swait.ge [sflag:s26], $0x1000  }
0x192: {  	v39 =	vand.u32 $0xC00, v59;
	v37 =	vand.u32 $0x7E, v57;
	[sflag:s26] =	ssyncset.done $0x0  }
0x193: {  	s22 =	simm.s32 $0xE200;
	v37 =	vor.u32 v37, v39;
	[sflag:s26] =	ssyncadd.s32 $0xFFFFF000  }
0x194: {  	v39 =	vor.u32 v2, v37;
	v36 =	vld.idx.msk [tilespmem:v56+s22+$0x0], $0xffff  }
0x195: {  	v37 =	vor.u32 v3, v37;
	v38 =	vld.idx.msk [tilespmem:v58+s22+$0x0], $0xffff;
	_ =	sdelay $0x2  }
0x196: {  	s24 =	rddreg [dreg:$0x10]  }
0x197: {  	s0 =	sand.u32 $0x7F, s0;
	s1 =	sand.u32 $0xFFFFF80, s24;
	[tilespmem:v39+s28+$0x0] =	vst.idx.msk $0xffff, v36  }
0x198: {  	s23 =	simm.s32 $0xE200;
	v60 =	vor.u32 s0, v0;
	s25 =	simm.s32 $0xF;
	s1 =	sadd.s32 s8, s1;
	[tilespmem:v37+s28+$0x0] =	vst.idx.msk $0xffff, v38  }
0x199: {  	v61 =	vor.u32 s0, v1;
	v62 =	vmov s25;
	[tilespmem:s23], [sflag:$0x1] =	stream.strided.gather [hbm4b:s1+s9], $0x1000, s10, s9, $0x38;
	[tilespmem:$0x14200] =	vst v63  }
0x19a: {  	v63 =	vshll.u32 v62, $0x3;
	_ =	swait.ge [sflag:s26], $0x1000  }
0x19b: {  	v39 =	vand.u32 $0xC00, v63;
	v38 =	vand.u32 $0x7F, v62;
	[sflag:s26] =	ssyncset.done $0x0  }
0x19c: {  	s30 =	simm.s32 $0xF200;
	v38 =	vor.u32 v38, v39;
	[sflag:s26] =	ssyncadd.s32 $0xFFFFF000  }
0x19d: {  	v39 =	vor.u32 v2, v38;
	v36 =	vld.idx.msk [tilespmem:v60+s30+$0x0], $0xffff  }
0x19e: {  	v38 =	vor.u32 v3, v38;
	v37 =	vld.idx.msk [tilespmem:v61+s30+$0x0], $0xffff;
	_ =	sdelay $0x3  }
0x19f: {  	s29 =	simm.s32 $0x10;
	s31 =	sand.u32 $0xFFFFF80, s2;
	[tilespmem:v39+s28+$0x0] =	vst.idx.msk $0xffff, v36  }
0x1a0: {  	s0 =	sadd.s32 s8, s31;
	s20 =	simm.s32 $0x2;
	s1 =	simm.s32 $0x1F;
	[tilespmem:v38+s28+$0x0] =	vst.idx.msk $0xffff, v37  }
.LBB2_2:
0x1a1: {  	s2 =	simm.s32 $0x400;
	s16 =	simm.s32 $0x7A1400;
	s3 =	simm.s32 $0xF200  }
0x1a2: {  	[tilespmem:s3], [sflag:$0x1] =	stream.strided.gather [hbm4b:s0+s2], $0x1000, s16, s2, $0x38;
	[tilespmem:$0x14200] =	vst v63  }
0x1a3: {  	v36 =	vld [tilespmem:s29+$0x0];
	_ =	sdelay $0x4  }
0x1a4: {  	(v2sf) =	vpush v36, $0x0  }
0x1a5: {  	(v2sf) =	vpush v36, $0x1  }
0x1a6: {  	(v2sf) =	vpush v36, $0x2  }
0x1a7: {  	(v2sf) =	vpush v36, $0x3;
	_ =	sdelay $0x1  }
0x1a8: {  	(v2sf) =	vpush v36, $0x4  }
0x1a9: {  	s14 =	smin.u32 s20, $0x1F;
	(v2sf) =	vpush v36, $0x5  }
0x1aa: {  	s0 =	sshll.u32 s14, $0x4;
	(v2sf) =	vpush v36, $0x6  }
0x1ab: {  	v37 =	vld [tilespmem:s0+$0x0];
	(v2sf) =	vpush v36, $0x7  }
0x1ac: {  	(v2sf) =	vpush v36, $0x8  }
0x1ad: {  	(v2sf) =	vpush v36, $0x9  }
0x1ae: {  	(v2sf) =	vpush v36, $0xA  }
0x1af: {  	(v2sf) =	vpush v36, $0xB  }
0x1b0: {  	(v2sf) =	vpush v37, $0x0  }
0x1b1: {  	(v2sf) =	vpush v37, $0x1  }
0x1b2: {  	(v2sf) =	vpush v37, $0x2;
	s15 =	spop (v2sf)  }
0x1b3: {  	s17 =	spop (v2sf);
	(v2sf) =	vpush v37, $0x3  }
0x1b4: {  	s21 =	spop (v2sf);
	(v2sf) =	vpush v37, $0x4  }
0x1b5: {  	s30 =	smov.u32 s1;
	s0 =	sand.u32 $0x7F, s15;
	s22 =	spop (v2sf);
	(v2sf) =	vpush v37, $0x5  }
0x1b6: {  	s4 =	sadd.s32 $0xFFFFFFF1, s30;
	v38 =	vor.u32 s0, v0;
	_ =	swait.ge [sflag:s26], $0x1000  }
0x1b7: {  	v40 =	vmov s4;
	v39 =	vor.u32 s0, v1;
	s23 =	spop (v2sf)  }
0x1b8: {  	v41 =	vshll.u32 v40, $0x3;
	(v2sf) =	vpush v37, $0x6;
	s24 =	spop (v2sf)  }
0x1b9: {  	v40 =	vand.u32 $0x70, v40;
	v41 =	vand.u32 $0xC00, v41;
	s7 =	sand.u32 $0x7F, s21;
	[sflag:s26] =	ssyncset.done $0x0;
	(v2sf) =	vpush v37, $0x7;
	s21 =	spop (v2sf)  }
0x1ba: {  	s9 =	simm.s32 $0x200;
	v40 =	vor.u32 v40, v41;
	[sflag:s26] =	ssyncadd.s32 $0xFFFFF000;
	(v2sf) =	vpush v37, $0x8;
	s31 =	spop (v2sf)  }
0x1bb: {  	v41 =	vor.u32 v2, v40;
	v38 =	vld.idx.msk [tilespmem:v38+s9+$0x0], $0xffff;
	(v2sf) =	vpush v37, $0x9;
	s5 =	spop (v2sf)  }
0x1bc: {  	v40 =	vor.u32 v3, v40;
	v39 =	vld.idx.msk [tilespmem:v39+s9+$0x0], $0xffff;
	s6 =	spop (v2sf)  }
0x1bd: {  	(v2sf) =	vpush v37, $0xA;
	s10 =	spop (v2sf)  }
0x1be: {  	(v2sf) =	vpush v37, $0xB;
	s11 =	spop (v2sf)  }
0x1bf: {  	s15 =	sand.u32 $0x7F, s6;
	(v2sf) =	vpush v36, $0xC;
	s13 =	spop (v2sf)  }
0x1c0: {  	(v2sf) =	vpush v37, $0xC;
	[tilespmem:v41+s28+$0x0] =	vst.idx.msk $0xffff, v38;
	s6 =	sand.u32 $0x7F, s11;
	s4 =	sand.u32 $0xFFFFF80, s13;
	s11 =	spop (v2sf)  }
0x1c1: {  	s18 =	sand.u32 $0x7F, s17;
	[tilespmem:v40+s28+$0x0] =	vst.idx.msk $0xffff, v39;
	s4 =	sadd.s32 s8, s4;
	s14 =	spop (v2sf);
	(v2sf) =	vpush v36, $0xD  }
0x1c2: {  	[tilespmem:s9], [sflag:$0x1] =	stream.strided.gather [hbm4b:s4+s2], $0x1000, s16, s2, $0x38;
	(v2sf) =	vpush v37, $0xD;
	[tilespmem:$0x14200] =	vst v63  }
0x1c3: {  	v46 =	vor.u32 s18, v0;
	s17 =	sand.u32 $0x7F, s5;
	s5 =	sadd.s32 $0xFFFFFFF2, s30;
	_ =	swait.ge [sflag:s26], $0x1000  }
0x1c4: {  	v47 =	vor.u32 s18, v1;
	s3 =	sand.u32 $0x7F, s22;
	s25 =	sand.u32 $0x7F, s23;
	v45 =	vmov s5;
	s18 =	spop (v2sf)  }
0x1c5: {  	s23 =	sand.u32 $0x7F, s24;
	s19 =	sand.u32 $0x7F, s31;
	v48 =	vshll.u32 v45, $0x3;
	s22 =	spop (v2sf)  }
0x1c6: {  	v38 =	vand.u32 $0x71, v45;
	v41 =	vand.u32 $0xC00, v48;
	(v2sf) =	vpush v36, $0xE;
	[sflag:s26] =	ssyncset.done $0x0;
	s5 =	sand.u32 $0xFFFFF80, s18;
	s24 =	spop (v2sf)  }
0x1c7: {  	v38 =	vor.u32 v38, v41;
	(v2sf) =	vpush v37, $0xE;
	[sflag:s26] =	ssyncadd.s32 $0xFFFFF000;
	s18 =	simm.s32 $0x1200;
	s13 =	spop (v2sf)  }
0x1c8: {  	s12 =	sand.u32 $0x7F, s10;
	s11 =	sand.u32 $0xFFFFF80, s11;
	v51 =	vor.u32 v2, v38;
	(v2sf) =	vpush v36, $0xF;
	v49 =	vld.idx.msk [tilespmem:v46+s18+$0x0], $0xffff;
	s9 =	spop (v2sf)  }
0x1c9: {  	v38 =	vor.u32 v3, v38;
	s31 =	sand.u32 $0xFFFFF80, s14;
	s11 =	sadd.s32 s8, s11;
	v50 =	vld.idx.msk [tilespmem:v47+s18+$0x0], $0xffff;
	(v2sf) =	vpush v37, $0xF;
	s10 =	spop (v2sf)  }
0x1ca: {  	s4 =	sand.u32 $0xFFFFF80, s22;
	s14 =	sand.u32 $0xFFFFF80, s10;
	s10 =	spop (v2sf)  }
0x1cb: {  	s0 =	sand.u32 $0xFFFFF80, s24;
	[dreg:$0xb] =	wrdreg s14;
	s14 =	sand.u32 $0xFFFFF80, s10  }
0x1cc: {  	s24 =	sand.u32 $0xFFFFF80, s13;
	s10 =	spop (v2sf);
	[dreg:$0xa] =	wrdreg s14  }
0x1cd: {  	[tilespmem:v51+s28+$0x0] =	vst.idx.msk $0xffff, v49;
	s13 =	sand.u32 $0xFFFFF80, s10;
	s14 =	spop (v2sf);
	s10 =	sadd.s32 $0xFFFFFFF3, s30  }
0x1ce: {  	[tilespmem:v38+s28+$0x0] =	vst.idx.msk $0xffff, v50;
	[dreg:$0x9] =	wrdreg s13;
	s13 =	sand.u32 $0xFFFFF80, s14;
	s14 =	spop (v2sf)  }
0x1cf: {  	v52 =	vor.u32 s7, v0;
	[tilespmem:s18], [sflag:$0x1] =	stream.strided.gather [hbm4b:s11+s2], $0x1000, s16, s2, $0x38;
	[tilespmem:$0x14200] =	vst v63  }
0x1d0: {  	v54 =	vor.u32 s7, v1;
	s22 =	sand.u32 $0xFFFFF80, s9;
	s9 =	smov.u32 s8;
	v53 =	vmov s10;
	s8 =	spop (v2sf)  }
0x1d1: {  	v55 =	vshll.u32 v53, $0x3;
	_ =	swait.ge [sflag:s26], $0x1000;
	s18 =	sand.u32 $0xFFFFF80, s8  }
0x1d2: {  	v37 =	vand.u32 $0x72, v53;
	v39 =	vand.u32 $0xC00, v55;
	[dreg:$0x8] =	wrdreg s18;
	[sflag:s26] =	ssyncset.done $0x0  }
0x1d3: {  	s8 =	spop (v2sf);
	v37 =	vor.u32 v37, v39;
	s18 =	simm.s32 $0x2200;
	[sflag:s26] =	ssyncadd.s32 $0xFFFFF000  }
0x1d4: {  	s10 =	spop (v2sf);
	v39 =	vor.u32 v2, v37;
	v36 =	vld.idx.msk [tilespmem:v52+s18+$0x0], $0xffff  }
0x1d5: {  	s11 =	sand.u32 $0x7F, s8;
	v37 =	vor.u32 v3, v37;
	s7 =	sand.u32 $0xFFFFF80, s10;
	v38 =	vld.idx.msk [tilespmem:v54+s18+$0x0], $0xffff;
	s8 =	spop (v2sf)  }
0x1d6: {  	[dreg:$0x7] =	wrdreg s7;
	s10 =	spop (v2sf)  }
0x1d7: {  	s7 =	sand.u32 $0x7F, s8;
	s8 =	sand.u32 $0xFFFFF80, s10;
	s10 =	spop (v2sf)  }
0x1d8: {  	[dreg:$0x6] =	wrdreg s10;
	s10 =	spop (v2sf)  }
0x1d9: {  	[dreg:$0x5] =	wrdreg s8;
	s8 =	sand.u32 $0xFFFFF80, s10;
	[tilespmem:v39+s28+$0x0] =	vst.idx.msk $0xffff, v36  }
0x1da: {  	v56 =	vor.u32 s3, v0;
	s10 =	sadd.s32 s9, s31;
	s31 =	sadd.s32 $0xFFFFFFF4, s30;
	[dreg:$0x4] =	wrdreg s8;
	[tilespmem:v37+s28+$0x0] =	vst.idx.msk $0xffff, v38  }
0x1db: {  	v58 =	vor.u32 s3, v1;
	v57 =	vmov s31;
	[tilespmem:s18], [sflag:$0x1] =	stream.strided.gather [hbm4b:s10+s2], $0x1000, s16, s2, $0x38;
	[tilespmem:$0x14200] =	vst v63  }
0x1dc: {  	v59 =	vshll.u32 v57, $0x3;
	_ =	swait.ge [sflag:s26], $0x1000  }
0x1dd: {  	v37 =	vand.u32 $0x73, v57;
	v39 =	vand.u32 $0xC00, v59;
	[sflag:s26] =	ssyncset.done $0x0  }
0x1de: {  	s10 =	simm.s32 $0x3200;
	v37 =	vor.u32 v37, v39;
	[sflag:s26] =	ssyncadd.s32 $0xFFFFF000  }
0x1df: {  	v39 =	vor.u32 v2, v37;
	v36 =	vld.idx.msk [tilespmem:v56+s10+$0x0], $0xffff  }
0x1e0: {  	v37 =	vor.u32 v3, v37;
	v38 =	vld.idx.msk [tilespmem:v58+s10+$0x0], $0xffff;
	_ =	sdelay $0x3  }
0x1e1: {  	s8 =	smov.u32 s9;
	[tilespmem:v39+s28+$0x0] =	vst.idx.msk $0xffff, v36  }
0x1e2: {  	v60 =	vor.u32 s25, v0;
	s31 =	sadd.s32 $0xFFFFFFF5, s30;
	s18 =	sadd.s32 s8, s5;
	[tilespmem:v37+s28+$0x0] =	vst.idx.msk $0xffff, v38  }
0x1e3: {  	v62 =	vor.u32 s25, v1;
	v61 =	vmov s31;
	[tilespmem:s10], [sflag:$0x1] =	stream.strided.gather [hbm4b:s18+s2], $0x1000, s16, s2, $0x38;
	[tilespmem:$0x14200] =	vst v63  }
0x1e4: {  	v63 =	vshll.u32 v61, $0x3;
	_ =	swait.ge [sflag:s26], $0x1000  }
0x1e5: {  	v39 =	vand.u32 $0xC00, v63;
	v37 =	vand.u32 $0x74, v61;
	[sflag:s26] =	ssyncset.done $0x0  }
0x1e6: {  	s9 =	simm.s32 $0x4200;
	v37 =	vor.u32 v37, v39;
	[sflag:s26] =	ssyncadd.s32 $0xFFFFF000  }
0x1e7: {  	v39 =	vor.u32 v2, v37;
	v36 =	vld.idx.msk [tilespmem:v60+s9+$0x0], $0xffff  }
0x1e8: {  	v37 =	vor.u32 v3, v37;
	v38 =	vld.idx.msk [tilespmem:v62+s9+$0x0], $0xffff;
	_ =	sdelay $0x3  }
0x1e9: {  	[tilespmem:v39+s28+$0x0] =	vst.idx.msk $0xffff, v36  }
0x1ea: {  	v42 =	vor.u32 s23, v0;
	s10 =	sadd.s32 s8, s4;
	s18 =	sadd.s32 $0xFFFFFFF6, s30;
	[tilespmem:v37+s28+$0x0] =	vst.idx.msk $0xffff, v38  }
0x1eb: {  	v44 =	vor.u32 s23, v1;
	v43 =	vmov s18;
	[tilespmem:s9], [sflag:$0x1] =	stream.strided.gather [hbm4b:s10+s2], $0x1000, s16, s2, $0x38;
	[tilespmem:$0x14200] =	vst v63  }
0x1ec: {  	v45 =	vshll.u32 v43, $0x3;
	_ =	swait.ge [sflag:s26], $0x1000  }
0x1ed: {  	v39 =	vand.u32 $0xC00, v45;
	v37 =	vand.u32 $0x75, v43;
	[sflag:s26] =	ssyncset.done $0x0  }
0x1ee: {  	s23 =	simm.s32 $0x5200;
	v37 =	vor.u32 v37, v39;
	[sflag:s26] =	ssyncadd.s32 $0xFFFFF000  }
0x1ef: {  	v39 =	vor.u32 v2, v37;
	v36 =	vld.idx.msk [tilespmem:v42+s23+$0x0], $0xffff  }
0x1f0: {  	v37 =	vor.u32 v3, v37;
	v38 =	vld.idx.msk [tilespmem:v44+s23+$0x0], $0xffff;
	_ =	sdelay $0x3  }
0x1f1: {  	s25 =	sand.u32 $0x7F, s21;
	[tilespmem:v39+s28+$0x0] =	vst.idx.msk $0xffff, v36  }
0x1f2: {  	v46 =	vor.u32 s25, v0;
	s0 =	sadd.s32 s8, s0;
	s31 =	sadd.s32 $0xFFFFFFF7, s30;
	[tilespmem:v37+s28+$0x0] =	vst.idx.msk $0xffff, v38  }
0x1f3: {  	v48 =	vor.u32 s25, v1;
	v47 =	vmov s31;
	[tilespmem:s23], [sflag:$0x1] =	stream.strided.gather [hbm4b:s0+s2], $0x1000, s16, s2, $0x38;
	[tilespmem:$0x14200] =	vst v63  }
0x1f4: {  	v49 =	vshll.u32 v47, $0x3;
	_ =	swait.ge [sflag:s26], $0x1000  }
0x1f5: {  	v39 =	vand.u32 $0xC00, v49;
	v37 =	vand.u32 $0x76, v47;
	[sflag:s26] =	ssyncset.done $0x0  }
0x1f6: {  	s3 =	simm.s32 $0x6200;
	v37 =	vor.u32 v37, v39;
	[sflag:s26] =	ssyncadd.s32 $0xFFFFF000  }
0x1f7: {  	v39 =	vor.u32 v2, v37;
	v36 =	vld.idx.msk [tilespmem:v46+s3+$0x0], $0xffff  }
0x1f8: {  	v37 =	vor.u32 v3, v37;
	v38 =	vld.idx.msk [tilespmem:v48+s3+$0x0], $0xffff;
	_ =	sdelay $0x3  }
0x1f9: {  	[tilespmem:v39+s28+$0x0] =	vst.idx.msk $0xffff, v36  }
0x1fa: {  	v50 =	vor.u32 s19, v0;
	s5 =	sadd.s32 s8, s24;
	s9 =	sadd.s32 $0xFFFFFFF8, s30;
	[tilespmem:v37+s28+$0x0] =	vst.idx.msk $0xffff, v38  }
0x1fb: {  	v52 =	vor.u32 s19, v1;
	v51 =	vmov s9;
	[tilespmem:s3], [sflag:$0x1] =	stream.strided.gather [hbm4b:s5+s2], $0x1000, s16, s2, $0x38;
	[tilespmem:$0x14200] =	vst v63  }
0x1fc: {  	v53 =	vshll.u32 v51, $0x3;
	_ =	swait.ge [sflag:s26], $0x1000  }
0x1fd: {  	v39 =	vand.u32 $0xC00, v53;
	v37 =	vand.u32 $0x77, v51;
	[sflag:s26] =	ssyncset.done $0x0  }
0x1fe: {  	s10 =	simm.s32 $0x7200;
	v37 =	vor.u32 v37, v39;
	[sflag:s26] =	ssyncadd.s32 $0xFFFFF000  }
0x1ff: {  	v39 =	vor.u32 v2, v37;
	v36 =	vld.idx.msk [tilespmem:v50+s10+$0x0], $0xffff  }
0x200: {  	v37 =	vor.u32 v3, v37;
	v38 =	vld.idx.msk [tilespmem:v52+s10+$0x0], $0xffff;
	_ =	sdelay $0x3  }
0x201: {  	[tilespmem:v39+s28+$0x0] =	vst.idx.msk $0xffff, v36  }
0x202: {  	s19 =	sadd.s32 $0xFFFFFFF9, s30;
	v54 =	vor.u32 s17, v0;
	s18 =	sadd.s32 s8, s22;
	[tilespmem:v37+s28+$0x0] =	vst.idx.msk $0xffff, v38  }
0x203: {  	v55 =	vmov s19;
	v56 =	vor.u32 s17, v1;
	[tilespmem:s10], [sflag:$0x1] =	stream.strided.gather [hbm4b:s18+s2], $0x1000, s16, s2, $0x38;
	[tilespmem:$0x14200] =	vst v63  }
0x204: {  	v57 =	vshll.u32 v55, $0x3;
	_ =	swait.ge [sflag:s26], $0x1000  }
0x205: {  	v39 =	vand.u32 $0xC00, v57;
	v37 =	vand.u32 $0x78, v55;
	[sflag:s26] =	ssyncset.done $0x0  }
0x206: {  	s21 =	simm.s32 $0x8200;
	v37 =	vor.u32 v37, v39;
	[sflag:s26] =	ssyncadd.s32 $0xFFFFF000  }
0x207: {  	v39 =	vor.u32 v2, v37;
	v36 =	vld.idx.msk [tilespmem:v54+s21+$0x0], $0xffff  }
0x208: {  	v37 =	vor.u32 v3, v37;
	v38 =	vld.idx.msk [tilespmem:v56+s21+$0x0], $0xffff;
	_ =	sdelay $0x3  }
0x209: {  	s22 =	rddreg [dreg:$0xb];
	[tilespmem:v39+s28+$0x0] =	vst.idx.msk $0xffff, v36  }
0x20a: {  	v58 =	vor.u32 s15, v0;
	s23 =	sadd.s32 $0xFFFFFFFA, s30;
	s0 =	sadd.s32 s8, s22;
	[tilespmem:v37+s28+$0x0] =	vst.idx.msk $0xffff, v38  }
0x20b: {  	v60 =	vor.u32 s15, v1;
	v59 =	vmov s23;
	[tilespmem:s21], [sflag:$0x1] =	stream.strided.gather [hbm4b:s0+s2], $0x1000, s16, s2, $0x38;
	[tilespmem:$0x14200] =	vst v63  }
0x20c: {  	v61 =	vshll.u32 v59, $0x3;
	_ =	swait.ge [sflag:s26], $0x1000  }
0x20d: {  	v39 =	vand.u32 $0xC00, v61;
	v37 =	vand.u32 $0x79, v59;
	[sflag:s26] =	ssyncset.done $0x0  }
0x20e: {  	s24 =	simm.s32 $0x9200;
	v37 =	vor.u32 v37, v39;
	[sflag:s26] =	ssyncadd.s32 $0xFFFFF000  }
0x20f: {  	v39 =	vor.u32 v2, v37;
	v36 =	vld.idx.msk [tilespmem:v58+s24+$0x0], $0xffff  }
0x210: {  	v37 =	vor.u32 v3, v37;
	v38 =	vld.idx.msk [tilespmem:v60+s24+$0x0], $0xffff;
	_ =	sdelay $0x3  }
0x211: {  	s25 =	rddreg [dreg:$0xa];
	[tilespmem:v39+s28+$0x0] =	vst.idx.msk $0xffff, v36  }
0x212: {  	s31 =	sadd.s32 $0xFFFFFFFB, s30;
	v62 =	vor.u32 s12, v0;
	s0 =	sadd.s32 s8, s25;
	[tilespmem:v37+s28+$0x0] =	vst.idx.msk $0xffff, v38  }
0x213: {  	v63 =	vmov s31;
	v42 =	vor.u32 s12, v1;
	[tilespmem:s24], [sflag:$0x1] =	stream.strided.gather [hbm4b:s0+s2], $0x1000, s16, s2, $0x38;
	[tilespmem:$0x14200] =	vst v63  }
0x214: {  	v43 =	vshll.u32 v63, $0x3;
	_ =	swait.ge [sflag:s26], $0x1000  }
0x215: {  	v39 =	vand.u32 $0xC00, v43;
	v37 =	vand.u32 $0x7A, v63;
	[sflag:s26] =	ssyncset.done $0x0  }
0x216: {  	s3 =	simm.s32 $0xA200;
	v37 =	vor.u32 v37, v39;
	[sflag:s26] =	ssyncadd.s32 $0xFFFFF000  }
0x217: {  	v39 =	vor.u32 v2, v37;
	v36 =	vld.idx.msk [tilespmem:v62+s3+$0x0], $0xffff  }
0x218: {  	v37 =	vor.u32 v3, v37;
	v38 =	vld.idx.msk [tilespmem:v42+s3+$0x0], $0xffff;
	_ =	sdelay $0x3  }
0x219: {  	s5 =	rddreg [dreg:$0x9];
	[tilespmem:v39+s28+$0x0] =	vst.idx.msk $0xffff, v36  }
0x21a: {  	s9 =	sadd.s32 $0xFFFFFFFC, s30;
	v44 =	vor.u32 s6, v0;
	s0 =	sadd.s32 s8, s5;
	[tilespmem:v37+s28+$0x0] =	vst.idx.msk $0xffff, v38  }
0x21b: {  	v45 =	vmov s9;
	v46 =	vor.u32 s6, v1;
	[tilespmem:s3], [sflag:$0x1] =	stream.strided.gather [hbm4b:s0+s2], $0x1000, s16, s2, $0x38;
	[tilespmem:$0x14200] =	vst v63  }
0x21c: {  	v47 =	vshll.u32 v45, $0x3;
	_ =	swait.ge [sflag:s26], $0x1000  }
0x21d: {  	v39 =	vand.u32 $0xC00, v47;
	v37 =	vand.u32 $0x7B, v45;
	[sflag:s26] =	ssyncset.done $0x0  }
0x21e: {  	s10 =	simm.s32 $0xB200;
	v37 =	vor.u32 v37, v39;
	[sflag:s26] =	ssyncadd.s32 $0xFFFFF000  }
0x21f: {  	v39 =	vor.u32 v2, v37;
	v36 =	vld.idx.msk [tilespmem:v44+s10+$0x0], $0xffff  }
0x220: {  	v37 =	vor.u32 v3, v37;
	v38 =	vld.idx.msk [tilespmem:v46+s10+$0x0], $0xffff;
	_ =	sdelay $0x3  }
0x221: {  	s14 =	sand.u32 $0x7F, s14;
	[tilespmem:v39+s28+$0x0] =	vst.idx.msk $0xffff, v36  }
0x222: {  	s12 =	sadd.s32 s8, s13;
	s13 =	sadd.s32 $0xFFFFFFFD, s30;
	v48 =	vor.u32 s14, v0;
	[tilespmem:v37+s28+$0x0] =	vst.idx.msk $0xffff, v38  }
0x223: {  	v49 =	vmov s13;
	v50 =	vor.u32 s14, v1;
	[tilespmem:s10], [sflag:$0x1] =	stream.strided.gather [hbm4b:s12+s2], $0x1000, s16, s2, $0x38;
	[tilespmem:$0x14200] =	vst v63  }
0x224: {  	v51 =	vshll.u32 v49, $0x3;
	_ =	swait.ge [sflag:s26], $0x1000  }
0x225: {  	v39 =	vand.u32 $0xC00, v51;
	v37 =	vand.u32 $0x7C, v49;
	[sflag:s26] =	ssyncset.done $0x0  }
0x226: {  	s15 =	simm.s32 $0xC200;
	v37 =	vor.u32 v37, v39;
	[sflag:s26] =	ssyncadd.s32 $0xFFFFF000  }
0x227: {  	v39 =	vor.u32 v2, v37;
	v36 =	vld.idx.msk [tilespmem:v48+s15+$0x0], $0xffff  }
0x228: {  	v37 =	vor.u32 v3, v37;
	v38 =	vld.idx.msk [tilespmem:v50+s15+$0x0], $0xffff;
	_ =	sdelay $0x3  }
0x229: {  	s17 =	rddreg [dreg:$0x8];
	[tilespmem:v39+s28+$0x0] =	vst.idx.msk $0xffff, v36  }
0x22a: {  	v52 =	vor.u32 s11, v0;
	s18 =	sadd.s32 $0xFFFFFFFE, s30;
	s0 =	sadd.s32 s8, s17;
	[tilespmem:v37+s28+$0x0] =	vst.idx.msk $0xffff, v38  }
0x22b: {  	v53 =	vmov s18;
	v54 =	vor.u32 s11, v1;
	[tilespmem:s15], [sflag:$0x1] =	stream.strided.gather [hbm4b:s0+s2], $0x1000, s16, s2, $0x38;
	[tilespmem:$0x14200] =	vst v63  }
0x22c: {  	v55 =	vshll.u32 v53, $0x3;
	_ =	swait.ge [sflag:s26], $0x1000  }
0x22d: {  	v39 =	vand.u32 $0xC00, v55;
	v37 =	vand.u32 $0x7D, v53;
	[sflag:s26] =	ssyncset.done $0x0  }
0x22e: {  	s19 =	simm.s32 $0xD200;
	v37 =	vor.u32 v37, v39;
	[sflag:s26] =	ssyncadd.s32 $0xFFFFF000  }
0x22f: {  	v39 =	vor.u32 v2, v37;
	v36 =	vld.idx.msk [tilespmem:v52+s19+$0x0], $0xffff  }
0x230: {  	v37 =	vor.u32 v3, v37;
	v38 =	vld.idx.msk [tilespmem:v54+s19+$0x0], $0xffff;
	_ =	sdelay $0x3  }
0x231: {  	s21 =	rddreg [dreg:$0x7];
	[tilespmem:v39+s28+$0x0] =	vst.idx.msk $0xffff, v36  }
0x232: {  	s22 =	sadd.s32 $0xFFFFFFFF, s30;
	v56 =	vor.u32 s7, v0;
	s0 =	sadd.s32 s8, s21;
	[tilespmem:v37+s28+$0x0] =	vst.idx.msk $0xffff, v38  }
0x233: {  	v57 =	vmov s22;
	v58 =	vor.u32 s7, v1;
	[tilespmem:s19], [sflag:$0x1] =	stream.strided.gather [hbm4b:s0+s2], $0x1000, s16, s2, $0x38;
	[tilespmem:$0x14200] =	vst v63  }
0x234: {  	v59 =	vshll.u32 v57, $0x3;
	_ =	swait.ge [sflag:s26], $0x1000  }
0x235: {  	v39 =	vand.u32 $0xC00, v59;
	v37 =	vand.u32 $0x7E, v57;
	[sflag:s26] =	ssyncset.done $0x0  }
0x236: {  	s23 =	simm.s32 $0xE200;
	v37 =	vor.u32 v37, v39;
	[sflag:s26] =	ssyncadd.s32 $0xFFFFF000  }
0x237: {  	v39 =	vor.u32 v2, v37;
	v36 =	vld.idx.msk [tilespmem:v56+s23+$0x0], $0xffff  }
0x238: {  	v37 =	vor.u32 v3, v37;
	v38 =	vld.idx.msk [tilespmem:v58+s23+$0x0], $0xffff;
	_ =	sdelay $0x2  }
0x239: {  	s24 =	rddreg [dreg:$0x6]  }
0x23a: {  	s25 =	rddreg [dreg:$0x5];
	s0 =	sand.u32 $0x7F, s24;
	[tilespmem:v39+s28+$0x0] =	vst.idx.msk $0xffff, v36  }
0x23b: {  	s3 =	sadd.s32 s8, s25;
	v60 =	vor.u32 s0, v0;
	[tilespmem:v37+s28+$0x0] =	vst.idx.msk $0xffff, v38  }
0x23c: {  	v62 =	vmov s30;
	v61 =	vor.u32 s0, v1;
	[tilespmem:s23], [sflag:$0x1] =	stream.strided.gather [hbm4b:s3+s2], $0x1000, s16, s2, $0x38;
	[tilespmem:$0x14200] =	vst v63  }
0x23d: {  	v63 =	vshll.u32 v62, $0x3;
	_ =	swait.ge [sflag:s26], $0x1000  }
0x23e: {  	v39 =	vand.u32 $0xC00, v63;
	v38 =	vand.u32 $0x7F, v62;
	[sflag:s26] =	ssyncset.done $0x0  }
0x23f: {  	s30 =	simm.s32 $0xF200;
	v38 =	vor.u32 v38, v39;
	[sflag:s26] =	ssyncadd.s32 $0xFFFFF000  }
0x240: {  	v39 =	vor.u32 v2, v38;
	v36 =	vld.idx.msk [tilespmem:v60+s30+$0x0], $0xffff  }
0x241: {  	p0 =	sne.s32 s1, $0x1FF;
	v38 =	vor.u32 v3, v38;
	v37 =	vld.idx.msk [tilespmem:v61+s30+$0x0], $0xffff  }
.Ltmp0:
0x242: {  	_ = 	snop;
	(pc) =	sbr.rel @p0 .LBB2_2-.Ltmp0, $4  }
0x243: {  	_ = 	snop  }
0x244: {  	s1 =	sadd.s32 $0x10, s1  }
0x245: {  	s20 =	sadd.s32 $0x1, s20;
	s29 =	sadd.s32 $0x10, s29;
	s31 =	rddreg [dreg:$0x4];
	[tilespmem:v39+s28+$0x0] =	vst.idx.msk $0xffff, v36  }
0x246: {  	s4 =	simm.s32 $0x400;
	s5 =	simm.s32 $0x7A1400;
	s0 =	sadd.s32 s8, s31;
	[tilespmem:v38+s28+$0x0] =	vst.idx.msk $0xffff, v37  }
0x247: {  	s1 =	simm.s32 $0xF200  }
0x248: {  	[tilespmem:s1], [sflag:$0x1] =	stream.strided.gather [hbm4b:s0+s4], $0x1000, s5, s4, $0x38;
	[tilespmem:$0x14200] =	vst v63  }
0x249: {  	v36 =	vld [tilespmem:$0x1F0];
	_ =	sdelay $0x3  }
0x24a: {  	_ =	swait.ge [sflag:s26], $0x1000  }
0x24b: {  	(v2sf) =	vpush v36, $0x0;
	_ =	sdelay $0xe  }
0x24c: {  	s20 =	spop (v2sf)  }
0x24d: {  	s0 =	sand.u32 $0x7F, s20  }
0x24e: {  	v37 =	vor.u32 s0, v0  }
0x24f: {  	v38 =	vor.u32 s0, v1;
	_ =	sdelay $0x1  }
0x250: {  	[sflag:s26] =	ssyncset.done $0x0  }
0x251: {  	s21 =	simm.s32 $0x200;
	[sflag:s26] =	ssyncadd.s32 $0xFFFFF000  }
0x252: {  	v37 =	vld.idx.msk [tilespmem:v37+s21+$0x0], $0xffff  }
0x253: {  	v38 =	vld.idx.msk [tilespmem:v38+s21+$0x0], $0xffff;
	_ =	sdelay $0x3  }
0x254: {  	[tilespmem:v4+s28+$0x0] =	vst.idx.msk $0xffff, v37  }
0x255: {  	[tilespmem:v5+s28+$0x0] =	vst.idx.msk $0xffff, v38  }
0x256: {  	_ =	swait.ge [sflag:s26], $0x1000  }
0x257: {  	(v2sf) =	vpush v36, $0x1;
	_ =	sdelay $0xe  }
0x258: {  	s22 =	spop (v2sf)  }
0x259: {  	s0 =	sand.u32 $0x7F, s22  }
0x25a: {  	v58 =	vor.u32 s0, v0  }
0x25b: {  	v59 =	vor.u32 s0, v1;
	_ =	sdelay $0x1  }
0x25c: {  	[sflag:s26] =	ssyncset.done $0x0  }
0x25d: {  	s23 =	simm.s32 $0x1200;
	[sflag:s26] =	ssyncadd.s32 $0xFFFFF000  }
0x25e: {  	v37 =	vld.idx.msk [tilespmem:v58+s23+$0x0], $0xffff  }
0x25f: {  	v38 =	vld.idx.msk [tilespmem:v59+s23+$0x0], $0xffff;
	_ =	sdelay $0x3  }
0x260: {  	[tilespmem:v6+s28+$0x0] =	vst.idx.msk $0xffff, v37  }
0x261: {  	[tilespmem:v7+s28+$0x0] =	vst.idx.msk $0xffff, v38  }
0x262: {  	_ =	swait.ge [sflag:s26], $0x1000  }
0x263: {  	(v2sf) =	vpush v36, $0x2;
	_ =	sdelay $0xe  }
0x264: {  	s24 =	spop (v2sf)  }
0x265: {  	s0 =	sand.u32 $0x7F, s24  }
0x266: {  	v60 =	vor.u32 s0, v0  }
0x267: {  	v61 =	vor.u32 s0, v1;
	_ =	sdelay $0x1  }
0x268: {  	[sflag:s26] =	ssyncset.done $0x0  }
0x269: {  	s25 =	simm.s32 $0x2200;
	[sflag:s26] =	ssyncadd.s32 $0xFFFFF000  }
0x26a: {  	v37 =	vld.idx.msk [tilespmem:v60+s25+$0x0], $0xffff  }
0x26b: {  	v38 =	vld.idx.msk [tilespmem:v61+s25+$0x0], $0xffff;
	_ =	sdelay $0x3  }
0x26c: {  	[tilespmem:v8+s28+$0x0] =	vst.idx.msk $0xffff, v37  }
0x26d: {  	[tilespmem:v9+s28+$0x0] =	vst.idx.msk $0xffff, v38  }
0x26e: {  	_ =	swait.ge [sflag:s26], $0x1000  }
0x26f: {  	(v2sf) =	vpush v36, $0x3;
	_ =	sdelay $0xe  }
0x270: {  	s29 =	spop (v2sf)  }
0x271: {  	s0 =	sand.u32 $0x7F, s29  }
0x272: {  	v62 =	vor.u32 s0, v0  }
0x273: {  	v63 =	vor.u32 s0, v1;
	_ =	sdelay $0x1  }
0x274: {  	[sflag:s26] =	ssyncset.done $0x0  }
0x275: {  	s30 =	simm.s32 $0x3200;
	[sflag:s26] =	ssyncadd.s32 $0xFFFFF000  }
0x276: {  	v37 =	vld.idx.msk [tilespmem:v62+s30+$0x0], $0xffff  }
0x277: {  	v38 =	vld.idx.msk [tilespmem:v63+s30+$0x0], $0xffff;
	_ =	sdelay $0x3  }
0x278: {  	[tilespmem:v10+s28+$0x0] =	vst.idx.msk $0xffff, v37  }
0x279: {  	[tilespmem:v11+s28+$0x0] =	vst.idx.msk $0xffff, v38  }
0x27a: {  	_ =	swait.ge [sflag:s26], $0x1000  }
0x27b: {  	(v2sf) =	vpush v36, $0x4;
	_ =	sdelay $0xe  }
0x27c: {  	s31 =	spop (v2sf)  }
0x27d: {  	s0 =	sand.u32 $0x7F, s31  }
0x27e: {  	v40 =	vor.u32 s0, v0  }
0x27f: {  	v41 =	vor.u32 s0, v1;
	_ =	sdelay $0x1  }
0x280: {  	[sflag:s26] =	ssyncset.done $0x0  }
0x281: {  	s2 =	simm.s32 $0x4200;
	[sflag:s26] =	ssyncadd.s32 $0xFFFFF000  }
0x282: {  	v37 =	vld.idx.msk [tilespmem:v40+s2+$0x0], $0xffff  }
0x283: {  	v38 =	vld.idx.msk [tilespmem:v41+s2+$0x0], $0xffff;
	_ =	sdelay $0x3  }
0x284: {  	[tilespmem:v12+s28+$0x0] =	vst.idx.msk $0xffff, v37  }
0x285: {  	[tilespmem:v13+s28+$0x0] =	vst.idx.msk $0xffff, v38  }
0x286: {  	_ =	swait.ge [sflag:s26], $0x1000  }
0x287: {  	(v2sf) =	vpush v36, $0x5;
	_ =	sdelay $0xe  }
0x288: {  	s3 =	spop (v2sf)  }
0x289: {  	s0 =	sand.u32 $0x7F, s3  }
0x28a: {  	v42 =	vor.u32 s0, v0  }
0x28b: {  	v43 =	vor.u32 s0, v1;
	_ =	sdelay $0x1  }
0x28c: {  	[sflag:s26] =	ssyncset.done $0x0  }
0x28d: {  	s4 =	simm.s32 $0x5200;
	[sflag:s26] =	ssyncadd.s32 $0xFFFFF000  }
0x28e: {  	v37 =	vld.idx.msk [tilespmem:v42+s4+$0x0], $0xffff  }
0x28f: {  	v38 =	vld.idx.msk [tilespmem:v43+s4+$0x0], $0xffff;
	_ =	sdelay $0x3  }
0x290: {  	[tilespmem:v14+s28+$0x0] =	vst.idx.msk $0xffff, v37  }
0x291: {  	[tilespmem:v15+s28+$0x0] =	vst.idx.msk $0xffff, v38  }
0x292: {  	_ =	swait.ge [sflag:s26], $0x1000  }
0x293: {  	(v2sf) =	vpush v36, $0x6;
	_ =	sdelay $0xe  }
0x294: {  	s5 =	spop (v2sf)  }
0x295: {  	s0 =	sand.u32 $0x7F, s5  }
0x296: {  	v44 =	vor.u32 s0, v0  }
0x297: {  	v45 =	vor.u32 s0, v1;
	_ =	sdelay $0x1  }
0x298: {  	[sflag:s26] =	ssyncset.done $0x0  }
0x299: {  	s6 =	simm.s32 $0x6200;
	[sflag:s26] =	ssyncadd.s32 $0xFFFFF000  }
0x29a: {  	v37 =	vld.idx.msk [tilespmem:v44+s6+$0x0], $0xffff  }
0x29b: {  	v38 =	vld.idx.msk [tilespmem:v45+s6+$0x0], $0xffff;
	_ =	sdelay $0x3  }
0x29c: {  	[tilespmem:v16+s28+$0x0] =	vst.idx.msk $0xffff, v37  }
0x29d: {  	[tilespmem:v17+s28+$0x0] =	vst.idx.msk $0xffff, v38  }
0x29e: {  	_ =	swait.ge [sflag:s26], $0x1000  }
0x29f: {  	(v2sf) =	vpush v36, $0x7;
	_ =	sdelay $0xe  }
0x2a0: {  	s7 =	spop (v2sf)  }
0x2a1: {  	s0 =	sand.u32 $0x7F, s7  }
0x2a2: {  	v46 =	vor.u32 s0, v0  }
0x2a3: {  	v47 =	vor.u32 s0, v1;
	_ =	sdelay $0x1  }
0x2a4: {  	[sflag:s26] =	ssyncset.done $0x0  }
0x2a5: {  	s9 =	simm.s32 $0x7200;
	[sflag:s26] =	ssyncadd.s32 $0xFFFFF000  }
0x2a6: {  	v37 =	vld.idx.msk [tilespmem:v46+s9+$0x0], $0xffff  }
0x2a7: {  	v38 =	vld.idx.msk [tilespmem:v47+s9+$0x0], $0xffff;
	_ =	sdelay $0x3  }
0x2a8: {  	[tilespmem:v18+s28+$0x0] =	vst.idx.msk $0xffff, v37  }
0x2a9: {  	[tilespmem:v19+s28+$0x0] =	vst.idx.msk $0xffff, v38  }
0x2aa: {  	_ =	swait.ge [sflag:s26], $0x1000  }
0x2ab: {  	(v2sf) =	vpush v36, $0x8;
	_ =	sdelay $0xe  }
0x2ac: {  	s10 =	spop (v2sf)  }
0x2ad: {  	s0 =	sand.u32 $0x7F, s10  }
0x2ae: {  	v48 =	vor.u32 s0, v0  }
0x2af: {  	v49 =	vor.u32 s0, v1;
	_ =	sdelay $0x1  }
0x2b0: {  	[sflag:s26] =	ssyncset.done $0x0  }
0x2b1: {  	s11 =	simm.s32 $0x8200;
	[sflag:s26] =	ssyncadd.s32 $0xFFFFF000  }
0x2b2: {  	v37 =	vld.idx.msk [tilespmem:v48+s11+$0x0], $0xffff  }
0x2b3: {  	v38 =	vld.idx.msk [tilespmem:v49+s11+$0x0], $0xffff;
	_ =	sdelay $0x3  }
0x2b4: {  	[tilespmem:v20+s28+$0x0] =	vst.idx.msk $0xffff, v37  }
0x2b5: {  	[tilespmem:v21+s28+$0x0] =	vst.idx.msk $0xffff, v38  }
0x2b6: {  	_ =	swait.ge [sflag:s26], $0x1000  }
0x2b7: {  	(v2sf) =	vpush v36, $0x9;
	_ =	sdelay $0xe  }
0x2b8: {  	s12 =	spop (v2sf)  }
0x2b9: {  	s0 =	sand.u32 $0x7F, s12  }
0x2ba: {  	v50 =	vor.u32 s0, v0  }
0x2bb: {  	v51 =	vor.u32 s0, v1;
	_ =	sdelay $0x1  }
0x2bc: {  	[sflag:s26] =	ssyncset.done $0x0  }
0x2bd: {  	s13 =	simm.s32 $0x9200;
	[sflag:s26] =	ssyncadd.s32 $0xFFFFF000  }
0x2be: {  	v37 =	vld.idx.msk [tilespmem:v50+s13+$0x0], $0xffff  }
0x2bf: {  	v38 =	vld.idx.msk [tilespmem:v51+s13+$0x0], $0xffff;
	_ =	sdelay $0x3  }
0x2c0: {  	[tilespmem:v22+s28+$0x0] =	vst.idx.msk $0xffff, v37  }
0x2c1: {  	[tilespmem:v23+s28+$0x0] =	vst.idx.msk $0xffff, v38  }
0x2c2: {  	_ =	swait.ge [sflag:s26], $0x1000  }
0x2c3: {  	(v2sf) =	vpush v36, $0xA;
	_ =	sdelay $0xe  }
0x2c4: {  	s14 =	spop (v2sf)  }
0x2c5: {  	s0 =	sand.u32 $0x7F, s14  }
0x2c6: {  	v52 =	vor.u32 s0, v0  }
0x2c7: {  	v53 =	vor.u32 s0, v1;
	_ =	sdelay $0x1  }
0x2c8: {  	[sflag:s26] =	ssyncset.done $0x0  }
0x2c9: {  	s15 =	simm.s32 $0xA200;
	[sflag:s26] =	ssyncadd.s32 $0xFFFFF000  }
0x2ca: {  	v37 =	vld.idx.msk [tilespmem:v52+s15+$0x0], $0xffff  }
0x2cb: {  	v38 =	vld.idx.msk [tilespmem:v53+s15+$0x0], $0xffff;
	_ =	sdelay $0x3  }
0x2cc: {  	[tilespmem:v24+s28+$0x0] =	vst.idx.msk $0xffff, v37  }
0x2cd: {  	[tilespmem:v25+s28+$0x0] =	vst.idx.msk $0xffff, v38  }
0x2ce: {  	_ =	swait.ge [sflag:s26], $0x1000  }
0x2cf: {  	(v2sf) =	vpush v36, $0xB;
	_ =	sdelay $0xe  }
0x2d0: {  	s16 =	spop (v2sf)  }
0x2d1: {  	s0 =	sand.u32 $0x7F, s16  }
0x2d2: {  	v54 =	vor.u32 s0, v0  }
0x2d3: {  	v55 =	vor.u32 s0, v1;
	_ =	sdelay $0x1  }
0x2d4: {  	[sflag:s26] =	ssyncset.done $0x0  }
0x2d5: {  	s17 =	simm.s32 $0xB200;
	[sflag:s26] =	ssyncadd.s32 $0xFFFFF000  }
0x2d6: {  	v37 =	vld.idx.msk [tilespmem:v54+s17+$0x0], $0xffff  }
0x2d7: {  	v38 =	vld.idx.msk [tilespmem:v55+s17+$0x0], $0xffff;
	_ =	sdelay $0x3  }
0x2d8: {  	[tilespmem:v26+s28+$0x0] =	vst.idx.msk $0xffff, v37  }
0x2d9: {  	[tilespmem:v27+s28+$0x0] =	vst.idx.msk $0xffff, v38  }
0x2da: {  	_ =	swait.ge [sflag:s26], $0x1000  }
0x2db: {  	(v2sf) =	vpush v36, $0xC;
	_ =	sdelay $0xe  }
0x2dc: {  	s18 =	spop (v2sf)  }
0x2dd: {  	s0 =	sand.u32 $0x7F, s18  }
0x2de: {  	v56 =	vor.u32 s0, v0  }
0x2df: {  	v57 =	vor.u32 s0, v1;
	_ =	sdelay $0x1  }
0x2e0: {  	[sflag:s26] =	ssyncset.done $0x0  }
0x2e1: {  	s19 =	simm.s32 $0xC200;
	[sflag:s26] =	ssyncadd.s32 $0xFFFFF000  }
0x2e2: {  	v37 =	vld.idx.msk [tilespmem:v56+s19+$0x0], $0xffff  }
0x2e3: {  	v38 =	vld.idx.msk [tilespmem:v57+s19+$0x0], $0xffff;
	_ =	sdelay $0x3  }
0x2e4: {  	[tilespmem:v28+s28+$0x0] =	vst.idx.msk $0xffff, v37  }
0x2e5: {  	[tilespmem:v29+s28+$0x0] =	vst.idx.msk $0xffff, v38  }
0x2e6: {  	_ =	swait.ge [sflag:s26], $0x1000  }
0x2e7: {  	(v2sf) =	vpush v36, $0xD;
	_ =	sdelay $0xe  }
0x2e8: {  	s20 =	spop (v2sf)  }
0x2e9: {  	s0 =	sand.u32 $0x7F, s20  }
0x2ea: {  	v58 =	vor.u32 s0, v0  }
0x2eb: {  	v59 =	vor.u32 s0, v1;
	_ =	sdelay $0x1  }
0x2ec: {  	[sflag:s26] =	ssyncset.done $0x0  }
0x2ed: {  	s21 =	simm.s32 $0xD200;
	[sflag:s26] =	ssyncadd.s32 $0xFFFFF000  }
0x2ee: {  	v37 =	vld.idx.msk [tilespmem:v58+s21+$0x0], $0xffff  }
0x2ef: {  	v38 =	vld.idx.msk [tilespmem:v59+s21+$0x0], $0xffff;
	_ =	sdelay $0x3  }
0x2f0: {  	[tilespmem:v30+s28+$0x0] =	vst.idx.msk $0xffff, v37  }
0x2f1: {  	[tilespmem:v31+s28+$0x0] =	vst.idx.msk $0xffff, v38  }
0x2f2: {  	_ =	swait.ge [sflag:s26], $0x1000  }
0x2f3: {  	(v2sf) =	vpush v36, $0xE;
	_ =	sdelay $0xe  }
0x2f4: {  	s22 =	spop (v2sf)  }
0x2f5: {  	s0 =	sand.u32 $0x7F, s22  }
0x2f6: {  	v60 =	vor.u32 s0, v0  }
0x2f7: {  	v61 =	vor.u32 s0, v1;
	_ =	sdelay $0x1  }
0x2f8: {  	[sflag:s26] =	ssyncset.done $0x0  }
0x2f9: {  	s23 =	simm.s32 $0xE200;
	[sflag:s26] =	ssyncadd.s32 $0xFFFFF000  }
0x2fa: {  	v37 =	vld.idx.msk [tilespmem:v60+s23+$0x0], $0xffff  }
0x2fb: {  	v38 =	vld.idx.msk [tilespmem:v61+s23+$0x0], $0xffff;
	_ =	sdelay $0x3  }
0x2fc: {  	[tilespmem:v32+s28+$0x0] =	vst.idx.msk $0xffff, v37  }
0x2fd: {  	[tilespmem:v33+s28+$0x0] =	vst.idx.msk $0xffff, v38  }
0x2fe: {  	_ =	swait.ge [sflag:s26], $0x1000  }
0x2ff: {  	(v2sf) =	vpush v36, $0xF;
	_ =	sdelay $0xe  }
0x300: {  	s24 =	spop (v2sf)  }
0x301: {  	s0 =	sand.u32 $0x7F, s24  }
0x302: {  	v62 =	vor.u32 s0, v0  }
0x303: {  	v63 =	vor.u32 s0, v1;
	_ =	sdelay $0x1  }
0x304: {  	[sflag:s26] =	ssyncset.done $0x0  }
0x305: {  	[sflag:s26] =	ssyncadd.s32 $0xFFFFF000  }
0x306: {  	v36 =	vld.idx.msk [tilespmem:v62+s1+$0x0], $0xffff  }
0x307: {  	v37 =	vld.idx.msk [tilespmem:v63+s1+$0x0], $0xffff;
	_ =	sdelay $0x3  }
0x308: {  	[tilespmem:v34+s28+$0x0] =	vst.idx.msk $0xffff, v36  }
0x309: {  	s29 =	simm.s32 $0x1000;
	s2 =	simm.s32 $0x20000;
	s25 =	rddreg [dreg:$0xd];
	[tilespmem:v35+s28+$0x0] =	vst.idx.msk $0xffff, v37  }
0x30a: {  	[hbm4b:s25+s29] =	stream.strided.scatter [tilespmem:s28], [sflag:$0x2], $0x4000, s2, s29, $0x38;
	[tilespmem:$0x14200] =	vst v63  }
0x30b: {  	s2 =	simm.s32 $0x2  }
0x30c: {  	_ =	swait.ge [sflag:s2], $0x4000  }
0x30d: {  	s30 =	rddreg [dreg:$0xf]  }
0x30e: {  	s31 =	rddreg [dreg:$0xe];
	s1 =	sadd.s32 $0x1, s30  }
0x30f: {  	p0 =	sne.s32 s1, s31  }
.Ltmp1:
0x310: {  	_ = 	snop;
	(pc) =	sbr.rel @p0 .LBB2_1-.Ltmp1, $3  }
0x311: {  	_ =	sdelay $0x1  }
0x312: {  	[sflag:s2] =	ssyncset.done $0x0  }
0x313: {  	[sflag:s2] =	ssyncadd.s32 $0xFFFFC000  }
0x314: {  	_ =	sfence.sel $0x180000  }
0x315: {  	[bflag:$0x0] =	sbarrier.arrive $0xFFFF  }
0x316: {  	_ =	strace $0x90000047  }
0x317: {  	s0 =	stileid.u32;
	[bflag:$0x2] =	sbarrier.arrive $0xFFFF  }
0x318: {  	p0 =	sne.s32 s0, $0x0;
	s0 =	rddreg [dreg:$0x3]  }
0x319: {  	s0 =	sadd.s32 @!p0 $0x100000, s0  }
0x31a: {  	[sflag:s0] =	ssyncadd.tile.s32 @!p0 $0x1;
	_ =	shalt  }
.Lfunc_end2:
_tile_overlayer_lowered:
.L_overlay_start_2:
0x31b: {  	(tag) =	ssettag $0x2  }
0x31c: {  	s0 =	rddreg [dreg:$0x0];
	s2 =	stileid.u32  }
0x31d: {  	s1 =	rddreg [dreg:$0x1];
	p0 =	sne.s32 s2, $0x0  }
0x31e: {  	s3 =	rddreg [dreg:$0x2];
	[bflag:$0x3] =	sbarrier.arrive $0xFFFF;
	s2 =	simm.s32 @!p0 $0x1C02  }
0x31f: {  	[timem:s3], [sflag:s2] =	dma.local @!p0 [hbm:s0], s1  }
0x320: {  	s0 =	simm.s32 @!p0 $0x2  }
0x321: {  	_ =	swait.ge @!p0 [sflag:s0], s1  }
0x322: {  	s1 =	ssub.s32 @!p0 $0x0, s1;
	[sflag:s0] =	ssyncset.done @!p0 $0x0  }
0x323: {  	[sflag:s0] =	ssyncadd.s32 @!p0 s1  }
0x324: {  	[bflag:$0x3] =	sbarrier.arrive $0xFFFF  }
0x325: {  	_ =	shalt  }

</sc_bundles>
